<compile_context>
chip_gen: v7x
topology: tpu7x:2x2x1
jax: 0.10.2.dev20260603
libtpu: 0.0.44.dev20260713+nightly
codegen_flags: <defaults>
</compile_context>

<pallas_src>
import functools

import jax
import jax.numpy as jnp
from jax import lax
from jax.experimental import pallas as pl
from jax.experimental.pallas import tpu as pltpu
from jax.experimental.pallas import tpu_sc as plsc

NU = 5000
NN = 10000
E = 320000
D = 128
NL = 3

NC, NS, L = 2, 16, 16
P = 5120
NPT = P // NS
TP = 2 * P
EPT = (E // 2) // NS
CH = 128
NCHUNK = -(-EPT // CH)
EPTP = NCHUNK * CH

_MESH = plsc.VectorSubcoreMesh(
    core_axis_name="c", subcore_axis_name="s", num_cores=NC, num_subcores=NS
)


def _rsqrt16(x):
    y = 0.5 * (1.0 + x)
    for _ in range(20):
        y = 0.5 * (y + x / y)
    return 1.0 / y


def _scale_rows(buf, dbuf, base=0, nrows=NPT):
    @pl.loop(0, nrows)
    def _(n):
        dv = dbuf[pl.ds((base + n) * L, L)]
        for k in range(D // L):
            sl = pl.ds(k * L, L)
            buf[n, sl] = buf[n, sl] * dv


@functools.partial(
    pl.kernel,
    out_type=(
        jax.ShapeDtypeStruct((TP, D), jnp.float32),
        jax.ShapeDtypeStruct((TP * L,), jnp.float32),
    ),
    mesh=_MESH,
    scratch_types=[
        pltpu.VMEM_SHARED((P, D), jnp.float32),
        pltpu.VMEM((NCHUNK, CH), jnp.int32),
        pltpu.VMEM((CH, D), jnp.float32),
        pltpu.VMEM((NPT, D), jnp.float32),
        pltpu.VMEM((NPT * L,), jnp.float32),
    ],
)
def _k_init(x0, rows, y0, dinv_out, deg_sh, ridx, ones, sbuf, dbuf):
    c = lax.axis_index("c")
    s = lax.axis_index("s")
    n0 = s * NPT

    @pl.loop(0, CH)
    def _(i):
        for k in range(D // L):
            ones[i, pl.ds(k * L, L)] = jnp.full((L,), 1.0, jnp.float32)

    @pl.loop(0, NPT)
    def _(n):
        for k in range(D // L):
            sbuf[n, pl.ds(k * L, L)] = jnp.zeros((L,), jnp.float32)

    pltpu.sync_copy(rows.at[c, s], ridx)
    pltpu.sync_copy(sbuf, deg_sh.at[pl.ds(n0, NPT)])
    plsc.subcore_barrier()

    @pl.loop(0, NCHUNK)
    def _(j):
        pltpu.sync_copy(ones, deg_sh.at[ridx.at[j]], add=True)

    plsc.subcore_barrier()

    pltpu.sync_copy(deg_sh.at[pl.ds(n0, NPT)], sbuf)

    @pl.loop(0, NPT)
    def _(n):
        dbuf[pl.ds(n * L, L)] = _rsqrt16(sbuf[n, pl.ds(0, L)] + 1e-07)

    pltpu.sync_copy(x0.at[pl.ds(c * P + n0, NPT)], sbuf)
    _scale_rows(sbuf, dbuf)
    pltpu.sync_copy(sbuf, y0.at[pl.ds(c * P + n0, NPT)])
    pltpu.sync_copy(dbuf, dinv_out.at[pl.ds((c * P + n0) * L, NPT * L)])


@functools.partial(
    pl.kernel,
    out_type=(
        jax.ShapeDtypeStruct((TP, D), jnp.float32),
        jax.ShapeDtypeStruct((TP, D), jnp.float32),
    ),
    mesh=_MESH,
    scratch_types=[
        pltpu.VMEM_SHARED((P, D), jnp.float32),
        pltpu.VMEM((NCHUNK, CH), jnp.int32),
        pltpu.VMEM((NCHUNK, CH), jnp.int32),
        pltpu.VMEM((CH, D), jnp.float32),
        pltpu.VMEM((NPT, D), jnp.float32),
        pltpu.VMEM((NPT * L,), jnp.float32),
        pltpu.SemaphoreType.DMA,
    ],
)
def _k_layer(y_in, rows, cols, dinv, x_out, y_out,
             s_sh, ridx, cidx, gbuf, sbuf, dbuf, sem):
    c = lax.axis_index("c")
    s = lax.axis_index("s")
    n0 = s * NPT

    @pl.loop(0, NPT)
    def _(n):
        for k in range(D // L):
            sbuf[n, pl.ds(k * L, L)] = jnp.zeros((L,), jnp.float32)

    pltpu.sync_copy(rows.at[c, s], ridx)
    pltpu.sync_copy(cols.at[c, s], cidx)
    pltpu.sync_copy(sbuf, s_sh.at[pl.ds(n0, NPT)])
    plsc.subcore_barrier()

    @pl.loop(0, NCHUNK)
    def _(j):
        pltpu.async_copy(y_in.at[cidx.at[j]], gbuf, sem).wait()
        pltpu.sync_copy(gbuf, s_sh.at[ridx.at[j]], add=True)

    plsc.subcore_barrier()

    pltpu.sync_copy(s_sh.at[pl.ds(n0, NPT)], sbuf)
    pltpu.sync_copy(dinv.at[pl.ds((c * P + n0) * L, NPT * L)], dbuf)
    _scale_rows(sbuf, dbuf)
    pltpu.sync_copy(sbuf, x_out.at[pl.ds(c * P + n0, NPT)])
    _scale_rows(sbuf, dbuf)
    pltpu.sync_copy(sbuf, y_out.at[pl.ds(c * P + n0, NPT)])


@functools.partial(
    pl.kernel,
    out_type=jax.ShapeDtypeStruct((TP, D), jnp.float32),
    mesh=_MESH,
    scratch_types=[
        pltpu.VMEM((NPT, D), jnp.float32),
        pltpu.VMEM((NPT, D), jnp.float32),
    ],
)
def _k_final(x0, x1, x2, x3, total, abuf, bbuf):
    c = lax.axis_index("c")
    s = lax.axis_index("s")
    base = (c * NS + s) * NPT

    pltpu.sync_copy(x0.at[pl.ds(base, NPT)], abuf)
    for xin in (x1, x2, x3):
        pltpu.sync_copy(xin.at[pl.ds(base, NPT)], bbuf)

        @pl.loop(0, NPT)
        def _(n):
            for k in range(D // L):
                sl = pl.ds(k * L, L)
                abuf[n, sl] = abuf[n, sl] + bbuf[n, sl]

    @pl.loop(0, NPT)
    def _(n):
        for k in range(D // L):
            sl = pl.ds(k * L, L)
            abuf[n, sl] = abuf[n, sl] * 0.25

    pltpu.sync_copy(abuf, total.at[pl.ds(base, NPT)])


def kernel(user_emb, item_emb, edge_index):
    row = edge_index[0].astype(jnp.int32)
    col = edge_index[1].astype(jnp.int32)
    H = E // 2

    half = (jnp.arange(E, dtype=jnp.int32) >= H).astype(jnp.int32)
    rloc = row - half * NU
    colp = col + (P - NU) * (col >= NU).astype(jnp.int32)

    def tile_pack(a, pad_block):
        a = a.reshape(NC, NS, EPT)
        a = jnp.concatenate([a, pad_block], axis=2)
        return a.reshape(NC, NS, NCHUNK, CH)

    npad = EPTP - EPT
    spread = (P - NU) // NS
    sids = jnp.arange(NS, dtype=jnp.int32)[None, :, None]
    kpad = jnp.arange(npad, dtype=jnp.int32)[None, None, :]
    row_pad = jnp.broadcast_to(NU + sids * spread + kpad % spread,
                               (NC, NS, npad)).astype(jnp.int32)
    col_pad = jnp.zeros((NC, NS, npad), jnp.int32)

    rows = tile_pack(rloc, row_pad)
    cols = tile_pack(colp, col_pad)

    x0 = jnp.zeros((TP, D), jnp.float32)
    x0 = x0.at[0:NU].set(user_emb).at[P:P + NU].set(item_emb)

    y0, dinv = _k_init(x0, rows)
    x1, y1 = _k_layer(y0, rows, cols, dinv)
    x2, y2 = _k_layer(y1, rows, cols, dinv)
    x3, _ = _k_layer(y2, rows, cols, dinv)
    total = _k_final(x0, x1, x2, x3)

    return (total[0:NU], total[P:P + NU])

# --- scband reference (transcript-rebuilt; emitter-appended) ---
"""Pipeline reference for scband-light-gcn-91242285236305 (READ-ONLY COPY).

The authoritative reference and input builder live on the scoring server;
editing this copy changes nothing except your own understanding.
"""

import jax, jax.numpy as jnp
import numpy as np

N_USERS = 5000
N_ITEMS = 5000
N_NODES = N_USERS + N_ITEMS
N_EDGES = 320000
D = 128
N_LAYERS = 3


def setup_inputs(seed: int = 0) -> dict:
    key = jax.random.key(seed)
    k1, k2, k3, k4 = jax.random.split(key, 4)
    user_emb = jax.random.normal(k1, (N_USERS, D), dtype=jnp.float32) * 0.1
    item_emb = jax.random.normal(k2, (N_ITEMS, D), dtype=jnp.float32) * 0.1
    # symmetric bipartite adjacency: user->item edges mirrored to item->user
    half = N_EDGES // 2
    src = jax.random.randint(k3, (half,), 0, N_USERS)
    dst = jax.random.randint(k4, (half,), N_USERS, N_NODES)
    row = jnp.concatenate([src, dst])
    col = jnp.concatenate([dst, src])
    edge_index = jnp.stack([row, col]).astype(jnp.int64)
    return {"user_emb": user_emb, "item_emb": item_emb, "edge_index": edge_index}


def reference(user_emb, item_emb, edge_index):
    row = edge_index[0]
    col = edge_index[1]
    # D^{-1/2} A D^{-1/2} normalization (degree from adjacency rows)
    deg = jnp.bincount(row, length=N_NODES).astype(jnp.float32) + 1e-07
    dinv = jnp.power(deg, -0.5)
    w = dinv[row] * dinv[col]
    all_emb = jnp.concatenate([user_emb, item_emb], axis=0)
    embedding_list = [all_emb]
    x = all_emb
    for _ in range(N_LAYERS):
        msg = x[col] * w[:, None]
        x = jnp.zeros((N_NODES, D), dtype=x.dtype).at[row].add(msg)
        embedding_list.append(x)
    total_E = jnp.mean(jnp.stack(embedding_list, axis=1), axis=1)
    user_all_embedding = total_E[:N_USERS]
    item_all_embedding = total_E[N_USERS:]
    return (user_all_embedding, item_all_embedding)

if __name__ == "__main__":
    import jax
    _d = setup_inputs()
    print(jax.jit(kernel)(*tuple(_d.values())))

</pallas_src>

<mosaic_0001>
#map = affine_map<(d0, d1) -> (0, 0)>
#map1 = affine_map<(d0, d1) -> (0, 0, 0, 0)>
#map2 = affine_map<(d0, d1) -> (0)>
module attributes {stable_mosaic.version = 14 : i64} {
  func.func @_k_init(%arg0: i32, %arg1: i32, %arg2: memref<10240x128xf32, #tpu.memory_space<hbm>>, %arg3: memref<2x16x79x128xi32, #tpu.memory_space<hbm>>, %arg4: memref<10240x128xf32, #tpu.memory_space<hbm>>, %arg5: memref<163840xf32, #tpu.memory_space<hbm>>, %arg6: memref<5120x128xf32, #tpu.memory_space<vmem_shared>>, %arg7: memref<79x128xi32, #tpu.memory_space<vmem>>, %arg8: memref<128x128xf32, #tpu.memory_space<vmem>>, %arg9: memref<320x128xf32, #tpu.memory_space<vmem>>, %arg10: memref<5120xf32, #tpu.memory_space<vmem>>) attributes {dimension_semantics = [#tpu.dimension_semantics<core_parallel>, #tpu.dimension_semantics<subcore_parallel>], iteration_bounds = array<i64: 2, 16>, scalar_prefetch = 0 : i64, scratch_operands = 5 : i64, tpu.core_type = #tpu.core_type<sc_vector_subcore>, window_params = [{transform_indices = #map}, {transform_indices = #map1}, {transform_indices = #map}, {transform_indices = #map2}]} {
    %mul3A = arith.constant 320 : i32
    %mul3A_0 = arith.muli %arg1, %mul3A : i32
    %scan3A = arith.constant 0 : i32
    %scan3A_1 = arith.constant 128 : i32
    %scan3A_2 = arith.addi %scan3A, %scan3A_1 : i32
    %scan3A_3 = arith.constant 1 : i32
    scf.for %scan3A_36 = %scan3A to %scan3A_2 step %scan3A_3  : i32 {
      %mul3A_37 = arith.constant 1 : i32
      %mul3A_38 = arith.muli %scan3A_36, %mul3A_37 : i32
      %add3A_39 = arith.constant 0 : i32
      %add3A_40 = arith.addi %add3A_39, %mul3A_38 : i32
      %broadcast_in_dim3A = arith.constant 1.000000e+00 : f32
      %broadcast_in_dim3A_41 = vector.broadcast %broadcast_in_dim3A : f32 to vector<16xf32>
      %swap3A = arith.index_cast %add3A_40 : i32 to index
      %swap3A_42 = arith.constant 0 : index
      %swap3A_43 = tpu.vector_load %arg8[%swap3A, %swap3A_42] {strides = array<i32>} : memref<128x128xf32, #tpu.memory_space<vmem>>, vector<1x16xf32>,
      %swap3A_44 = vector.shape_cast %swap3A_43 : vector<1x16xf32> to vector<16xf32>
      %swap3A_45 = vector.shape_cast %broadcast_in_dim3A_41 : vector<16xf32> to vector<1x16xf32>
      tpu.vector_store %arg8[%swap3A, %swap3A_42], %swap3A_45 {strides = array<i32>} : memref<128x128xf32, #tpu.memory_space<vmem>>, vector<1x16xf32>,
      %broadcast_in_dim3A_46 = arith.constant 1.000000e+00 : f32
      %broadcast_in_dim3A_47 = vector.broadcast %broadcast_in_dim3A_46 : f32 to vector<16xf32>
      %swap3A_48 = arith.index_cast %add3A_40 : i32 to index
      %swap3A_49 = arith.constant 16 : index
      %swap3A_50 = tpu.vector_load %arg8[%swap3A_48, %swap3A_49] {strides = array<i32>} : memref<128x128xf32, #tpu.memory_space<vmem>>, vector<1x16xf32>,
      %swap3A_51 = vector.shape_cast %swap3A_50 : vector<1x16xf32> to vector<16xf32>
      %swap3A_52 = vector.shape_cast %broadcast_in_dim3A_47 : vector<16xf32> to vector<1x16xf32>
      tpu.vector_store %arg8[%swap3A_48, %swap3A_49], %swap3A_52 {strides = array<i32>} : memref<128x128xf32, #tpu.memory_space<vmem>>, vector<1x16xf32>,
      %broadcast_in_dim3A_53 = arith.constant 1.000000e+00 : f32
      %broadcast_in_dim3A_54 = vector.broadcast %broadcast_in_dim3A_53 : f32 to vector<16xf32>
      %swap3A_55 = arith.index_cast %add3A_40 : i32 to index
      %swap3A_56 = arith.constant 32 : index
      %swap3A_57 = tpu.vector_load %arg8[%swap3A_55, %swap3A_56] {strides = array<i32>} : memref<128x128xf32, #tpu.memory_space<vmem>>, vector<1x16xf32>,
      %swap3A_58 = vector.shape_cast %swap3A_57 : vector<1x16xf32> to vector<16xf32>
      %swap3A_59 = vector.shape_cast %broadcast_in_dim3A_54 : vector<16xf32> to vector<1x16xf32>
      tpu.vector_store %arg8[%swap3A_55, %swap3A_56], %swap3A_59 {strides = array<i32>} : memref<128x128xf32, #tpu.memory_space<vmem>>, vector<1x16xf32>,
      %broadcast_in_dim3A_60 = arith.constant 1.000000e+00 : f32
      %broadcast_in_dim3A_61 = vector.broadcast %broadcast_in_dim3A_60 : f32 to vector<16xf32>
      %swap3A_62 = arith.index_cast %add3A_40 : i32 to index
      %swap3A_63 = arith.constant 48 : index
      %swap3A_64 = tpu.vector_load %arg8[%swap3A_62, %swap3A_63] {strides = array<i32>} : memref<128x128xf32, #tpu.memory_space<vmem>>, vector<1x16xf32>,
      %swap3A_65 = vector.shape_cast %swap3A_64 : vector<1x16xf32> to vector<16xf32>
      %swap3A_66 = vector.shape_cast %broadcast_in_dim3A_61 : vector<16xf32> to vector<1x16xf32>
      tpu.vector_store %arg8[%swap3A_62, %swap3A_63], %swap3A_66 {strides = array<i32>} : memref<128x128xf32, #tpu.memory_space<vmem>>, vector<1x16xf32>,
      %broadcast_in_dim3A_67 = arith.constant 1.000000e+00 : f32
      %broadcast_in_dim3A_68 = vector.broadcast %broadcast_in_dim3A_67 : f32 to vector<16xf32>
      %swap3A_69 = arith.index_cast %add3A_40 : i32 to index
      %swap3A_70 = arith.constant 64 : index
      %swap3A_71 = tpu.vector_load %arg8[%swap3A_69, %swap3A_70] {strides = array<i32>} : memref<128x128xf32, #tpu.memory_space<vmem>>, vector<1x16xf32>,
      %swap3A_72 = vector.shape_cast %swap3A_71 : vector<1x16xf32> to vector<16xf32>
      %swap3A_73 = vector.shape_cast %broadcast_in_dim3A_68 : vector<16xf32> to vector<1x16xf32>
      tpu.vector_store %arg8[%swap3A_69, %swap3A_70], %swap3A_73 {strides = array<i32>} : memref<128x128xf32, #tpu.memory_space<vmem>>, vector<1x16xf32>,
      %broadcast_in_dim3A_74 = arith.constant 1.000000e+00 : f32
      %broadcast_in_dim3A_75 = vector.broadcast %broadcast_in_dim3A_74 : f32 to vector<16xf32>
      %swap3A_76 = arith.index_cast %add3A_40 : i32 to index
      %swap3A_77 = arith.constant 80 : index
      %swap3A_78 = tpu.vector_load %arg8[%swap3A_76, %swap3A_77] {strides = array<i32>} : memref<128x128xf32, #tpu.memory_space<vmem>>, vector<1x16xf32>,
      %swap3A_79 = vector.shape_cast %swap3A_78 : vector<1x16xf32> to vector<16xf32>
      %swap3A_80 = vector.shape_cast %broadcast_in_dim3A_75 : vector<16xf32> to vector<1x16xf32>
      tpu.vector_store %arg8[%swap3A_76, %swap3A_77], %swap3A_80 {strides = array<i32>} : memref<128x128xf32, #tpu.memory_space<vmem>>, vector<1x16xf32>,
      %broadcast_in_dim3A_81 = arith.constant 1.000000e+00 : f32
      %broadcast_in_dim3A_82 = vector.broadcast %broadcast_in_dim3A_81 : f32 to vector<16xf32>
      %swap3A_83 = arith.index_cast %add3A_40 : i32 to index
      %swap3A_84 = arith.constant 96 : index
      %swap3A_85 = tpu.vector_load %arg8[%swap3A_83, %swap3A_84] {strides = array<i32>} : memref<128x128xf32, #tpu.memory_space<vmem>>, vector<1x16xf32>,
      %swap3A_86 = vector.shape_cast %swap3A_85 : vector<1x16xf32> to vector<16xf32>
      %swap3A_87 = vector.shape_cast %broadcast_in_dim3A_82 : vector<16xf32> to vector<1x16xf32>
      tpu.vector_store %arg8[%swap3A_83, %swap3A_84], %swap3A_87 {strides = array<i32>} : memref<128x128xf32, #tpu.memory_space<vmem>>, vector<1x16xf32>,
      %broadcast_in_dim3A_88 = arith.constant 1.000000e+00 : f32
      %broadcast_in_dim3A_89 = vector.broadcast %broadcast_in_dim3A_88 : f32 to vector<16xf32>
      %swap3A_90 = arith.index_cast %add3A_40 : i32 to index
      %swap3A_91 = arith.constant 112 : index
      %swap3A_92 = tpu.vector_load %arg8[%swap3A_90, %swap3A_91] {strides = array<i32>} : memref<128x128xf32, #tpu.memory_space<vmem>>, vector<1x16xf32>,
      %swap3A_93 = vector.shape_cast %swap3A_92 : vector<1x16xf32> to vector<16xf32>
      %swap3A_94 = vector.shape_cast %broadcast_in_dim3A_89 : vector<16xf32> to vector<1x16xf32>
      tpu.vector_store %arg8[%swap3A_90, %swap3A_91], %swap3A_94 {strides = array<i32>} : memref<128x128xf32, #tpu.memory_space<vmem>>, vector<1x16xf32>,
    }
    %scan3A_4 = arith.constant 128 : i32
    %scan3A_5 = arith.constant 0 : i32
    %scan3A_6 = arith.constant 320 : i32
    %scan3A_7 = arith.addi %scan3A_5, %scan3A_6 : i32
    %scan3A_8 = arith.constant 1 : i32
    scf.for %scan3A_36 = %scan3A_5 to %scan3A_7 step %scan3A_8  : i32 {
      %mul3A_37 = arith.constant 1 : i32
      %mul3A_38 = arith.muli %scan3A_36, %mul3A_37 : i32
      %add3A_39 = arith.constant 0 : i32
      %add3A_40 = arith.addi %add3A_39, %mul3A_38 : i32
      %broadcast_in_dim3A = arith.constant 0.000000e+00 : f32
      %broadcast_in_dim3A_41 = vector.broadcast %broadcast_in_dim3A : f32 to vector<16xf32>
      %swap3A = arith.index_cast %add3A_40 : i32 to index
      %swap3A_42 = arith.constant 0 : index
      %swap3A_43 = tpu.vector_load %arg9[%swap3A, %swap3A_42] {strides = array<i32>} : memref<320x128xf32, #tpu.memory_space<vmem>>, vector<1x16xf32>,
      %swap3A_44 = vector.shape_cast %swap3A_43 : vector<1x16xf32> to vector<16xf32>
      %swap3A_45 = vector.shape_cast %broadcast_in_dim3A_41 : vector<16xf32> to vector<1x16xf32>
      tpu.vector_store %arg9[%swap3A, %swap3A_42], %swap3A_45 {strides = array<i32>} : memref<320x128xf32, #tpu.memory_space<vmem>>, vector<1x16xf32>,
      %broadcast_in_dim3A_46 = arith.constant 0.000000e+00 : f32
      %broadcast_in_dim3A_47 = vector.broadcast %broadcast_in_dim3A_46 : f32 to vector<16xf32>
      %swap3A_48 = arith.index_cast %add3A_40 : i32 to index
      %swap3A_49 = arith.constant 16 : index
      %swap3A_50 = tpu.vector_load %arg9[%swap3A_48, %swap3A_49] {strides = array<i32>} : memref<320x128xf32, #tpu.memory_space<vmem>>, vector<1x16xf32>,
      %swap3A_51 = vector.shape_cast %swap3A_50 : vector<1x16xf32> to vector<16xf32>
      %swap3A_52 = vector.shape_cast %broadcast_in_dim3A_47 : vector<16xf32> to vector<1x16xf32>
      tpu.vector_store %arg9[%swap3A_48, %swap3A_49], %swap3A_52 {strides = array<i32>} : memref<320x128xf32, #tpu.memory_space<vmem>>, vector<1x16xf32>,
      %broadcast_in_dim3A_53 = arith.constant 0.000000e+00 : f32
      %broadcast_in_dim3A_54 = vector.broadcast %broadcast_in_dim3A_53 : f32 to vector<16xf32>
      %swap3A_55 = arith.index_cast %add3A_40 : i32 to index
      %swap3A_56 = arith.constant 32 : index
      %swap3A_57 = tpu.vector_load %arg9[%swap3A_55, %swap3A_56] {strides = array<i32>} : memref<320x128xf32, #tpu.memory_space<vmem>>, vector<1x16xf32>,
      %swap3A_58 = vector.shape_cast %swap3A_57 : vector<1x16xf32> to vector<16xf32>
      %swap3A_59 = vector.shape_cast %broadcast_in_dim3A_54 : vector<16xf32> to vector<1x16xf32>
      tpu.vector_store %arg9[%swap3A_55, %swap3A_56], %swap3A_59 {strides = array<i32>} : memref<320x128xf32, #tpu.memory_space<vmem>>, vector<1x16xf32>,
      %broadcast_in_dim3A_60 = arith.constant 0.000000e+00 : f32
      %broadcast_in_dim3A_61 = vector.broadcast %broadcast_in_dim3A_60 : f32 to vector<16xf32>
      %swap3A_62 = arith.index_cast %add3A_40 : i32 to index
      %swap3A_63 = arith.constant 48 : index
      %swap3A_64 = tpu.vector_load %arg9[%swap3A_62, %swap3A_63] {strides = array<i32>} : memref<320x128xf32, #tpu.memory_space<vmem>>, vector<1x16xf32>,
      %swap3A_65 = vector.shape_cast %swap3A_64 : vector<1x16xf32> to vector<16xf32>
      %swap3A_66 = vector.shape_cast %broadcast_in_dim3A_61 : vector<16xf32> to vector<1x16xf32>
      tpu.vector_store %arg9[%swap3A_62, %swap3A_63], %swap3A_66 {strides = array<i32>} : memref<320x128xf32, #tpu.memory_space<vmem>>, vector<1x16xf32>,
      %broadcast_in_dim3A_67 = arith.constant 0.000000e+00 : f32
      %broadcast_in_dim3A_68 = vector.broadcast %broadcast_in_dim3A_67 : f32 to vector<16xf32>
      %swap3A_69 = arith.index_cast %add3A_40 : i32 to index
      %swap3A_70 = arith.constant 64 : index
      %swap3A_71 = tpu.vector_load %arg9[%swap3A_69, %swap3A_70] {strides = array<i32>} : memref<320x128xf32, #tpu.memory_space<vmem>>, vector<1x16xf32>,
      %swap3A_72 = vector.shape_cast %swap3A_71 : vector<1x16xf32> to vector<16xf32>
      %swap3A_73 = vector.shape_cast %broadcast_in_dim3A_68 : vector<16xf32> to vector<1x16xf32>
      tpu.vector_store %arg9[%swap3A_69, %swap3A_70], %swap3A_73 {strides = array<i32>} : memref<320x128xf32, #tpu.memory_space<vmem>>, vector<1x16xf32>,
      %broadcast_in_dim3A_74 = arith.constant 0.000000e+00 : f32
      %broadcast_in_dim3A_75 = vector.broadcast %broadcast_in_dim3A_74 : f32 to vector<16xf32>
      %swap3A_76 = arith.index_cast %add3A_40 : i32 to index
      %swap3A_77 = arith.constant 80 : index
      %swap3A_78 = tpu.vector_load %arg9[%swap3A_76, %swap3A_77] {strides = array<i32>} : memref<320x128xf32, #tpu.memory_space<vmem>>, vector<1x16xf32>,
      %swap3A_79 = vector.shape_cast %swap3A_78 : vector<1x16xf32> to vector<16xf32>
      %swap3A_80 = vector.shape_cast %broadcast_in_dim3A_75 : vector<16xf32> to vector<1x16xf32>
      tpu.vector_store %arg9[%swap3A_76, %swap3A_77], %swap3A_80 {strides = array<i32>} : memref<320x128xf32, #tpu.memory_space<vmem>>, vector<1x16xf32>,
      %broadcast_in_dim3A_81 = arith.constant 0.000000e+00 : f32
      %broadcast_in_dim3A_82 = vector.broadcast %broadcast_in_dim3A_81 : f32 to vector<16xf32>
      %swap3A_83 = arith.index_cast %add3A_40 : i32 to index
      %swap3A_84 = arith.constant 96 : index
      %swap3A_85 = tpu.vector_load %arg9[%swap3A_83, %swap3A_84] {strides = array<i32>} : memref<320x128xf32, #tpu.memory_space<vmem>>, vector<1x16xf32>,
      %swap3A_86 = vector.shape_cast %swap3A_85 : vector<1x16xf32> to vector<16xf32>
      %swap3A_87 = vector.shape_cast %broadcast_in_dim3A_82 : vector<16xf32> to vector<1x16xf32>
      tpu.vector_store %arg9[%swap3A_83, %swap3A_84], %swap3A_87 {strides = array<i32>} : memref<320x128xf32, #tpu.memory_space<vmem>>, vector<1x16xf32>,
      %broadcast_in_dim3A_88 = arith.constant 0.000000e+00 : f32
      %broadcast_in_dim3A_89 = vector.broadcast %broadcast_in_dim3A_88 : f32 to vector<16xf32>
      %swap3A_90 = arith.index_cast %add3A_40 : i32 to index
      %swap3A_91 = arith.constant 112 : index
      %swap3A_92 = tpu.vector_load %arg9[%swap3A_90, %swap3A_91] {strides = array<i32>} : memref<320x128xf32, #tpu.memory_space<vmem>>, vector<1x16xf32>,
      %swap3A_93 = vector.shape_cast %swap3A_92 : vector<1x16xf32> to vector<16xf32>
      %swap3A_94 = vector.shape_cast %broadcast_in_dim3A_89 : vector<16xf32> to vector<1x16xf32>
      tpu.vector_store %arg9[%swap3A_90, %swap3A_91], %swap3A_94 {strides = array<i32>} : memref<320x128xf32, #tpu.memory_space<vmem>>, vector<1x16xf32>,
    }
    %scan3A_9 = arith.constant 320 : i32
    "tpu.region"() ({
      %run_scoped3A = tpu.sem_alloc : memref<!tpu.dma_semaphore, #tpu.memory_space<semaphore_mem>>
      %dma_start3A = arith.constant 0 : i32
      %dma_start3A_36 = arith.constant 0 : i32
      %dma_start3A_37 = tpu.memref_slice %arg3[%arg0, %arg1, %dma_start3A, %dma_start3A_36] : memref<2x16x79x128xi32, #tpu.memory_space<hbm>> -> memref<1x1x79x128xi32, #tpu.memory_space<hbm>>
      %dma_start3A_38 = tpu.memref_squeeze %dma_start3A_37 : memref<1x1x79x128xi32, #tpu.memory_space<hbm>> -> memref<79x128xi32, #tpu.memory_space<hbm>>
      %dma_start3A_39 = arith.constant 0 : i32
      %dma_start3A_40 = arith.constant 0 : i32
      %dma_start3A_41 = tpu.memref_slice %arg3[%arg0, %arg1, %dma_start3A_39, %dma_start3A_40] : memref<2x16x79x128xi32, #tpu.memory_space<hbm>> -> memref<1x1x79x128xi32, #tpu.memory_space<hbm>>
      %dma_start3A_42 = tpu.memref_squeeze %dma_start3A_41 : memref<1x1x79x128xi32, #tpu.memory_space<hbm>> -> memref<79x128xi32, #tpu.memory_space<hbm>>
      tpu.enqueue_dma source(%dma_start3A_42 : memref<79x128xi32, #tpu.memory_space<hbm>>) target(%arg7 : memref<79x128xi32, #tpu.memory_space<vmem>>) target_semaphore(%run_scoped3A : memref<!tpu.dma_semaphore, #tpu.memory_space<semaphore_mem>>)
      %dma_wait3A = arith.constant 0 : i32
      %dma_wait3A_43 = arith.constant 0 : i32
      %dma_wait3A_44 = tpu.memref_slice %arg3[%arg0, %arg1, %dma_wait3A, %dma_wait3A_43] : memref<2x16x79x128xi32, #tpu.memory_space<hbm>> -> memref<1x1x79x128xi32, #tpu.memory_space<hbm>>
      %dma_wait3A_45 = tpu.memref_squeeze %dma_wait3A_44 : memref<1x1x79x128xi32, #tpu.memory_space<hbm>> -> memref<79x128xi32, #tpu.memory_space<hbm>>
      %dma_wait3A_46 = arith.constant 0 : i32
      %dma_wait3A_47 = arith.constant 0 : i32
      %dma_wait3A_48 = tpu.memref_slice %arg3[%arg0, %arg1, %dma_wait3A_46, %dma_wait3A_47] : memref<2x16x79x128xi32, #tpu.memory_space<hbm>> -> memref<1x1x79x128xi32, #tpu.memory_space<hbm>>
      %dma_wait3A_49 = tpu.memref_squeeze %dma_wait3A_48 : memref<1x1x79x128xi32, #tpu.memory_space<hbm>> -> memref<79x128xi32, #tpu.memory_space<hbm>>
      tpu.wait_dma2 semaphore(%run_scoped3A : memref<!tpu.dma_semaphore, #tpu.memory_space<semaphore_mem>>) src(%dma_wait3A_49 : memref<79x128xi32, #tpu.memory_space<hbm>>) dst(%arg7 : memref<79x128xi32, #tpu.memory_space<vmem>>)
      tpu.yield
    }) : () -> ()
    "tpu.region"() ({
      %run_scoped3A = tpu.sem_alloc : memref<!tpu.dma_semaphore, #tpu.memory_space<semaphore_mem>>
      %dma_start3A = arith.constant 0 : i32
      %dma_start3A_36 = tpu.memref_slice %arg6[%mul3A_0, %dma_start3A] : memref<5120x128xf32, #tpu.memory_space<vmem_shared>> -> memref<320x128xf32, #tpu.memory_space<vmem_shared>>
      %dma_start3A_37 = arith.constant 0 : i32
      %dma_start3A_38 = tpu.memref_slice %arg6[%mul3A_0, %dma_start3A_37] : memref<5120x128xf32, #tpu.memory_space<vmem_shared>> -> memref<320x128xf32, #tpu.memory_space<vmem_shared>>
      tpu.enqueue_dma source(%arg9 : memref<320x128xf32, #tpu.memory_space<vmem>>) target(%dma_start3A_38 : memref<320x128xf32, #tpu.memory_space<vmem_shared>>) target_semaphore(%run_scoped3A : memref<!tpu.dma_semaphore, #tpu.memory_space<semaphore_mem>>)
      %dma_wait3A = arith.constant 0 : i32
      %dma_wait3A_39 = tpu.memref_slice %arg6[%mul3A_0, %dma_wait3A] : memref<5120x128xf32, #tpu.memory_space<vmem_shared>> -> memref<320x128xf32, #tpu.memory_space<vmem_shared>>
      %dma_wait3A_40 = arith.constant 0 : i32
      %dma_wait3A_41 = tpu.memref_slice %arg6[%mul3A_0, %dma_wait3A_40] : memref<5120x128xf32, #tpu.memory_space<vmem_shared>> -> memref<320x128xf32, #tpu.memory_space<vmem_shared>>
      tpu.wait_dma2 semaphore(%run_scoped3A : memref<!tpu.dma_semaphore, #tpu.memory_space<semaphore_mem>>) src(%arg9 : memref<320x128xf32, #tpu.memory_space<vmem>>) dst(%dma_wait3A_41 : memref<320x128xf32, #tpu.memory_space<vmem_shared>>)
      tpu.yield
    }) : () -> ()
    %barrier3A = arith.constant 0 : index
    tpu.barrier barrier_id(%barrier3A)
    %scan3A_10 = arith.constant 0 : i32
    %scan3A_11 = arith.constant 79 : i32
    %scan3A_12 = arith.addi %scan3A_10, %scan3A_11 : i32
    %scan3A_13 = arith.constant 1 : i32
    scf.for %scan3A_36 = %scan3A_10 to %scan3A_12 step %scan3A_13  : i32 {
      %mul3A_37 = arith.constant 1 : i32
      %mul3A_38 = arith.muli %scan3A_36, %mul3A_37 : i32
      %add3A_39 = arith.constant 0 : i32
      %add3A_40 = arith.addi %add3A_39, %mul3A_38 : i32
      "tpu.region"() ({
        %run_scoped3A = tpu.sem_alloc : memref<!tpu.dma_semaphore, #tpu.memory_space<semaphore_mem>>
        %dma_start3A = arith.constant 0 : i32
        %dma_start3A_41 = tpu.memref_slice %arg7[%add3A_40, %dma_start3A] : memref<79x128xi32, #tpu.memory_space<vmem>> -> memref<1x128xi32, #tpu.memory_space<vmem>>
        %dma_start3A_42 = tpu.memref_squeeze %dma_start3A_41 : memref<1x128xi32, #tpu.memory_space<vmem>> -> memref<128xi32, #tpu.memory_space<vmem>>
        %dma_start3A_43 = arith.constant 0 : i32
        %dma_start3A_44 = arith.constant 0 : i32
        %dma_start3A_45 = tpu.memref_slice %arg6[%dma_start3A_43, %dma_start3A_44] : memref<5120x128xf32, #tpu.memory_space<vmem_shared>> -> memref<5120x128xf32, #tpu.memory_space<vmem_shared>>
        tpu.enqueue_indirect_dma source(%arg8 : memref<128x128xf32, #tpu.memory_space<vmem>>) target(%dma_start3A_45 : memref<5120x128xf32, #tpu.memory_space<vmem_shared>>) offsets(%dma_start3A_42 : memref<128xi32, #tpu.memory_space<vmem>>) semaphore(%run_scoped3A : memref<!tpu.dma_semaphore, #tpu.memory_space<semaphore_mem>>) {add = true}
        %dma_wait3A = arith.constant 0 : i32
        %dma_wait3A_46 = tpu.memref_slice %arg7[%add3A_40, %dma_wait3A] : memref<79x128xi32, #tpu.memory_space<vmem>> -> memref<1x128xi32, #tpu.memory_space<vmem>>
        %dma_wait3A_47 = tpu.memref_squeeze %dma_wait3A_46 : memref<1x128xi32, #tpu.memory_space<vmem>> -> memref<128xi32, #tpu.memory_space<vmem>>
        %dma_wait3A_48 = arith.constant 0 : i32
        %dma_wait3A_49 = arith.constant 0 : i32
        %dma_wait3A_50 = tpu.memref_slice %arg6[%dma_wait3A_48, %dma_wait3A_49] : memref<5120x128xf32, #tpu.memory_space<vmem_shared>> -> memref<5120x128xf32, #tpu.memory_space<vmem_shared>>
        tpu.wait_indirect_dma semaphore(%run_scoped3A : memref<!tpu.dma_semaphore, #tpu.memory_space<semaphore_mem>>) src(%arg8 : memref<128x128xf32, #tpu.memory_space<vmem>>) dst(%dma_wait3A_50 : memref<5120x128xf32, #tpu.memory_space<vmem_shared>>)
        tpu.yield
      }) : () -> ()
    }
    %scan3A_14 = arith.constant 79 : i32
    %barrier3A_15 = arith.constant 0 : index
    tpu.barrier barrier_id(%barrier3A_15)
    "tpu.region"() ({
      %run_scoped3A = tpu.sem_alloc : memref<!tpu.dma_semaphore, #tpu.memory_space<semaphore_mem>>
      %dma_start3A = arith.constant 0 : i32
      %dma_start3A_36 = tpu.memref_slice %arg6[%mul3A_0, %dma_start3A] : memref<5120x128xf32, #tpu.memory_space<vmem_shared>> -> memref<320x128xf32, #tpu.memory_space<vmem_shared>>
      %dma_start3A_37 = arith.constant 0 : i32
      %dma_start3A_38 = tpu.memref_slice %arg6[%mul3A_0, %dma_start3A_37] : memref<5120x128xf32, #tpu.memory_space<vmem_shared>> -> memref<320x128xf32, #tpu.memory_space<vmem_shared>>
      tpu.enqueue_dma source(%dma_start3A_38 : memref<320x128xf32, #tpu.memory_space<vmem_shared>>) target(%arg9 : memref<320x128xf32, #tpu.memory_space<vmem>>) target_semaphore(%run_scoped3A : memref<!tpu.dma_semaphore, #tpu.memory_space<semaphore_mem>>)
      %dma_wait3A = arith.constant 0 : i32
      %dma_wait3A_39 = tpu.memref_slice %arg6[%mul3A_0, %dma_wait3A] : memref<5120x128xf32, #tpu.memory_space<vmem_shared>> -> memref<320x128xf32, #tpu.memory_space<vmem_shared>>
      %dma_wait3A_40 = arith.constant 0 : i32
      %dma_wait3A_41 = tpu.memref_slice %arg6[%mul3A_0, %dma_wait3A_40] : memref<5120x128xf32, #tpu.memory_space<vmem_shared>> -> memref<320x128xf32, #tpu.memory_space<vmem_shared>>
      tpu.wait_dma2 semaphore(%run_scoped3A : memref<!tpu.dma_semaphore, #tpu.memory_space<semaphore_mem>>) src(%dma_wait3A_41 : memref<320x128xf32, #tpu.memory_space<vmem_shared>>) dst(%arg9 : memref<320x128xf32, #tpu.memory_space<vmem>>)
      tpu.yield
    }) : () -> ()
    %scan3A_16 = arith.constant 0 : i32
    %scan3A_17 = arith.constant 320 : i32
    %scan3A_18 = arith.addi %scan3A_16, %scan3A_17 : i32
    %scan3A_19 = arith.constant 1 : i32
    scf.for %scan3A_36 = %scan3A_16 to %scan3A_18 step %scan3A_19  : i32 {
      %mul3A_37 = arith.constant 1 : i32
      %mul3A_38 = arith.muli %scan3A_36, %mul3A_37 : i32
      %add3A_39 = arith.constant 0 : i32
      %add3A_40 = arith.addi %add3A_39, %mul3A_38 : i32
      %get3A = arith.index_cast %add3A_40 : i32 to index
      %get3A_41 = arith.constant 0 : index
      %get3A_42 = tpu.vector_load %arg9[%get3A, %get3A_41] {strides = array<i32>} : memref<320x128xf32, #tpu.memory_space<vmem>>, vector<1x16xf32>,
      %get3A_43 = vector.shape_cast %get3A_42 : vector<1x16xf32> to vector<16xf32>
      %add3A_44 = arith.constant 1.000000e-07 : f32
      %add3A_45 = vector.broadcast %add3A_44 : f32 to vector<16xf32>
      %add3A_46 = arith.addf %get3A_43, %add3A_45 : vector<16xf32>
      %add3A_47 = arith.constant 1.000000e+00 : f32
      %add3A_48 = vector.broadcast %add3A_47 : f32 to vector<16xf32>
      %add3A_49 = arith.addf %add3A_48, %add3A_46 : vector<16xf32>
      %mul3A_50 = arith.constant 5.000000e-01 : f32
      %mul3A_51 = vector.broadcast %mul3A_50 : f32 to vector<16xf32>
      %mul3A_52 = arith.mulf %mul3A_51, %add3A_49 : vector<16xf32>
      %div3A = arith.divf %add3A_46, %mul3A_52 : vector<16xf32>
      %add3A_53 = arith.addf %mul3A_52, %div3A : vector<16xf32>
      %mul3A_54 = arith.constant 5.000000e-01 : f32
      %mul3A_55 = vector.broadcast %mul3A_54 : f32 to vector<16xf32>
      %mul3A_56 = arith.mulf %mul3A_55, %add3A_53 : vector<16xf32>
      %div3A_57 = arith.divf %add3A_46, %mul3A_56 : vector<16xf32>
      %add3A_58 = arith.addf %mul3A_56, %div3A_57 : vector<16xf32>
      %mul3A_59 = arith.constant 5.000000e-01 : f32
      %mul3A_60 = vector.broadcast %mul3A_59 : f32 to vector<16xf32>
      %mul3A_61 = arith.mulf %mul3A_60, %add3A_58 : vector<16xf32>
      %div3A_62 = arith.divf %add3A_46, %mul3A_61 : vector<16xf32>
      %add3A_63 = arith.addf %mul3A_61, %div3A_62 : vector<16xf32>
      %mul3A_64 = arith.constant 5.000000e-01 : f32
      %mul3A_65 = vector.broadcast %mul3A_64 : f32 to vector<16xf32>
      %mul3A_66 = arith.mulf %mul3A_65, %add3A_63 : vector<16xf32>
      %div3A_67 = arith.divf %add3A_46, %mul3A_66 : vector<16xf32>
      %add3A_68 = arith.addf %mul3A_66, %div3A_67 : vector<16xf32>
      %mul3A_69 = arith.constant 5.000000e-01 : f32
      %mul3A_70 = vector.broadcast %mul3A_69 : f32 to vector<16xf32>
      %mul3A_71 = arith.mulf %mul3A_70, %add3A_68 : vector<16xf32>
      %div3A_72 = arith.divf %add3A_46, %mul3A_71 : vector<16xf32>
      %add3A_73 = arith.addf %mul3A_71, %div3A_72 : vector<16xf32>
      %mul3A_74 = arith.constant 5.000000e-01 : f32
      %mul3A_75 = vector.broadcast %mul3A_74 : f32 to vector<16xf32>
      %mul3A_76 = arith.mulf %mul3A_75, %add3A_73 : vector<16xf32>
      %div3A_77 = arith.divf %add3A_46, %mul3A_76 : vector<16xf32>
      %add3A_78 = arith.addf %mul3A_76, %div3A_77 : vector<16xf32>
      %mul3A_79 = arith.constant 5.000000e-01 : f32
      %mul3A_80 = vector.broadcast %mul3A_79 : f32 to vector<16xf32>
      %mul3A_81 = arith.mulf %mul3A_80, %add3A_78 : vector<16xf32>
      %div3A_82 = arith.divf %add3A_46, %mul3A_81 : vector<16xf32>
      %add3A_83 = arith.addf %mul3A_81, %div3A_82 : vector<16xf32>
      %mul3A_84 = arith.constant 5.000000e-01 : f32
      %mul3A_85 = vector.broadcast %mul3A_84 : f32 to vector<16xf32>
      %mul3A_86 = arith.mulf %mul3A_85, %add3A_83 : vector<16xf32>
      %div3A_87 = arith.divf %add3A_46, %mul3A_86 : vector<16xf32>
      %add3A_88 = arith.addf %mul3A_86, %div3A_87 : vector<16xf32>
      %mul3A_89 = arith.constant 5.000000e-01 : f32
      %mul3A_90 = vector.broadcast %mul3A_89 : f32 to vector<16xf32>
      %mul3A_91 = arith.mulf %mul3A_90, %add3A_88 : vector<16xf32>
      %div3A_92 = arith.divf %add3A_46, %mul3A_91 : vector<16xf32>
      %add3A_93 = arith.addf %mul3A_91, %div3A_92 : vector<16xf32>
      %mul3A_94 = arith.constant 5.000000e-01 : f32
      %mul3A_95 = vector.broadcast %mul3A_94 : f32 to vector<16xf32>
      %mul3A_96 = arith.mulf %mul3A_95, %add3A_93 : vector<16xf32>
      %div3A_97 = arith.divf %add3A_46, %mul3A_96 : vector<16xf32>
      %add3A_98 = arith.addf %mul3A_96, %div3A_97 : vector<16xf32>
      %mul3A_99 = arith.constant 5.000000e-01 : f32
      %mul3A_100 = vector.broadcast %mul3A_99 : f32 to vector<16xf32>
      %mul3A_101 = arith.mulf %mul3A_100, %add3A_98 : vector<16xf32>
      %div3A_102 = arith.divf %add3A_46, %mul3A_101 : vector<16xf32>
      %add3A_103 = arith.addf %mul3A_101, %div3A_102 : vector<16xf32>
      %mul3A_104 = arith.constant 5.000000e-01 : f32
      %mul3A_105 = vector.broadcast %mul3A_104 : f32 to vector<16xf32>
      %mul3A_106 = arith.mulf %mul3A_105, %add3A_103 : vector<16xf32>
      %div3A_107 = arith.divf %add3A_46, %mul3A_106 : vector<16xf32>
      %add3A_108 = arith.addf %mul3A_106, %div3A_107 : vector<16xf32>
      %mul3A_109 = arith.constant 5.000000e-01 : f32
      %mul3A_110 = vector.broadcast %mul3A_109 : f32 to vector<16xf32>
      %mul3A_111 = arith.mulf %mul3A_110, %add3A_108 : vector<16xf32>
      %div3A_112 = arith.divf %add3A_46, %mul3A_111 : vector<16xf32>
      %add3A_113 = arith.addf %mul3A_111, %div3A_112 : vector<16xf32>
      %mul3A_114 = arith.constant 5.000000e-01 : f32
      %mul3A_115 = vector.broadcast %mul3A_114 : f32 to vector<16xf32>
      %mul3A_116 = arith.mulf %mul3A_115, %add3A_113 : vector<16xf32>
      %div3A_117 = arith.divf %add3A_46, %mul3A_116 : vector<16xf32>
      %add3A_118 = arith.addf %mul3A_116, %div3A_117 : vector<16xf32>
      %mul3A_119 = arith.constant 5.000000e-01 : f32
      %mul3A_120 = vector.broadcast %mul3A_119 : f32 to vector<16xf32>
      %mul3A_121 = arith.mulf %mul3A_120, %add3A_118 : vector<16xf32>
      %div3A_122 = arith.divf %add3A_46, %mul3A_121 : vector<16xf32>
      %add3A_123 = arith.addf %mul3A_121, %div3A_122 : vector<16xf32>
      %mul3A_124 = arith.constant 5.000000e-01 : f32
      %mul3A_125 = vector.broadcast %mul3A_124 : f32 to vector<16xf32>
      %mul3A_126 = arith.mulf %mul3A_125, %add3A_123 : vector<16xf32>
      %div3A_127 = arith.divf %add3A_46, %mul3A_126 : vector<16xf32>
      %add3A_128 = arith.addf %mul3A_126, %div3A_127 : vector<16xf32>
      %mul3A_129 = arith.constant 5.000000e-01 : f32
      %mul3A_130 = vector.broadcast %mul3A_129 : f32 to vector<16xf32>
      %mul3A_131 = arith.mulf %mul3A_130, %add3A_128 : vector<16xf32>
      %div3A_132 = arith.divf %add3A_46, %mul3A_131 : vector<16xf32>
      %add3A_133 = arith.addf %mul3A_131, %div3A_132 : vector<16xf32>
      %mul3A_134 = arith.constant 5.000000e-01 : f32
      %mul3A_135 = vector.broadcast %mul3A_134 : f32 to vector<16xf32>
      %mul3A_136 = arith.mulf %mul3A_135, %add3A_133 : vector<16xf32>
      %div3A_137 = arith.divf %add3A_46, %mul3A_136 : vector<16xf32>
      %add3A_138 = arith.addf %mul3A_136, %div3A_137 : vector<16xf32>
      %mul3A_139 = arith.constant 5.000000e-01 : f32
      %mul3A_140 = vector.broadcast %mul3A_139 : f32 to vector<16xf32>
      %mul3A_141 = arith.mulf %mul3A_140, %add3A_138 : vector<16xf32>
      %div3A_142 = arith.divf %add3A_46, %mul3A_141 : vector<16xf32>
      %add3A_143 = arith.addf %mul3A_141, %div3A_142 : vector<16xf32>
      %mul3A_144 = arith.constant 5.000000e-01 : f32
      %mul3A_145 = vector.broadcast %mul3A_144 : f32 to vector<16xf32>
      %mul3A_146 = arith.mulf %mul3A_145, %add3A_143 : vector<16xf32>
      %div3A_147 = arith.divf %add3A_46, %mul3A_146 : vector<16xf32>
      %add3A_148 = arith.addf %mul3A_146, %div3A_147 : vector<16xf32>
      %mul3A_149 = arith.constant 5.000000e-01 : f32
      %mul3A_150 = vector.broadcast %mul3A_149 : f32 to vector<16xf32>
      %mul3A_151 = arith.mulf %mul3A_150, %add3A_148 : vector<16xf32>
      %div3A_152 = arith.constant 1.000000e+00 : f32
      %div3A_153 = vector.broadcast %div3A_152 : f32 to vector<16xf32>
      %div3A_154 = arith.divf %div3A_153, %mul3A_151 : vector<16xf32>
      %mul3A_155 = arith.constant 16 : i32
      %mul3A_156 = arith.muli %add3A_40, %mul3A_155 : i32
      %swap3A = arith.index_cast %mul3A_156 : i32 to index
      %swap3A_157 = tpu.vector_load %arg10[%swap3A] {strides = array<i32>} : memref<5120xf32, #tpu.memory_space<vmem>>, vector<16xf32>,
      %swap3A_158 = vector.shape_cast %swap3A_157 : vector<16xf32> to vector<16xf32>
      %swap3A_159 = vector.shape_cast %div3A_154 : vector<16xf32> to vector<16xf32>
      tpu.vector_store %arg10[%swap3A], %swap3A_159 {strides = array<i32>} : memref<5120xf32, #tpu.memory_space<vmem>>, vector<16xf32>,
    }
    %scan3A_20 = arith.constant 320 : i32
    %mul3A_21 = arith.constant 5120 : i32
    %mul3A_22 = arith.muli %arg0, %mul3A_21 : i32
    %add3A = arith.addi %mul3A_22, %mul3A_0 : i32
    "tpu.region"() ({
      %run_scoped3A = tpu.sem_alloc : memref<!tpu.dma_semaphore, #tpu.memory_space<semaphore_mem>>
      %dma_start3A = arith.constant 0 : i32
      %dma_start3A_36 = tpu.memref_slice %arg2[%add3A, %dma_start3A] : memref<10240x128xf32, #tpu.memory_space<hbm>> -> memref<320x128xf32, #tpu.memory_space<hbm>>
      %dma_start3A_37 = arith.constant 0 : i32
      %dma_start3A_38 = tpu.memref_slice %arg2[%add3A, %dma_start3A_37] : memref<10240x128xf32, #tpu.memory_space<hbm>> -> memref<320x128xf32, #tpu.memory_space<hbm>>
      tpu.enqueue_dma source(%dma_start3A_38 : memref<320x128xf32, #tpu.memory_space<hbm>>) target(%arg9 : memref<320x128xf32, #tpu.memory_space<vmem>>) target_semaphore(%run_scoped3A : memref<!tpu.dma_semaphore, #tpu.memory_space<semaphore_mem>>)
      %dma_wait3A = arith.constant 0 : i32
      %dma_wait3A_39 = tpu.memref_slice %arg2[%add3A, %dma_wait3A] : memref<10240x128xf32, #tpu.memory_space<hbm>> -> memref<320x128xf32, #tpu.memory_space<hbm>>
      %dma_wait3A_40 = arith.constant 0 : i32
      %dma_wait3A_41 = tpu.memref_slice %arg2[%add3A, %dma_wait3A_40] : memref<10240x128xf32, #tpu.memory_space<hbm>> -> memref<320x128xf32, #tpu.memory_space<hbm>>
      tpu.wait_dma2 semaphore(%run_scoped3A : memref<!tpu.dma_semaphore, #tpu.memory_space<semaphore_mem>>) src(%dma_wait3A_41 : memref<320x128xf32, #tpu.memory_space<hbm>>) dst(%arg9 : memref<320x128xf32, #tpu.memory_space<vmem>>)
      tpu.yield
    }) : () -> ()
    %scan3A_23 = arith.constant 0 : i32
    %scan3A_24 = arith.constant 320 : i32
    %scan3A_25 = arith.addi %scan3A_23, %scan3A_24 : i32
    %scan3A_26 = arith.constant 1 : i32
    scf.for %scan3A_36 = %scan3A_23 to %scan3A_25 step %scan3A_26  : i32 {
      %mul3A_37 = arith.constant 1 : i32
      %mul3A_38 = arith.muli %scan3A_36, %mul3A_37 : i32
      %add3A_39 = arith.constant 0 : i32
      %add3A_40 = arith.addi %add3A_39, %mul3A_38 : i32
      %add3A_41 = arith.constant 0 : i32
      %add3A_42 = arith.addi %add3A_41, %add3A_40 : i32
      %mul3A_43 = arith.constant 16 : i32
      %mul3A_44 = arith.muli %add3A_42, %mul3A_43 : i32
      %get3A = arith.index_cast %mul3A_44 : i32 to index
      %get3A_45 = tpu.vector_load %arg10[%get3A] {strides = array<i32>} : memref<5120xf32, #tpu.memory_space<vmem>>, vector<16xf32>,
      %get3A_46 = vector.shape_cast %get3A_45 : vector<16xf32> to vector<16xf32>
      %get3A_47 = arith.index_cast %add3A_40 : i32 to index
      %get3A_48 = arith.constant 0 : index
      %get3A_49 = tpu.vector_load %arg9[%get3A_47, %get3A_48] {strides = array<i32>} : memref<320x128xf32, #tpu.memory_space<vmem>>, vector<1x16xf32>,
      %get3A_50 = vector.shape_cast %get3A_49 : vector<1x16xf32> to vector<16xf32>
      %mul3A_51 = arith.mulf %get3A_50, %get3A_46 : vector<16xf32>
      %swap3A = arith.index_cast %add3A_40 : i32 to index
      %swap3A_52 = arith.constant 0 : index
      %swap3A_53 = tpu.vector_load %arg9[%swap3A, %swap3A_52] {strides = array<i32>} : memref<320x128xf32, #tpu.memory_space<vmem>>, vector<1x16xf32>,
      %swap3A_54 = vector.shape_cast %swap3A_53 : vector<1x16xf32> to vector<16xf32>
      %swap3A_55 = vector.shape_cast %mul3A_51 : vector<16xf32> to vector<1x16xf32>
      tpu.vector_store %arg9[%swap3A, %swap3A_52], %swap3A_55 {strides = array<i32>} : memref<320x128xf32, #tpu.memory_space<vmem>>, vector<1x16xf32>,
      %get3A_56 = arith.index_cast %add3A_40 : i32 to index
      %get3A_57 = arith.constant 16 : index
      %get3A_58 = tpu.vector_load %arg9[%get3A_56, %get3A_57] {strides = array<i32>} : memref<320x128xf32, #tpu.memory_space<vmem>>, vector<1x16xf32>,
      %get3A_59 = vector.shape_cast %get3A_58 : vector<1x16xf32> to vector<16xf32>
      %mul3A_60 = arith.mulf %get3A_59, %get3A_46 : vector<16xf32>
      %swap3A_61 = arith.index_cast %add3A_40 : i32 to index
      %swap3A_62 = arith.constant 16 : index
      %swap3A_63 = tpu.vector_load %arg9[%swap3A_61, %swap3A_62] {strides = array<i32>} : memref<320x128xf32, #tpu.memory_space<vmem>>, vector<1x16xf32>,
      %swap3A_64 = vector.shape_cast %swap3A_63 : vector<1x16xf32> to vector<16xf32>
      %swap3A_65 = vector.shape_cast %mul3A_60 : vector<16xf32> to vector<1x16xf32>
      tpu.vector_store %arg9[%swap3A_61, %swap3A_62], %swap3A_65 {strides = array<i32>} : memref<320x128xf32, #tpu.memory_space<vmem>>, vector<1x16xf32>,
      %get3A_66 = arith.index_cast %add3A_40 : i32 to index
      %get3A_67 = arith.constant 32 : index
      %get3A_68 = tpu.vector_load %arg9[%get3A_66, %get3A_67] {strides = array<i32>} : memref<320x128xf32, #tpu.memory_space<vmem>>, vector<1x16xf32>,
      %get3A_69 = vector.shape_cast %get3A_68 : vector<1x16xf32> to vector<16xf32>
      %mul3A_70 = arith.mulf %get3A_69, %get3A_46 : vector<16xf32>
      %swap3A_71 = arith.index_cast %add3A_40 : i32 to index
      %swap3A_72 = arith.constant 32 : index
      %swap3A_73 = tpu.vector_load %arg9[%swap3A_71, %swap3A_72] {strides = array<i32>} : memref<320x128xf32, #tpu.memory_space<vmem>>, vector<1x16xf32>,
      %swap3A_74 = vector.shape_cast %swap3A_73 : vector<1x16xf32> to vector<16xf32>
      %swap3A_75 = vector.shape_cast %mul3A_70 : vector<16xf32> to vector<1x16xf32>
      tpu.vector_store %arg9[%swap3A_71, %swap3A_72], %swap3A_75 {strides = array<i32>} : memref<320x128xf32, #tpu.memory_space<vmem>>, vector<1x16xf32>,
      %get3A_76 = arith.index_cast %add3A_40 : i32 to index
      %get3A_77 = arith.constant 48 : index
      %get3A_78 = tpu.vector_load %arg9[%get3A_76, %get3A_77] {strides = array<i32>} : memref<320x128xf32, #tpu.memory_space<vmem>>, vector<1x16xf32>,
      %get3A_79 = vector.shape_cast %get3A_78 : vector<1x16xf32> to vector<16xf32>
      %mul3A_80 = arith.mulf %get3A_79, %get3A_46 : vector<16xf32>
      %swap3A_81 = arith.index_cast %add3A_40 : i32 to index
      %swap3A_82 = arith.constant 48 : index
      %swap3A_83 = tpu.vector_load %arg9[%swap3A_81, %swap3A_82] {strides = array<i32>} : memref<320x128xf32, #tpu.memory_space<vmem>>, vector<1x16xf32>,
      %swap3A_84 = vector.shape_cast %swap3A_83 : vector<1x16xf32> to vector<16xf32>
      %swap3A_85 = vector.shape_cast %mul3A_80 : vector<16xf32> to vector<1x16xf32>
      tpu.vector_store %arg9[%swap3A_81, %swap3A_82], %swap3A_85 {strides = array<i32>} : memref<320x128xf32, #tpu.memory_space<vmem>>, vector<1x16xf32>,
      %get3A_86 = arith.index_cast %add3A_40 : i32 to index
      %get3A_87 = arith.constant 64 : index
      %get3A_88 = tpu.vector_load %arg9[%get3A_86, %get3A_87] {strides = array<i32>} : memref<320x128xf32, #tpu.memory_space<vmem>>, vector<1x16xf32>,
      %get3A_89 = vector.shape_cast %get3A_88 : vector<1x16xf32> to vector<16xf32>
      %mul3A_90 = arith.mulf %get3A_89, %get3A_46 : vector<16xf32>
      %swap3A_91 = arith.index_cast %add3A_40 : i32 to index
      %swap3A_92 = arith.constant 64 : index
      %swap3A_93 = tpu.vector_load %arg9[%swap3A_91, %swap3A_92] {strides = array<i32>} : memref<320x128xf32, #tpu.memory_space<vmem>>, vector<1x16xf32>,
      %swap3A_94 = vector.shape_cast %swap3A_93 : vector<1x16xf32> to vector<16xf32>
      %swap3A_95 = vector.shape_cast %mul3A_90 : vector<16xf32> to vector<1x16xf32>
      tpu.vector_store %arg9[%swap3A_91, %swap3A_92], %swap3A_95 {strides = array<i32>} : memref<320x128xf32, #tpu.memory_space<vmem>>, vector<1x16xf32>,
      %get3A_96 = arith.index_cast %add3A_40 : i32 to index
      %get3A_97 = arith.constant 80 : index
      %get3A_98 = tpu.vector_load %arg9[%get3A_96, %get3A_97] {strides = array<i32>} : memref<320x128xf32, #tpu.memory_space<vmem>>, vector<1x16xf32>,
      %get3A_99 = vector.shape_cast %get3A_98 : vector<1x16xf32> to vector<16xf32>
      %mul3A_100 = arith.mulf %get3A_99, %get3A_46 : vector<16xf32>
      %swap3A_101 = arith.index_cast %add3A_40 : i32 to index
      %swap3A_102 = arith.constant 80 : index
      %swap3A_103 = tpu.vector_load %arg9[%swap3A_101, %swap3A_102] {strides = array<i32>} : memref<320x128xf32, #tpu.memory_space<vmem>>, vector<1x16xf32>,
      %swap3A_104 = vector.shape_cast %swap3A_103 : vector<1x16xf32> to vector<16xf32>
      %swap3A_105 = vector.shape_cast %mul3A_100 : vector<16xf32> to vector<1x16xf32>
      tpu.vector_store %arg9[%swap3A_101, %swap3A_102], %swap3A_105 {strides = array<i32>} : memref<320x128xf32, #tpu.memory_space<vmem>>, vector<1x16xf32>,
      %get3A_106 = arith.index_cast %add3A_40 : i32 to index
      %get3A_107 = arith.constant 96 : index
      %get3A_108 = tpu.vector_load %arg9[%get3A_106, %get3A_107] {strides = array<i32>} : memref<320x128xf32, #tpu.memory_space<vmem>>, vector<1x16xf32>,
      %get3A_109 = vector.shape_cast %get3A_108 : vector<1x16xf32> to vector<16xf32>
      %mul3A_110 = arith.mulf %get3A_109, %get3A_46 : vector<16xf32>
      %swap3A_111 = arith.index_cast %add3A_40 : i32 to index
      %swap3A_112 = arith.constant 96 : index
      %swap3A_113 = tpu.vector_load %arg9[%swap3A_111, %swap3A_112] {strides = array<i32>} : memref<320x128xf32, #tpu.memory_space<vmem>>, vector<1x16xf32>,
      %swap3A_114 = vector.shape_cast %swap3A_113 : vector<1x16xf32> to vector<16xf32>
      %swap3A_115 = vector.shape_cast %mul3A_110 : vector<16xf32> to vector<1x16xf32>
      tpu.vector_store %arg9[%swap3A_111, %swap3A_112], %swap3A_115 {strides = array<i32>} : memref<320x128xf32, #tpu.memory_space<vmem>>, vector<1x16xf32>,
      %get3A_116 = arith.index_cast %add3A_40 : i32 to index
      %get3A_117 = arith.constant 112 : index
      %get3A_118 = tpu.vector_load %arg9[%get3A_116, %get3A_117] {strides = array<i32>} : memref<320x128xf32, #tpu.memory_space<vmem>>, vector<1x16xf32>,
      %get3A_119 = vector.shape_cast %get3A_118 : vector<1x16xf32> to vector<16xf32>
      %mul3A_120 = arith.mulf %get3A_119, %get3A_46 : vector<16xf32>
      %swap3A_121 = arith.index_cast %add3A_40 : i32 to index
      %swap3A_122 = arith.constant 112 : index
      %swap3A_123 = tpu.vector_load %arg9[%swap3A_121, %swap3A_122] {strides = array<i32>} : memref<320x128xf32, #tpu.memory_space<vmem>>, vector<1x16xf32>,
      %swap3A_124 = vector.shape_cast %swap3A_123 : vector<1x16xf32> to vector<16xf32>
      %swap3A_125 = vector.shape_cast %mul3A_120 : vector<16xf32> to vector<1x16xf32>
      tpu.vector_store %arg9[%swap3A_121, %swap3A_122], %swap3A_125 {strides = array<i32>} : memref<320x128xf32, #tpu.memory_space<vmem>>, vector<1x16xf32>,
    }
    %scan3A_27 = arith.constant 320 : i32
    %mul3A_28 = arith.constant 5120 : i32
    %mul3A_29 = arith.muli %arg0, %mul3A_28 : i32
    %add3A_30 = arith.addi %mul3A_29, %mul3A_0 : i32
    "tpu.region"() ({
      %run_scoped3A = tpu.sem_alloc : memref<!tpu.dma_semaphore, #tpu.memory_space<semaphore_mem>>
      %dma_start3A = arith.constant 0 : i32
      %dma_start3A_36 = tpu.memref_slice %arg4[%add3A_30, %dma_start3A] : memref<10240x128xf32, #tpu.memory_space<hbm>> -> memref<320x128xf32, #tpu.memory_space<hbm>>
      %dma_start3A_37 = arith.constant 0 : i32
      %dma_start3A_38 = tpu.memref_slice %arg4[%add3A_30, %dma_start3A_37] : memref<10240x128xf32, #tpu.memory_space<hbm>> -> memref<320x128xf32, #tpu.memory_space<hbm>>
      tpu.enqueue_dma source(%arg9 : memref<320x128xf32, #tpu.memory_space<vmem>>) target(%dma_start3A_38 : memref<320x128xf32, #tpu.memory_space<hbm>>) target_semaphore(%run_scoped3A : memref<!tpu.dma_semaphore, #tpu.memory_space<semaphore_mem>>)
      %dma_wait3A = arith.constant 0 : i32
      %dma_wait3A_39 = tpu.memref_slice %arg4[%add3A_30, %dma_wait3A] : memref<10240x128xf32, #tpu.memory_space<hbm>> -> memref<320x128xf32, #tpu.memory_space<hbm>>
      %dma_wait3A_40 = arith.constant 0 : i32
      %dma_wait3A_41 = tpu.memref_slice %arg4[%add3A_30, %dma_wait3A_40] : memref<10240x128xf32, #tpu.memory_space<hbm>> -> memref<320x128xf32, #tpu.memory_space<hbm>>
      tpu.wait_dma2 semaphore(%run_scoped3A : memref<!tpu.dma_semaphore, #tpu.memory_space<semaphore_mem>>) src(%arg9 : memref<320x128xf32, #tpu.memory_space<vmem>>) dst(%dma_wait3A_41 : memref<320x128xf32, #tpu.memory_space<hbm>>)
      tpu.yield
    }) : () -> ()
    %mul3A_31 = arith.constant 5120 : i32
    %mul3A_32 = arith.muli %arg0, %mul3A_31 : i32
    %add3A_33 = arith.addi %mul3A_32, %mul3A_0 : i32
    %mul3A_34 = arith.constant 16 : i32
    %mul3A_35 = arith.muli %add3A_33, %mul3A_34 : i32
    "tpu.region"() ({
      %run_scoped3A = tpu.sem_alloc : memref<!tpu.dma_semaphore, #tpu.memory_space<semaphore_mem>>
      %dma_start3A = tpu.memref_slice %arg5[%mul3A_35] : memref<163840xf32, #tpu.memory_space<hbm>> -> memref<5120xf32, #tpu.memory_space<hbm>>
      %dma_start3A_36 = tpu.memref_slice %arg5[%mul3A_35] : memref<163840xf32, #tpu.memory_space<hbm>> -> memref<5120xf32, #tpu.memory_space<hbm>>
      tpu.enqueue_dma source(%arg10 : memref<5120xf32, #tpu.memory_space<vmem>>) target(%dma_start3A_36 : memref<5120xf32, #tpu.memory_space<hbm>>) target_semaphore(%run_scoped3A : memref<!tpu.dma_semaphore, #tpu.memory_space<semaphore_mem>>)
      %dma_wait3A = tpu.memref_slice %arg5[%mul3A_35] : memref<163840xf32, #tpu.memory_space<hbm>> -> memref<5120xf32, #tpu.memory_space<hbm>>
      %dma_wait3A_37 = tpu.memref_slice %arg5[%mul3A_35] : memref<163840xf32, #tpu.memory_space<hbm>> -> memref<5120xf32, #tpu.memory_space<hbm>>
      tpu.wait_dma2 semaphore(%run_scoped3A : memref<!tpu.dma_semaphore, #tpu.memory_space<semaphore_mem>>) src(%arg10 : memref<5120xf32, #tpu.memory_space<vmem>>) dst(%dma_wait3A_37 : memref<5120xf32, #tpu.memory_space<hbm>>)
      tpu.yield
    }) : () -> ()
    return
  }
}

#map = affine_map<(d0, d1) -> (0, 0)>
#map1 = affine_map<(d0, d1) -> (0, 0, 0, 0)>
#map2 = affine_map<(d0, d1) -> (0)>
module attributes {stable_mosaic.version = 14 : i64} {
  func.func @_k_layer(%arg0: i32, %arg1: i32, %arg2: memref<10240x128xf32, #tpu.memory_space<hbm>>, %arg3: memref<2x16x79x128xi32, #tpu.memory_space<hbm>>, %arg4: memref<2x16x79x128xi32, #tpu.memory_space<hbm>>, %arg5: memref<163840xf32, #tpu.memory_space<hbm>>, %arg6: memref<10240x128xf32, #tpu.memory_space<hbm>>, %arg7: memref<10240x128xf32, #tpu.memory_space<hbm>>, %arg8: memref<5120x128xf32, #tpu.memory_space<vmem_shared>>, %arg9: memref<79x128xi32, #tpu.memory_space<vmem>>, %arg10: memref<79x128xi32, #tpu.memory_space<vmem>>, %arg11: memref<128x128xf32, #tpu.memory_space<vmem>>, %arg12: memref<320x128xf32, #tpu.memory_space<vmem>>, %arg13: memref<5120xf32, #tpu.memory_space<vmem>>, %arg14: memref<!tpu.dma_semaphore, #tpu.memory_space<semaphore_mem>>) attributes {dimension_semantics = [#tpu.dimension_semantics<core_parallel>, #tpu.dimension_semantics<subcore_parallel>], iteration_bounds = array<i64: 2, 16>, scalar_prefetch = 0 : i64, scratch_operands = 7 : i64, tpu.core_type = #tpu.core_type<sc_vector_subcore>, window_params = [{transform_indices = #map}, {transform_indices = #map1}, {transform_indices = #map1}, {transform_indices = #map2}, {transform_indices = #map}, {transform_indices = #map}]} {
    %mul3A = arith.constant 320 : i32
    %mul3A_0 = arith.muli %arg1, %mul3A : i32
    %scan3A = arith.constant 0 : i32
    %scan3A_1 = arith.constant 320 : i32
    %scan3A_2 = arith.addi %scan3A, %scan3A_1 : i32
    %scan3A_3 = arith.constant 1 : i32
    scf.for %scan3A_31 = %scan3A to %scan3A_2 step %scan3A_3  : i32 {
      %mul3A_32 = arith.constant 1 : i32
      %mul3A_33 = arith.muli %scan3A_31, %mul3A_32 : i32
      %add3A_34 = arith.constant 0 : i32
      %add3A_35 = arith.addi %add3A_34, %mul3A_33 : i32
      %broadcast_in_dim3A = arith.constant 0.000000e+00 : f32
      %broadcast_in_dim3A_36 = vector.broadcast %broadcast_in_dim3A : f32 to vector<16xf32>
      %swap3A = arith.index_cast %add3A_35 : i32 to index
      %swap3A_37 = arith.constant 0 : index
      %swap3A_38 = tpu.vector_load %arg12[%swap3A, %swap3A_37] {strides = array<i32>} : memref<320x128xf32, #tpu.memory_space<vmem>>, vector<1x16xf32>,
      %swap3A_39 = vector.shape_cast %swap3A_38 : vector<1x16xf32> to vector<16xf32>
      %swap3A_40 = vector.shape_cast %broadcast_in_dim3A_36 : vector<16xf32> to vector<1x16xf32>
      tpu.vector_store %arg12[%swap3A, %swap3A_37], %swap3A_40 {strides = array<i32>} : memref<320x128xf32, #tpu.memory_space<vmem>>, vector<1x16xf32>,
      %broadcast_in_dim3A_41 = arith.constant 0.000000e+00 : f32
      %broadcast_in_dim3A_42 = vector.broadcast %broadcast_in_dim3A_41 : f32 to vector<16xf32>
      %swap3A_43 = arith.index_cast %add3A_35 : i32 to index
      %swap3A_44 = arith.constant 16 : index
      %swap3A_45 = tpu.vector_load %arg12[%swap3A_43, %swap3A_44] {strides = array<i32>} : memref<320x128xf32, #tpu.memory_space<vmem>>, vector<1x16xf32>,
      %swap3A_46 = vector.shape_cast %swap3A_45 : vector<1x16xf32> to vector<16xf32>
      %swap3A_47 = vector.shape_cast %broadcast_in_dim3A_42 : vector<16xf32> to vector<1x16xf32>
      tpu.vector_store %arg12[%swap3A_43, %swap3A_44], %swap3A_47 {strides = array<i32>} : memref<320x128xf32, #tpu.memory_space<vmem>>, vector<1x16xf32>,
      %broadcast_in_dim3A_48 = arith.constant 0.000000e+00 : f32
      %broadcast_in_dim3A_49 = vector.broadcast %broadcast_in_dim3A_48 : f32 to vector<16xf32>
      %swap3A_50 = arith.index_cast %add3A_35 : i32 to index
      %swap3A_51 = arith.constant 32 : index
      %swap3A_52 = tpu.vector_load %arg12[%swap3A_50, %swap3A_51] {strides = array<i32>} : memref<320x128xf32, #tpu.memory_space<vmem>>, vector<1x16xf32>,
      %swap3A_53 = vector.shape_cast %swap3A_52 : vector<1x16xf32> to vector<16xf32>
      %swap3A_54 = vector.shape_cast %broadcast_in_dim3A_49 : vector<16xf32> to vector<1x16xf32>
      tpu.vector_store %arg12[%swap3A_50, %swap3A_51], %swap3A_54 {strides = array<i32>} : memref<320x128xf32, #tpu.memory_space<vmem>>, vector<1x16xf32>,
      %broadcast_in_dim3A_55 = arith.constant 0.000000e+00 : f32
      %broadcast_in_dim3A_56 = vector.broadcast %broadcast_in_dim3A_55 : f32 to vector<16xf32>
      %swap3A_57 = arith.index_cast %add3A_35 : i32 to index
      %swap3A_58 = arith.constant 48 : index
      %swap3A_59 = tpu.vector_load %arg12[%swap3A_57, %swap3A_58] {strides = array<i32>} : memref<320x128xf32, #tpu.memory_space<vmem>>, vector<1x16xf32>,
      %swap3A_60 = vector.shape_cast %swap3A_59 : vector<1x16xf32> to vector<16xf32>
      %swap3A_61 = vector.shape_cast %broadcast_in_dim3A_56 : vector<16xf32> to vector<1x16xf32>
      tpu.vector_store %arg12[%swap3A_57, %swap3A_58], %swap3A_61 {strides = array<i32>} : memref<320x128xf32, #tpu.memory_space<vmem>>, vector<1x16xf32>,
      %broadcast_in_dim3A_62 = arith.constant 0.000000e+00 : f32
      %broadcast_in_dim3A_63 = vector.broadcast %broadcast_in_dim3A_62 : f32 to vector<16xf32>
      %swap3A_64 = arith.index_cast %add3A_35 : i32 to index
      %swap3A_65 = arith.constant 64 : index
      %swap3A_66 = tpu.vector_load %arg12[%swap3A_64, %swap3A_65] {strides = array<i32>} : memref<320x128xf32, #tpu.memory_space<vmem>>, vector<1x16xf32>,
      %swap3A_67 = vector.shape_cast %swap3A_66 : vector<1x16xf32> to vector<16xf32>
      %swap3A_68 = vector.shape_cast %broadcast_in_dim3A_63 : vector<16xf32> to vector<1x16xf32>
      tpu.vector_store %arg12[%swap3A_64, %swap3A_65], %swap3A_68 {strides = array<i32>} : memref<320x128xf32, #tpu.memory_space<vmem>>, vector<1x16xf32>,
      %broadcast_in_dim3A_69 = arith.constant 0.000000e+00 : f32
      %broadcast_in_dim3A_70 = vector.broadcast %broadcast_in_dim3A_69 : f32 to vector<16xf32>
      %swap3A_71 = arith.index_cast %add3A_35 : i32 to index
      %swap3A_72 = arith.constant 80 : index
      %swap3A_73 = tpu.vector_load %arg12[%swap3A_71, %swap3A_72] {strides = array<i32>} : memref<320x128xf32, #tpu.memory_space<vmem>>, vector<1x16xf32>,
      %swap3A_74 = vector.shape_cast %swap3A_73 : vector<1x16xf32> to vector<16xf32>
      %swap3A_75 = vector.shape_cast %broadcast_in_dim3A_70 : vector<16xf32> to vector<1x16xf32>
      tpu.vector_store %arg12[%swap3A_71, %swap3A_72], %swap3A_75 {strides = array<i32>} : memref<320x128xf32, #tpu.memory_space<vmem>>, vector<1x16xf32>,
      %broadcast_in_dim3A_76 = arith.constant 0.000000e+00 : f32
      %broadcast_in_dim3A_77 = vector.broadcast %broadcast_in_dim3A_76 : f32 to vector<16xf32>
      %swap3A_78 = arith.index_cast %add3A_35 : i32 to index
      %swap3A_79 = arith.constant 96 : index
      %swap3A_80 = tpu.vector_load %arg12[%swap3A_78, %swap3A_79] {strides = array<i32>} : memref<320x128xf32, #tpu.memory_space<vmem>>, vector<1x16xf32>,
      %swap3A_81 = vector.shape_cast %swap3A_80 : vector<1x16xf32> to vector<16xf32>
      %swap3A_82 = vector.shape_cast %broadcast_in_dim3A_77 : vector<16xf32> to vector<1x16xf32>
      tpu.vector_store %arg12[%swap3A_78, %swap3A_79], %swap3A_82 {strides = array<i32>} : memref<320x128xf32, #tpu.memory_space<vmem>>, vector<1x16xf32>,
      %broadcast_in_dim3A_83 = arith.constant 0.000000e+00 : f32
      %broadcast_in_dim3A_84 = vector.broadcast %broadcast_in_dim3A_83 : f32 to vector<16xf32>
      %swap3A_85 = arith.index_cast %add3A_35 : i32 to index
      %swap3A_86 = arith.constant 112 : index
      %swap3A_87 = tpu.vector_load %arg12[%swap3A_85, %swap3A_86] {strides = array<i32>} : memref<320x128xf32, #tpu.memory_space<vmem>>, vector<1x16xf32>,
      %swap3A_88 = vector.shape_cast %swap3A_87 : vector<1x16xf32> to vector<16xf32>
      %swap3A_89 = vector.shape_cast %broadcast_in_dim3A_84 : vector<16xf32> to vector<1x16xf32>
      tpu.vector_store %arg12[%swap3A_85, %swap3A_86], %swap3A_89 {strides = array<i32>} : memref<320x128xf32, #tpu.memory_space<vmem>>, vector<1x16xf32>,
    }
    %scan3A_4 = arith.constant 320 : i32
    "tpu.region"() ({
      %run_scoped3A = tpu.sem_alloc : memref<!tpu.dma_semaphore, #tpu.memory_space<semaphore_mem>>
      %dma_start3A = arith.constant 0 : i32
      %dma_start3A_31 = arith.constant 0 : i32
      %dma_start3A_32 = tpu.memref_slice %arg3[%arg0, %arg1, %dma_start3A, %dma_start3A_31] : memref<2x16x79x128xi32, #tpu.memory_space<hbm>> -> memref<1x1x79x128xi32, #tpu.memory_space<hbm>>
      %dma_start3A_33 = tpu.memref_squeeze %dma_start3A_32 : memref<1x1x79x128xi32, #tpu.memory_space<hbm>> -> memref<79x128xi32, #tpu.memory_space<hbm>>
      %dma_start3A_34 = arith.constant 0 : i32
      %dma_start3A_35 = arith.constant 0 : i32
      %dma_start3A_36 = tpu.memref_slice %arg3[%arg0, %arg1, %dma_start3A_34, %dma_start3A_35] : memref<2x16x79x128xi32, #tpu.memory_space<hbm>> -> memref<1x1x79x128xi32, #tpu.memory_space<hbm>>
      %dma_start3A_37 = tpu.memref_squeeze %dma_start3A_36 : memref<1x1x79x128xi32, #tpu.memory_space<hbm>> -> memref<79x128xi32, #tpu.memory_space<hbm>>
      tpu.enqueue_dma source(%dma_start3A_37 : memref<79x128xi32, #tpu.memory_space<hbm>>) target(%arg9 : memref<79x128xi32, #tpu.memory_space<vmem>>) target_semaphore(%run_scoped3A : memref<!tpu.dma_semaphore, #tpu.memory_space<semaphore_mem>>)
      %dma_wait3A = arith.constant 0 : i32
      %dma_wait3A_38 = arith.constant 0 : i32
      %dma_wait3A_39 = tpu.memref_slice %arg3[%arg0, %arg1, %dma_wait3A, %dma_wait3A_38] : memref<2x16x79x128xi32, #tpu.memory_space<hbm>> -> memref<1x1x79x128xi32, #tpu.memory_space<hbm>>
      %dma_wait3A_40 = tpu.memref_squeeze %dma_wait3A_39 : memref<1x1x79x128xi32, #tpu.memory_space<hbm>> -> memref<79x128xi32, #tpu.memory_space<hbm>>
      %dma_wait3A_41 = arith.constant 0 : i32
      %dma_wait3A_42 = arith.constant 0 : i32
      %dma_wait3A_43 = tpu.memref_slice %arg3[%arg0, %arg1, %dma_wait3A_41, %dma_wait3A_42] : memref<2x16x79x128xi32, #tpu.memory_space<hbm>> -> memref<1x1x79x128xi32, #tpu.memory_space<hbm>>
      %dma_wait3A_44 = tpu.memref_squeeze %dma_wait3A_43 : memref<1x1x79x128xi32, #tpu.memory_space<hbm>> -> memref<79x128xi32, #tpu.memory_space<hbm>>
      tpu.wait_dma2 semaphore(%run_scoped3A : memref<!tpu.dma_semaphore, #tpu.memory_space<semaphore_mem>>) src(%dma_wait3A_44 : memref<79x128xi32, #tpu.memory_space<hbm>>) dst(%arg9 : memref<79x128xi32, #tpu.memory_space<vmem>>)
      tpu.yield
    }) : () -> ()
    "tpu.region"() ({
      %run_scoped3A = tpu.sem_alloc : memref<!tpu.dma_semaphore, #tpu.memory_space<semaphore_mem>>
      %dma_start3A = arith.constant 0 : i32
      %dma_start3A_31 = arith.constant 0 : i32
      %dma_start3A_32 = tpu.memref_slice %arg4[%arg0, %arg1, %dma_start3A, %dma_start3A_31] : memref<2x16x79x128xi32, #tpu.memory_space<hbm>> -> memref<1x1x79x128xi32, #tpu.memory_space<hbm>>
      %dma_start3A_33 = tpu.memref_squeeze %dma_start3A_32 : memref<1x1x79x128xi32, #tpu.memory_space<hbm>> -> memref<79x128xi32, #tpu.memory_space<hbm>>
      %dma_start3A_34 = arith.constant 0 : i32
      %dma_start3A_35 = arith.constant 0 : i32
      %dma_start3A_36 = tpu.memref_slice %arg4[%arg0, %arg1, %dma_start3A_34, %dma_start3A_35] : memref<2x16x79x128xi32, #tpu.memory_space<hbm>> -> memref<1x1x79x128xi32, #tpu.memory_space<hbm>>
      %dma_start3A_37 = tpu.memref_squeeze %dma_start3A_36 : memref<1x1x79x128xi32, #tpu.memory_space<hbm>> -> memref<79x128xi32, #tpu.memory_space<hbm>>
      tpu.enqueue_dma source(%dma_start3A_37 : memref<79x128xi32, #tpu.memory_space<hbm>>) target(%arg10 : memref<79x128xi32, #tpu.memory_space<vmem>>) target_semaphore(%run_scoped3A : memref<!tpu.dma_semaphore, #tpu.memory_space<semaphore_mem>>)
      %dma_wait3A = arith.constant 0 : i32
      %dma_wait3A_38 = arith.constant 0 : i32
      %dma_wait3A_39 = tpu.memref_slice %arg4[%arg0, %arg1, %dma_wait3A, %dma_wait3A_38] : memref<2x16x79x128xi32, #tpu.memory_space<hbm>> -> memref<1x1x79x128xi32, #tpu.memory_space<hbm>>
      %dma_wait3A_40 = tpu.memref_squeeze %dma_wait3A_39 : memref<1x1x79x128xi32, #tpu.memory_space<hbm>> -> memref<79x128xi32, #tpu.memory_space<hbm>>
      %dma_wait3A_41 = arith.constant 0 : i32
      %dma_wait3A_42 = arith.constant 0 : i32
      %dma_wait3A_43 = tpu.memref_slice %arg4[%arg0, %arg1, %dma_wait3A_41, %dma_wait3A_42] : memref<2x16x79x128xi32, #tpu.memory_space<hbm>> -> memref<1x1x79x128xi32, #tpu.memory_space<hbm>>
      %dma_wait3A_44 = tpu.memref_squeeze %dma_wait3A_43 : memref<1x1x79x128xi32, #tpu.memory_space<hbm>> -> memref<79x128xi32, #tpu.memory_space<hbm>>
      tpu.wait_dma2 semaphore(%run_scoped3A : memref<!tpu.dma_semaphore, #tpu.memory_space<semaphore_mem>>) src(%dma_wait3A_44 : memref<79x128xi32, #tpu.memory_space<hbm>>) dst(%arg10 : memref<79x128xi32, #tpu.memory_space<vmem>>)
      tpu.yield
    }) : () -> ()
    "tpu.region"() ({
      %run_scoped3A = tpu.sem_alloc : memref<!tpu.dma_semaphore, #tpu.memory_space<semaphore_mem>>
      %dma_start3A = arith.constant 0 : i32
      %dma_start3A_31 = tpu.memref_slice %arg8[%mul3A_0, %dma_start3A] : memref<5120x128xf32, #tpu.memory_space<vmem_shared>> -> memref<320x128xf32, #tpu.memory_space<vmem_shared>>
      %dma_start3A_32 = arith.constant 0 : i32
      %dma_start3A_33 = tpu.memref_slice %arg8[%mul3A_0, %dma_start3A_32] : memref<5120x128xf32, #tpu.memory_space<vmem_shared>> -> memref<320x128xf32, #tpu.memory_space<vmem_shared>>
      tpu.enqueue_dma source(%arg12 : memref<320x128xf32, #tpu.memory_space<vmem>>) target(%dma_start3A_33 : memref<320x128xf32, #tpu.memory_space<vmem_shared>>) target_semaphore(%run_scoped3A : memref<!tpu.dma_semaphore, #tpu.memory_space<semaphore_mem>>)
      %dma_wait3A = arith.constant 0 : i32
      %dma_wait3A_34 = tpu.memref_slice %arg8[%mul3A_0, %dma_wait3A] : memref<5120x128xf32, #tpu.memory_space<vmem_shared>> -> memref<320x128xf32, #tpu.memory_space<vmem_shared>>
      %dma_wait3A_35 = arith.constant 0 : i32
      %dma_wait3A_36 = tpu.memref_slice %arg8[%mul3A_0, %dma_wait3A_35] : memref<5120x128xf32, #tpu.memory_space<vmem_shared>> -> memref<320x128xf32, #tpu.memory_space<vmem_shared>>
      tpu.wait_dma2 semaphore(%run_scoped3A : memref<!tpu.dma_semaphore, #tpu.memory_space<semaphore_mem>>) src(%arg12 : memref<320x128xf32, #tpu.memory_space<vmem>>) dst(%dma_wait3A_36 : memref<320x128xf32, #tpu.memory_space<vmem_shared>>)
      tpu.yield
    }) : () -> ()
    %barrier3A = arith.constant 0 : index
    tpu.barrier barrier_id(%barrier3A)
    %scan3A_5 = arith.constant 0 : i32
    %scan3A_6 = arith.constant 79 : i32
    %scan3A_7 = arith.addi %scan3A_5, %scan3A_6 : i32
    %scan3A_8 = arith.constant 1 : i32
    scf.for %scan3A_31 = %scan3A_5 to %scan3A_7 step %scan3A_8  : i32 {
      %mul3A_32 = arith.constant 1 : i32
      %mul3A_33 = arith.muli %scan3A_31, %mul3A_32 : i32
      %add3A_34 = arith.constant 0 : i32
      %add3A_35 = arith.addi %add3A_34, %mul3A_33 : i32
      %dma_start3A = arith.constant 0 : i32
      %dma_start3A_36 = tpu.memref_slice %arg10[%add3A_35, %dma_start3A] : memref<79x128xi32, #tpu.memory_space<vmem>> -> memref<1x128xi32, #tpu.memory_space<vmem>>
      %dma_start3A_37 = tpu.memref_squeeze %dma_start3A_36 : memref<1x128xi32, #tpu.memory_space<vmem>> -> memref<128xi32, #tpu.memory_space<vmem>>
      %dma_start3A_38 = arith.constant 0 : i32
      %dma_start3A_39 = arith.constant 0 : i32
      %dma_start3A_40 = tpu.memref_slice %arg2[%dma_start3A_38, %dma_start3A_39] : memref<10240x128xf32, #tpu.memory_space<hbm>> -> memref<10240x128xf32, #tpu.memory_space<hbm>>
      tpu.enqueue_indirect_dma source(%dma_start3A_40 : memref<10240x128xf32, #tpu.memory_space<hbm>>) target(%arg11 : memref<128x128xf32, #tpu.memory_space<vmem>>) offsets(%dma_start3A_37 : memref<128xi32, #tpu.memory_space<vmem>>) semaphore(%arg14 : memref<!tpu.dma_semaphore, #tpu.memory_space<semaphore_mem>>)
      %dma_wait3A = arith.constant 0 : i32
      %dma_wait3A_41 = tpu.memref_slice %arg10[%add3A_35, %dma_wait3A] : memref<79x128xi32, #tpu.memory_space<vmem>> -> memref<1x128xi32, #tpu.memory_space<vmem>>
      %dma_wait3A_42 = tpu.memref_squeeze %dma_wait3A_41 : memref<1x128xi32, #tpu.memory_space<vmem>> -> memref<128xi32, #tpu.memory_space<vmem>>
      %dma_wait3A_43 = arith.constant 0 : i32
      %dma_wait3A_44 = arith.constant 0 : i32
      %dma_wait3A_45 = tpu.memref_slice %arg2[%dma_wait3A_43, %dma_wait3A_44] : memref<10240x128xf32, #tpu.memory_space<hbm>> -> memref<10240x128xf32, #tpu.memory_space<hbm>>
      tpu.wait_indirect_dma semaphore(%arg14 : memref<!tpu.dma_semaphore, #tpu.memory_space<semaphore_mem>>) src(%dma_wait3A_45 : memref<10240x128xf32, #tpu.memory_space<hbm>>) dst(%arg11 : memref<128x128xf32, #tpu.memory_space<vmem>>)
      "tpu.region"() ({
        %run_scoped3A = tpu.sem_alloc : memref<!tpu.dma_semaphore, #tpu.memory_space<semaphore_mem>>
        %dma_start3A_46 = arith.constant 0 : i32
        %dma_start3A_47 = tpu.memref_slice %arg9[%add3A_35, %dma_start3A_46] : memref<79x128xi32, #tpu.memory_space<vmem>> -> memref<1x128xi32, #tpu.memory_space<vmem>>
        %dma_start3A_48 = tpu.memref_squeeze %dma_start3A_47 : memref<1x128xi32, #tpu.memory_space<vmem>> -> memref<128xi32, #tpu.memory_space<vmem>>
        %dma_start3A_49 = arith.constant 0 : i32
        %dma_start3A_50 = arith.constant 0 : i32
        %dma_start3A_51 = tpu.memref_slice %arg8[%dma_start3A_49, %dma_start3A_50] : memref<5120x128xf32, #tpu.memory_space<vmem_shared>> -> memref<5120x128xf32, #tpu.memory_space<vmem_shared>>
        tpu.enqueue_indirect_dma source(%arg11 : memref<128x128xf32, #tpu.memory_space<vmem>>) target(%dma_start3A_51 : memref<5120x128xf32, #tpu.memory_space<vmem_shared>>) offsets(%dma_start3A_48 : memref<128xi32, #tpu.memory_space<vmem>>) semaphore(%run_scoped3A : memref<!tpu.dma_semaphore, #tpu.memory_space<semaphore_mem>>) {add = true}
        %dma_wait3A_52 = arith.constant 0 : i32
        %dma_wait3A_53 = tpu.memref_slice %arg9[%add3A_35, %dma_wait3A_52] : memref<79x128xi32, #tpu.memory_space<vmem>> -> memref<1x128xi32, #tpu.memory_space<vmem>>
        %dma_wait3A_54 = tpu.memref_squeeze %dma_wait3A_53 : memref<1x128xi32, #tpu.memory_space<vmem>> -> memref<128xi32, #tpu.memory_space<vmem>>
        %dma_wait3A_55 = arith.constant 0 : i32
        %dma_wait3A_56 = arith.constant 0 : i32
        %dma_wait3A_57 = tpu.memref_slice %arg8[%dma_wait3A_55, %dma_wait3A_56] : memref<5120x128xf32, #tpu.memory_space<vmem_shared>> -> memref<5120x128xf32, #tpu.memory_space<vmem_shared>>
        tpu.wait_indirect_dma semaphore(%run_scoped3A : memref<!tpu.dma_semaphore, #tpu.memory_space<semaphore_mem>>) src(%arg11 : memref<128x128xf32, #tpu.memory_space<vmem>>) dst(%dma_wait3A_57 : memref<5120x128xf32, #tpu.memory_space<vmem_shared>>)
        tpu.yield
      }) : () -> ()
    }
    %scan3A_9 = arith.constant 79 : i32
    %barrier3A_10 = arith.constant 0 : index
    tpu.barrier barrier_id(%barrier3A_10)
    "tpu.region"() ({
      %run_scoped3A = tpu.sem_alloc : memref<!tpu.dma_semaphore, #tpu.memory_space<semaphore_mem>>
      %dma_start3A = arith.constant 0 : i32
      %dma_start3A_31 = tpu.memref_slice %arg8[%mul3A_0, %dma_start3A] : memref<5120x128xf32, #tpu.memory_space<vmem_shared>> -> memref<320x128xf32, #tpu.memory_space<vmem_shared>>
      %dma_start3A_32 = arith.constant 0 : i32
      %dma_start3A_33 = tpu.memref_slice %arg8[%mul3A_0, %dma_start3A_32] : memref<5120x128xf32, #tpu.memory_space<vmem_shared>> -> memref<320x128xf32, #tpu.memory_space<vmem_shared>>
      tpu.enqueue_dma source(%dma_start3A_33 : memref<320x128xf32, #tpu.memory_space<vmem_shared>>) target(%arg12 : memref<320x128xf32, #tpu.memory_space<vmem>>) target_semaphore(%run_scoped3A : memref<!tpu.dma_semaphore, #tpu.memory_space<semaphore_mem>>)
      %dma_wait3A = arith.constant 0 : i32
      %dma_wait3A_34 = tpu.memref_slice %arg8[%mul3A_0, %dma_wait3A] : memref<5120x128xf32, #tpu.memory_space<vmem_shared>> -> memref<320x128xf32, #tpu.memory_space<vmem_shared>>
      %dma_wait3A_35 = arith.constant 0 : i32
      %dma_wait3A_36 = tpu.memref_slice %arg8[%mul3A_0, %dma_wait3A_35] : memref<5120x128xf32, #tpu.memory_space<vmem_shared>> -> memref<320x128xf32, #tpu.memory_space<vmem_shared>>
      tpu.wait_dma2 semaphore(%run_scoped3A : memref<!tpu.dma_semaphore, #tpu.memory_space<semaphore_mem>>) src(%dma_wait3A_36 : memref<320x128xf32, #tpu.memory_space<vmem_shared>>) dst(%arg12 : memref<320x128xf32, #tpu.memory_space<vmem>>)
      tpu.yield
    }) : () -> ()
    %mul3A_11 = arith.constant 5120 : i32
    %mul3A_12 = arith.muli %arg0, %mul3A_11 : i32
    %add3A = arith.addi %mul3A_12, %mul3A_0 : i32
    %mul3A_13 = arith.constant 16 : i32
    %mul3A_14 = arith.muli %add3A, %mul3A_13 : i32
    "tpu.region"() ({
      %run_scoped3A = tpu.sem_alloc : memref<!tpu.dma_semaphore, #tpu.memory_space<semaphore_mem>>
      %dma_start3A = tpu.memref_slice %arg5[%mul3A_14] : memref<163840xf32, #tpu.memory_space<hbm>> -> memref<5120xf32, #tpu.memory_space<hbm>>
      %dma_start3A_31 = tpu.memref_slice %arg5[%mul3A_14] : memref<163840xf32, #tpu.memory_space<hbm>> -> memref<5120xf32, #tpu.memory_space<hbm>>
      tpu.enqueue_dma source(%dma_start3A_31 : memref<5120xf32, #tpu.memory_space<hbm>>) target(%arg13 : memref<5120xf32, #tpu.memory_space<vmem>>) target_semaphore(%run_scoped3A : memref<!tpu.dma_semaphore, #tpu.memory_space<semaphore_mem>>)
      %dma_wait3A = tpu.memref_slice %arg5[%mul3A_14] : memref<163840xf32, #tpu.memory_space<hbm>> -> memref<5120xf32, #tpu.memory_space<hbm>>
      %dma_wait3A_32 = tpu.memref_slice %arg5[%mul3A_14] : memref<163840xf32, #tpu.memory_space<hbm>> -> memref<5120xf32, #tpu.memory_space<hbm>>
      tpu.wait_dma2 semaphore(%run_scoped3A : memref<!tpu.dma_semaphore, #tpu.memory_space<semaphore_mem>>) src(%dma_wait3A_32 : memref<5120xf32, #tpu.memory_space<hbm>>) dst(%arg13 : memref<5120xf32, #tpu.memory_space<vmem>>)
      tpu.yield
    }) : () -> ()
    %scan3A_15 = arith.constant 0 : i32
    %scan3A_16 = arith.constant 320 : i32
    %scan3A_17 = arith.addi %scan3A_15, %scan3A_16 : i32
    %scan3A_18 = arith.constant 1 : i32
    scf.for %scan3A_31 = %scan3A_15 to %scan3A_17 step %scan3A_18  : i32 {
      %mul3A_32 = arith.constant 1 : i32
      %mul3A_33 = arith.muli %scan3A_31, %mul3A_32 : i32
      %add3A_34 = arith.constant 0 : i32
      %add3A_35 = arith.addi %add3A_34, %mul3A_33 : i32
      %add3A_36 = arith.constant 0 : i32
      %add3A_37 = arith.addi %add3A_36, %add3A_35 : i32
      %mul3A_38 = arith.constant 16 : i32
      %mul3A_39 = arith.muli %add3A_37, %mul3A_38 : i32
      %get3A = arith.index_cast %mul3A_39 : i32 to index
      %get3A_40 = tpu.vector_load %arg13[%get3A] {strides = array<i32>} : memref<5120xf32, #tpu.memory_space<vmem>>, vector<16xf32>,
      %get3A_41 = vector.shape_cast %get3A_40 : vector<16xf32> to vector<16xf32>
      %get3A_42 = arith.index_cast %add3A_35 : i32 to index
      %get3A_43 = arith.constant 0 : index
      %get3A_44 = tpu.vector_load %arg12[%get3A_42, %get3A_43] {strides = array<i32>} : memref<320x128xf32, #tpu.memory_space<vmem>>, vector<1x16xf32>,
      %get3A_45 = vector.shape_cast %get3A_44 : vector<1x16xf32> to vector<16xf32>
      %mul3A_46 = arith.mulf %get3A_45, %get3A_41 : vector<16xf32>
      %swap3A = arith.index_cast %add3A_35 : i32 to index
      %swap3A_47 = arith.constant 0 : index
      %swap3A_48 = tpu.vector_load %arg12[%swap3A, %swap3A_47] {strides = array<i32>} : memref<320x128xf32, #tpu.memory_space<vmem>>, vector<1x16xf32>,
      %swap3A_49 = vector.shape_cast %swap3A_48 : vector<1x16xf32> to vector<16xf32>
      %swap3A_50 = vector.shape_cast %mul3A_46 : vector<16xf32> to vector<1x16xf32>
      tpu.vector_store %arg12[%swap3A, %swap3A_47], %swap3A_50 {strides = array<i32>} : memref<320x128xf32, #tpu.memory_space<vmem>>, vector<1x16xf32>,
      %get3A_51 = arith.index_cast %add3A_35 : i32 to index
      %get3A_52 = arith.constant 16 : index
      %get3A_53 = tpu.vector_load %arg12[%get3A_51, %get3A_52] {strides = array<i32>} : memref<320x128xf32, #tpu.memory_space<vmem>>, vector<1x16xf32>,
      %get3A_54 = vector.shape_cast %get3A_53 : vector<1x16xf32> to vector<16xf32>
      %mul3A_55 = arith.mulf %get3A_54, %get3A_41 : vector<16xf32>
      %swap3A_56 = arith.index_cast %add3A_35 : i32 to index
      %swap3A_57 = arith.constant 16 : index
      %swap3A_58 = tpu.vector_load %arg12[%swap3A_56, %swap3A_57] {strides = array<i32>} : memref<320x128xf32, #tpu.memory_space<vmem>>, vector<1x16xf32>,
      %swap3A_59 = vector.shape_cast %swap3A_58 : vector<1x16xf32> to vector<16xf32>
      %swap3A_60 = vector.shape_cast %mul3A_55 : vector<16xf32> to vector<1x16xf32>
      tpu.vector_store %arg12[%swap3A_56, %swap3A_57], %swap3A_60 {strides = array<i32>} : memref<320x128xf32, #tpu.memory_space<vmem>>, vector<1x16xf32>,
      %get3A_61 = arith.index_cast %add3A_35 : i32 to index
      %get3A_62 = arith.constant 32 : index
      %get3A_63 = tpu.vector_load %arg12[%get3A_61, %get3A_62] {strides = array<i32>} : memref<320x128xf32, #tpu.memory_space<vmem>>, vector<1x16xf32>,
      %get3A_64 = vector.shape_cast %get3A_63 : vector<1x16xf32> to vector<16xf32>
      %mul3A_65 = arith.mulf %get3A_64, %get3A_41 : vector<16xf32>
      %swap3A_66 = arith.index_cast %add3A_35 : i32 to index
      %swap3A_67 = arith.constant 32 : index
      %swap3A_68 = tpu.vector_load %arg12[%swap3A_66, %swap3A_67] {strides = array<i32>} : memref<320x128xf32, #tpu.memory_space<vmem>>, vector<1x16xf32>,
      %swap3A_69 = vector.shape_cast %swap3A_68 : vector<1x16xf32> to vector<16xf32>
      %swap3A_70 = vector.shape_cast %mul3A_65 : vector<16xf32> to vector<1x16xf32>
      tpu.vector_store %arg12[%swap3A_66, %swap3A_67], %swap3A_70 {strides = array<i32>} : memref<320x128xf32, #tpu.memory_space<vmem>>, vector<1x16xf32>,
      %get3A_71 = arith.index_cast %add3A_35 : i32 to index
      %get3A_72 = arith.constant 48 : index
      %get3A_73 = tpu.vector_load %arg12[%get3A_71, %get3A_72] {strides = array<i32>} : memref<320x128xf32, #tpu.memory_space<vmem>>, vector<1x16xf32>,
      %get3A_74 = vector.shape_cast %get3A_73 : vector<1x16xf32> to vector<16xf32>
      %mul3A_75 = arith.mulf %get3A_74, %get3A_41 : vector<16xf32>
      %swap3A_76 = arith.index_cast %add3A_35 : i32 to index
      %swap3A_77 = arith.constant 48 : index
      %swap3A_78 = tpu.vector_load %arg12[%swap3A_76, %swap3A_77] {strides = array<i32>} : memref<320x128xf32, #tpu.memory_space<vmem>>, vector<1x16xf32>,
      %swap3A_79 = vector.shape_cast %swap3A_78 : vector<1x16xf32> to vector<16xf32>
      %swap3A_80 = vector.shape_cast %mul3A_75 : vector<16xf32> to vector<1x16xf32>
      tpu.vector_store %arg12[%swap3A_76, %swap3A_77], %swap3A_80 {strides = array<i32>} : memref<320x128xf32, #tpu.memory_space<vmem>>, vector<1x16xf32>,
      %get3A_81 = arith.index_cast %add3A_35 : i32 to index
      %get3A_82 = arith.constant 64 : index
      %get3A_83 = tpu.vector_load %arg12[%get3A_81, %get3A_82] {strides = array<i32>} : memref<320x128xf32, #tpu.memory_space<vmem>>, vector<1x16xf32>,
      %get3A_84 = vector.shape_cast %get3A_83 : vector<1x16xf32> to vector<16xf32>
      %mul3A_85 = arith.mulf %get3A_84, %get3A_41 : vector<16xf32>
      %swap3A_86 = arith.index_cast %add3A_35 : i32 to index
      %swap3A_87 = arith.constant 64 : index
      %swap3A_88 = tpu.vector_load %arg12[%swap3A_86, %swap3A_87] {strides = array<i32>} : memref<320x128xf32, #tpu.memory_space<vmem>>, vector<1x16xf32>,
      %swap3A_89 = vector.shape_cast %swap3A_88 : vector<1x16xf32> to vector<16xf32>
      %swap3A_90 = vector.shape_cast %mul3A_85 : vector<16xf32> to vector<1x16xf32>
      tpu.vector_store %arg12[%swap3A_86, %swap3A_87], %swap3A_90 {strides = array<i32>} : memref<320x128xf32, #tpu.memory_space<vmem>>, vector<1x16xf32>,
      %get3A_91 = arith.index_cast %add3A_35 : i32 to index
      %get3A_92 = arith.constant 80 : index
      %get3A_93 = tpu.vector_load %arg12[%get3A_91, %get3A_92] {strides = array<i32>} : memref<320x128xf32, #tpu.memory_space<vmem>>, vector<1x16xf32>,
      %get3A_94 = vector.shape_cast %get3A_93 : vector<1x16xf32> to vector<16xf32>
      %mul3A_95 = arith.mulf %get3A_94, %get3A_41 : vector<16xf32>
      %swap3A_96 = arith.index_cast %add3A_35 : i32 to index
      %swap3A_97 = arith.constant 80 : index
      %swap3A_98 = tpu.vector_load %arg12[%swap3A_96, %swap3A_97] {strides = array<i32>} : memref<320x128xf32, #tpu.memory_space<vmem>>, vector<1x16xf32>,
      %swap3A_99 = vector.shape_cast %swap3A_98 : vector<1x16xf32> to vector<16xf32>
      %swap3A_100 = vector.shape_cast %mul3A_95 : vector<16xf32> to vector<1x16xf32>
      tpu.vector_store %arg12[%swap3A_96, %swap3A_97], %swap3A_100 {strides = array<i32>} : memref<320x128xf32, #tpu.memory_space<vmem>>, vector<1x16xf32>,
      %get3A_101 = arith.index_cast %add3A_35 : i32 to index
      %get3A_102 = arith.constant 96 : index
      %get3A_103 = tpu.vector_load %arg12[%get3A_101, %get3A_102] {strides = array<i32>} : memref<320x128xf32, #tpu.memory_space<vmem>>, vector<1x16xf32>,
      %get3A_104 = vector.shape_cast %get3A_103 : vector<1x16xf32> to vector<16xf32>
      %mul3A_105 = arith.mulf %get3A_104, %get3A_41 : vector<16xf32>
      %swap3A_106 = arith.index_cast %add3A_35 : i32 to index
      %swap3A_107 = arith.constant 96 : index
      %swap3A_108 = tpu.vector_load %arg12[%swap3A_106, %swap3A_107] {strides = array<i32>} : memref<320x128xf32, #tpu.memory_space<vmem>>, vector<1x16xf32>,
      %swap3A_109 = vector.shape_cast %swap3A_108 : vector<1x16xf32> to vector<16xf32>
      %swap3A_110 = vector.shape_cast %mul3A_105 : vector<16xf32> to vector<1x16xf32>
      tpu.vector_store %arg12[%swap3A_106, %swap3A_107], %swap3A_110 {strides = array<i32>} : memref<320x128xf32, #tpu.memory_space<vmem>>, vector<1x16xf32>,
      %get3A_111 = arith.index_cast %add3A_35 : i32 to index
      %get3A_112 = arith.constant 112 : index
      %get3A_113 = tpu.vector_load %arg12[%get3A_111, %get3A_112] {strides = array<i32>} : memref<320x128xf32, #tpu.memory_space<vmem>>, vector<1x16xf32>,
      %get3A_114 = vector.shape_cast %get3A_113 : vector<1x16xf32> to vector<16xf32>
      %mul3A_115 = arith.mulf %get3A_114, %get3A_41 : vector<16xf32>
      %swap3A_116 = arith.index_cast %add3A_35 : i32 to index
      %swap3A_117 = arith.constant 112 : index
      %swap3A_118 = tpu.vector_load %arg12[%swap3A_116, %swap3A_117] {strides = array<i32>} : memref<320x128xf32, #tpu.memory_space<vmem>>, vector<1x16xf32>,
      %swap3A_119 = vector.shape_cast %swap3A_118 : vector<1x16xf32> to vector<16xf32>
      %swap3A_120 = vector.shape_cast %mul3A_115 : vector<16xf32> to vector<1x16xf32>
      tpu.vector_store %arg12[%swap3A_116, %swap3A_117], %swap3A_120 {strides = array<i32>} : memref<320x128xf32, #tpu.memory_space<vmem>>, vector<1x16xf32>,
    }
    %scan3A_19 = arith.constant 320 : i32
    %mul3A_20 = arith.constant 5120 : i32
    %mul3A_21 = arith.muli %arg0, %mul3A_20 : i32
    %add3A_22 = arith.addi %mul3A_21, %mul3A_0 : i32
    "tpu.region"() ({
      %run_scoped3A = tpu.sem_alloc : memref<!tpu.dma_semaphore, #tpu.memory_space<semaphore_mem>>
      %dma_start3A = arith.constant 0 : i32
      %dma_start3A_31 = tpu.memref_slice %arg6[%add3A_22, %dma_start3A] : memref<10240x128xf32, #tpu.memory_space<hbm>> -> memref<320x128xf32, #tpu.memory_space<hbm>>
      %dma_start3A_32 = arith.constant 0 : i32
      %dma_start3A_33 = tpu.memref_slice %arg6[%add3A_22, %dma_start3A_32] : memref<10240x128xf32, #tpu.memory_space<hbm>> -> memref<320x128xf32, #tpu.memory_space<hbm>>
      tpu.enqueue_dma source(%arg12 : memref<320x128xf32, #tpu.memory_space<vmem>>) target(%dma_start3A_33 : memref<320x128xf32, #tpu.memory_space<hbm>>) target_semaphore(%run_scoped3A : memref<!tpu.dma_semaphore, #tpu.memory_space<semaphore_mem>>)
      %dma_wait3A = arith.constant 0 : i32
      %dma_wait3A_34 = tpu.memref_slice %arg6[%add3A_22, %dma_wait3A] : memref<10240x128xf32, #tpu.memory_space<hbm>> -> memref<320x128xf32, #tpu.memory_space<hbm>>
      %dma_wait3A_35 = arith.constant 0 : i32
      %dma_wait3A_36 = tpu.memref_slice %arg6[%add3A_22, %dma_wait3A_35] : memref<10240x128xf32, #tpu.memory_space<hbm>> -> memref<320x128xf32, #tpu.memory_space<hbm>>
      tpu.wait_dma2 semaphore(%run_scoped3A : memref<!tpu.dma_semaphore, #tpu.memory_space<semaphore_mem>>) src(%arg12 : memref<320x128xf32, #tpu.memory_space<vmem>>) dst(%dma_wait3A_36 : memref<320x128xf32, #tpu.memory_space<hbm>>)
      tpu.yield
    }) : () -> ()
    %scan3A_23 = arith.constant 0 : i32
    %scan3A_24 = arith.constant 320 : i32
    %scan3A_25 = arith.addi %scan3A_23, %scan3A_24 : i32
    %scan3A_26 = arith.constant 1 : i32
    scf.for %scan3A_31 = %scan3A_23 to %scan3A_25 step %scan3A_26  : i32 {
      %mul3A_32 = arith.constant 1 : i32
      %mul3A_33 = arith.muli %scan3A_31, %mul3A_32 : i32
      %add3A_34 = arith.constant 0 : i32
      %add3A_35 = arith.addi %add3A_34, %mul3A_33 : i32
      %add3A_36 = arith.constant 0 : i32
      %add3A_37 = arith.addi %add3A_36, %add3A_35 : i32
      %mul3A_38 = arith.constant 16 : i32
      %mul3A_39 = arith.muli %add3A_37, %mul3A_38 : i32
      %get3A = arith.index_cast %mul3A_39 : i32 to index
      %get3A_40 = tpu.vector_load %arg13[%get3A] {strides = array<i32>} : memref<5120xf32, #tpu.memory_space<vmem>>, vector<16xf32>,
      %get3A_41 = vector.shape_cast %get3A_40 : vector<16xf32> to vector<16xf32>
      %get3A_42 = arith.index_cast %add3A_35 : i32 to index
      %get3A_43 = arith.constant 0 : index
      %get3A_44 = tpu.vector_load %arg12[%get3A_42, %get3A_43] {strides = array<i32>} : memref<320x128xf32, #tpu.memory_space<vmem>>, vector<1x16xf32>,
      %get3A_45 = vector.shape_cast %get3A_44 : vector<1x16xf32> to vector<16xf32>
      %mul3A_46 = arith.mulf %get3A_45, %get3A_41 : vector<16xf32>
      %swap3A = arith.index_cast %add3A_35 : i32 to index
      %swap3A_47 = arith.constant 0 : index
      %swap3A_48 = tpu.vector_load %arg12[%swap3A, %swap3A_47] {strides = array<i32>} : memref<320x128xf32, #tpu.memory_space<vmem>>, vector<1x16xf32>,
      %swap3A_49 = vector.shape_cast %swap3A_48 : vector<1x16xf32> to vector<16xf32>
      %swap3A_50 = vector.shape_cast %mul3A_46 : vector<16xf32> to vector<1x16xf32>
      tpu.vector_store %arg12[%swap3A, %swap3A_47], %swap3A_50 {strides = array<i32>} : memref<320x128xf32, #tpu.memory_space<vmem>>, vector<1x16xf32>,
      %get3A_51 = arith.index_cast %add3A_35 : i32 to index
      %get3A_52 = arith.constant 16 : index
      %get3A_53 = tpu.vector_load %arg12[%get3A_51, %get3A_52] {strides = array<i32>} : memref<320x128xf32, #tpu.memory_space<vmem>>, vector<1x16xf32>,
      %get3A_54 = vector.shape_cast %get3A_53 : vector<1x16xf32> to vector<16xf32>
      %mul3A_55 = arith.mulf %get3A_54, %get3A_41 : vector<16xf32>
      %swap3A_56 = arith.index_cast %add3A_35 : i32 to index
      %swap3A_57 = arith.constant 16 : index
      %swap3A_58 = tpu.vector_load %arg12[%swap3A_56, %swap3A_57] {strides = array<i32>} : memref<320x128xf32, #tpu.memory_space<vmem>>, vector<1x16xf32>,
      %swap3A_59 = vector.shape_cast %swap3A_58 : vector<1x16xf32> to vector<16xf32>
      %swap3A_60 = vector.shape_cast %mul3A_55 : vector<16xf32> to vector<1x16xf32>
      tpu.vector_store %arg12[%swap3A_56, %swap3A_57], %swap3A_60 {strides = array<i32>} : memref<320x128xf32, #tpu.memory_space<vmem>>, vector<1x16xf32>,
      %get3A_61 = arith.index_cast %add3A_35 : i32 to index
      %get3A_62 = arith.constant 32 : index
      %get3A_63 = tpu.vector_load %arg12[%get3A_61, %get3A_62] {strides = array<i32>} : memref<320x128xf32, #tpu.memory_space<vmem>>, vector<1x16xf32>,
      %get3A_64 = vector.shape_cast %get3A_63 : vector<1x16xf32> to vector<16xf32>
      %mul3A_65 = arith.mulf %get3A_64, %get3A_41 : vector<16xf32>
      %swap3A_66 = arith.index_cast %add3A_35 : i32 to index
      %swap3A_67 = arith.constant 32 : index
      %swap3A_68 = tpu.vector_load %arg12[%swap3A_66, %swap3A_67] {strides = array<i32>} : memref<320x128xf32, #tpu.memory_space<vmem>>, vector<1x16xf32>,
      %swap3A_69 = vector.shape_cast %swap3A_68 : vector<1x16xf32> to vector<16xf32>
      %swap3A_70 = vector.shape_cast %mul3A_65 : vector<16xf32> to vector<1x16xf32>
      tpu.vector_store %arg12[%swap3A_66, %swap3A_67], %swap3A_70 {strides = array<i32>} : memref<320x128xf32, #tpu.memory_space<vmem>>, vector<1x16xf32>,
      %get3A_71 = arith.index_cast %add3A_35 : i32 to index
      %get3A_72 = arith.constant 48 : index
      %get3A_73 = tpu.vector_load %arg12[%get3A_71, %get3A_72] {strides = array<i32>} : memref<320x128xf32, #tpu.memory_space<vmem>>, vector<1x16xf32>,
      %get3A_74 = vector.shape_cast %get3A_73 : vector<1x16xf32> to vector<16xf32>
      %mul3A_75 = arith.mulf %get3A_74, %get3A_41 : vector<16xf32>
      %swap3A_76 = arith.index_cast %add3A_35 : i32 to index
      %swap3A_77 = arith.constant 48 : index
      %swap3A_78 = tpu.vector_load %arg12[%swap3A_76, %swap3A_77] {strides = array<i32>} : memref<320x128xf32, #tpu.memory_space<vmem>>, vector<1x16xf32>,
      %swap3A_79 = vector.shape_cast %swap3A_78 : vector<1x16xf32> to vector<16xf32>
      %swap3A_80 = vector.shape_cast %mul3A_75 : vector<16xf32> to vector<1x16xf32>
      tpu.vector_store %arg12[%swap3A_76, %swap3A_77], %swap3A_80 {strides = array<i32>} : memref<320x128xf32, #tpu.memory_space<vmem>>, vector<1x16xf32>,
      %get3A_81 = arith.index_cast %add3A_35 : i32 to index
      %get3A_82 = arith.constant 64 : index
      %get3A_83 = tpu.vector_load %arg12[%get3A_81, %get3A_82] {strides = array<i32>} : memref<320x128xf32, #tpu.memory_space<vmem>>, vector<1x16xf32>,
      %get3A_84 = vector.shape_cast %get3A_83 : vector<1x16xf32> to vector<16xf32>
      %mul3A_85 = arith.mulf %get3A_84, %get3A_41 : vector<16xf32>
      %swap3A_86 = arith.index_cast %add3A_35 : i32 to index
      %swap3A_87 = arith.constant 64 : index
      %swap3A_88 = tpu.vector_load %arg12[%swap3A_86, %swap3A_87] {strides = array<i32>} : memref<320x128xf32, #tpu.memory_space<vmem>>, vector<1x16xf32>,
      %swap3A_89 = vector.shape_cast %swap3A_88 : vector<1x16xf32> to vector<16xf32>
      %swap3A_90 = vector.shape_cast %mul3A_85 : vector<16xf32> to vector<1x16xf32>
      tpu.vector_store %arg12[%swap3A_86, %swap3A_87], %swap3A_90 {strides = array<i32>} : memref<320x128xf32, #tpu.memory_space<vmem>>, vector<1x16xf32>,
      %get3A_91 = arith.index_cast %add3A_35 : i32 to index
      %get3A_92 = arith.constant 80 : index
      %get3A_93 = tpu.vector_load %arg12[%get3A_91, %get3A_92] {strides = array<i32>} : memref<320x128xf32, #tpu.memory_space<vmem>>, vector<1x16xf32>,
      %get3A_94 = vector.shape_cast %get3A_93 : vector<1x16xf32> to vector<16xf32>
      %mul3A_95 = arith.mulf %get3A_94, %get3A_41 : vector<16xf32>
      %swap3A_96 = arith.index_cast %add3A_35 : i32 to index
      %swap3A_97 = arith.constant 80 : index
      %swap3A_98 = tpu.vector_load %arg12[%swap3A_96, %swap3A_97] {strides = array<i32>} : memref<320x128xf32, #tpu.memory_space<vmem>>, vector<1x16xf32>,
      %swap3A_99 = vector.shape_cast %swap3A_98 : vector<1x16xf32> to vector<16xf32>
      %swap3A_100 = vector.shape_cast %mul3A_95 : vector<16xf32> to vector<1x16xf32>
      tpu.vector_store %arg12[%swap3A_96, %swap3A_97], %swap3A_100 {strides = array<i32>} : memref<320x128xf32, #tpu.memory_space<vmem>>, vector<1x16xf32>,
      %get3A_101 = arith.index_cast %add3A_35 : i32 to index
      %get3A_102 = arith.constant 96 : index
      %get3A_103 = tpu.vector_load %arg12[%get3A_101, %get3A_102] {strides = array<i32>} : memref<320x128xf32, #tpu.memory_space<vmem>>, vector<1x16xf32>,
      %get3A_104 = vector.shape_cast %get3A_103 : vector<1x16xf32> to vector<16xf32>
      %mul3A_105 = arith.mulf %get3A_104, %get3A_41 : vector<16xf32>
      %swap3A_106 = arith.index_cast %add3A_35 : i32 to index
      %swap3A_107 = arith.constant 96 : index
      %swap3A_108 = tpu.vector_load %arg12[%swap3A_106, %swap3A_107] {strides = array<i32>} : memref<320x128xf32, #tpu.memory_space<vmem>>, vector<1x16xf32>,
      %swap3A_109 = vector.shape_cast %swap3A_108 : vector<1x16xf32> to vector<16xf32>
      %swap3A_110 = vector.shape_cast %mul3A_105 : vector<16xf32> to vector<1x16xf32>
      tpu.vector_store %arg12[%swap3A_106, %swap3A_107], %swap3A_110 {strides = array<i32>} : memref<320x128xf32, #tpu.memory_space<vmem>>, vector<1x16xf32>,
      %get3A_111 = arith.index_cast %add3A_35 : i32 to index
      %get3A_112 = arith.constant 112 : index
      %get3A_113 = tpu.vector_load %arg12[%get3A_111, %get3A_112] {strides = array<i32>} : memref<320x128xf32, #tpu.memory_space<vmem>>, vector<1x16xf32>,
      %get3A_114 = vector.shape_cast %get3A_113 : vector<1x16xf32> to vector<16xf32>
      %mul3A_115 = arith.mulf %get3A_114, %get3A_41 : vector<16xf32>
      %swap3A_116 = arith.index_cast %add3A_35 : i32 to index
      %swap3A_117 = arith.constant 112 : index
      %swap3A_118 = tpu.vector_load %arg12[%swap3A_116, %swap3A_117] {strides = array<i32>} : memref<320x128xf32, #tpu.memory_space<vmem>>, vector<1x16xf32>,
      %swap3A_119 = vector.shape_cast %swap3A_118 : vector<1x16xf32> to vector<16xf32>
      %swap3A_120 = vector.shape_cast %mul3A_115 : vector<16xf32> to vector<1x16xf32>
      tpu.vector_store %arg12[%swap3A_116, %swap3A_117], %swap3A_120 {strides = array<i32>} : memref<320x128xf32, #tpu.memory_space<vmem>>, vector<1x16xf32>,
    }
    %scan3A_27 = arith.constant 320 : i32
    %mul3A_28 = arith.constant 5120 : i32
    %mul3A_29 = arith.muli %arg0, %mul3A_28 : i32
    %add3A_30 = arith.addi %mul3A_29, %mul3A_0 : i32
    "tpu.region"() ({
      %run_scoped3A = tpu.sem_alloc : memref<!tpu.dma_semaphore, #tpu.memory_space<semaphore_mem>>
      %dma_start3A = arith.constant 0 : i32
      %dma_start3A_31 = tpu.memref_slice %arg7[%add3A_30, %dma_start3A] : memref<10240x128xf32, #tpu.memory_space<hbm>> -> memref<320x128xf32, #tpu.memory_space<hbm>>
      %dma_start3A_32 = arith.constant 0 : i32
      %dma_start3A_33 = tpu.memref_slice %arg7[%add3A_30, %dma_start3A_32] : memref<10240x128xf32, #tpu.memory_space<hbm>> -> memref<320x128xf32, #tpu.memory_space<hbm>>
      tpu.enqueue_dma source(%arg12 : memref<320x128xf32, #tpu.memory_space<vmem>>) target(%dma_start3A_33 : memref<320x128xf32, #tpu.memory_space<hbm>>) target_semaphore(%run_scoped3A : memref<!tpu.dma_semaphore, #tpu.memory_space<semaphore_mem>>)
      %dma_wait3A = arith.constant 0 : i32
      %dma_wait3A_34 = tpu.memref_slice %arg7[%add3A_30, %dma_wait3A] : memref<10240x128xf32, #tpu.memory_space<hbm>> -> memref<320x128xf32, #tpu.memory_space<hbm>>
      %dma_wait3A_35 = arith.constant 0 : i32
      %dma_wait3A_36 = tpu.memref_slice %arg7[%add3A_30, %dma_wait3A_35] : memref<10240x128xf32, #tpu.memory_space<hbm>> -> memref<320x128xf32, #tpu.memory_space<hbm>>
      tpu.wait_dma2 semaphore(%run_scoped3A : memref<!tpu.dma_semaphore, #tpu.memory_space<semaphore_mem>>) src(%arg12 : memref<320x128xf32, #tpu.memory_space<vmem>>) dst(%dma_wait3A_36 : memref<320x128xf32, #tpu.memory_space<hbm>>)
      tpu.yield
    }) : () -> ()
    return
  }
}

#map = affine_map<(d0, d1) -> (0, 0)>
#map1 = affine_map<(d0, d1) -> (0, 0, 0, 0)>
#map2 = affine_map<(d0, d1) -> (0)>
module attributes {stable_mosaic.version = 14 : i64} {
  func.func @_k_layer(%arg0: i32, %arg1: i32, %arg2: memref<10240x128xf32, #tpu.memory_space<hbm>>, %arg3: memref<2x16x79x128xi32, #tpu.memory_space<hbm>>, %arg4: memref<2x16x79x128xi32, #tpu.memory_space<hbm>>, %arg5: memref<163840xf32, #tpu.memory_space<hbm>>, %arg6: memref<10240x128xf32, #tpu.memory_space<hbm>>, %arg7: memref<10240x128xf32, #tpu.memory_space<hbm>>, %arg8: memref<5120x128xf32, #tpu.memory_space<vmem_shared>>, %arg9: memref<79x128xi32, #tpu.memory_space<vmem>>, %arg10: memref<79x128xi32, #tpu.memory_space<vmem>>, %arg11: memref<128x128xf32, #tpu.memory_space<vmem>>, %arg12: memref<320x128xf32, #tpu.memory_space<vmem>>, %arg13: memref<5120xf32, #tpu.memory_space<vmem>>, %arg14: memref<!tpu.dma_semaphore, #tpu.memory_space<semaphore_mem>>) attributes {dimension_semantics = [#tpu.dimension_semantics<core_parallel>, #tpu.dimension_semantics<subcore_parallel>], iteration_bounds = array<i64: 2, 16>, scalar_prefetch = 0 : i64, scratch_operands = 7 : i64, tpu.core_type = #tpu.core_type<sc_vector_subcore>, window_params = [{transform_indices = #map}, {transform_indices = #map1}, {transform_indices = #map1}, {transform_indices = #map2}, {transform_indices = #map}, {transform_indices = #map}]} {
    %mul3A = arith.constant 320 : i32
    %mul3A_0 = arith.muli %arg1, %mul3A : i32
    %scan3A = arith.constant 0 : i32
    %scan3A_1 = arith.constant 320 : i32
    %scan3A_2 = arith.addi %scan3A, %scan3A_1 : i32
    %scan3A_3 = arith.constant 1 : i32
    scf.for %scan3A_31 = %scan3A to %scan3A_2 step %scan3A_3  : i32 {
      %mul3A_32 = arith.constant 1 : i32
      %mul3A_33 = arith.muli %scan3A_31, %mul3A_32 : i32
      %add3A_34 = arith.constant 0 : i32
      %add3A_35 = arith.addi %add3A_34, %mul3A_33 : i32
      %broadcast_in_dim3A = arith.constant 0.000000e+00 : f32
      %broadcast_in_dim3A_36 = vector.broadcast %broadcast_in_dim3A : f32 to vector<16xf32>
      %swap3A = arith.index_cast %add3A_35 : i32 to index
      %swap3A_37 = arith.constant 0 : index
      %swap3A_38 = tpu.vector_load %arg12[%swap3A, %swap3A_37] {strides = array<i32>} : memref<320x128xf32, #tpu.memory_space<vmem>>, vector<1x16xf32>,
      %swap3A_39 = vector.shape_cast %swap3A_38 : vector<1x16xf32> to vector<16xf32>
      %swap3A_40 = vector.shape_cast %broadcast_in_dim3A_36 : vector<16xf32> to vector<1x16xf32>
      tpu.vector_store %arg12[%swap3A, %swap3A_37], %swap3A_40 {strides = array<i32>} : memref<320x128xf32, #tpu.memory_space<vmem>>, vector<1x16xf32>,
      %broadcast_in_dim3A_41 = arith.constant 0.000000e+00 : f32
      %broadcast_in_dim3A_42 = vector.broadcast %broadcast_in_dim3A_41 : f32 to vector<16xf32>
      %swap3A_43 = arith.index_cast %add3A_35 : i32 to index
      %swap3A_44 = arith.constant 16 : index
      %swap3A_45 = tpu.vector_load %arg12[%swap3A_43, %swap3A_44] {strides = array<i32>} : memref<320x128xf32, #tpu.memory_space<vmem>>, vector<1x16xf32>,
      %swap3A_46 = vector.shape_cast %swap3A_45 : vector<1x16xf32> to vector<16xf32>
      %swap3A_47 = vector.shape_cast %broadcast_in_dim3A_42 : vector<16xf32> to vector<1x16xf32>
      tpu.vector_store %arg12[%swap3A_43, %swap3A_44], %swap3A_47 {strides = array<i32>} : memref<320x128xf32, #tpu.memory_space<vmem>>, vector<1x16xf32>,
      %broadcast_in_dim3A_48 = arith.constant 0.000000e+00 : f32
      %broadcast_in_dim3A_49 = vector.broadcast %broadcast_in_dim3A_48 : f32 to vector<16xf32>
      %swap3A_50 = arith.index_cast %add3A_35 : i32 to index
      %swap3A_51 = arith.constant 32 : index
      %swap3A_52 = tpu.vector_load %arg12[%swap3A_50, %swap3A_51] {strides = array<i32>} : memref<320x128xf32, #tpu.memory_space<vmem>>, vector<1x16xf32>,
      %swap3A_53 = vector.shape_cast %swap3A_52 : vector<1x16xf32> to vector<16xf32>
      %swap3A_54 = vector.shape_cast %broadcast_in_dim3A_49 : vector<16xf32> to vector<1x16xf32>
      tpu.vector_store %arg12[%swap3A_50, %swap3A_51], %swap3A_54 {strides = array<i32>} : memref<320x128xf32, #tpu.memory_space<vmem>>, vector<1x16xf32>,
      %broadcast_in_dim3A_55 = arith.constant 0.000000e+00 : f32
      %broadcast_in_dim3A_56 = vector.broadcast %broadcast_in_dim3A_55 : f32 to vector<16xf32>
      %swap3A_57 = arith.index_cast %add3A_35 : i32 to index
      %swap3A_58 = arith.constant 48 : index
      %swap3A_59 = tpu.vector_load %arg12[%swap3A_57, %swap3A_58] {strides = array<i32>} : memref<320x128xf32, #tpu.memory_space<vmem>>, vector<1x16xf32>,
      %swap3A_60 = vector.shape_cast %swap3A_59 : vector<1x16xf32> to vector<16xf32>
      %swap3A_61 = vector.shape_cast %broadcast_in_dim3A_56 : vector<16xf32> to vector<1x16xf32>
      tpu.vector_store %arg12[%swap3A_57, %swap3A_58], %swap3A_61 {strides = array<i32>} : memref<320x128xf32, #tpu.memory_space<vmem>>, vector<1x16xf32>,
      %broadcast_in_dim3A_62 = arith.constant 0.000000e+00 : f32
      %broadcast_in_dim3A_63 = vector.broadcast %broadcast_in_dim3A_62 : f32 to vector<16xf32>
      %swap3A_64 = arith.index_cast %add3A_35 : i32 to index
      %swap3A_65 = arith.constant 64 : index
      %swap3A_66 = tpu.vector_load %arg12[%swap3A_64, %swap3A_65] {strides = array<i32>} : memref<320x128xf32, #tpu.memory_space<vmem>>, vector<1x16xf32>,
      %swap3A_67 = vector.shape_cast %swap3A_66 : vector<1x16xf32> to vector<16xf32>
      %swap3A_68 = vector.shape_cast %broadcast_in_dim3A_63 : vector<16xf32> to vector<1x16xf32>
      tpu.vector_store %arg12[%swap3A_64, %swap3A_65], %swap3A_68 {strides = array<i32>} : memref<320x128xf32, #tpu.memory_space<vmem>>, vector<1x16xf32>,
      %broadcast_in_dim3A_69 = arith.constant 0.000000e+00 : f32
      %broadcast_in_dim3A_70 = vector.broadcast %broadcast_in_dim3A_69 : f32 to vector<16xf32>
      %swap3A_71 = arith.index_cast %add3A_35 : i32 to index
      %swap3A_72 = arith.constant 80 : index
      %swap3A_73 = tpu.vector_load %arg12[%swap3A_71, %swap3A_72] {strides = array<i32>} : memref<320x128xf32, #tpu.memory_space<vmem>>, vector<1x16xf32>,
      %swap3A_74 = vector.shape_cast %swap3A_73 : vector<1x16xf32> to vector<16xf32>
      %swap3A_75 = vector.shape_cast %broadcast_in_dim3A_70 : vector<16xf32> to vector<1x16xf32>
      tpu.vector_store %arg12[%swap3A_71, %swap3A_72], %swap3A_75 {strides = array<i32>} : memref<320x128xf32, #tpu.memory_space<vmem>>, vector<1x16xf32>,
      %broadcast_in_dim3A_76 = arith.constant 0.000000e+00 : f32
      %broadcast_in_dim3A_77 = vector.broadcast %broadcast_in_dim3A_76 : f32 to vector<16xf32>
      %swap3A_78 = arith.index_cast %add3A_35 : i32 to index
      %swap3A_79 = arith.constant 96 : index
      %swap3A_80 = tpu.vector_load %arg12[%swap3A_78, %swap3A_79] {strides = array<i32>} : memref<320x128xf32, #tpu.memory_space<vmem>>, vector<1x16xf32>,
      %swap3A_81 = vector.shape_cast %swap3A_80 : vector<1x16xf32> to vector<16xf32>
      %swap3A_82 = vector.shape_cast %broadcast_in_dim3A_77 : vector<16xf32> to vector<1x16xf32>
      tpu.vector_store %arg12[%swap3A_78, %swap3A_79], %swap3A_82 {strides = array<i32>} : memref<320x128xf32, #tpu.memory_space<vmem>>, vector<1x16xf32>,
      %broadcast_in_dim3A_83 = arith.constant 0.000000e+00 : f32
      %broadcast_in_dim3A_84 = vector.broadcast %broadcast_in_dim3A_83 : f32 to vector<16xf32>
      %swap3A_85 = arith.index_cast %add3A_35 : i32 to index
      %swap3A_86 = arith.constant 112 : index
      %swap3A_87 = tpu.vector_load %arg12[%swap3A_85, %swap3A_86] {strides = array<i32>} : memref<320x128xf32, #tpu.memory_space<vmem>>, vector<1x16xf32>,
      %swap3A_88 = vector.shape_cast %swap3A_87 : vector<1x16xf32> to vector<16xf32>
      %swap3A_89 = vector.shape_cast %broadcast_in_dim3A_84 : vector<16xf32> to vector<1x16xf32>
      tpu.vector_store %arg12[%swap3A_85, %swap3A_86], %swap3A_89 {strides = array<i32>} : memref<320x128xf32, #tpu.memory_space<vmem>>, vector<1x16xf32>,
    }
    %scan3A_4 = arith.constant 320 : i32
    "tpu.region"() ({
      %run_scoped3A = tpu.sem_alloc : memref<!tpu.dma_semaphore, #tpu.memory_space<semaphore_mem>>
      %dma_start3A = arith.constant 0 : i32
      %dma_start3A_31 = arith.constant 0 : i32
      %dma_start3A_32 = tpu.memref_slice %arg3[%arg0, %arg1, %dma_start3A, %dma_start3A_31] : memref<2x16x79x128xi32, #tpu.memory_space<hbm>> -> memref<1x1x79x128xi32, #tpu.memory_space<hbm>>
      %dma_start3A_33 = tpu.memref_squeeze %dma_start3A_32 : memref<1x1x79x128xi32, #tpu.memory_space<hbm>> -> memref<79x128xi32, #tpu.memory_space<hbm>>
      %dma_start3A_34 = arith.constant 0 : i32
      %dma_start3A_35 = arith.constant 0 : i32
      %dma_start3A_36 = tpu.memref_slice %arg3[%arg0, %arg1, %dma_start3A_34, %dma_start3A_35] : memref<2x16x79x128xi32, #tpu.memory_space<hbm>> -> memref<1x1x79x128xi32, #tpu.memory_space<hbm>>
      %dma_start3A_37 = tpu.memref_squeeze %dma_start3A_36 : memref<1x1x79x128xi32, #tpu.memory_space<hbm>> -> memref<79x128xi32, #tpu.memory_space<hbm>>
      tpu.enqueue_dma source(%dma_start3A_37 : memref<79x128xi32, #tpu.memory_space<hbm>>) target(%arg9 : memref<79x128xi32, #tpu.memory_space<vmem>>) target_semaphore(%run_scoped3A : memref<!tpu.dma_semaphore, #tpu.memory_space<semaphore_mem>>)
      %dma_wait3A = arith.constant 0 : i32
      %dma_wait3A_38 = arith.constant 0 : i32
      %dma_wait3A_39 = tpu.memref_slice %arg3[%arg0, %arg1, %dma_wait3A, %dma_wait3A_38] : memref<2x16x79x128xi32, #tpu.memory_space<hbm>> -> memref<1x1x79x128xi32, #tpu.memory_space<hbm>>
      %dma_wait3A_40 = tpu.memref_squeeze %dma_wait3A_39 : memref<1x1x79x128xi32, #tpu.memory_space<hbm>> -> memref<79x128xi32, #tpu.memory_space<hbm>>
      %dma_wait3A_41 = arith.constant 0 : i32
      %dma_wait3A_42 = arith.constant 0 : i32
      %dma_wait3A_43 = tpu.memref_slice %arg3[%arg0, %arg1, %dma_wait3A_41, %dma_wait3A_42] : memref<2x16x79x128xi32, #tpu.memory_space<hbm>> -> memref<1x1x79x128xi32, #tpu.memory_space<hbm>>
      %dma_wait3A_44 = tpu.memref_squeeze %dma_wait3A_43 : memref<1x1x79x128xi32, #tpu.memory_space<hbm>> -> memref<79x128xi32, #tpu.memory_space<hbm>>
      tpu.wait_dma2 semaphore(%run_scoped3A : memref<!tpu.dma_semaphore, #tpu.memory_space<semaphore_mem>>) src(%dma_wait3A_44 : memref<79x128xi32, #tpu.memory_space<hbm>>) dst(%arg9 : memref<79x128xi32, #tpu.memory_space<vmem>>)
      tpu.yield
    }) : () -> ()
    "tpu.region"() ({
      %run_scoped3A = tpu.sem_alloc : memref<!tpu.dma_semaphore, #tpu.memory_space<semaphore_mem>>
      %dma_start3A = arith.constant 0 : i32
      %dma_start3A_31 = arith.constant 0 : i32
      %dma_start3A_32 = tpu.memref_slice %arg4[%arg0, %arg1, %dma_start3A, %dma_start3A_31] : memref<2x16x79x128xi32, #tpu.memory_space<hbm>> -> memref<1x1x79x128xi32, #tpu.memory_space<hbm>>
      %dma_start3A_33 = tpu.memref_squeeze %dma_start3A_32 : memref<1x1x79x128xi32, #tpu.memory_space<hbm>> -> memref<79x128xi32, #tpu.memory_space<hbm>>
      %dma_start3A_34 = arith.constant 0 : i32
      %dma_start3A_35 = arith.constant 0 : i32
      %dma_start3A_36 = tpu.memref_slice %arg4[%arg0, %arg1, %dma_start3A_34, %dma_start3A_35] : memref<2x16x79x128xi32, #tpu.memory_space<hbm>> -> memref<1x1x79x128xi32, #tpu.memory_space<hbm>>
      %dma_start3A_37 = tpu.memref_squeeze %dma_start3A_36 : memref<1x1x79x128xi32, #tpu.memory_space<hbm>> -> memref<79x128xi32, #tpu.memory_space<hbm>>
      tpu.enqueue_dma source(%dma_start3A_37 : memref<79x128xi32, #tpu.memory_space<hbm>>) target(%arg10 : memref<79x128xi32, #tpu.memory_space<vmem>>) target_semaphore(%run_scoped3A : memref<!tpu.dma_semaphore, #tpu.memory_space<semaphore_mem>>)
      %dma_wait3A = arith.constant 0 : i32
      %dma_wait3A_38 = arith.constant 0 : i32
      %dma_wait3A_39 = tpu.memref_slice %arg4[%arg0, %arg1, %dma_wait3A, %dma_wait3A_38] : memref<2x16x79x128xi32, #tpu.memory_space<hbm>> -> memref<1x1x79x128xi32, #tpu.memory_space<hbm>>
      %dma_wait3A_40 = tpu.memref_squeeze %dma_wait3A_39 : memref<1x1x79x128xi32, #tpu.memory_space<hbm>> -> memref<79x128xi32, #tpu.memory_space<hbm>>
      %dma_wait3A_41 = arith.constant 0 : i32
      %dma_wait3A_42 = arith.constant 0 : i32
      %dma_wait3A_43 = tpu.memref_slice %arg4[%arg0, %arg1, %dma_wait3A_41, %dma_wait3A_42] : memref<2x16x79x128xi32, #tpu.memory_space<hbm>> -> memref<1x1x79x128xi32, #tpu.memory_space<hbm>>
      %dma_wait3A_44 = tpu.memref_squeeze %dma_wait3A_43 : memref<1x1x79x128xi32, #tpu.memory_space<hbm>> -> memref<79x128xi32, #tpu.memory_space<hbm>>
      tpu.wait_dma2 semaphore(%run_scoped3A : memref<!tpu.dma_semaphore, #tpu.memory_space<semaphore_mem>>) src(%dma_wait3A_44 : memref<79x128xi32, #tpu.memory_space<hbm>>) dst(%arg10 : memref<79x128xi32, #tpu.memory_space<vmem>>)
      tpu.yield
    }) : () -> ()
    "tpu.region"() ({
      %run_scoped3A = tpu.sem_alloc : memref<!tpu.dma_semaphore, #tpu.memory_space<semaphore_mem>>
      %dma_start3A = arith.constant 0 : i32
      %dma_start3A_31 = tpu.memref_slice %arg8[%mul3A_0, %dma_start3A] : memref<5120x128xf32, #tpu.memory_space<vmem_shared>> -> memref<320x128xf32, #tpu.memory_space<vmem_shared>>
      %dma_start3A_32 = arith.constant 0 : i32
      %dma_start3A_33 = tpu.memref_slice %arg8[%mul3A_0, %dma_start3A_32] : memref<5120x128xf32, #tpu.memory_space<vmem_shared>> -> memref<320x128xf32, #tpu.memory_space<vmem_shared>>
      tpu.enqueue_dma source(%arg12 : memref<320x128xf32, #tpu.memory_space<vmem>>) target(%dma_start3A_33 : memref<320x128xf32, #tpu.memory_space<vmem_shared>>) target_semaphore(%run_scoped3A : memref<!tpu.dma_semaphore, #tpu.memory_space<semaphore_mem>>)
      %dma_wait3A = arith.constant 0 : i32
      %dma_wait3A_34 = tpu.memref_slice %arg8[%mul3A_0, %dma_wait3A] : memref<5120x128xf32, #tpu.memory_space<vmem_shared>> -> memref<320x128xf32, #tpu.memory_space<vmem_shared>>
      %dma_wait3A_35 = arith.constant 0 : i32
      %dma_wait3A_36 = tpu.memref_slice %arg8[%mul3A_0, %dma_wait3A_35] : memref<5120x128xf32, #tpu.memory_space<vmem_shared>> -> memref<320x128xf32, #tpu.memory_space<vmem_shared>>
      tpu.wait_dma2 semaphore(%run_scoped3A : memref<!tpu.dma_semaphore, #tpu.memory_space<semaphore_mem>>) src(%arg12 : memref<320x128xf32, #tpu.memory_space<vmem>>) dst(%dma_wait3A_36 : memref<320x128xf32, #tpu.memory_space<vmem_shared>>)
      tpu.yield
    }) : () -> ()
    %barrier3A = arith.constant 0 : index
    tpu.barrier barrier_id(%barrier3A)
    %scan3A_5 = arith.constant 0 : i32
    %scan3A_6 = arith.constant 79 : i32
    %scan3A_7 = arith.addi %scan3A_5, %scan3A_6 : i32
    %scan3A_8 = arith.constant 1 : i32
    scf.for %scan3A_31 = %scan3A_5 to %scan3A_7 step %scan3A_8  : i32 {
      %mul3A_32 = arith.constant 1 : i32
      %mul3A_33 = arith.muli %scan3A_31, %mul3A_32 : i32
      %add3A_34 = arith.constant 0 : i32
      %add3A_35 = arith.addi %add3A_34, %mul3A_33 : i32
      %dma_start3A = arith.constant 0 : i32
      %dma_start3A_36 = tpu.memref_slice %arg10[%add3A_35, %dma_start3A] : memref<79x128xi32, #tpu.memory_space<vmem>> -> memref<1x128xi32, #tpu.memory_space<vmem>>
      %dma_start3A_37 = tpu.memref_squeeze %dma_start3A_36 : memref<1x128xi32, #tpu.memory_space<vmem>> -> memref<128xi32, #tpu.memory_space<vmem>>
      %dma_start3A_38 = arith.constant 0 : i32
      %dma_start3A_39 = arith.constant 0 : i32
      %dma_start3A_40 = tpu.memref_slice %arg2[%dma_start3A_38, %dma_start3A_39] : memref<10240x128xf32, #tpu.memory_space<hbm>> -> memref<10240x128xf32, #tpu.memory_space<hbm>>
      tpu.enqueue_indirect_dma source(%dma_start3A_40 : memref<10240x128xf32, #tpu.memory_space<hbm>>) target(%arg11 : memref<128x128xf32, #tpu.memory_space<vmem>>) offsets(%dma_start3A_37 : memref<128xi32, #tpu.memory_space<vmem>>) semaphore(%arg14 : memref<!tpu.dma_semaphore, #tpu.memory_space<semaphore_mem>>)
      %dma_wait3A = arith.constant 0 : i32
      %dma_wait3A_41 = tpu.memref_slice %arg10[%add3A_35, %dma_wait3A] : memref<79x128xi32, #tpu.memory_space<vmem>> -> memref<1x128xi32, #tpu.memory_space<vmem>>
      %dma_wait3A_42 = tpu.memref_squeeze %dma_wait3A_41 : memref<1x128xi32, #tpu.memory_space<vmem>> -> memref<128xi32, #tpu.memory_space<vmem>>
      %dma_wait3A_43 = arith.constant 0 : i32
      %dma_wait3A_44 = arith.constant 0 : i32
      %dma_wait3A_45 = tpu.memref_slice %arg2[%dma_wait3A_43, %dma_wait3A_44] : memref<10240x128xf32, #tpu.memory_space<hbm>> -> memref<10240x128xf32, #tpu.memory_space<hbm>>
      tpu.wait_indirect_dma semaphore(%arg14 : memref<!tpu.dma_semaphore, #tpu.memory_space<semaphore_mem>>) src(%dma_wait3A_45 : memref<10240x128xf32, #tpu.memory_space<hbm>>) dst(%arg11 : memref<128x128xf32, #tpu.memory_space<vmem>>)
      "tpu.region"() ({
        %run_scoped3A = tpu.sem_alloc : memref<!tpu.dma_semaphore, #tpu.memory_space<semaphore_mem>>
        %dma_start3A_46 = arith.constant 0 : i32
        %dma_start3A_47 = tpu.memref_slice %arg9[%add3A_35, %dma_start3A_46] : memref<79x128xi32, #tpu.memory_space<vmem>> -> memref<1x128xi32, #tpu.memory_space<vmem>>
        %dma_start3A_48 = tpu.memref_squeeze %dma_start3A_47 : memref<1x128xi32, #tpu.memory_space<vmem>> -> memref<128xi32, #tpu.memory_space<vmem>>
        %dma_start3A_49 = arith.constant 0 : i32
        %dma_start3A_50 = arith.constant 0 : i32
        %dma_start3A_51 = tpu.memref_slice %arg8[%dma_start3A_49, %dma_start3A_50] : memref<5120x128xf32, #tpu.memory_space<vmem_shared>> -> memref<5120x128xf32, #tpu.memory_space<vmem_shared>>
        tpu.enqueue_indirect_dma source(%arg11 : memref<128x128xf32, #tpu.memory_space<vmem>>) target(%dma_start3A_51 : memref<5120x128xf32, #tpu.memory_space<vmem_shared>>) offsets(%dma_start3A_48 : memref<128xi32, #tpu.memory_space<vmem>>) semaphore(%run_scoped3A : memref<!tpu.dma_semaphore, #tpu.memory_space<semaphore_mem>>) {add = true}
        %dma_wait3A_52 = arith.constant 0 : i32
        %dma_wait3A_53 = tpu.memref_slice %arg9[%add3A_35, %dma_wait3A_52] : memref<79x128xi32, #tpu.memory_space<vmem>> -> memref<1x128xi32, #tpu.memory_space<vmem>>
        %dma_wait3A_54 = tpu.memref_squeeze %dma_wait3A_53 : memref<1x128xi32, #tpu.memory_space<vmem>> -> memref<128xi32, #tpu.memory_space<vmem>>
        %dma_wait3A_55 = arith.constant 0 : i32
        %dma_wait3A_56 = arith.constant 0 : i32
        %dma_wait3A_57 = tpu.memref_slice %arg8[%dma_wait3A_55, %dma_wait3A_56] : memref<5120x128xf32, #tpu.memory_space<vmem_shared>> -> memref<5120x128xf32, #tpu.memory_space<vmem_shared>>
        tpu.wait_indirect_dma semaphore(%run_scoped3A : memref<!tpu.dma_semaphore, #tpu.memory_space<semaphore_mem>>) src(%arg11 : memref<128x128xf32, #tpu.memory_space<vmem>>) dst(%dma_wait3A_57 : memref<5120x128xf32, #tpu.memory_space<vmem_shared>>)
        tpu.yield
      }) : () -> ()
    }
    %scan3A_9 = arith.constant 79 : i32
    %barrier3A_10 = arith.constant 0 : index
    tpu.barrier barrier_id(%barrier3A_10)
    "tpu.region"() ({
      %run_scoped3A = tpu.sem_alloc : memref<!tpu.dma_semaphore, #tpu.memory_space<semaphore_mem>>
      %dma_start3A = arith.constant 0 : i32
      %dma_start3A_31 = tpu.memref_slice %arg8[%mul3A_0, %dma_start3A] : memref<5120x128xf32, #tpu.memory_space<vmem_shared>> -> memref<320x128xf32, #tpu.memory_space<vmem_shared>>
      %dma_start3A_32 = arith.constant 0 : i32
      %dma_start3A_33 = tpu.memref_slice %arg8[%mul3A_0, %dma_start3A_32] : memref<5120x128xf32, #tpu.memory_space<vmem_shared>> -> memref<320x128xf32, #tpu.memory_space<vmem_shared>>
      tpu.enqueue_dma source(%dma_start3A_33 : memref<320x128xf32, #tpu.memory_space<vmem_shared>>) target(%arg12 : memref<320x128xf32, #tpu.memory_space<vmem>>) target_semaphore(%run_scoped3A : memref<!tpu.dma_semaphore, #tpu.memory_space<semaphore_mem>>)
      %dma_wait3A = arith.constant 0 : i32
      %dma_wait3A_34 = tpu.memref_slice %arg8[%mul3A_0, %dma_wait3A] : memref<5120x128xf32, #tpu.memory_space<vmem_shared>> -> memref<320x128xf32, #tpu.memory_space<vmem_shared>>
      %dma_wait3A_35 = arith.constant 0 : i32
      %dma_wait3A_36 = tpu.memref_slice %arg8[%mul3A_0, %dma_wait3A_35] : memref<5120x128xf32, #tpu.memory_space<vmem_shared>> -> memref<320x128xf32, #tpu.memory_space<vmem_shared>>
      tpu.wait_dma2 semaphore(%run_scoped3A : memref<!tpu.dma_semaphore, #tpu.memory_space<semaphore_mem>>) src(%dma_wait3A_36 : memref<320x128xf32, #tpu.memory_space<vmem_shared>>) dst(%arg12 : memref<320x128xf32, #tpu.memory_space<vmem>>)
      tpu.yield
    }) : () -> ()
    %mul3A_11 = arith.constant 5120 : i32
    %mul3A_12 = arith.muli %arg0, %mul3A_11 : i32
    %add3A = arith.addi %mul3A_12, %mul3A_0 : i32
    %mul3A_13 = arith.constant 16 : i32
    %mul3A_14 = arith.muli %add3A, %mul3A_13 : i32
    "tpu.region"() ({
      %run_scoped3A = tpu.sem_alloc : memref<!tpu.dma_semaphore, #tpu.memory_space<semaphore_mem>>
      %dma_start3A = tpu.memref_slice %arg5[%mul3A_14] : memref<163840xf32, #tpu.memory_space<hbm>> -> memref<5120xf32, #tpu.memory_space<hbm>>
      %dma_start3A_31 = tpu.memref_slice %arg5[%mul3A_14] : memref<163840xf32, #tpu.memory_space<hbm>> -> memref<5120xf32, #tpu.memory_space<hbm>>
      tpu.enqueue_dma source(%dma_start3A_31 : memref<5120xf32, #tpu.memory_space<hbm>>) target(%arg13 : memref<5120xf32, #tpu.memory_space<vmem>>) target_semaphore(%run_scoped3A : memref<!tpu.dma_semaphore, #tpu.memory_space<semaphore_mem>>)
      %dma_wait3A = tpu.memref_slice %arg5[%mul3A_14] : memref<163840xf32, #tpu.memory_space<hbm>> -> memref<5120xf32, #tpu.memory_space<hbm>>
      %dma_wait3A_32 = tpu.memref_slice %arg5[%mul3A_14] : memref<163840xf32, #tpu.memory_space<hbm>> -> memref<5120xf32, #tpu.memory_space<hbm>>
      tpu.wait_dma2 semaphore(%run_scoped3A : memref<!tpu.dma_semaphore, #tpu.memory_space<semaphore_mem>>) src(%dma_wait3A_32 : memref<5120xf32, #tpu.memory_space<hbm>>) dst(%arg13 : memref<5120xf32, #tpu.memory_space<vmem>>)
      tpu.yield
    }) : () -> ()
    %scan3A_15 = arith.constant 0 : i32
    %scan3A_16 = arith.constant 320 : i32
    %scan3A_17 = arith.addi %scan3A_15, %scan3A_16 : i32
    %scan3A_18 = arith.constant 1 : i32
    scf.for %scan3A_31 = %scan3A_15 to %scan3A_17 step %scan3A_18  : i32 {
      %mul3A_32 = arith.constant 1 : i32
      %mul3A_33 = arith.muli %scan3A_31, %mul3A_32 : i32
      %add3A_34 = arith.constant 0 : i32
      %add3A_35 = arith.addi %add3A_34, %mul3A_33 : i32
      %add3A_36 = arith.constant 0 : i32
      %add3A_37 = arith.addi %add3A_36, %add3A_35 : i32
      %mul3A_38 = arith.constant 16 : i32
      %mul3A_39 = arith.muli %add3A_37, %mul3A_38 : i32
      %get3A = arith.index_cast %mul3A_39 : i32 to index
      %get3A_40 = tpu.vector_load %arg13[%get3A] {strides = array<i32>} : memref<5120xf32, #tpu.memory_space<vmem>>, vector<16xf32>,
      %get3A_41 = vector.shape_cast %get3A_40 : vector<16xf32> to vector<16xf32>
      %get3A_42 = arith.index_cast %add3A_35 : i32 to index
      %get3A_43 = arith.constant 0 : index
      %get3A_44 = tpu.vector_load %arg12[%get3A_42, %get3A_43] {strides = array<i32>} : memref<320x128xf32, #tpu.memory_space<vmem>>, vector<1x16xf32>,
      %get3A_45 = vector.shape_cast %get3A_44 : vector<1x16xf32> to vector<16xf32>
      %mul3A_46 = arith.mulf %get3A_45, %get3A_41 : vector<16xf32>
      %swap3A = arith.index_cast %add3A_35 : i32 to index
      %swap3A_47 = arith.constant 0 : index
      %swap3A_48 = tpu.vector_load %arg12[%swap3A, %swap3A_47] {strides = array<i32>} : memref<320x128xf32, #tpu.memory_space<vmem>>, vector<1x16xf32>,
      %swap3A_49 = vector.shape_cast %swap3A_48 : vector<1x16xf32> to vector<16xf32>
      %swap3A_50 = vector.shape_cast %mul3A_46 : vector<16xf32> to vector<1x16xf32>
      tpu.vector_store %arg12[%swap3A, %swap3A_47], %swap3A_50 {strides = array<i32>} : memref<320x128xf32, #tpu.memory_space<vmem>>, vector<1x16xf32>,
      %get3A_51 = arith.index_cast %add3A_35 : i32 to index
      %get3A_52 = arith.constant 16 : index
      %get3A_53 = tpu.vector_load %arg12[%get3A_51, %get3A_52] {strides = array<i32>} : memref<320x128xf32, #tpu.memory_space<vmem>>, vector<1x16xf32>,
      %get3A_54 = vector.shape_cast %get3A_53 : vector<1x16xf32> to vector<16xf32>
      %mul3A_55 = arith.mulf %get3A_54, %get3A_41 : vector<16xf32>
      %swap3A_56 = arith.index_cast %add3A_35 : i32 to index
      %swap3A_57 = arith.constant 16 : index
      %swap3A_58 = tpu.vector_load %arg12[%swap3A_56, %swap3A_57] {strides = array<i32>} : memref<320x128xf32, #tpu.memory_space<vmem>>, vector<1x16xf32>,
      %swap3A_59 = vector.shape_cast %swap3A_58 : vector<1x16xf32> to vector<16xf32>
      %swap3A_60 = vector.shape_cast %mul3A_55 : vector<16xf32> to vector<1x16xf32>
      tpu.vector_store %arg12[%swap3A_56, %swap3A_57], %swap3A_60 {strides = array<i32>} : memref<320x128xf32, #tpu.memory_space<vmem>>, vector<1x16xf32>,
      %get3A_61 = arith.index_cast %add3A_35 : i32 to index
      %get3A_62 = arith.constant 32 : index
      %get3A_63 = tpu.vector_load %arg12[%get3A_61, %get3A_62] {strides = array<i32>} : memref<320x128xf32, #tpu.memory_space<vmem>>, vector<1x16xf32>,
      %get3A_64 = vector.shape_cast %get3A_63 : vector<1x16xf32> to vector<16xf32>
      %mul3A_65 = arith.mulf %get3A_64, %get3A_41 : vector<16xf32>
      %swap3A_66 = arith.index_cast %add3A_35 : i32 to index
      %swap3A_67 = arith.constant 32 : index
      %swap3A_68 = tpu.vector_load %arg12[%swap3A_66, %swap3A_67] {strides = array<i32>} : memref<320x128xf32, #tpu.memory_space<vmem>>, vector<1x16xf32>,
      %swap3A_69 = vector.shape_cast %swap3A_68 : vector<1x16xf32> to vector<16xf32>
      %swap3A_70 = vector.shape_cast %mul3A_65 : vector<16xf32> to vector<1x16xf32>
      tpu.vector_store %arg12[%swap3A_66, %swap3A_67], %swap3A_70 {strides = array<i32>} : memref<320x128xf32, #tpu.memory_space<vmem>>, vector<1x16xf32>,
      %get3A_71 = arith.index_cast %add3A_35 : i32 to index
      %get3A_72 = arith.constant 48 : index
      %get3A_73 = tpu.vector_load %arg12[%get3A_71, %get3A_72] {strides = array<i32>} : memref<320x128xf32, #tpu.memory_space<vmem>>, vector<1x16xf32>,
      %get3A_74 = vector.shape_cast %get3A_73 : vector<1x16xf32> to vector<16xf32>
      %mul3A_75 = arith.mulf %get3A_74, %get3A_41 : vector<16xf32>
      %swap3A_76 = arith.index_cast %add3A_35 : i32 to index
      %swap3A_77 = arith.constant 48 : index
      %swap3A_78 = tpu.vector_load %arg12[%swap3A_76, %swap3A_77] {strides = array<i32>} : memref<320x128xf32, #tpu.memory_space<vmem>>, vector<1x16xf32>,
      %swap3A_79 = vector.shape_cast %swap3A_78 : vector<1x16xf32> to vector<16xf32>
      %swap3A_80 = vector.shape_cast %mul3A_75 : vector<16xf32> to vector<1x16xf32>
      tpu.vector_store %arg12[%swap3A_76, %swap3A_77], %swap3A_80 {strides = array<i32>} : memref<320x128xf32, #tpu.memory_space<vmem>>, vector<1x16xf32>,
      %get3A_81 = arith.index_cast %add3A_35 : i32 to index
      %get3A_82 = arith.constant 64 : index
      %get3A_83 = tpu.vector_load %arg12[%get3A_81, %get3A_82] {strides = array<i32>} : memref<320x128xf32, #tpu.memory_space<vmem>>, vector<1x16xf32>,
      %get3A_84 = vector.shape_cast %get3A_83 : vector<1x16xf32> to vector<16xf32>
      %mul3A_85 = arith.mulf %get3A_84, %get3A_41 : vector<16xf32>
      %swap3A_86 = arith.index_cast %add3A_35 : i32 to index
      %swap3A_87 = arith.constant 64 : index
      %swap3A_88 = tpu.vector_load %arg12[%swap3A_86, %swap3A_87] {strides = array<i32>} : memref<320x128xf32, #tpu.memory_space<vmem>>, vector<1x16xf32>,
      %swap3A_89 = vector.shape_cast %swap3A_88 : vector<1x16xf32> to vector<16xf32>
      %swap3A_90 = vector.shape_cast %mul3A_85 : vector<16xf32> to vector<1x16xf32>
      tpu.vector_store %arg12[%swap3A_86, %swap3A_87], %swap3A_90 {strides = array<i32>} : memref<320x128xf32, #tpu.memory_space<vmem>>, vector<1x16xf32>,
      %get3A_91 = arith.index_cast %add3A_35 : i32 to index
      %get3A_92 = arith.constant 80 : index
      %get3A_93 = tpu.vector_load %arg12[%get3A_91, %get3A_92] {strides = array<i32>} : memref<320x128xf32, #tpu.memory_space<vmem>>, vector<1x16xf32>,
      %get3A_94 = vector.shape_cast %get3A_93 : vector<1x16xf32> to vector<16xf32>
      %mul3A_95 = arith.mulf %get3A_94, %get3A_41 : vector<16xf32>
      %swap3A_96 = arith.index_cast %add3A_35 : i32 to index
      %swap3A_97 = arith.constant 80 : index
      %swap3A_98 = tpu.vector_load %arg12[%swap3A_96, %swap3A_97] {strides = array<i32>} : memref<320x128xf32, #tpu.memory_space<vmem>>, vector<1x16xf32>,
      %swap3A_99 = vector.shape_cast %swap3A_98 : vector<1x16xf32> to vector<16xf32>
      %swap3A_100 = vector.shape_cast %mul3A_95 : vector<16xf32> to vector<1x16xf32>
      tpu.vector_store %arg12[%swap3A_96, %swap3A_97], %swap3A_100 {strides = array<i32>} : memref<320x128xf32, #tpu.memory_space<vmem>>, vector<1x16xf32>,
      %get3A_101 = arith.index_cast %add3A_35 : i32 to index
      %get3A_102 = arith.constant 96 : index
      %get3A_103 = tpu.vector_load %arg12[%get3A_101, %get3A_102] {strides = array<i32>} : memref<320x128xf32, #tpu.memory_space<vmem>>, vector<1x16xf32>,
      %get3A_104 = vector.shape_cast %get3A_103 : vector<1x16xf32> to vector<16xf32>
      %mul3A_105 = arith.mulf %get3A_104, %get3A_41 : vector<16xf32>
      %swap3A_106 = arith.index_cast %add3A_35 : i32 to index
      %swap3A_107 = arith.constant 96 : index
      %swap3A_108 = tpu.vector_load %arg12[%swap3A_106, %swap3A_107] {strides = array<i32>} : memref<320x128xf32, #tpu.memory_space<vmem>>, vector<1x16xf32>,
      %swap3A_109 = vector.shape_cast %swap3A_108 : vector<1x16xf32> to vector<16xf32>
      %swap3A_110 = vector.shape_cast %mul3A_105 : vector<16xf32> to vector<1x16xf32>
      tpu.vector_store %arg12[%swap3A_106, %swap3A_107], %swap3A_110 {strides = array<i32>} : memref<320x128xf32, #tpu.memory_space<vmem>>, vector<1x16xf32>,
      %get3A_111 = arith.index_cast %add3A_35 : i32 to index
      %get3A_112 = arith.constant 112 : index
      %get3A_113 = tpu.vector_load %arg12[%get3A_111, %get3A_112] {strides = array<i32>} : memref<320x128xf32, #tpu.memory_space<vmem>>, vector<1x16xf32>,
      %get3A_114 = vector.shape_cast %get3A_113 : vector<1x16xf32> to vector<16xf32>
      %mul3A_115 = arith.mulf %get3A_114, %get3A_41 : vector<16xf32>
      %swap3A_116 = arith.index_cast %add3A_35 : i32 to index
      %swap3A_117 = arith.constant 112 : index
      %swap3A_118 = tpu.vector_load %arg12[%swap3A_116, %swap3A_117] {strides = array<i32>} : memref<320x128xf32, #tpu.memory_space<vmem>>, vector<1x16xf32>,
      %swap3A_119 = vector.shape_cast %swap3A_118 : vector<1x16xf32> to vector<16xf32>
      %swap3A_120 = vector.shape_cast %mul3A_115 : vector<16xf32> to vector<1x16xf32>
      tpu.vector_store %arg12[%swap3A_116, %swap3A_117], %swap3A_120 {strides = array<i32>} : memref<320x128xf32, #tpu.memory_space<vmem>>, vector<1x16xf32>,
    }
    %scan3A_19 = arith.constant 320 : i32
    %mul3A_20 = arith.constant 5120 : i32
    %mul3A_21 = arith.muli %arg0, %mul3A_20 : i32
    %add3A_22 = arith.addi %mul3A_21, %mul3A_0 : i32
    "tpu.region"() ({
      %run_scoped3A = tpu.sem_alloc : memref<!tpu.dma_semaphore, #tpu.memory_space<semaphore_mem>>
      %dma_start3A = arith.constant 0 : i32
      %dma_start3A_31 = tpu.memref_slice %arg6[%add3A_22, %dma_start3A] : memref<10240x128xf32, #tpu.memory_space<hbm>> -> memref<320x128xf32, #tpu.memory_space<hbm>>
      %dma_start3A_32 = arith.constant 0 : i32
      %dma_start3A_33 = tpu.memref_slice %arg6[%add3A_22, %dma_start3A_32] : memref<10240x128xf32, #tpu.memory_space<hbm>> -> memref<320x128xf32, #tpu.memory_space<hbm>>
      tpu.enqueue_dma source(%arg12 : memref<320x128xf32, #tpu.memory_space<vmem>>) target(%dma_start3A_33 : memref<320x128xf32, #tpu.memory_space<hbm>>) target_semaphore(%run_scoped3A : memref<!tpu.dma_semaphore, #tpu.memory_space<semaphore_mem>>)
      %dma_wait3A = arith.constant 0 : i32
      %dma_wait3A_34 = tpu.memref_slice %arg6[%add3A_22, %dma_wait3A] : memref<10240x128xf32, #tpu.memory_space<hbm>> -> memref<320x128xf32, #tpu.memory_space<hbm>>
      %dma_wait3A_35 = arith.constant 0 : i32
      %dma_wait3A_36 = tpu.memref_slice %arg6[%add3A_22, %dma_wait3A_35] : memref<10240x128xf32, #tpu.memory_space<hbm>> -> memref<320x128xf32, #tpu.memory_space<hbm>>
      tpu.wait_dma2 semaphore(%run_scoped3A : memref<!tpu.dma_semaphore, #tpu.memory_space<semaphore_mem>>) src(%arg12 : memref<320x128xf32, #tpu.memory_space<vmem>>) dst(%dma_wait3A_36 : memref<320x128xf32, #tpu.memory_space<hbm>>)
      tpu.yield
    }) : () -> ()
    %scan3A_23 = arith.constant 0 : i32
    %scan3A_24 = arith.constant 320 : i32
    %scan3A_25 = arith.addi %scan3A_23, %scan3A_24 : i32
    %scan3A_26 = arith.constant 1 : i32
    scf.for %scan3A_31 = %scan3A_23 to %scan3A_25 step %scan3A_26  : i32 {
      %mul3A_32 = arith.constant 1 : i32
      %mul3A_33 = arith.muli %scan3A_31, %mul3A_32 : i32
      %add3A_34 = arith.constant 0 : i32
      %add3A_35 = arith.addi %add3A_34, %mul3A_33 : i32
      %add3A_36 = arith.constant 0 : i32
      %add3A_37 = arith.addi %add3A_36, %add3A_35 : i32
      %mul3A_38 = arith.constant 16 : i32
      %mul3A_39 = arith.muli %add3A_37, %mul3A_38 : i32
      %get3A = arith.index_cast %mul3A_39 : i32 to index
      %get3A_40 = tpu.vector_load %arg13[%get3A] {strides = array<i32>} : memref<5120xf32, #tpu.memory_space<vmem>>, vector<16xf32>,
      %get3A_41 = vector.shape_cast %get3A_40 : vector<16xf32> to vector<16xf32>
      %get3A_42 = arith.index_cast %add3A_35 : i32 to index
      %get3A_43 = arith.constant 0 : index
      %get3A_44 = tpu.vector_load %arg12[%get3A_42, %get3A_43] {strides = array<i32>} : memref<320x128xf32, #tpu.memory_space<vmem>>, vector<1x16xf32>,
      %get3A_45 = vector.shape_cast %get3A_44 : vector<1x16xf32> to vector<16xf32>
      %mul3A_46 = arith.mulf %get3A_45, %get3A_41 : vector<16xf32>
      %swap3A = arith.index_cast %add3A_35 : i32 to index
      %swap3A_47 = arith.constant 0 : index
      %swap3A_48 = tpu.vector_load %arg12[%swap3A, %swap3A_47] {strides = array<i32>} : memref<320x128xf32, #tpu.memory_space<vmem>>, vector<1x16xf32>,
      %swap3A_49 = vector.shape_cast %swap3A_48 : vector<1x16xf32> to vector<16xf32>
      %swap3A_50 = vector.shape_cast %mul3A_46 : vector<16xf32> to vector<1x16xf32>
      tpu.vector_store %arg12[%swap3A, %swap3A_47], %swap3A_50 {strides = array<i32>} : memref<320x128xf32, #tpu.memory_space<vmem>>, vector<1x16xf32>,
      %get3A_51 = arith.index_cast %add3A_35 : i32 to index
      %get3A_52 = arith.constant 16 : index
      %get3A_53 = tpu.vector_load %arg12[%get3A_51, %get3A_52] {strides = array<i32>} : memref<320x128xf32, #tpu.memory_space<vmem>>, vector<1x16xf32>,
      %get3A_54 = vector.shape_cast %get3A_53 : vector<1x16xf32> to vector<16xf32>
      %mul3A_55 = arith.mulf %get3A_54, %get3A_41 : vector<16xf32>
      %swap3A_56 = arith.index_cast %add3A_35 : i32 to index
      %swap3A_57 = arith.constant 16 : index
      %swap3A_58 = tpu.vector_load %arg12[%swap3A_56, %swap3A_57] {strides = array<i32>} : memref<320x128xf32, #tpu.memory_space<vmem>>, vector<1x16xf32>,
      %swap3A_59 = vector.shape_cast %swap3A_58 : vector<1x16xf32> to vector<16xf32>
      %swap3A_60 = vector.shape_cast %mul3A_55 : vector<16xf32> to vector<1x16xf32>
      tpu.vector_store %arg12[%swap3A_56, %swap3A_57], %swap3A_60 {strides = array<i32>} : memref<320x128xf32, #tpu.memory_space<vmem>>, vector<1x16xf32>,
      %get3A_61 = arith.index_cast %add3A_35 : i32 to index
      %get3A_62 = arith.constant 32 : index
      %get3A_63 = tpu.vector_load %arg12[%get3A_61, %get3A_62] {strides = array<i32>} : memref<320x128xf32, #tpu.memory_space<vmem>>, vector<1x16xf32>,
      %get3A_64 = vector.shape_cast %get3A_63 : vector<1x16xf32> to vector<16xf32>
      %mul3A_65 = arith.mulf %get3A_64, %get3A_41 : vector<16xf32>
      %swap3A_66 = arith.index_cast %add3A_35 : i32 to index
      %swap3A_67 = arith.constant 32 : index
      %swap3A_68 = tpu.vector_load %arg12[%swap3A_66, %swap3A_67] {strides = array<i32>} : memref<320x128xf32, #tpu.memory_space<vmem>>, vector<1x16xf32>,
      %swap3A_69 = vector.shape_cast %swap3A_68 : vector<1x16xf32> to vector<16xf32>
      %swap3A_70 = vector.shape_cast %mul3A_65 : vector<16xf32> to vector<1x16xf32>
      tpu.vector_store %arg12[%swap3A_66, %swap3A_67], %swap3A_70 {strides = array<i32>} : memref<320x128xf32, #tpu.memory_space<vmem>>, vector<1x16xf32>,
      %get3A_71 = arith.index_cast %add3A_35 : i32 to index
      %get3A_72 = arith.constant 48 : index
      %get3A_73 = tpu.vector_load %arg12[%get3A_71, %get3A_72] {strides = array<i32>} : memref<320x128xf32, #tpu.memory_space<vmem>>, vector<1x16xf32>,
      %get3A_74 = vector.shape_cast %get3A_73 : vector<1x16xf32> to vector<16xf32>
      %mul3A_75 = arith.mulf %get3A_74, %get3A_41 : vector<16xf32>
      %swap3A_76 = arith.index_cast %add3A_35 : i32 to index
      %swap3A_77 = arith.constant 48 : index
      %swap3A_78 = tpu.vector_load %arg12[%swap3A_76, %swap3A_77] {strides = array<i32>} : memref<320x128xf32, #tpu.memory_space<vmem>>, vector<1x16xf32>,
      %swap3A_79 = vector.shape_cast %swap3A_78 : vector<1x16xf32> to vector<16xf32>
      %swap3A_80 = vector.shape_cast %mul3A_75 : vector<16xf32> to vector<1x16xf32>
      tpu.vector_store %arg12[%swap3A_76, %swap3A_77], %swap3A_80 {strides = array<i32>} : memref<320x128xf32, #tpu.memory_space<vmem>>, vector<1x16xf32>,
      %get3A_81 = arith.index_cast %add3A_35 : i32 to index
      %get3A_82 = arith.constant 64 : index
      %get3A_83 = tpu.vector_load %arg12[%get3A_81, %get3A_82] {strides = array<i32>} : memref<320x128xf32, #tpu.memory_space<vmem>>, vector<1x16xf32>,
      %get3A_84 = vector.shape_cast %get3A_83 : vector<1x16xf32> to vector<16xf32>
      %mul3A_85 = arith.mulf %get3A_84, %get3A_41 : vector<16xf32>
      %swap3A_86 = arith.index_cast %add3A_35 : i32 to index
      %swap3A_87 = arith.constant 64 : index
      %swap3A_88 = tpu.vector_load %arg12[%swap3A_86, %swap3A_87] {strides = array<i32>} : memref<320x128xf32, #tpu.memory_space<vmem>>, vector<1x16xf32>,
      %swap3A_89 = vector.shape_cast %swap3A_88 : vector<1x16xf32> to vector<16xf32>
      %swap3A_90 = vector.shape_cast %mul3A_85 : vector<16xf32> to vector<1x16xf32>
      tpu.vector_store %arg12[%swap3A_86, %swap3A_87], %swap3A_90 {strides = array<i32>} : memref<320x128xf32, #tpu.memory_space<vmem>>, vector<1x16xf32>,
      %get3A_91 = arith.index_cast %add3A_35 : i32 to index
      %get3A_92 = arith.constant 80 : index
      %get3A_93 = tpu.vector_load %arg12[%get3A_91, %get3A_92] {strides = array<i32>} : memref<320x128xf32, #tpu.memory_space<vmem>>, vector<1x16xf32>,
      %get3A_94 = vector.shape_cast %get3A_93 : vector<1x16xf32> to vector<16xf32>
      %mul3A_95 = arith.mulf %get3A_94, %get3A_41 : vector<16xf32>
      %swap3A_96 = arith.index_cast %add3A_35 : i32 to index
      %swap3A_97 = arith.constant 80 : index
      %swap3A_98 = tpu.vector_load %arg12[%swap3A_96, %swap3A_97] {strides = array<i32>} : memref<320x128xf32, #tpu.memory_space<vmem>>, vector<1x16xf32>,
      %swap3A_99 = vector.shape_cast %swap3A_98 : vector<1x16xf32> to vector<16xf32>
      %swap3A_100 = vector.shape_cast %mul3A_95 : vector<16xf32> to vector<1x16xf32>
      tpu.vector_store %arg12[%swap3A_96, %swap3A_97], %swap3A_100 {strides = array<i32>} : memref<320x128xf32, #tpu.memory_space<vmem>>, vector<1x16xf32>,
      %get3A_101 = arith.index_cast %add3A_35 : i32 to index
      %get3A_102 = arith.constant 96 : index
      %get3A_103 = tpu.vector_load %arg12[%get3A_101, %get3A_102] {strides = array<i32>} : memref<320x128xf32, #tpu.memory_space<vmem>>, vector<1x16xf32>,
      %get3A_104 = vector.shape_cast %get3A_103 : vector<1x16xf32> to vector<16xf32>
      %mul3A_105 = arith.mulf %get3A_104, %get3A_41 : vector<16xf32>
      %swap3A_106 = arith.index_cast %add3A_35 : i32 to index
      %swap3A_107 = arith.constant 96 : index
      %swap3A_108 = tpu.vector_load %arg12[%swap3A_106, %swap3A_107] {strides = array<i32>} : memref<320x128xf32, #tpu.memory_space<vmem>>, vector<1x16xf32>,
      %swap3A_109 = vector.shape_cast %swap3A_108 : vector<1x16xf32> to vector<16xf32>
      %swap3A_110 = vector.shape_cast %mul3A_105 : vector<16xf32> to vector<1x16xf32>
      tpu.vector_store %arg12[%swap3A_106, %swap3A_107], %swap3A_110 {strides = array<i32>} : memref<320x128xf32, #tpu.memory_space<vmem>>, vector<1x16xf32>,
      %get3A_111 = arith.index_cast %add3A_35 : i32 to index
      %get3A_112 = arith.constant 112 : index
      %get3A_113 = tpu.vector_load %arg12[%get3A_111, %get3A_112] {strides = array<i32>} : memref<320x128xf32, #tpu.memory_space<vmem>>, vector<1x16xf32>,
      %get3A_114 = vector.shape_cast %get3A_113 : vector<1x16xf32> to vector<16xf32>
      %mul3A_115 = arith.mulf %get3A_114, %get3A_41 : vector<16xf32>
      %swap3A_116 = arith.index_cast %add3A_35 : i32 to index
      %swap3A_117 = arith.constant 112 : index
      %swap3A_118 = tpu.vector_load %arg12[%swap3A_116, %swap3A_117] {strides = array<i32>} : memref<320x128xf32, #tpu.memory_space<vmem>>, vector<1x16xf32>,
      %swap3A_119 = vector.shape_cast %swap3A_118 : vector<1x16xf32> to vector<16xf32>
      %swap3A_120 = vector.shape_cast %mul3A_115 : vector<16xf32> to vector<1x16xf32>
      tpu.vector_store %arg12[%swap3A_116, %swap3A_117], %swap3A_120 {strides = array<i32>} : memref<320x128xf32, #tpu.memory_space<vmem>>, vector<1x16xf32>,
    }
    %scan3A_27 = arith.constant 320 : i32
    %mul3A_28 = arith.constant 5120 : i32
    %mul3A_29 = arith.muli %arg0, %mul3A_28 : i32
    %add3A_30 = arith.addi %mul3A_29, %mul3A_0 : i32
    "tpu.region"() ({
      %run_scoped3A = tpu.sem_alloc : memref<!tpu.dma_semaphore, #tpu.memory_space<semaphore_mem>>
      %dma_start3A = arith.constant 0 : i32
      %dma_start3A_31 = tpu.memref_slice %arg7[%add3A_30, %dma_start3A] : memref<10240x128xf32, #tpu.memory_space<hbm>> -> memref<320x128xf32, #tpu.memory_space<hbm>>
      %dma_start3A_32 = arith.constant 0 : i32
      %dma_start3A_33 = tpu.memref_slice %arg7[%add3A_30, %dma_start3A_32] : memref<10240x128xf32, #tpu.memory_space<hbm>> -> memref<320x128xf32, #tpu.memory_space<hbm>>
      tpu.enqueue_dma source(%arg12 : memref<320x128xf32, #tpu.memory_space<vmem>>) target(%dma_start3A_33 : memref<320x128xf32, #tpu.memory_space<hbm>>) target_semaphore(%run_scoped3A : memref<!tpu.dma_semaphore, #tpu.memory_space<semaphore_mem>>)
      %dma_wait3A = arith.constant 0 : i32
      %dma_wait3A_34 = tpu.memref_slice %arg7[%add3A_30, %dma_wait3A] : memref<10240x128xf32, #tpu.memory_space<hbm>> -> memref<320x128xf32, #tpu.memory_space<hbm>>
      %dma_wait3A_35 = arith.constant 0 : i32
      %dma_wait3A_36 = tpu.memref_slice %arg7[%add3A_30, %dma_wait3A_35] : memref<10240x128xf32, #tpu.memory_space<hbm>> -> memref<320x128xf32, #tpu.memory_space<hbm>>
      tpu.wait_dma2 semaphore(%run_scoped3A : memref<!tpu.dma_semaphore, #tpu.memory_space<semaphore_mem>>) src(%arg12 : memref<320x128xf32, #tpu.memory_space<vmem>>) dst(%dma_wait3A_36 : memref<320x128xf32, #tpu.memory_space<hbm>>)
      tpu.yield
    }) : () -> ()
    return
  }
}

#map = affine_map<(d0, d1) -> (0, 0)>
#map1 = affine_map<(d0, d1) -> (0, 0, 0, 0)>
#map2 = affine_map<(d0, d1) -> (0)>
module attributes {stable_mosaic.version = 14 : i64} {
  func.func @_k_layer(%arg0: i32, %arg1: i32, %arg2: memref<10240x128xf32, #tpu.memory_space<hbm>>, %arg3: memref<2x16x79x128xi32, #tpu.memory_space<hbm>>, %arg4: memref<2x16x79x128xi32, #tpu.memory_space<hbm>>, %arg5: memref<163840xf32, #tpu.memory_space<hbm>>, %arg6: memref<10240x128xf32, #tpu.memory_space<hbm>>, %arg7: memref<10240x128xf32, #tpu.memory_space<hbm>>, %arg8: memref<5120x128xf32, #tpu.memory_space<vmem_shared>>, %arg9: memref<79x128xi32, #tpu.memory_space<vmem>>, %arg10: memref<79x128xi32, #tpu.memory_space<vmem>>, %arg11: memref<128x128xf32, #tpu.memory_space<vmem>>, %arg12: memref<320x128xf32, #tpu.memory_space<vmem>>, %arg13: memref<5120xf32, #tpu.memory_space<vmem>>, %arg14: memref<!tpu.dma_semaphore, #tpu.memory_space<semaphore_mem>>) attributes {dimension_semantics = [#tpu.dimension_semantics<core_parallel>, #tpu.dimension_semantics<subcore_parallel>], iteration_bounds = array<i64: 2, 16>, scalar_prefetch = 0 : i64, scratch_operands = 7 : i64, tpu.core_type = #tpu.core_type<sc_vector_subcore>, window_params = [{transform_indices = #map}, {transform_indices = #map1}, {transform_indices = #map1}, {transform_indices = #map2}, {transform_indices = #map}, {transform_indices = #map}]} {
    %mul3A = arith.constant 320 : i32
    %mul3A_0 = arith.muli %arg1, %mul3A : i32
    %scan3A = arith.constant 0 : i32
    %scan3A_1 = arith.constant 320 : i32
    %scan3A_2 = arith.addi %scan3A, %scan3A_1 : i32
    %scan3A_3 = arith.constant 1 : i32
    scf.for %scan3A_31 = %scan3A to %scan3A_2 step %scan3A_3  : i32 {
      %mul3A_32 = arith.constant 1 : i32
      %mul3A_33 = arith.muli %scan3A_31, %mul3A_32 : i32
      %add3A_34 = arith.constant 0 : i32
      %add3A_35 = arith.addi %add3A_34, %mul3A_33 : i32
      %broadcast_in_dim3A = arith.constant 0.000000e+00 : f32
      %broadcast_in_dim3A_36 = vector.broadcast %broadcast_in_dim3A : f32 to vector<16xf32>
      %swap3A = arith.index_cast %add3A_35 : i32 to index
      %swap3A_37 = arith.constant 0 : index
      %swap3A_38 = tpu.vector_load %arg12[%swap3A, %swap3A_37] {strides = array<i32>} : memref<320x128xf32, #tpu.memory_space<vmem>>, vector<1x16xf32>,
      %swap3A_39 = vector.shape_cast %swap3A_38 : vector<1x16xf32> to vector<16xf32>
      %swap3A_40 = vector.shape_cast %broadcast_in_dim3A_36 : vector<16xf32> to vector<1x16xf32>
      tpu.vector_store %arg12[%swap3A, %swap3A_37], %swap3A_40 {strides = array<i32>} : memref<320x128xf32, #tpu.memory_space<vmem>>, vector<1x16xf32>,
      %broadcast_in_dim3A_41 = arith.constant 0.000000e+00 : f32
      %broadcast_in_dim3A_42 = vector.broadcast %broadcast_in_dim3A_41 : f32 to vector<16xf32>
      %swap3A_43 = arith.index_cast %add3A_35 : i32 to index
      %swap3A_44 = arith.constant 16 : index
      %swap3A_45 = tpu.vector_load %arg12[%swap3A_43, %swap3A_44] {strides = array<i32>} : memref<320x128xf32, #tpu.memory_space<vmem>>, vector<1x16xf32>,
      %swap3A_46 = vector.shape_cast %swap3A_45 : vector<1x16xf32> to vector<16xf32>
      %swap3A_47 = vector.shape_cast %broadcast_in_dim3A_42 : vector<16xf32> to vector<1x16xf32>
      tpu.vector_store %arg12[%swap3A_43, %swap3A_44], %swap3A_47 {strides = array<i32>} : memref<320x128xf32, #tpu.memory_space<vmem>>, vector<1x16xf32>,
      %broadcast_in_dim3A_48 = arith.constant 0.000000e+00 : f32
      %broadcast_in_dim3A_49 = vector.broadcast %broadcast_in_dim3A_48 : f32 to vector<16xf32>
      %swap3A_50 = arith.index_cast %add3A_35 : i32 to index
      %swap3A_51 = arith.constant 32 : index
      %swap3A_52 = tpu.vector_load %arg12[%swap3A_50, %swap3A_51] {strides = array<i32>} : memref<320x128xf32, #tpu.memory_space<vmem>>, vector<1x16xf32>,
      %swap3A_53 = vector.shape_cast %swap3A_52 : vector<1x16xf32> to vector<16xf32>
      %swap3A_54 = vector.shape_cast %broadcast_in_dim3A_49 : vector<16xf32> to vector<1x16xf32>
      tpu.vector_store %arg12[%swap3A_50, %swap3A_51], %swap3A_54 {strides = array<i32>} : memref<320x128xf32, #tpu.memory_space<vmem>>, vector<1x16xf32>,
      %broadcast_in_dim3A_55 = arith.constant 0.000000e+00 : f32
      %broadcast_in_dim3A_56 = vector.broadcast %broadcast_in_dim3A_55 : f32 to vector<16xf32>
      %swap3A_57 = arith.index_cast %add3A_35 : i32 to index
      %swap3A_58 = arith.constant 48 : index
      %swap3A_59 = tpu.vector_load %arg12[%swap3A_57, %swap3A_58] {strides = array<i32>} : memref<320x128xf32, #tpu.memory_space<vmem>>, vector<1x16xf32>,
      %swap3A_60 = vector.shape_cast %swap3A_59 : vector<1x16xf32> to vector<16xf32>
      %swap3A_61 = vector.shape_cast %broadcast_in_dim3A_56 : vector<16xf32> to vector<1x16xf32>
      tpu.vector_store %arg12[%swap3A_57, %swap3A_58], %swap3A_61 {strides = array<i32>} : memref<320x128xf32, #tpu.memory_space<vmem>>, vector<1x16xf32>,
      %broadcast_in_dim3A_62 = arith.constant 0.000000e+00 : f32
      %broadcast_in_dim3A_63 = vector.broadcast %broadcast_in_dim3A_62 : f32 to vector<16xf32>
      %swap3A_64 = arith.index_cast %add3A_35 : i32 to index
      %swap3A_65 = arith.constant 64 : index
      %swap3A_66 = tpu.vector_load %arg12[%swap3A_64, %swap3A_65] {strides = array<i32>} : memref<320x128xf32, #tpu.memory_space<vmem>>, vector<1x16xf32>,
      %swap3A_67 = vector.shape_cast %swap3A_66 : vector<1x16xf32> to vector<16xf32>
      %swap3A_68 = vector.shape_cast %broadcast_in_dim3A_63 : vector<16xf32> to vector<1x16xf32>
      tpu.vector_store %arg12[%swap3A_64, %swap3A_65], %swap3A_68 {strides = array<i32>} : memref<320x128xf32, #tpu.memory_space<vmem>>, vector<1x16xf32>,
      %broadcast_in_dim3A_69 = arith.constant 0.000000e+00 : f32
      %broadcast_in_dim3A_70 = vector.broadcast %broadcast_in_dim3A_69 : f32 to vector<16xf32>
      %swap3A_71 = arith.index_cast %add3A_35 : i32 to index
      %swap3A_72 = arith.constant 80 : index
      %swap3A_73 = tpu.vector_load %arg12[%swap3A_71, %swap3A_72] {strides = array<i32>} : memref<320x128xf32, #tpu.memory_space<vmem>>, vector<1x16xf32>,
      %swap3A_74 = vector.shape_cast %swap3A_73 : vector<1x16xf32> to vector<16xf32>
      %swap3A_75 = vector.shape_cast %broadcast_in_dim3A_70 : vector<16xf32> to vector<1x16xf32>
      tpu.vector_store %arg12[%swap3A_71, %swap3A_72], %swap3A_75 {strides = array<i32>} : memref<320x128xf32, #tpu.memory_space<vmem>>, vector<1x16xf32>,
      %broadcast_in_dim3A_76 = arith.constant 0.000000e+00 : f32
      %broadcast_in_dim3A_77 = vector.broadcast %broadcast_in_dim3A_76 : f32 to vector<16xf32>
      %swap3A_78 = arith.index_cast %add3A_35 : i32 to index
      %swap3A_79 = arith.constant 96 : index
      %swap3A_80 = tpu.vector_load %arg12[%swap3A_78, %swap3A_79] {strides = array<i32>} : memref<320x128xf32, #tpu.memory_space<vmem>>, vector<1x16xf32>,
      %swap3A_81 = vector.shape_cast %swap3A_80 : vector<1x16xf32> to vector<16xf32>
      %swap3A_82 = vector.shape_cast %broadcast_in_dim3A_77 : vector<16xf32> to vector<1x16xf32>
      tpu.vector_store %arg12[%swap3A_78, %swap3A_79], %swap3A_82 {strides = array<i32>} : memref<320x128xf32, #tpu.memory_space<vmem>>, vector<1x16xf32>,
      %broadcast_in_dim3A_83 = arith.constant 0.000000e+00 : f32
      %broadcast_in_dim3A_84 = vector.broadcast %broadcast_in_dim3A_83 : f32 to vector<16xf32>
      %swap3A_85 = arith.index_cast %add3A_35 : i32 to index
      %swap3A_86 = arith.constant 112 : index
      %swap3A_87 = tpu.vector_load %arg12[%swap3A_85, %swap3A_86] {strides = array<i32>} : memref<320x128xf32, #tpu.memory_space<vmem>>, vector<1x16xf32>,
      %swap3A_88 = vector.shape_cast %swap3A_87 : vector<1x16xf32> to vector<16xf32>
      %swap3A_89 = vector.shape_cast %broadcast_in_dim3A_84 : vector<16xf32> to vector<1x16xf32>
      tpu.vector_store %arg12[%swap3A_85, %swap3A_86], %swap3A_89 {strides = array<i32>} : memref<320x128xf32, #tpu.memory_space<vmem>>, vector<1x16xf32>,
    }
    %scan3A_4 = arith.constant 320 : i32
    "tpu.region"() ({
      %run_scoped3A = tpu.sem_alloc : memref<!tpu.dma_semaphore, #tpu.memory_space<semaphore_mem>>
      %dma_start3A = arith.constant 0 : i32
      %dma_start3A_31 = arith.constant 0 : i32
      %dma_start3A_32 = tpu.memref_slice %arg3[%arg0, %arg1, %dma_start3A, %dma_start3A_31] : memref<2x16x79x128xi32, #tpu.memory_space<hbm>> -> memref<1x1x79x128xi32, #tpu.memory_space<hbm>>
      %dma_start3A_33 = tpu.memref_squeeze %dma_start3A_32 : memref<1x1x79x128xi32, #tpu.memory_space<hbm>> -> memref<79x128xi32, #tpu.memory_space<hbm>>
      %dma_start3A_34 = arith.constant 0 : i32
      %dma_start3A_35 = arith.constant 0 : i32
      %dma_start3A_36 = tpu.memref_slice %arg3[%arg0, %arg1, %dma_start3A_34, %dma_start3A_35] : memref<2x16x79x128xi32, #tpu.memory_space<hbm>> -> memref<1x1x79x128xi32, #tpu.memory_space<hbm>>
      %dma_start3A_37 = tpu.memref_squeeze %dma_start3A_36 : memref<1x1x79x128xi32, #tpu.memory_space<hbm>> -> memref<79x128xi32, #tpu.memory_space<hbm>>
      tpu.enqueue_dma source(%dma_start3A_37 : memref<79x128xi32, #tpu.memory_space<hbm>>) target(%arg9 : memref<79x128xi32, #tpu.memory_space<vmem>>) target_semaphore(%run_scoped3A : memref<!tpu.dma_semaphore, #tpu.memory_space<semaphore_mem>>)
      %dma_wait3A = arith.constant 0 : i32
      %dma_wait3A_38 = arith.constant 0 : i32
      %dma_wait3A_39 = tpu.memref_slice %arg3[%arg0, %arg1, %dma_wait3A, %dma_wait3A_38] : memref<2x16x79x128xi32, #tpu.memory_space<hbm>> -> memref<1x1x79x128xi32, #tpu.memory_space<hbm>>
      %dma_wait3A_40 = tpu.memref_squeeze %dma_wait3A_39 : memref<1x1x79x128xi32, #tpu.memory_space<hbm>> -> memref<79x128xi32, #tpu.memory_space<hbm>>
      %dma_wait3A_41 = arith.constant 0 : i32
      %dma_wait3A_42 = arith.constant 0 : i32
      %dma_wait3A_43 = tpu.memref_slice %arg3[%arg0, %arg1, %dma_wait3A_41, %dma_wait3A_42] : memref<2x16x79x128xi32, #tpu.memory_space<hbm>> -> memref<1x1x79x128xi32, #tpu.memory_space<hbm>>
      %dma_wait3A_44 = tpu.memref_squeeze %dma_wait3A_43 : memref<1x1x79x128xi32, #tpu.memory_space<hbm>> -> memref<79x128xi32, #tpu.memory_space<hbm>>
      tpu.wait_dma2 semaphore(%run_scoped3A : memref<!tpu.dma_semaphore, #tpu.memory_space<semaphore_mem>>) src(%dma_wait3A_44 : memref<79x128xi32, #tpu.memory_space<hbm>>) dst(%arg9 : memref<79x128xi32, #tpu.memory_space<vmem>>)
      tpu.yield
    }) : () -> ()
    "tpu.region"() ({
      %run_scoped3A = tpu.sem_alloc : memref<!tpu.dma_semaphore, #tpu.memory_space<semaphore_mem>>
      %dma_start3A = arith.constant 0 : i32
      %dma_start3A_31 = arith.constant 0 : i32
      %dma_start3A_32 = tpu.memref_slice %arg4[%arg0, %arg1, %dma_start3A, %dma_start3A_31] : memref<2x16x79x128xi32, #tpu.memory_space<hbm>> -> memref<1x1x79x128xi32, #tpu.memory_space<hbm>>
      %dma_start3A_33 = tpu.memref_squeeze %dma_start3A_32 : memref<1x1x79x128xi32, #tpu.memory_space<hbm>> -> memref<79x128xi32, #tpu.memory_space<hbm>>
      %dma_start3A_34 = arith.constant 0 : i32
      %dma_start3A_35 = arith.constant 0 : i32
      %dma_start3A_36 = tpu.memref_slice %arg4[%arg0, %arg1, %dma_start3A_34, %dma_start3A_35] : memref<2x16x79x128xi32, #tpu.memory_space<hbm>> -> memref<1x1x79x128xi32, #tpu.memory_space<hbm>>
      %dma_start3A_37 = tpu.memref_squeeze %dma_start3A_36 : memref<1x1x79x128xi32, #tpu.memory_space<hbm>> -> memref<79x128xi32, #tpu.memory_space<hbm>>
      tpu.enqueue_dma source(%dma_start3A_37 : memref<79x128xi32, #tpu.memory_space<hbm>>) target(%arg10 : memref<79x128xi32, #tpu.memory_space<vmem>>) target_semaphore(%run_scoped3A : memref<!tpu.dma_semaphore, #tpu.memory_space<semaphore_mem>>)
      %dma_wait3A = arith.constant 0 : i32
      %dma_wait3A_38 = arith.constant 0 : i32
      %dma_wait3A_39 = tpu.memref_slice %arg4[%arg0, %arg1, %dma_wait3A, %dma_wait3A_38] : memref<2x16x79x128xi32, #tpu.memory_space<hbm>> -> memref<1x1x79x128xi32, #tpu.memory_space<hbm>>
      %dma_wait3A_40 = tpu.memref_squeeze %dma_wait3A_39 : memref<1x1x79x128xi32, #tpu.memory_space<hbm>> -> memref<79x128xi32, #tpu.memory_space<hbm>>
      %dma_wait3A_41 = arith.constant 0 : i32
      %dma_wait3A_42 = arith.constant 0 : i32
      %dma_wait3A_43 = tpu.memref_slice %arg4[%arg0, %arg1, %dma_wait3A_41, %dma_wait3A_42] : memref<2x16x79x128xi32, #tpu.memory_space<hbm>> -> memref<1x1x79x128xi32, #tpu.memory_space<hbm>>
      %dma_wait3A_44 = tpu.memref_squeeze %dma_wait3A_43 : memref<1x1x79x128xi32, #tpu.memory_space<hbm>> -> memref<79x128xi32, #tpu.memory_space<hbm>>
      tpu.wait_dma2 semaphore(%run_scoped3A : memref<!tpu.dma_semaphore, #tpu.memory_space<semaphore_mem>>) src(%dma_wait3A_44 : memref<79x128xi32, #tpu.memory_space<hbm>>) dst(%arg10 : memref<79x128xi32, #tpu.memory_space<vmem>>)
      tpu.yield
    }) : () -> ()
    "tpu.region"() ({
      %run_scoped3A = tpu.sem_alloc : memref<!tpu.dma_semaphore, #tpu.memory_space<semaphore_mem>>
      %dma_start3A = arith.constant 0 : i32
      %dma_start3A_31 = tpu.memref_slice %arg8[%mul3A_0, %dma_start3A] : memref<5120x128xf32, #tpu.memory_space<vmem_shared>> -> memref<320x128xf32, #tpu.memory_space<vmem_shared>>
      %dma_start3A_32 = arith.constant 0 : i32
      %dma_start3A_33 = tpu.memref_slice %arg8[%mul3A_0, %dma_start3A_32] : memref<5120x128xf32, #tpu.memory_space<vmem_shared>> -> memref<320x128xf32, #tpu.memory_space<vmem_shared>>
      tpu.enqueue_dma source(%arg12 : memref<320x128xf32, #tpu.memory_space<vmem>>) target(%dma_start3A_33 : memref<320x128xf32, #tpu.memory_space<vmem_shared>>) target_semaphore(%run_scoped3A : memref<!tpu.dma_semaphore, #tpu.memory_space<semaphore_mem>>)
      %dma_wait3A = arith.constant 0 : i32
      %dma_wait3A_34 = tpu.memref_slice %arg8[%mul3A_0, %dma_wait3A] : memref<5120x128xf32, #tpu.memory_space<vmem_shared>> -> memref<320x128xf32, #tpu.memory_space<vmem_shared>>
      %dma_wait3A_35 = arith.constant 0 : i32
      %dma_wait3A_36 = tpu.memref_slice %arg8[%mul3A_0, %dma_wait3A_35] : memref<5120x128xf32, #tpu.memory_space<vmem_shared>> -> memref<320x128xf32, #tpu.memory_space<vmem_shared>>
      tpu.wait_dma2 semaphore(%run_scoped3A : memref<!tpu.dma_semaphore, #tpu.memory_space<semaphore_mem>>) src(%arg12 : memref<320x128xf32, #tpu.memory_space<vmem>>) dst(%dma_wait3A_36 : memref<320x128xf32, #tpu.memory_space<vmem_shared>>)
      tpu.yield
    }) : () -> ()
    %barrier3A = arith.constant 0 : index
    tpu.barrier barrier_id(%barrier3A)
    %scan3A_5 = arith.constant 0 : i32
    %scan3A_6 = arith.constant 79 : i32
    %scan3A_7 = arith.addi %scan3A_5, %scan3A_6 : i32
    %scan3A_8 = arith.constant 1 : i32
    scf.for %scan3A_31 = %scan3A_5 to %scan3A_7 step %scan3A_8  : i32 {
      %mul3A_32 = arith.constant 1 : i32
      %mul3A_33 = arith.muli %scan3A_31, %mul3A_32 : i32
      %add3A_34 = arith.constant 0 : i32
      %add3A_35 = arith.addi %add3A_34, %mul3A_33 : i32
      %dma_start3A = arith.constant 0 : i32
      %dma_start3A_36 = tpu.memref_slice %arg10[%add3A_35, %dma_start3A] : memref<79x128xi32, #tpu.memory_space<vmem>> -> memref<1x128xi32, #tpu.memory_space<vmem>>
      %dma_start3A_37 = tpu.memref_squeeze %dma_start3A_36 : memref<1x128xi32, #tpu.memory_space<vmem>> -> memref<128xi32, #tpu.memory_space<vmem>>
      %dma_start3A_38 = arith.constant 0 : i32
      %dma_start3A_39 = arith.constant 0 : i32
      %dma_start3A_40 = tpu.memref_slice %arg2[%dma_start3A_38, %dma_start3A_39] : memref<10240x128xf32, #tpu.memory_space<hbm>> -> memref<10240x128xf32, #tpu.memory_space<hbm>>
      tpu.enqueue_indirect_dma source(%dma_start3A_40 : memref<10240x128xf32, #tpu.memory_space<hbm>>) target(%arg11 : memref<128x128xf32, #tpu.memory_space<vmem>>) offsets(%dma_start3A_37 : memref<128xi32, #tpu.memory_space<vmem>>) semaphore(%arg14 : memref<!tpu.dma_semaphore, #tpu.memory_space<semaphore_mem>>)
      %dma_wait3A = arith.constant 0 : i32
      %dma_wait3A_41 = tpu.memref_slice %arg10[%add3A_35, %dma_wait3A] : memref<79x128xi32, #tpu.memory_space<vmem>> -> memref<1x128xi32, #tpu.memory_space<vmem>>
      %dma_wait3A_42 = tpu.memref_squeeze %dma_wait3A_41 : memref<1x128xi32, #tpu.memory_space<vmem>> -> memref<128xi32, #tpu.memory_space<vmem>>
      %dma_wait3A_43 = arith.constant 0 : i32
      %dma_wait3A_44 = arith.constant 0 : i32
      %dma_wait3A_45 = tpu.memref_slice %arg2[%dma_wait3A_43, %dma_wait3A_44] : memref<10240x128xf32, #tpu.memory_space<hbm>> -> memref<10240x128xf32, #tpu.memory_space<hbm>>
      tpu.wait_indirect_dma semaphore(%arg14 : memref<!tpu.dma_semaphore, #tpu.memory_space<semaphore_mem>>) src(%dma_wait3A_45 : memref<10240x128xf32, #tpu.memory_space<hbm>>) dst(%arg11 : memref<128x128xf32, #tpu.memory_space<vmem>>)
      "tpu.region"() ({
        %run_scoped3A = tpu.sem_alloc : memref<!tpu.dma_semaphore, #tpu.memory_space<semaphore_mem>>
        %dma_start3A_46 = arith.constant 0 : i32
        %dma_start3A_47 = tpu.memref_slice %arg9[%add3A_35, %dma_start3A_46] : memref<79x128xi32, #tpu.memory_space<vmem>> -> memref<1x128xi32, #tpu.memory_space<vmem>>
        %dma_start3A_48 = tpu.memref_squeeze %dma_start3A_47 : memref<1x128xi32, #tpu.memory_space<vmem>> -> memref<128xi32, #tpu.memory_space<vmem>>
        %dma_start3A_49 = arith.constant 0 : i32
        %dma_start3A_50 = arith.constant 0 : i32
        %dma_start3A_51 = tpu.memref_slice %arg8[%dma_start3A_49, %dma_start3A_50] : memref<5120x128xf32, #tpu.memory_space<vmem_shared>> -> memref<5120x128xf32, #tpu.memory_space<vmem_shared>>
        tpu.enqueue_indirect_dma source(%arg11 : memref<128x128xf32, #tpu.memory_space<vmem>>) target(%dma_start3A_51 : memref<5120x128xf32, #tpu.memory_space<vmem_shared>>) offsets(%dma_start3A_48 : memref<128xi32, #tpu.memory_space<vmem>>) semaphore(%run_scoped3A : memref<!tpu.dma_semaphore, #tpu.memory_space<semaphore_mem>>) {add = true}
        %dma_wait3A_52 = arith.constant 0 : i32
        %dma_wait3A_53 = tpu.memref_slice %arg9[%add3A_35, %dma_wait3A_52] : memref<79x128xi32, #tpu.memory_space<vmem>> -> memref<1x128xi32, #tpu.memory_space<vmem>>
        %dma_wait3A_54 = tpu.memref_squeeze %dma_wait3A_53 : memref<1x128xi32, #tpu.memory_space<vmem>> -> memref<128xi32, #tpu.memory_space<vmem>>
        %dma_wait3A_55 = arith.constant 0 : i32
        %dma_wait3A_56 = arith.constant 0 : i32
        %dma_wait3A_57 = tpu.memref_slice %arg8[%dma_wait3A_55, %dma_wait3A_56] : memref<5120x128xf32, #tpu.memory_space<vmem_shared>> -> memref<5120x128xf32, #tpu.memory_space<vmem_shared>>
        tpu.wait_indirect_dma semaphore(%run_scoped3A : memref<!tpu.dma_semaphore, #tpu.memory_space<semaphore_mem>>) src(%arg11 : memref<128x128xf32, #tpu.memory_space<vmem>>) dst(%dma_wait3A_57 : memref<5120x128xf32, #tpu.memory_space<vmem_shared>>)
        tpu.yield
      }) : () -> ()
    }
    %scan3A_9 = arith.constant 79 : i32
    %barrier3A_10 = arith.constant 0 : index
    tpu.barrier barrier_id(%barrier3A_10)
    "tpu.region"() ({
      %run_scoped3A = tpu.sem_alloc : memref<!tpu.dma_semaphore, #tpu.memory_space<semaphore_mem>>
      %dma_start3A = arith.constant 0 : i32
      %dma_start3A_31 = tpu.memref_slice %arg8[%mul3A_0, %dma_start3A] : memref<5120x128xf32, #tpu.memory_space<vmem_shared>> -> memref<320x128xf32, #tpu.memory_space<vmem_shared>>
      %dma_start3A_32 = arith.constant 0 : i32
      %dma_start3A_33 = tpu.memref_slice %arg8[%mul3A_0, %dma_start3A_32] : memref<5120x128xf32, #tpu.memory_space<vmem_shared>> -> memref<320x128xf32, #tpu.memory_space<vmem_shared>>
      tpu.enqueue_dma source(%dma_start3A_33 : memref<320x128xf32, #tpu.memory_space<vmem_shared>>) target(%arg12 : memref<320x128xf32, #tpu.memory_space<vmem>>) target_semaphore(%run_scoped3A : memref<!tpu.dma_semaphore, #tpu.memory_space<semaphore_mem>>)
      %dma_wait3A = arith.constant 0 : i32
      %dma_wait3A_34 = tpu.memref_slice %arg8[%mul3A_0, %dma_wait3A] : memref<5120x128xf32, #tpu.memory_space<vmem_shared>> -> memref<320x128xf32, #tpu.memory_space<vmem_shared>>
      %dma_wait3A_35 = arith.constant 0 : i32
      %dma_wait3A_36 = tpu.memref_slice %arg8[%mul3A_0, %dma_wait3A_35] : memref<5120x128xf32, #tpu.memory_space<vmem_shared>> -> memref<320x128xf32, #tpu.memory_space<vmem_shared>>
      tpu.wait_dma2 semaphore(%run_scoped3A : memref<!tpu.dma_semaphore, #tpu.memory_space<semaphore_mem>>) src(%dma_wait3A_36 : memref<320x128xf32, #tpu.memory_space<vmem_shared>>) dst(%arg12 : memref<320x128xf32, #tpu.memory_space<vmem>>)
      tpu.yield
    }) : () -> ()
    %mul3A_11 = arith.constant 5120 : i32
    %mul3A_12 = arith.muli %arg0, %mul3A_11 : i32
    %add3A = arith.addi %mul3A_12, %mul3A_0 : i32
    %mul3A_13 = arith.constant 16 : i32
    %mul3A_14 = arith.muli %add3A, %mul3A_13 : i32
    "tpu.region"() ({
      %run_scoped3A = tpu.sem_alloc : memref<!tpu.dma_semaphore, #tpu.memory_space<semaphore_mem>>
      %dma_start3A = tpu.memref_slice %arg5[%mul3A_14] : memref<163840xf32, #tpu.memory_space<hbm>> -> memref<5120xf32, #tpu.memory_space<hbm>>
      %dma_start3A_31 = tpu.memref_slice %arg5[%mul3A_14] : memref<163840xf32, #tpu.memory_space<hbm>> -> memref<5120xf32, #tpu.memory_space<hbm>>
      tpu.enqueue_dma source(%dma_start3A_31 : memref<5120xf32, #tpu.memory_space<hbm>>) target(%arg13 : memref<5120xf32, #tpu.memory_space<vmem>>) target_semaphore(%run_scoped3A : memref<!tpu.dma_semaphore, #tpu.memory_space<semaphore_mem>>)
      %dma_wait3A = tpu.memref_slice %arg5[%mul3A_14] : memref<163840xf32, #tpu.memory_space<hbm>> -> memref<5120xf32, #tpu.memory_space<hbm>>
      %dma_wait3A_32 = tpu.memref_slice %arg5[%mul3A_14] : memref<163840xf32, #tpu.memory_space<hbm>> -> memref<5120xf32, #tpu.memory_space<hbm>>
      tpu.wait_dma2 semaphore(%run_scoped3A : memref<!tpu.dma_semaphore, #tpu.memory_space<semaphore_mem>>) src(%dma_wait3A_32 : memref<5120xf32, #tpu.memory_space<hbm>>) dst(%arg13 : memref<5120xf32, #tpu.memory_space<vmem>>)
      tpu.yield
    }) : () -> ()
    %scan3A_15 = arith.constant 0 : i32
    %scan3A_16 = arith.constant 320 : i32
    %scan3A_17 = arith.addi %scan3A_15, %scan3A_16 : i32
    %scan3A_18 = arith.constant 1 : i32
    scf.for %scan3A_31 = %scan3A_15 to %scan3A_17 step %scan3A_18  : i32 {
      %mul3A_32 = arith.constant 1 : i32
      %mul3A_33 = arith.muli %scan3A_31, %mul3A_32 : i32
      %add3A_34 = arith.constant 0 : i32
      %add3A_35 = arith.addi %add3A_34, %mul3A_33 : i32
      %add3A_36 = arith.constant 0 : i32
      %add3A_37 = arith.addi %add3A_36, %add3A_35 : i32
      %mul3A_38 = arith.constant 16 : i32
      %mul3A_39 = arith.muli %add3A_37, %mul3A_38 : i32
      %get3A = arith.index_cast %mul3A_39 : i32 to index
      %get3A_40 = tpu.vector_load %arg13[%get3A] {strides = array<i32>} : memref<5120xf32, #tpu.memory_space<vmem>>, vector<16xf32>,
      %get3A_41 = vector.shape_cast %get3A_40 : vector<16xf32> to vector<16xf32>
      %get3A_42 = arith.index_cast %add3A_35 : i32 to index
      %get3A_43 = arith.constant 0 : index
      %get3A_44 = tpu.vector_load %arg12[%get3A_42, %get3A_43] {strides = array<i32>} : memref<320x128xf32, #tpu.memory_space<vmem>>, vector<1x16xf32>,
      %get3A_45 = vector.shape_cast %get3A_44 : vector<1x16xf32> to vector<16xf32>
      %mul3A_46 = arith.mulf %get3A_45, %get3A_41 : vector<16xf32>
      %swap3A = arith.index_cast %add3A_35 : i32 to index
      %swap3A_47 = arith.constant 0 : index
      %swap3A_48 = tpu.vector_load %arg12[%swap3A, %swap3A_47] {strides = array<i32>} : memref<320x128xf32, #tpu.memory_space<vmem>>, vector<1x16xf32>,
      %swap3A_49 = vector.shape_cast %swap3A_48 : vector<1x16xf32> to vector<16xf32>
      %swap3A_50 = vector.shape_cast %mul3A_46 : vector<16xf32> to vector<1x16xf32>
      tpu.vector_store %arg12[%swap3A, %swap3A_47], %swap3A_50 {strides = array<i32>} : memref<320x128xf32, #tpu.memory_space<vmem>>, vector<1x16xf32>,
      %get3A_51 = arith.index_cast %add3A_35 : i32 to index
      %get3A_52 = arith.constant 16 : index
      %get3A_53 = tpu.vector_load %arg12[%get3A_51, %get3A_52] {strides = array<i32>} : memref<320x128xf32, #tpu.memory_space<vmem>>, vector<1x16xf32>,
      %get3A_54 = vector.shape_cast %get3A_53 : vector<1x16xf32> to vector<16xf32>
      %mul3A_55 = arith.mulf %get3A_54, %get3A_41 : vector<16xf32>
      %swap3A_56 = arith.index_cast %add3A_35 : i32 to index
      %swap3A_57 = arith.constant 16 : index
      %swap3A_58 = tpu.vector_load %arg12[%swap3A_56, %swap3A_57] {strides = array<i32>} : memref<320x128xf32, #tpu.memory_space<vmem>>, vector<1x16xf32>,
      %swap3A_59 = vector.shape_cast %swap3A_58 : vector<1x16xf32> to vector<16xf32>
      %swap3A_60 = vector.shape_cast %mul3A_55 : vector<16xf32> to vector<1x16xf32>
      tpu.vector_store %arg12[%swap3A_56, %swap3A_57], %swap3A_60 {strides = array<i32>} : memref<320x128xf32, #tpu.memory_space<vmem>>, vector<1x16xf32>,
      %get3A_61 = arith.index_cast %add3A_35 : i32 to index
      %get3A_62 = arith.constant 32 : index
      %get3A_63 = tpu.vector_load %arg12[%get3A_61, %get3A_62] {strides = array<i32>} : memref<320x128xf32, #tpu.memory_space<vmem>>, vector<1x16xf32>,
      %get3A_64 = vector.shape_cast %get3A_63 : vector<1x16xf32> to vector<16xf32>
      %mul3A_65 = arith.mulf %get3A_64, %get3A_41 : vector<16xf32>
      %swap3A_66 = arith.index_cast %add3A_35 : i32 to index
      %swap3A_67 = arith.constant 32 : index
      %swap3A_68 = tpu.vector_load %arg12[%swap3A_66, %swap3A_67] {strides = array<i32>} : memref<320x128xf32, #tpu.memory_space<vmem>>, vector<1x16xf32>,
      %swap3A_69 = vector.shape_cast %swap3A_68 : vector<1x16xf32> to vector<16xf32>
      %swap3A_70 = vector.shape_cast %mul3A_65 : vector<16xf32> to vector<1x16xf32>
      tpu.vector_store %arg12[%swap3A_66, %swap3A_67], %swap3A_70 {strides = array<i32>} : memref<320x128xf32, #tpu.memory_space<vmem>>, vector<1x16xf32>,
      %get3A_71 = arith.index_cast %add3A_35 : i32 to index
      %get3A_72 = arith.constant 48 : index
      %get3A_73 = tpu.vector_load %arg12[%get3A_71, %get3A_72] {strides = array<i32>} : memref<320x128xf32, #tpu.memory_space<vmem>>, vector<1x16xf32>,
      %get3A_74 = vector.shape_cast %get3A_73 : vector<1x16xf32> to vector<16xf32>
      %mul3A_75 = arith.mulf %get3A_74, %get3A_41 : vector<16xf32>
      %swap3A_76 = arith.index_cast %add3A_35 : i32 to index
      %swap3A_77 = arith.constant 48 : index
      %swap3A_78 = tpu.vector_load %arg12[%swap3A_76, %swap3A_77] {strides = array<i32>} : memref<320x128xf32, #tpu.memory_space<vmem>>, vector<1x16xf32>,
      %swap3A_79 = vector.shape_cast %swap3A_78 : vector<1x16xf32> to vector<16xf32>
      %swap3A_80 = vector.shape_cast %mul3A_75 : vector<16xf32> to vector<1x16xf32>
      tpu.vector_store %arg12[%swap3A_76, %swap3A_77], %swap3A_80 {strides = array<i32>} : memref<320x128xf32, #tpu.memory_space<vmem>>, vector<1x16xf32>,
      %get3A_81 = arith.index_cast %add3A_35 : i32 to index
      %get3A_82 = arith.constant 64 : index
      %get3A_83 = tpu.vector_load %arg12[%get3A_81, %get3A_82] {strides = array<i32>} : memref<320x128xf32, #tpu.memory_space<vmem>>, vector<1x16xf32>,
      %get3A_84 = vector.shape_cast %get3A_83 : vector<1x16xf32> to vector<16xf32>
      %mul3A_85 = arith.mulf %get3A_84, %get3A_41 : vector<16xf32>
      %swap3A_86 = arith.index_cast %add3A_35 : i32 to index
      %swap3A_87 = arith.constant 64 : index
      %swap3A_88 = tpu.vector_load %arg12[%swap3A_86, %swap3A_87] {strides = array<i32>} : memref<320x128xf32, #tpu.memory_space<vmem>>, vector<1x16xf32>,
      %swap3A_89 = vector.shape_cast %swap3A_88 : vector<1x16xf32> to vector<16xf32>
      %swap3A_90 = vector.shape_cast %mul3A_85 : vector<16xf32> to vector<1x16xf32>
      tpu.vector_store %arg12[%swap3A_86, %swap3A_87], %swap3A_90 {strides = array<i32>} : memref<320x128xf32, #tpu.memory_space<vmem>>, vector<1x16xf32>,
      %get3A_91 = arith.index_cast %add3A_35 : i32 to index
      %get3A_92 = arith.constant 80 : index
      %get3A_93 = tpu.vector_load %arg12[%get3A_91, %get3A_92] {strides = array<i32>} : memref<320x128xf32, #tpu.memory_space<vmem>>, vector<1x16xf32>,
      %get3A_94 = vector.shape_cast %get3A_93 : vector<1x16xf32> to vector<16xf32>
      %mul3A_95 = arith.mulf %get3A_94, %get3A_41 : vector<16xf32>
      %swap3A_96 = arith.index_cast %add3A_35 : i32 to index
      %swap3A_97 = arith.constant 80 : index
      %swap3A_98 = tpu.vector_load %arg12[%swap3A_96, %swap3A_97] {strides = array<i32>} : memref<320x128xf32, #tpu.memory_space<vmem>>, vector<1x16xf32>,
      %swap3A_99 = vector.shape_cast %swap3A_98 : vector<1x16xf32> to vector<16xf32>
      %swap3A_100 = vector.shape_cast %mul3A_95 : vector<16xf32> to vector<1x16xf32>
      tpu.vector_store %arg12[%swap3A_96, %swap3A_97], %swap3A_100 {strides = array<i32>} : memref<320x128xf32, #tpu.memory_space<vmem>>, vector<1x16xf32>,
      %get3A_101 = arith.index_cast %add3A_35 : i32 to index
      %get3A_102 = arith.constant 96 : index
      %get3A_103 = tpu.vector_load %arg12[%get3A_101, %get3A_102] {strides = array<i32>} : memref<320x128xf32, #tpu.memory_space<vmem>>, vector<1x16xf32>,
      %get3A_104 = vector.shape_cast %get3A_103 : vector<1x16xf32> to vector<16xf32>
      %mul3A_105 = arith.mulf %get3A_104, %get3A_41 : vector<16xf32>
      %swap3A_106 = arith.index_cast %add3A_35 : i32 to index
      %swap3A_107 = arith.constant 96 : index
      %swap3A_108 = tpu.vector_load %arg12[%swap3A_106, %swap3A_107] {strides = array<i32>} : memref<320x128xf32, #tpu.memory_space<vmem>>, vector<1x16xf32>,
      %swap3A_109 = vector.shape_cast %swap3A_108 : vector<1x16xf32> to vector<16xf32>
      %swap3A_110 = vector.shape_cast %mul3A_105 : vector<16xf32> to vector<1x16xf32>
      tpu.vector_store %arg12[%swap3A_106, %swap3A_107], %swap3A_110 {strides = array<i32>} : memref<320x128xf32, #tpu.memory_space<vmem>>, vector<1x16xf32>,
      %get3A_111 = arith.index_cast %add3A_35 : i32 to index
      %get3A_112 = arith.constant 112 : index
      %get3A_113 = tpu.vector_load %arg12[%get3A_111, %get3A_112] {strides = array<i32>} : memref<320x128xf32, #tpu.memory_space<vmem>>, vector<1x16xf32>,
      %get3A_114 = vector.shape_cast %get3A_113 : vector<1x16xf32> to vector<16xf32>
      %mul3A_115 = arith.mulf %get3A_114, %get3A_41 : vector<16xf32>
      %swap3A_116 = arith.index_cast %add3A_35 : i32 to index
      %swap3A_117 = arith.constant 112 : index
      %swap3A_118 = tpu.vector_load %arg12[%swap3A_116, %swap3A_117] {strides = array<i32>} : memref<320x128xf32, #tpu.memory_space<vmem>>, vector<1x16xf32>,
      %swap3A_119 = vector.shape_cast %swap3A_118 : vector<1x16xf32> to vector<16xf32>
      %swap3A_120 = vector.shape_cast %mul3A_115 : vector<16xf32> to vector<1x16xf32>
      tpu.vector_store %arg12[%swap3A_116, %swap3A_117], %swap3A_120 {strides = array<i32>} : memref<320x128xf32, #tpu.memory_space<vmem>>, vector<1x16xf32>,
    }
    %scan3A_19 = arith.constant 320 : i32
    %mul3A_20 = arith.constant 5120 : i32
    %mul3A_21 = arith.muli %arg0, %mul3A_20 : i32
    %add3A_22 = arith.addi %mul3A_21, %mul3A_0 : i32
    "tpu.region"() ({
      %run_scoped3A = tpu.sem_alloc : memref<!tpu.dma_semaphore, #tpu.memory_space<semaphore_mem>>
      %dma_start3A = arith.constant 0 : i32
      %dma_start3A_31 = tpu.memref_slice %arg6[%add3A_22, %dma_start3A] : memref<10240x128xf32, #tpu.memory_space<hbm>> -> memref<320x128xf32, #tpu.memory_space<hbm>>
      %dma_start3A_32 = arith.constant 0 : i32
      %dma_start3A_33 = tpu.memref_slice %arg6[%add3A_22, %dma_start3A_32] : memref<10240x128xf32, #tpu.memory_space<hbm>> -> memref<320x128xf32, #tpu.memory_space<hbm>>
      tpu.enqueue_dma source(%arg12 : memref<320x128xf32, #tpu.memory_space<vmem>>) target(%dma_start3A_33 : memref<320x128xf32, #tpu.memory_space<hbm>>) target_semaphore(%run_scoped3A : memref<!tpu.dma_semaphore, #tpu.memory_space<semaphore_mem>>)
      %dma_wait3A = arith.constant 0 : i32
      %dma_wait3A_34 = tpu.memref_slice %arg6[%add3A_22, %dma_wait3A] : memref<10240x128xf32, #tpu.memory_space<hbm>> -> memref<320x128xf32, #tpu.memory_space<hbm>>
      %dma_wait3A_35 = arith.constant 0 : i32
      %dma_wait3A_36 = tpu.memref_slice %arg6[%add3A_22, %dma_wait3A_35] : memref<10240x128xf32, #tpu.memory_space<hbm>> -> memref<320x128xf32, #tpu.memory_space<hbm>>
      tpu.wait_dma2 semaphore(%run_scoped3A : memref<!tpu.dma_semaphore, #tpu.memory_space<semaphore_mem>>) src(%arg12 : memref<320x128xf32, #tpu.memory_space<vmem>>) dst(%dma_wait3A_36 : memref<320x128xf32, #tpu.memory_space<hbm>>)
      tpu.yield
    }) : () -> ()
    %scan3A_23 = arith.constant 0 : i32
    %scan3A_24 = arith.constant 320 : i32
    %scan3A_25 = arith.addi %scan3A_23, %scan3A_24 : i32
    %scan3A_26 = arith.constant 1 : i32
    scf.for %scan3A_31 = %scan3A_23 to %scan3A_25 step %scan3A_26  : i32 {
      %mul3A_32 = arith.constant 1 : i32
      %mul3A_33 = arith.muli %scan3A_31, %mul3A_32 : i32
      %add3A_34 = arith.constant 0 : i32
      %add3A_35 = arith.addi %add3A_34, %mul3A_33 : i32
      %add3A_36 = arith.constant 0 : i32
      %add3A_37 = arith.addi %add3A_36, %add3A_35 : i32
      %mul3A_38 = arith.constant 16 : i32
      %mul3A_39 = arith.muli %add3A_37, %mul3A_38 : i32
      %get3A = arith.index_cast %mul3A_39 : i32 to index
      %get3A_40 = tpu.vector_load %arg13[%get3A] {strides = array<i32>} : memref<5120xf32, #tpu.memory_space<vmem>>, vector<16xf32>,
      %get3A_41 = vector.shape_cast %get3A_40 : vector<16xf32> to vector<16xf32>
      %get3A_42 = arith.index_cast %add3A_35 : i32 to index
      %get3A_43 = arith.constant 0 : index
      %get3A_44 = tpu.vector_load %arg12[%get3A_42, %get3A_43] {strides = array<i32>} : memref<320x128xf32, #tpu.memory_space<vmem>>, vector<1x16xf32>,
      %get3A_45 = vector.shape_cast %get3A_44 : vector<1x16xf32> to vector<16xf32>
      %mul3A_46 = arith.mulf %get3A_45, %get3A_41 : vector<16xf32>
      %swap3A = arith.index_cast %add3A_35 : i32 to index
      %swap3A_47 = arith.constant 0 : index
      %swap3A_48 = tpu.vector_load %arg12[%swap3A, %swap3A_47] {strides = array<i32>} : memref<320x128xf32, #tpu.memory_space<vmem>>, vector<1x16xf32>,
      %swap3A_49 = vector.shape_cast %swap3A_48 : vector<1x16xf32> to vector<16xf32>
      %swap3A_50 = vector.shape_cast %mul3A_46 : vector<16xf32> to vector<1x16xf32>
      tpu.vector_store %arg12[%swap3A, %swap3A_47], %swap3A_50 {strides = array<i32>} : memref<320x128xf32, #tpu.memory_space<vmem>>, vector<1x16xf32>,
      %get3A_51 = arith.index_cast %add3A_35 : i32 to index
      %get3A_52 = arith.constant 16 : index
      %get3A_53 = tpu.vector_load %arg12[%get3A_51, %get3A_52] {strides = array<i32>} : memref<320x128xf32, #tpu.memory_space<vmem>>, vector<1x16xf32>,
      %get3A_54 = vector.shape_cast %get3A_53 : vector<1x16xf32> to vector<16xf32>
      %mul3A_55 = arith.mulf %get3A_54, %get3A_41 : vector<16xf32>
      %swap3A_56 = arith.index_cast %add3A_35 : i32 to index
      %swap3A_57 = arith.constant 16 : index
      %swap3A_58 = tpu.vector_load %arg12[%swap3A_56, %swap3A_57] {strides = array<i32>} : memref<320x128xf32, #tpu.memory_space<vmem>>, vector<1x16xf32>,
      %swap3A_59 = vector.shape_cast %swap3A_58 : vector<1x16xf32> to vector<16xf32>
      %swap3A_60 = vector.shape_cast %mul3A_55 : vector<16xf32> to vector<1x16xf32>
      tpu.vector_store %arg12[%swap3A_56, %swap3A_57], %swap3A_60 {strides = array<i32>} : memref<320x128xf32, #tpu.memory_space<vmem>>, vector<1x16xf32>,
      %get3A_61 = arith.index_cast %add3A_35 : i32 to index
      %get3A_62 = arith.constant 32 : index
      %get3A_63 = tpu.vector_load %arg12[%get3A_61, %get3A_62] {strides = array<i32>} : memref<320x128xf32, #tpu.memory_space<vmem>>, vector<1x16xf32>,
      %get3A_64 = vector.shape_cast %get3A_63 : vector<1x16xf32> to vector<16xf32>
      %mul3A_65 = arith.mulf %get3A_64, %get3A_41 : vector<16xf32>
      %swap3A_66 = arith.index_cast %add3A_35 : i32 to index
      %swap3A_67 = arith.constant 32 : index
      %swap3A_68 = tpu.vector_load %arg12[%swap3A_66, %swap3A_67] {strides = array<i32>} : memref<320x128xf32, #tpu.memory_space<vmem>>, vector<1x16xf32>,
      %swap3A_69 = vector.shape_cast %swap3A_68 : vector<1x16xf32> to vector<16xf32>
      %swap3A_70 = vector.shape_cast %mul3A_65 : vector<16xf32> to vector<1x16xf32>
      tpu.vector_store %arg12[%swap3A_66, %swap3A_67], %swap3A_70 {strides = array<i32>} : memref<320x128xf32, #tpu.memory_space<vmem>>, vector<1x16xf32>,
      %get3A_71 = arith.index_cast %add3A_35 : i32 to index
      %get3A_72 = arith.constant 48 : index
      %get3A_73 = tpu.vector_load %arg12[%get3A_71, %get3A_72] {strides = array<i32>} : memref<320x128xf32, #tpu.memory_space<vmem>>, vector<1x16xf32>,
      %get3A_74 = vector.shape_cast %get3A_73 : vector<1x16xf32> to vector<16xf32>
      %mul3A_75 = arith.mulf %get3A_74, %get3A_41 : vector<16xf32>
      %swap3A_76 = arith.index_cast %add3A_35 : i32 to index
      %swap3A_77 = arith.constant 48 : index
      %swap3A_78 = tpu.vector_load %arg12[%swap3A_76, %swap3A_77] {strides = array<i32>} : memref<320x128xf32, #tpu.memory_space<vmem>>, vector<1x16xf32>,
      %swap3A_79 = vector.shape_cast %swap3A_78 : vector<1x16xf32> to vector<16xf32>
      %swap3A_80 = vector.shape_cast %mul3A_75 : vector<16xf32> to vector<1x16xf32>
      tpu.vector_store %arg12[%swap3A_76, %swap3A_77], %swap3A_80 {strides = array<i32>} : memref<320x128xf32, #tpu.memory_space<vmem>>, vector<1x16xf32>,
      %get3A_81 = arith.index_cast %add3A_35 : i32 to index
      %get3A_82 = arith.constant 64 : index
      %get3A_83 = tpu.vector_load %arg12[%get3A_81, %get3A_82] {strides = array<i32>} : memref<320x128xf32, #tpu.memory_space<vmem>>, vector<1x16xf32>,
      %get3A_84 = vector.shape_cast %get3A_83 : vector<1x16xf32> to vector<16xf32>
      %mul3A_85 = arith.mulf %get3A_84, %get3A_41 : vector<16xf32>
      %swap3A_86 = arith.index_cast %add3A_35 : i32 to index
      %swap3A_87 = arith.constant 64 : index
      %swap3A_88 = tpu.vector_load %arg12[%swap3A_86, %swap3A_87] {strides = array<i32>} : memref<320x128xf32, #tpu.memory_space<vmem>>, vector<1x16xf32>,
      %swap3A_89 = vector.shape_cast %swap3A_88 : vector<1x16xf32> to vector<16xf32>
      %swap3A_90 = vector.shape_cast %mul3A_85 : vector<16xf32> to vector<1x16xf32>
      tpu.vector_store %arg12[%swap3A_86, %swap3A_87], %swap3A_90 {strides = array<i32>} : memref<320x128xf32, #tpu.memory_space<vmem>>, vector<1x16xf32>,
      %get3A_91 = arith.index_cast %add3A_35 : i32 to index
      %get3A_92 = arith.constant 80 : index
      %get3A_93 = tpu.vector_load %arg12[%get3A_91, %get3A_92] {strides = array<i32>} : memref<320x128xf32, #tpu.memory_space<vmem>>, vector<1x16xf32>,
      %get3A_94 = vector.shape_cast %get3A_93 : vector<1x16xf32> to vector<16xf32>
      %mul3A_95 = arith.mulf %get3A_94, %get3A_41 : vector<16xf32>
      %swap3A_96 = arith.index_cast %add3A_35 : i32 to index
      %swap3A_97 = arith.constant 80 : index
      %swap3A_98 = tpu.vector_load %arg12[%swap3A_96, %swap3A_97] {strides = array<i32>} : memref<320x128xf32, #tpu.memory_space<vmem>>, vector<1x16xf32>,
      %swap3A_99 = vector.shape_cast %swap3A_98 : vector<1x16xf32> to vector<16xf32>
      %swap3A_100 = vector.shape_cast %mul3A_95 : vector<16xf32> to vector<1x16xf32>
      tpu.vector_store %arg12[%swap3A_96, %swap3A_97], %swap3A_100 {strides = array<i32>} : memref<320x128xf32, #tpu.memory_space<vmem>>, vector<1x16xf32>,
      %get3A_101 = arith.index_cast %add3A_35 : i32 to index
      %get3A_102 = arith.constant 96 : index
      %get3A_103 = tpu.vector_load %arg12[%get3A_101, %get3A_102] {strides = array<i32>} : memref<320x128xf32, #tpu.memory_space<vmem>>, vector<1x16xf32>,
      %get3A_104 = vector.shape_cast %get3A_103 : vector<1x16xf32> to vector<16xf32>
      %mul3A_105 = arith.mulf %get3A_104, %get3A_41 : vector<16xf32>
      %swap3A_106 = arith.index_cast %add3A_35 : i32 to index
      %swap3A_107 = arith.constant 96 : index
      %swap3A_108 = tpu.vector_load %arg12[%swap3A_106, %swap3A_107] {strides = array<i32>} : memref<320x128xf32, #tpu.memory_space<vmem>>, vector<1x16xf32>,
      %swap3A_109 = vector.shape_cast %swap3A_108 : vector<1x16xf32> to vector<16xf32>
      %swap3A_110 = vector.shape_cast %mul3A_105 : vector<16xf32> to vector<1x16xf32>
      tpu.vector_store %arg12[%swap3A_106, %swap3A_107], %swap3A_110 {strides = array<i32>} : memref<320x128xf32, #tpu.memory_space<vmem>>, vector<1x16xf32>,
      %get3A_111 = arith.index_cast %add3A_35 : i32 to index
      %get3A_112 = arith.constant 112 : index
      %get3A_113 = tpu.vector_load %arg12[%get3A_111, %get3A_112] {strides = array<i32>} : memref<320x128xf32, #tpu.memory_space<vmem>>, vector<1x16xf32>,
      %get3A_114 = vector.shape_cast %get3A_113 : vector<1x16xf32> to vector<16xf32>
      %mul3A_115 = arith.mulf %get3A_114, %get3A_41 : vector<16xf32>
      %swap3A_116 = arith.index_cast %add3A_35 : i32 to index
      %swap3A_117 = arith.constant 112 : index
      %swap3A_118 = tpu.vector_load %arg12[%swap3A_116, %swap3A_117] {strides = array<i32>} : memref<320x128xf32, #tpu.memory_space<vmem>>, vector<1x16xf32>,
      %swap3A_119 = vector.shape_cast %swap3A_118 : vector<1x16xf32> to vector<16xf32>
      %swap3A_120 = vector.shape_cast %mul3A_115 : vector<16xf32> to vector<1x16xf32>
      tpu.vector_store %arg12[%swap3A_116, %swap3A_117], %swap3A_120 {strides = array<i32>} : memref<320x128xf32, #tpu.memory_space<vmem>>, vector<1x16xf32>,
    }
    %scan3A_27 = arith.constant 320 : i32
    %mul3A_28 = arith.constant 5120 : i32
    %mul3A_29 = arith.muli %arg0, %mul3A_28 : i32
    %add3A_30 = arith.addi %mul3A_29, %mul3A_0 : i32
    "tpu.region"() ({
      %run_scoped3A = tpu.sem_alloc : memref<!tpu.dma_semaphore, #tpu.memory_space<semaphore_mem>>
      %dma_start3A = arith.constant 0 : i32
      %dma_start3A_31 = tpu.memref_slice %arg7[%add3A_30, %dma_start3A] : memref<10240x128xf32, #tpu.memory_space<hbm>> -> memref<320x128xf32, #tpu.memory_space<hbm>>
      %dma_start3A_32 = arith.constant 0 : i32
      %dma_start3A_33 = tpu.memref_slice %arg7[%add3A_30, %dma_start3A_32] : memref<10240x128xf32, #tpu.memory_space<hbm>> -> memref<320x128xf32, #tpu.memory_space<hbm>>
      tpu.enqueue_dma source(%arg12 : memref<320x128xf32, #tpu.memory_space<vmem>>) target(%dma_start3A_33 : memref<320x128xf32, #tpu.memory_space<hbm>>) target_semaphore(%run_scoped3A : memref<!tpu.dma_semaphore, #tpu.memory_space<semaphore_mem>>)
      %dma_wait3A = arith.constant 0 : i32
      %dma_wait3A_34 = tpu.memref_slice %arg7[%add3A_30, %dma_wait3A] : memref<10240x128xf32, #tpu.memory_space<hbm>> -> memref<320x128xf32, #tpu.memory_space<hbm>>
      %dma_wait3A_35 = arith.constant 0 : i32
      %dma_wait3A_36 = tpu.memref_slice %arg7[%add3A_30, %dma_wait3A_35] : memref<10240x128xf32, #tpu.memory_space<hbm>> -> memref<320x128xf32, #tpu.memory_space<hbm>>
      tpu.wait_dma2 semaphore(%run_scoped3A : memref<!tpu.dma_semaphore, #tpu.memory_space<semaphore_mem>>) src(%arg12 : memref<320x128xf32, #tpu.memory_space<vmem>>) dst(%dma_wait3A_36 : memref<320x128xf32, #tpu.memory_space<hbm>>)
      tpu.yield
    }) : () -> ()
    return
  }
}

#map = affine_map<(d0, d1) -> (0, 0)>
module attributes {stable_mosaic.version = 14 : i64} {
  func.func @_k_final(%arg0: i32, %arg1: i32, %arg2: memref<10240x128xf32, #tpu.memory_space<hbm>>, %arg3: memref<10240x128xf32, #tpu.memory_space<hbm>>, %arg4: memref<10240x128xf32, #tpu.memory_space<hbm>>, %arg5: memref<10240x128xf32, #tpu.memory_space<hbm>>, %arg6: memref<10240x128xf32, #tpu.memory_space<hbm>>, %arg7: memref<320x128xf32, #tpu.memory_space<vmem>>, %arg8: memref<320x128xf32, #tpu.memory_space<vmem>>) attributes {dimension_semantics = [#tpu.dimension_semantics<core_parallel>, #tpu.dimension_semantics<subcore_parallel>], iteration_bounds = array<i64: 2, 16>, scalar_prefetch = 0 : i64, scratch_operands = 2 : i64, tpu.core_type = #tpu.core_type<sc_vector_subcore>, window_params = [{transform_indices = #map}, {transform_indices = #map}, {transform_indices = #map}, {transform_indices = #map}, {transform_indices = #map}]} {
    %mul3A = arith.constant 16 : i32
    %mul3A_0 = arith.muli %arg0, %mul3A : i32
    %add3A = arith.addi %mul3A_0, %arg1 : i32
    %mul3A_1 = arith.constant 320 : i32
    %mul3A_2 = arith.muli %add3A, %mul3A_1 : i32
    "tpu.region"() ({
      %run_scoped3A = tpu.sem_alloc : memref<!tpu.dma_semaphore, #tpu.memory_space<semaphore_mem>>
      %dma_start3A = arith.constant 0 : i32
      %dma_start3A_22 = tpu.memref_slice %arg2[%mul3A_2, %dma_start3A] : memref<10240x128xf32, #tpu.memory_space<hbm>> -> memref<320x128xf32, #tpu.memory_space<hbm>>
      %dma_start3A_23 = arith.constant 0 : i32
      %dma_start3A_24 = tpu.memref_slice %arg2[%mul3A_2, %dma_start3A_23] : memref<10240x128xf32, #tpu.memory_space<hbm>> -> memref<320x128xf32, #tpu.memory_space<hbm>>
      tpu.enqueue_dma source(%dma_start3A_24 : memref<320x128xf32, #tpu.memory_space<hbm>>) target(%arg7 : memref<320x128xf32, #tpu.memory_space<vmem>>) target_semaphore(%run_scoped3A : memref<!tpu.dma_semaphore, #tpu.memory_space<semaphore_mem>>)
      %dma_wait3A = arith.constant 0 : i32
      %dma_wait3A_25 = tpu.memref_slice %arg2[%mul3A_2, %dma_wait3A] : memref<10240x128xf32, #tpu.memory_space<hbm>> -> memref<320x128xf32, #tpu.memory_space<hbm>>
      %dma_wait3A_26 = arith.constant 0 : i32
      %dma_wait3A_27 = tpu.memref_slice %arg2[%mul3A_2, %dma_wait3A_26] : memref<10240x128xf32, #tpu.memory_space<hbm>> -> memref<320x128xf32, #tpu.memory_space<hbm>>
      tpu.wait_dma2 semaphore(%run_scoped3A : memref<!tpu.dma_semaphore, #tpu.memory_space<semaphore_mem>>) src(%dma_wait3A_27 : memref<320x128xf32, #tpu.memory_space<hbm>>) dst(%arg7 : memref<320x128xf32, #tpu.memory_space<vmem>>)
      tpu.yield
    }) : () -> ()
    "tpu.region"() ({
      %run_scoped3A = tpu.sem_alloc : memref<!tpu.dma_semaphore, #tpu.memory_space<semaphore_mem>>
      %dma_start3A = arith.constant 0 : i32
      %dma_start3A_22 = tpu.memref_slice %arg3[%mul3A_2, %dma_start3A] : memref<10240x128xf32, #tpu.memory_space<hbm>> -> memref<320x128xf32, #tpu.memory_space<hbm>>
      %dma_start3A_23 = arith.constant 0 : i32
      %dma_start3A_24 = tpu.memref_slice %arg3[%mul3A_2, %dma_start3A_23] : memref<10240x128xf32, #tpu.memory_space<hbm>> -> memref<320x128xf32, #tpu.memory_space<hbm>>
      tpu.enqueue_dma source(%dma_start3A_24 : memref<320x128xf32, #tpu.memory_space<hbm>>) target(%arg8 : memref<320x128xf32, #tpu.memory_space<vmem>>) target_semaphore(%run_scoped3A : memref<!tpu.dma_semaphore, #tpu.memory_space<semaphore_mem>>)
      %dma_wait3A = arith.constant 0 : i32
      %dma_wait3A_25 = tpu.memref_slice %arg3[%mul3A_2, %dma_wait3A] : memref<10240x128xf32, #tpu.memory_space<hbm>> -> memref<320x128xf32, #tpu.memory_space<hbm>>
      %dma_wait3A_26 = arith.constant 0 : i32
      %dma_wait3A_27 = tpu.memref_slice %arg3[%mul3A_2, %dma_wait3A_26] : memref<10240x128xf32, #tpu.memory_space<hbm>> -> memref<320x128xf32, #tpu.memory_space<hbm>>
      tpu.wait_dma2 semaphore(%run_scoped3A : memref<!tpu.dma_semaphore, #tpu.memory_space<semaphore_mem>>) src(%dma_wait3A_27 : memref<320x128xf32, #tpu.memory_space<hbm>>) dst(%arg8 : memref<320x128xf32, #tpu.memory_space<vmem>>)
      tpu.yield
    }) : () -> ()
    %scan3A = arith.constant 0 : i32
    %scan3A_3 = arith.constant 320 : i32
    %scan3A_4 = arith.addi %scan3A, %scan3A_3 : i32
    %scan3A_5 = arith.constant 1 : i32
    scf.for %scan3A_22 = %scan3A to %scan3A_4 step %scan3A_5  : i32 {
      %mul3A_23 = arith.constant 1 : i32
      %mul3A_24 = arith.muli %scan3A_22, %mul3A_23 : i32
      %add3A_25 = arith.constant 0 : i32
      %add3A_26 = arith.addi %add3A_25, %mul3A_24 : i32
      %get3A = arith.index_cast %add3A_26 : i32 to index
      %get3A_27 = arith.constant 0 : index
      %get3A_28 = tpu.vector_load %arg7[%get3A, %get3A_27] {strides = array<i32>} : memref<320x128xf32, #tpu.memory_space<vmem>>, vector<1x16xf32>,
      %get3A_29 = vector.shape_cast %get3A_28 : vector<1x16xf32> to vector<16xf32>
      %get3A_30 = arith.index_cast %add3A_26 : i32 to index
      %get3A_31 = arith.constant 0 : index
      %get3A_32 = tpu.vector_load %arg8[%get3A_30, %get3A_31] {strides = array<i32>} : memref<320x128xf32, #tpu.memory_space<vmem>>, vector<1x16xf32>,
      %get3A_33 = vector.shape_cast %get3A_32 : vector<1x16xf32> to vector<16xf32>
      %add3A_34 = arith.addf %get3A_29, %get3A_33 : vector<16xf32>
      %swap3A = arith.index_cast %add3A_26 : i32 to index
      %swap3A_35 = arith.constant 0 : index
      %swap3A_36 = tpu.vector_load %arg7[%swap3A, %swap3A_35] {strides = array<i32>} : memref<320x128xf32, #tpu.memory_space<vmem>>, vector<1x16xf32>,
      %swap3A_37 = vector.shape_cast %swap3A_36 : vector<1x16xf32> to vector<16xf32>
      %swap3A_38 = vector.shape_cast %add3A_34 : vector<16xf32> to vector<1x16xf32>
      tpu.vector_store %arg7[%swap3A, %swap3A_35], %swap3A_38 {strides = array<i32>} : memref<320x128xf32, #tpu.memory_space<vmem>>, vector<1x16xf32>,
      %get3A_39 = arith.index_cast %add3A_26 : i32 to index
      %get3A_40 = arith.constant 16 : index
      %get3A_41 = tpu.vector_load %arg7[%get3A_39, %get3A_40] {strides = array<i32>} : memref<320x128xf32, #tpu.memory_space<vmem>>, vector<1x16xf32>,
      %get3A_42 = vector.shape_cast %get3A_41 : vector<1x16xf32> to vector<16xf32>
      %get3A_43 = arith.index_cast %add3A_26 : i32 to index
      %get3A_44 = arith.constant 16 : index
      %get3A_45 = tpu.vector_load %arg8[%get3A_43, %get3A_44] {strides = array<i32>} : memref<320x128xf32, #tpu.memory_space<vmem>>, vector<1x16xf32>,
      %get3A_46 = vector.shape_cast %get3A_45 : vector<1x16xf32> to vector<16xf32>
      %add3A_47 = arith.addf %get3A_42, %get3A_46 : vector<16xf32>
      %swap3A_48 = arith.index_cast %add3A_26 : i32 to index
      %swap3A_49 = arith.constant 16 : index
      %swap3A_50 = tpu.vector_load %arg7[%swap3A_48, %swap3A_49] {strides = array<i32>} : memref<320x128xf32, #tpu.memory_space<vmem>>, vector<1x16xf32>,
      %swap3A_51 = vector.shape_cast %swap3A_50 : vector<1x16xf32> to vector<16xf32>
      %swap3A_52 = vector.shape_cast %add3A_47 : vector<16xf32> to vector<1x16xf32>
      tpu.vector_store %arg7[%swap3A_48, %swap3A_49], %swap3A_52 {strides = array<i32>} : memref<320x128xf32, #tpu.memory_space<vmem>>, vector<1x16xf32>,
      %get3A_53 = arith.index_cast %add3A_26 : i32 to index
      %get3A_54 = arith.constant 32 : index
      %get3A_55 = tpu.vector_load %arg7[%get3A_53, %get3A_54] {strides = array<i32>} : memref<320x128xf32, #tpu.memory_space<vmem>>, vector<1x16xf32>,
      %get3A_56 = vector.shape_cast %get3A_55 : vector<1x16xf32> to vector<16xf32>
      %get3A_57 = arith.index_cast %add3A_26 : i32 to index
      %get3A_58 = arith.constant 32 : index
      %get3A_59 = tpu.vector_load %arg8[%get3A_57, %get3A_58] {strides = array<i32>} : memref<320x128xf32, #tpu.memory_space<vmem>>, vector<1x16xf32>,
      %get3A_60 = vector.shape_cast %get3A_59 : vector<1x16xf32> to vector<16xf32>
      %add3A_61 = arith.addf %get3A_56, %get3A_60 : vector<16xf32>
      %swap3A_62 = arith.index_cast %add3A_26 : i32 to index
      %swap3A_63 = arith.constant 32 : index
      %swap3A_64 = tpu.vector_load %arg7[%swap3A_62, %swap3A_63] {strides = array<i32>} : memref<320x128xf32, #tpu.memory_space<vmem>>, vector<1x16xf32>,
      %swap3A_65 = vector.shape_cast %swap3A_64 : vector<1x16xf32> to vector<16xf32>
      %swap3A_66 = vector.shape_cast %add3A_61 : vector<16xf32> to vector<1x16xf32>
      tpu.vector_store %arg7[%swap3A_62, %swap3A_63], %swap3A_66 {strides = array<i32>} : memref<320x128xf32, #tpu.memory_space<vmem>>, vector<1x16xf32>,
      %get3A_67 = arith.index_cast %add3A_26 : i32 to index
      %get3A_68 = arith.constant 48 : index
      %get3A_69 = tpu.vector_load %arg7[%get3A_67, %get3A_68] {strides = array<i32>} : memref<320x128xf32, #tpu.memory_space<vmem>>, vector<1x16xf32>,
      %get3A_70 = vector.shape_cast %get3A_69 : vector<1x16xf32> to vector<16xf32>
      %get3A_71 = arith.index_cast %add3A_26 : i32 to index
      %get3A_72 = arith.constant 48 : index
      %get3A_73 = tpu.vector_load %arg8[%get3A_71, %get3A_72] {strides = array<i32>} : memref<320x128xf32, #tpu.memory_space<vmem>>, vector<1x16xf32>,
      %get3A_74 = vector.shape_cast %get3A_73 : vector<1x16xf32> to vector<16xf32>
      %add3A_75 = arith.addf %get3A_70, %get3A_74 : vector<16xf32>
      %swap3A_76 = arith.index_cast %add3A_26 : i32 to index
      %swap3A_77 = arith.constant 48 : index
      %swap3A_78 = tpu.vector_load %arg7[%swap3A_76, %swap3A_77] {strides = array<i32>} : memref<320x128xf32, #tpu.memory_space<vmem>>, vector<1x16xf32>,
      %swap3A_79 = vector.shape_cast %swap3A_78 : vector<1x16xf32> to vector<16xf32>
      %swap3A_80 = vector.shape_cast %add3A_75 : vector<16xf32> to vector<1x16xf32>
      tpu.vector_store %arg7[%swap3A_76, %swap3A_77], %swap3A_80 {strides = array<i32>} : memref<320x128xf32, #tpu.memory_space<vmem>>, vector<1x16xf32>,
      %get3A_81 = arith.index_cast %add3A_26 : i32 to index
      %get3A_82 = arith.constant 64 : index
      %get3A_83 = tpu.vector_load %arg7[%get3A_81, %get3A_82] {strides = array<i32>} : memref<320x128xf32, #tpu.memory_space<vmem>>, vector<1x16xf32>,
      %get3A_84 = vector.shape_cast %get3A_83 : vector<1x16xf32> to vector<16xf32>
      %get3A_85 = arith.index_cast %add3A_26 : i32 to index
      %get3A_86 = arith.constant 64 : index
      %get3A_87 = tpu.vector_load %arg8[%get3A_85, %get3A_86] {strides = array<i32>} : memref<320x128xf32, #tpu.memory_space<vmem>>, vector<1x16xf32>,
      %get3A_88 = vector.shape_cast %get3A_87 : vector<1x16xf32> to vector<16xf32>
      %add3A_89 = arith.addf %get3A_84, %get3A_88 : vector<16xf32>
      %swap3A_90 = arith.index_cast %add3A_26 : i32 to index
      %swap3A_91 = arith.constant 64 : index
      %swap3A_92 = tpu.vector_load %arg7[%swap3A_90, %swap3A_91] {strides = array<i32>} : memref<320x128xf32, #tpu.memory_space<vmem>>, vector<1x16xf32>,
      %swap3A_93 = vector.shape_cast %swap3A_92 : vector<1x16xf32> to vector<16xf32>
      %swap3A_94 = vector.shape_cast %add3A_89 : vector<16xf32> to vector<1x16xf32>
      tpu.vector_store %arg7[%swap3A_90, %swap3A_91], %swap3A_94 {strides = array<i32>} : memref<320x128xf32, #tpu.memory_space<vmem>>, vector<1x16xf32>,
      %get3A_95 = arith.index_cast %add3A_26 : i32 to index
      %get3A_96 = arith.constant 80 : index
      %get3A_97 = tpu.vector_load %arg7[%get3A_95, %get3A_96] {strides = array<i32>} : memref<320x128xf32, #tpu.memory_space<vmem>>, vector<1x16xf32>,
      %get3A_98 = vector.shape_cast %get3A_97 : vector<1x16xf32> to vector<16xf32>
      %get3A_99 = arith.index_cast %add3A_26 : i32 to index
      %get3A_100 = arith.constant 80 : index
      %get3A_101 = tpu.vector_load %arg8[%get3A_99, %get3A_100] {strides = array<i32>} : memref<320x128xf32, #tpu.memory_space<vmem>>, vector<1x16xf32>,
      %get3A_102 = vector.shape_cast %get3A_101 : vector<1x16xf32> to vector<16xf32>
      %add3A_103 = arith.addf %get3A_98, %get3A_102 : vector<16xf32>
      %swap3A_104 = arith.index_cast %add3A_26 : i32 to index
      %swap3A_105 = arith.constant 80 : index
      %swap3A_106 = tpu.vector_load %arg7[%swap3A_104, %swap3A_105] {strides = array<i32>} : memref<320x128xf32, #tpu.memory_space<vmem>>, vector<1x16xf32>,
      %swap3A_107 = vector.shape_cast %swap3A_106 : vector<1x16xf32> to vector<16xf32>
      %swap3A_108 = vector.shape_cast %add3A_103 : vector<16xf32> to vector<1x16xf32>
      tpu.vector_store %arg7[%swap3A_104, %swap3A_105], %swap3A_108 {strides = array<i32>} : memref<320x128xf32, #tpu.memory_space<vmem>>, vector<1x16xf32>,
      %get3A_109 = arith.index_cast %add3A_26 : i32 to index
      %get3A_110 = arith.constant 96 : index
      %get3A_111 = tpu.vector_load %arg7[%get3A_109, %get3A_110] {strides = array<i32>} : memref<320x128xf32, #tpu.memory_space<vmem>>, vector<1x16xf32>,
      %get3A_112 = vector.shape_cast %get3A_111 : vector<1x16xf32> to vector<16xf32>
      %get3A_113 = arith.index_cast %add3A_26 : i32 to index
      %get3A_114 = arith.constant 96 : index
      %get3A_115 = tpu.vector_load %arg8[%get3A_113, %get3A_114] {strides = array<i32>} : memref<320x128xf32, #tpu.memory_space<vmem>>, vector<1x16xf32>,
      %get3A_116 = vector.shape_cast %get3A_115 : vector<1x16xf32> to vector<16xf32>
      %add3A_117 = arith.addf %get3A_112, %get3A_116 : vector<16xf32>
      %swap3A_118 = arith.index_cast %add3A_26 : i32 to index
      %swap3A_119 = arith.constant 96 : index
      %swap3A_120 = tpu.vector_load %arg7[%swap3A_118, %swap3A_119] {strides = array<i32>} : memref<320x128xf32, #tpu.memory_space<vmem>>, vector<1x16xf32>,
      %swap3A_121 = vector.shape_cast %swap3A_120 : vector<1x16xf32> to vector<16xf32>
      %swap3A_122 = vector.shape_cast %add3A_117 : vector<16xf32> to vector<1x16xf32>
      tpu.vector_store %arg7[%swap3A_118, %swap3A_119], %swap3A_122 {strides = array<i32>} : memref<320x128xf32, #tpu.memory_space<vmem>>, vector<1x16xf32>,
      %get3A_123 = arith.index_cast %add3A_26 : i32 to index
      %get3A_124 = arith.constant 112 : index
      %get3A_125 = tpu.vector_load %arg7[%get3A_123, %get3A_124] {strides = array<i32>} : memref<320x128xf32, #tpu.memory_space<vmem>>, vector<1x16xf32>,
      %get3A_126 = vector.shape_cast %get3A_125 : vector<1x16xf32> to vector<16xf32>
      %get3A_127 = arith.index_cast %add3A_26 : i32 to index
      %get3A_128 = arith.constant 112 : index
      %get3A_129 = tpu.vector_load %arg8[%get3A_127, %get3A_128] {strides = array<i32>} : memref<320x128xf32, #tpu.memory_space<vmem>>, vector<1x16xf32>,
      %get3A_130 = vector.shape_cast %get3A_129 : vector<1x16xf32> to vector<16xf32>
      %add3A_131 = arith.addf %get3A_126, %get3A_130 : vector<16xf32>
      %swap3A_132 = arith.index_cast %add3A_26 : i32 to index
      %swap3A_133 = arith.constant 112 : index
      %swap3A_134 = tpu.vector_load %arg7[%swap3A_132, %swap3A_133] {strides = array<i32>} : memref<320x128xf32, #tpu.memory_space<vmem>>, vector<1x16xf32>,
      %swap3A_135 = vector.shape_cast %swap3A_134 : vector<1x16xf32> to vector<16xf32>
      %swap3A_136 = vector.shape_cast %add3A_131 : vector<16xf32> to vector<1x16xf32>
      tpu.vector_store %arg7[%swap3A_132, %swap3A_133], %swap3A_136 {strides = array<i32>} : memref<320x128xf32, #tpu.memory_space<vmem>>, vector<1x16xf32>,
    }
    %scan3A_6 = arith.constant 320 : i32
    "tpu.region"() ({
      %run_scoped3A = tpu.sem_alloc : memref<!tpu.dma_semaphore, #tpu.memory_space<semaphore_mem>>
      %dma_start3A = arith.constant 0 : i32
      %dma_start3A_22 = tpu.memref_slice %arg4[%mul3A_2, %dma_start3A] : memref<10240x128xf32, #tpu.memory_space<hbm>> -> memref<320x128xf32, #tpu.memory_space<hbm>>
      %dma_start3A_23 = arith.constant 0 : i32
      %dma_start3A_24 = tpu.memref_slice %arg4[%mul3A_2, %dma_start3A_23] : memref<10240x128xf32, #tpu.memory_space<hbm>> -> memref<320x128xf32, #tpu.memory_space<hbm>>
      tpu.enqueue_dma source(%dma_start3A_24 : memref<320x128xf32, #tpu.memory_space<hbm>>) target(%arg8 : memref<320x128xf32, #tpu.memory_space<vmem>>) target_semaphore(%run_scoped3A : memref<!tpu.dma_semaphore, #tpu.memory_space<semaphore_mem>>)
      %dma_wait3A = arith.constant 0 : i32
      %dma_wait3A_25 = tpu.memref_slice %arg4[%mul3A_2, %dma_wait3A] : memref<10240x128xf32, #tpu.memory_space<hbm>> -> memref<320x128xf32, #tpu.memory_space<hbm>>
      %dma_wait3A_26 = arith.constant 0 : i32
      %dma_wait3A_27 = tpu.memref_slice %arg4[%mul3A_2, %dma_wait3A_26] : memref<10240x128xf32, #tpu.memory_space<hbm>> -> memref<320x128xf32, #tpu.memory_space<hbm>>
      tpu.wait_dma2 semaphore(%run_scoped3A : memref<!tpu.dma_semaphore, #tpu.memory_space<semaphore_mem>>) src(%dma_wait3A_27 : memref<320x128xf32, #tpu.memory_space<hbm>>) dst(%arg8 : memref<320x128xf32, #tpu.memory_space<vmem>>)
      tpu.yield
    }) : () -> ()
    %scan3A_7 = arith.constant 0 : i32
    %scan3A_8 = arith.constant 320 : i32
    %scan3A_9 = arith.addi %scan3A_7, %scan3A_8 : i32
    %scan3A_10 = arith.constant 1 : i32
    scf.for %scan3A_22 = %scan3A_7 to %scan3A_9 step %scan3A_10  : i32 {
      %mul3A_23 = arith.constant 1 : i32
      %mul3A_24 = arith.muli %scan3A_22, %mul3A_23 : i32
      %add3A_25 = arith.constant 0 : i32
      %add3A_26 = arith.addi %add3A_25, %mul3A_24 : i32
      %get3A = arith.index_cast %add3A_26 : i32 to index
      %get3A_27 = arith.constant 0 : index
      %get3A_28 = tpu.vector_load %arg7[%get3A, %get3A_27] {strides = array<i32>} : memref<320x128xf32, #tpu.memory_space<vmem>>, vector<1x16xf32>,
      %get3A_29 = vector.shape_cast %get3A_28 : vector<1x16xf32> to vector<16xf32>
      %get3A_30 = arith.index_cast %add3A_26 : i32 to index
      %get3A_31 = arith.constant 0 : index
      %get3A_32 = tpu.vector_load %arg8[%get3A_30, %get3A_31] {strides = array<i32>} : memref<320x128xf32, #tpu.memory_space<vmem>>, vector<1x16xf32>,
      %get3A_33 = vector.shape_cast %get3A_32 : vector<1x16xf32> to vector<16xf32>
      %add3A_34 = arith.addf %get3A_29, %get3A_33 : vector<16xf32>
      %swap3A = arith.index_cast %add3A_26 : i32 to index
      %swap3A_35 = arith.constant 0 : index
      %swap3A_36 = tpu.vector_load %arg7[%swap3A, %swap3A_35] {strides = array<i32>} : memref<320x128xf32, #tpu.memory_space<vmem>>, vector<1x16xf32>,
      %swap3A_37 = vector.shape_cast %swap3A_36 : vector<1x16xf32> to vector<16xf32>
      %swap3A_38 = vector.shape_cast %add3A_34 : vector<16xf32> to vector<1x16xf32>
      tpu.vector_store %arg7[%swap3A, %swap3A_35], %swap3A_38 {strides = array<i32>} : memref<320x128xf32, #tpu.memory_space<vmem>>, vector<1x16xf32>,
      %get3A_39 = arith.index_cast %add3A_26 : i32 to index
      %get3A_40 = arith.constant 16 : index
      %get3A_41 = tpu.vector_load %arg7[%get3A_39, %get3A_40] {strides = array<i32>} : memref<320x128xf32, #tpu.memory_space<vmem>>, vector<1x16xf32>,
      %get3A_42 = vector.shape_cast %get3A_41 : vector<1x16xf32> to vector<16xf32>
      %get3A_43 = arith.index_cast %add3A_26 : i32 to index
      %get3A_44 = arith.constant 16 : index
      %get3A_45 = tpu.vector_load %arg8[%get3A_43, %get3A_44] {strides = array<i32>} : memref<320x128xf32, #tpu.memory_space<vmem>>, vector<1x16xf32>,
      %get3A_46 = vector.shape_cast %get3A_45 : vector<1x16xf32> to vector<16xf32>
      %add3A_47 = arith.addf %get3A_42, %get3A_46 : vector<16xf32>
      %swap3A_48 = arith.index_cast %add3A_26 : i32 to index
      %swap3A_49 = arith.constant 16 : index
      %swap3A_50 = tpu.vector_load %arg7[%swap3A_48, %swap3A_49] {strides = array<i32>} : memref<320x128xf32, #tpu.memory_space<vmem>>, vector<1x16xf32>,
      %swap3A_51 = vector.shape_cast %swap3A_50 : vector<1x16xf32> to vector<16xf32>
      %swap3A_52 = vector.shape_cast %add3A_47 : vector<16xf32> to vector<1x16xf32>
      tpu.vector_store %arg7[%swap3A_48, %swap3A_49], %swap3A_52 {strides = array<i32>} : memref<320x128xf32, #tpu.memory_space<vmem>>, vector<1x16xf32>,
      %get3A_53 = arith.index_cast %add3A_26 : i32 to index
      %get3A_54 = arith.constant 32 : index
      %get3A_55 = tpu.vector_load %arg7[%get3A_53, %get3A_54] {strides = array<i32>} : memref<320x128xf32, #tpu.memory_space<vmem>>, vector<1x16xf32>,
      %get3A_56 = vector.shape_cast %get3A_55 : vector<1x16xf32> to vector<16xf32>
      %get3A_57 = arith.index_cast %add3A_26 : i32 to index
      %get3A_58 = arith.constant 32 : index
      %get3A_59 = tpu.vector_load %arg8[%get3A_57, %get3A_58] {strides = array<i32>} : memref<320x128xf32, #tpu.memory_space<vmem>>, vector<1x16xf32>,
      %get3A_60 = vector.shape_cast %get3A_59 : vector<1x16xf32> to vector<16xf32>
      %add3A_61 = arith.addf %get3A_56, %get3A_60 : vector<16xf32>
      %swap3A_62 = arith.index_cast %add3A_26 : i32 to index
      %swap3A_63 = arith.constant 32 : index
      %swap3A_64 = tpu.vector_load %arg7[%swap3A_62, %swap3A_63] {strides = array<i32>} : memref<320x128xf32, #tpu.memory_space<vmem>>, vector<1x16xf32>,
      %swap3A_65 = vector.shape_cast %swap3A_64 : vector<1x16xf32> to vector<16xf32>
      %swap3A_66 = vector.shape_cast %add3A_61 : vector<16xf32> to vector<1x16xf32>
      tpu.vector_store %arg7[%swap3A_62, %swap3A_63], %swap3A_66 {strides = array<i32>} : memref<320x128xf32, #tpu.memory_space<vmem>>, vector<1x16xf32>,
      %get3A_67 = arith.index_cast %add3A_26 : i32 to index
      %get3A_68 = arith.constant 48 : index
      %get3A_69 = tpu.vector_load %arg7[%get3A_67, %get3A_68] {strides = array<i32>} : memref<320x128xf32, #tpu.memory_space<vmem>>, vector<1x16xf32>,
      %get3A_70 = vector.shape_cast %get3A_69 : vector<1x16xf32> to vector<16xf32>
      %get3A_71 = arith.index_cast %add3A_26 : i32 to index
      %get3A_72 = arith.constant 48 : index
      %get3A_73 = tpu.vector_load %arg8[%get3A_71, %get3A_72] {strides = array<i32>} : memref<320x128xf32, #tpu.memory_space<vmem>>, vector<1x16xf32>,
      %get3A_74 = vector.shape_cast %get3A_73 : vector<1x16xf32> to vector<16xf32>
      %add3A_75 = arith.addf %get3A_70, %get3A_74 : vector<16xf32>
      %swap3A_76 = arith.index_cast %add3A_26 : i32 to index
      %swap3A_77 = arith.constant 48 : index
      %swap3A_78 = tpu.vector_load %arg7[%swap3A_76, %swap3A_77] {strides = array<i32>} : memref<320x128xf32, #tpu.memory_space<vmem>>, vector<1x16xf32>,
      %swap3A_79 = vector.shape_cast %swap3A_78 : vector<1x16xf32> to vector<16xf32>
      %swap3A_80 = vector.shape_cast %add3A_75 : vector<16xf32> to vector<1x16xf32>
      tpu.vector_store %arg7[%swap3A_76, %swap3A_77], %swap3A_80 {strides = array<i32>} : memref<320x128xf32, #tpu.memory_space<vmem>>, vector<1x16xf32>,
      %get3A_81 = arith.index_cast %add3A_26 : i32 to index
      %get3A_82 = arith.constant 64 : index
      %get3A_83 = tpu.vector_load %arg7[%get3A_81, %get3A_82] {strides = array<i32>} : memref<320x128xf32, #tpu.memory_space<vmem>>, vector<1x16xf32>,
      %get3A_84 = vector.shape_cast %get3A_83 : vector<1x16xf32> to vector<16xf32>
      %get3A_85 = arith.index_cast %add3A_26 : i32 to index
      %get3A_86 = arith.constant 64 : index
      %get3A_87 = tpu.vector_load %arg8[%get3A_85, %get3A_86] {strides = array<i32>} : memref<320x128xf32, #tpu.memory_space<vmem>>, vector<1x16xf32>,
      %get3A_88 = vector.shape_cast %get3A_87 : vector<1x16xf32> to vector<16xf32>
      %add3A_89 = arith.addf %get3A_84, %get3A_88 : vector<16xf32>
      %swap3A_90 = arith.index_cast %add3A_26 : i32 to index
      %swap3A_91 = arith.constant 64 : index
      %swap3A_92 = tpu.vector_load %arg7[%swap3A_90, %swap3A_91] {strides = array<i32>} : memref<320x128xf32, #tpu.memory_space<vmem>>, vector<1x16xf32>,
      %swap3A_93 = vector.shape_cast %swap3A_92 : vector<1x16xf32> to vector<16xf32>
      %swap3A_94 = vector.shape_cast %add3A_89 : vector<16xf32> to vector<1x16xf32>
      tpu.vector_store %arg7[%swap3A_90, %swap3A_91], %swap3A_94 {strides = array<i32>} : memref<320x128xf32, #tpu.memory_space<vmem>>, vector<1x16xf32>,
      %get3A_95 = arith.index_cast %add3A_26 : i32 to index
      %get3A_96 = arith.constant 80 : index
      %get3A_97 = tpu.vector_load %arg7[%get3A_95, %get3A_96] {strides = array<i32>} : memref<320x128xf32, #tpu.memory_space<vmem>>, vector<1x16xf32>,
      %get3A_98 = vector.shape_cast %get3A_97 : vector<1x16xf32> to vector<16xf32>
      %get3A_99 = arith.index_cast %add3A_26 : i32 to index
      %get3A_100 = arith.constant 80 : index
      %get3A_101 = tpu.vector_load %arg8[%get3A_99, %get3A_100] {strides = array<i32>} : memref<320x128xf32, #tpu.memory_space<vmem>>, vector<1x16xf32>,
      %get3A_102 = vector.shape_cast %get3A_101 : vector<1x16xf32> to vector<16xf32>
      %add3A_103 = arith.addf %get3A_98, %get3A_102 : vector<16xf32>
      %swap3A_104 = arith.index_cast %add3A_26 : i32 to index
      %swap3A_105 = arith.constant 80 : index
      %swap3A_106 = tpu.vector_load %arg7[%swap3A_104, %swap3A_105] {strides = array<i32>} : memref<320x128xf32, #tpu.memory_space<vmem>>, vector<1x16xf32>,
      %swap3A_107 = vector.shape_cast %swap3A_106 : vector<1x16xf32> to vector<16xf32>
      %swap3A_108 = vector.shape_cast %add3A_103 : vector<16xf32> to vector<1x16xf32>
      tpu.vector_store %arg7[%swap3A_104, %swap3A_105], %swap3A_108 {strides = array<i32>} : memref<320x128xf32, #tpu.memory_space<vmem>>, vector<1x16xf32>,
      %get3A_109 = arith.index_cast %add3A_26 : i32 to index
      %get3A_110 = arith.constant 96 : index
      %get3A_111 = tpu.vector_load %arg7[%get3A_109, %get3A_110] {strides = array<i32>} : memref<320x128xf32, #tpu.memory_space<vmem>>, vector<1x16xf32>,
      %get3A_112 = vector.shape_cast %get3A_111 : vector<1x16xf32> to vector<16xf32>
      %get3A_113 = arith.index_cast %add3A_26 : i32 to index
      %get3A_114 = arith.constant 96 : index
      %get3A_115 = tpu.vector_load %arg8[%get3A_113, %get3A_114] {strides = array<i32>} : memref<320x128xf32, #tpu.memory_space<vmem>>, vector<1x16xf32>,
      %get3A_116 = vector.shape_cast %get3A_115 : vector<1x16xf32> to vector<16xf32>
      %add3A_117 = arith.addf %get3A_112, %get3A_116 : vector<16xf32>
      %swap3A_118 = arith.index_cast %add3A_26 : i32 to index
      %swap3A_119 = arith.constant 96 : index
      %swap3A_120 = tpu.vector_load %arg7[%swap3A_118, %swap3A_119] {strides = array<i32>} : memref<320x128xf32, #tpu.memory_space<vmem>>, vector<1x16xf32>,
      %swap3A_121 = vector.shape_cast %swap3A_120 : vector<1x16xf32> to vector<16xf32>
      %swap3A_122 = vector.shape_cast %add3A_117 : vector<16xf32> to vector<1x16xf32>
      tpu.vector_store %arg7[%swap3A_118, %swap3A_119], %swap3A_122 {strides = array<i32>} : memref<320x128xf32, #tpu.memory_space<vmem>>, vector<1x16xf32>,
      %get3A_123 = arith.index_cast %add3A_26 : i32 to index
      %get3A_124 = arith.constant 112 : index
      %get3A_125 = tpu.vector_load %arg7[%get3A_123, %get3A_124] {strides = array<i32>} : memref<320x128xf32, #tpu.memory_space<vmem>>, vector<1x16xf32>,
      %get3A_126 = vector.shape_cast %get3A_125 : vector<1x16xf32> to vector<16xf32>
      %get3A_127 = arith.index_cast %add3A_26 : i32 to index
      %get3A_128 = arith.constant 112 : index
      %get3A_129 = tpu.vector_load %arg8[%get3A_127, %get3A_128] {strides = array<i32>} : memref<320x128xf32, #tpu.memory_space<vmem>>, vector<1x16xf32>,
      %get3A_130 = vector.shape_cast %get3A_129 : vector<1x16xf32> to vector<16xf32>
      %add3A_131 = arith.addf %get3A_126, %get3A_130 : vector<16xf32>
      %swap3A_132 = arith.index_cast %add3A_26 : i32 to index
      %swap3A_133 = arith.constant 112 : index
      %swap3A_134 = tpu.vector_load %arg7[%swap3A_132, %swap3A_133] {strides = array<i32>} : memref<320x128xf32, #tpu.memory_space<vmem>>, vector<1x16xf32>,
      %swap3A_135 = vector.shape_cast %swap3A_134 : vector<1x16xf32> to vector<16xf32>
      %swap3A_136 = vector.shape_cast %add3A_131 : vector<16xf32> to vector<1x16xf32>
      tpu.vector_store %arg7[%swap3A_132, %swap3A_133], %swap3A_136 {strides = array<i32>} : memref<320x128xf32, #tpu.memory_space<vmem>>, vector<1x16xf32>,
    }
    %scan3A_11 = arith.constant 320 : i32
    "tpu.region"() ({
      %run_scoped3A = tpu.sem_alloc : memref<!tpu.dma_semaphore, #tpu.memory_space<semaphore_mem>>
      %dma_start3A = arith.constant 0 : i32
      %dma_start3A_22 = tpu.memref_slice %arg5[%mul3A_2, %dma_start3A] : memref<10240x128xf32, #tpu.memory_space<hbm>> -> memref<320x128xf32, #tpu.memory_space<hbm>>
      %dma_start3A_23 = arith.constant 0 : i32
      %dma_start3A_24 = tpu.memref_slice %arg5[%mul3A_2, %dma_start3A_23] : memref<10240x128xf32, #tpu.memory_space<hbm>> -> memref<320x128xf32, #tpu.memory_space<hbm>>
      tpu.enqueue_dma source(%dma_start3A_24 : memref<320x128xf32, #tpu.memory_space<hbm>>) target(%arg8 : memref<320x128xf32, #tpu.memory_space<vmem>>) target_semaphore(%run_scoped3A : memref<!tpu.dma_semaphore, #tpu.memory_space<semaphore_mem>>)
      %dma_wait3A = arith.constant 0 : i32
      %dma_wait3A_25 = tpu.memref_slice %arg5[%mul3A_2, %dma_wait3A] : memref<10240x128xf32, #tpu.memory_space<hbm>> -> memref<320x128xf32, #tpu.memory_space<hbm>>
      %dma_wait3A_26 = arith.constant 0 : i32
      %dma_wait3A_27 = tpu.memref_slice %arg5[%mul3A_2, %dma_wait3A_26] : memref<10240x128xf32, #tpu.memory_space<hbm>> -> memref<320x128xf32, #tpu.memory_space<hbm>>
      tpu.wait_dma2 semaphore(%run_scoped3A : memref<!tpu.dma_semaphore, #tpu.memory_space<semaphore_mem>>) src(%dma_wait3A_27 : memref<320x128xf32, #tpu.memory_space<hbm>>) dst(%arg8 : memref<320x128xf32, #tpu.memory_space<vmem>>)
      tpu.yield
    }) : () -> ()
    %scan3A_12 = arith.constant 0 : i32
    %scan3A_13 = arith.constant 320 : i32
    %scan3A_14 = arith.addi %scan3A_12, %scan3A_13 : i32
    %scan3A_15 = arith.constant 1 : i32
    scf.for %scan3A_22 = %scan3A_12 to %scan3A_14 step %scan3A_15  : i32 {
      %mul3A_23 = arith.constant 1 : i32
      %mul3A_24 = arith.muli %scan3A_22, %mul3A_23 : i32
      %add3A_25 = arith.constant 0 : i32
      %add3A_26 = arith.addi %add3A_25, %mul3A_24 : i32
      %get3A = arith.index_cast %add3A_26 : i32 to index
      %get3A_27 = arith.constant 0 : index
      %get3A_28 = tpu.vector_load %arg7[%get3A, %get3A_27] {strides = array<i32>} : memref<320x128xf32, #tpu.memory_space<vmem>>, vector<1x16xf32>,
      %get3A_29 = vector.shape_cast %get3A_28 : vector<1x16xf32> to vector<16xf32>
      %get3A_30 = arith.index_cast %add3A_26 : i32 to index
      %get3A_31 = arith.constant 0 : index
      %get3A_32 = tpu.vector_load %arg8[%get3A_30, %get3A_31] {strides = array<i32>} : memref<320x128xf32, #tpu.memory_space<vmem>>, vector<1x16xf32>,
      %get3A_33 = vector.shape_cast %get3A_32 : vector<1x16xf32> to vector<16xf32>
      %add3A_34 = arith.addf %get3A_29, %get3A_33 : vector<16xf32>
      %swap3A = arith.index_cast %add3A_26 : i32 to index
      %swap3A_35 = arith.constant 0 : index
      %swap3A_36 = tpu.vector_load %arg7[%swap3A, %swap3A_35] {strides = array<i32>} : memref<320x128xf32, #tpu.memory_space<vmem>>, vector<1x16xf32>,
      %swap3A_37 = vector.shape_cast %swap3A_36 : vector<1x16xf32> to vector<16xf32>
      %swap3A_38 = vector.shape_cast %add3A_34 : vector<16xf32> to vector<1x16xf32>
      tpu.vector_store %arg7[%swap3A, %swap3A_35], %swap3A_38 {strides = array<i32>} : memref<320x128xf32, #tpu.memory_space<vmem>>, vector<1x16xf32>,
      %get3A_39 = arith.index_cast %add3A_26 : i32 to index
      %get3A_40 = arith.constant 16 : index
      %get3A_41 = tpu.vector_load %arg7[%get3A_39, %get3A_40] {strides = array<i32>} : memref<320x128xf32, #tpu.memory_space<vmem>>, vector<1x16xf32>,
      %get3A_42 = vector.shape_cast %get3A_41 : vector<1x16xf32> to vector<16xf32>
      %get3A_43 = arith.index_cast %add3A_26 : i32 to index
      %get3A_44 = arith.constant 16 : index
      %get3A_45 = tpu.vector_load %arg8[%get3A_43, %get3A_44] {strides = array<i32>} : memref<320x128xf32, #tpu.memory_space<vmem>>, vector<1x16xf32>,
      %get3A_46 = vector.shape_cast %get3A_45 : vector<1x16xf32> to vector<16xf32>
      %add3A_47 = arith.addf %get3A_42, %get3A_46 : vector<16xf32>
      %swap3A_48 = arith.index_cast %add3A_26 : i32 to index
      %swap3A_49 = arith.constant 16 : index
      %swap3A_50 = tpu.vector_load %arg7[%swap3A_48, %swap3A_49] {strides = array<i32>} : memref<320x128xf32, #tpu.memory_space<vmem>>, vector<1x16xf32>,
      %swap3A_51 = vector.shape_cast %swap3A_50 : vector<1x16xf32> to vector<16xf32>
      %swap3A_52 = vector.shape_cast %add3A_47 : vector<16xf32> to vector<1x16xf32>
      tpu.vector_store %arg7[%swap3A_48, %swap3A_49], %swap3A_52 {strides = array<i32>} : memref<320x128xf32, #tpu.memory_space<vmem>>, vector<1x16xf32>,
      %get3A_53 = arith.index_cast %add3A_26 : i32 to index
      %get3A_54 = arith.constant 32 : index
      %get3A_55 = tpu.vector_load %arg7[%get3A_53, %get3A_54] {strides = array<i32>} : memref<320x128xf32, #tpu.memory_space<vmem>>, vector<1x16xf32>,
      %get3A_56 = vector.shape_cast %get3A_55 : vector<1x16xf32> to vector<16xf32>
      %get3A_57 = arith.index_cast %add3A_26 : i32 to index
      %get3A_58 = arith.constant 32 : index
      %get3A_59 = tpu.vector_load %arg8[%get3A_57, %get3A_58] {strides = array<i32>} : memref<320x128xf32, #tpu.memory_space<vmem>>, vector<1x16xf32>,
      %get3A_60 = vector.shape_cast %get3A_59 : vector<1x16xf32> to vector<16xf32>
      %add3A_61 = arith.addf %get3A_56, %get3A_60 : vector<16xf32>
      %swap3A_62 = arith.index_cast %add3A_26 : i32 to index
      %swap3A_63 = arith.constant 32 : index
      %swap3A_64 = tpu.vector_load %arg7[%swap3A_62, %swap3A_63] {strides = array<i32>} : memref<320x128xf32, #tpu.memory_space<vmem>>, vector<1x16xf32>,
      %swap3A_65 = vector.shape_cast %swap3A_64 : vector<1x16xf32> to vector<16xf32>
      %swap3A_66 = vector.shape_cast %add3A_61 : vector<16xf32> to vector<1x16xf32>
      tpu.vector_store %arg7[%swap3A_62, %swap3A_63], %swap3A_66 {strides = array<i32>} : memref<320x128xf32, #tpu.memory_space<vmem>>, vector<1x16xf32>,
      %get3A_67 = arith.index_cast %add3A_26 : i32 to index
      %get3A_68 = arith.constant 48 : index
      %get3A_69 = tpu.vector_load %arg7[%get3A_67, %get3A_68] {strides = array<i32>} : memref<320x128xf32, #tpu.memory_space<vmem>>, vector<1x16xf32>,
      %get3A_70 = vector.shape_cast %get3A_69 : vector<1x16xf32> to vector<16xf32>
      %get3A_71 = arith.index_cast %add3A_26 : i32 to index
      %get3A_72 = arith.constant 48 : index
      %get3A_73 = tpu.vector_load %arg8[%get3A_71, %get3A_72] {strides = array<i32>} : memref<320x128xf32, #tpu.memory_space<vmem>>, vector<1x16xf32>,
      %get3A_74 = vector.shape_cast %get3A_73 : vector<1x16xf32> to vector<16xf32>
      %add3A_75 = arith.addf %get3A_70, %get3A_74 : vector<16xf32>
      %swap3A_76 = arith.index_cast %add3A_26 : i32 to index
      %swap3A_77 = arith.constant 48 : index
      %swap3A_78 = tpu.vector_load %arg7[%swap3A_76, %swap3A_77] {strides = array<i32>} : memref<320x128xf32, #tpu.memory_space<vmem>>, vector<1x16xf32>,
      %swap3A_79 = vector.shape_cast %swap3A_78 : vector<1x16xf32> to vector<16xf32>
      %swap3A_80 = vector.shape_cast %add3A_75 : vector<16xf32> to vector<1x16xf32>
      tpu.vector_store %arg7[%swap3A_76, %swap3A_77], %swap3A_80 {strides = array<i32>} : memref<320x128xf32, #tpu.memory_space<vmem>>, vector<1x16xf32>,
      %get3A_81 = arith.index_cast %add3A_26 : i32 to index
      %get3A_82 = arith.constant 64 : index
      %get3A_83 = tpu.vector_load %arg7[%get3A_81, %get3A_82] {strides = array<i32>} : memref<320x128xf32, #tpu.memory_space<vmem>>, vector<1x16xf32>,
      %get3A_84 = vector.shape_cast %get3A_83 : vector<1x16xf32> to vector<16xf32>
      %get3A_85 = arith.index_cast %add3A_26 : i32 to index
      %get3A_86 = arith.constant 64 : index
      %get3A_87 = tpu.vector_load %arg8[%get3A_85, %get3A_86] {strides = array<i32>} : memref<320x128xf32, #tpu.memory_space<vmem>>, vector<1x16xf32>,
      %get3A_88 = vector.shape_cast %get3A_87 : vector<1x16xf32> to vector<16xf32>
      %add3A_89 = arith.addf %get3A_84, %get3A_88 : vector<16xf32>
      %swap3A_90 = arith.index_cast %add3A_26 : i32 to index
      %swap3A_91 = arith.constant 64 : index
      %swap3A_92 = tpu.vector_load %arg7[%swap3A_90, %swap3A_91] {strides = array<i32>} : memref<320x128xf32, #tpu.memory_space<vmem>>, vector<1x16xf32>,
      %swap3A_93 = vector.shape_cast %swap3A_92 : vector<1x16xf32> to vector<16xf32>
      %swap3A_94 = vector.shape_cast %add3A_89 : vector<16xf32> to vector<1x16xf32>
      tpu.vector_store %arg7[%swap3A_90, %swap3A_91], %swap3A_94 {strides = array<i32>} : memref<320x128xf32, #tpu.memory_space<vmem>>, vector<1x16xf32>,
      %get3A_95 = arith.index_cast %add3A_26 : i32 to index
      %get3A_96 = arith.constant 80 : index
      %get3A_97 = tpu.vector_load %arg7[%get3A_95, %get3A_96] {strides = array<i32>} : memref<320x128xf32, #tpu.memory_space<vmem>>, vector<1x16xf32>,
      %get3A_98 = vector.shape_cast %get3A_97 : vector<1x16xf32> to vector<16xf32>
      %get3A_99 = arith.index_cast %add3A_26 : i32 to index
      %get3A_100 = arith.constant 80 : index
      %get3A_101 = tpu.vector_load %arg8[%get3A_99, %get3A_100] {strides = array<i32>} : memref<320x128xf32, #tpu.memory_space<vmem>>, vector<1x16xf32>,
      %get3A_102 = vector.shape_cast %get3A_101 : vector<1x16xf32> to vector<16xf32>
      %add3A_103 = arith.addf %get3A_98, %get3A_102 : vector<16xf32>
      %swap3A_104 = arith.index_cast %add3A_26 : i32 to index
      %swap3A_105 = arith.constant 80 : index
      %swap3A_106 = tpu.vector_load %arg7[%swap3A_104, %swap3A_105] {strides = array<i32>} : memref<320x128xf32, #tpu.memory_space<vmem>>, vector<1x16xf32>,
      %swap3A_107 = vector.shape_cast %swap3A_106 : vector<1x16xf32> to vector<16xf32>
      %swap3A_108 = vector.shape_cast %add3A_103 : vector<16xf32> to vector<1x16xf32>
      tpu.vector_store %arg7[%swap3A_104, %swap3A_105], %swap3A_108 {strides = array<i32>} : memref<320x128xf32, #tpu.memory_space<vmem>>, vector<1x16xf32>,
      %get3A_109 = arith.index_cast %add3A_26 : i32 to index
      %get3A_110 = arith.constant 96 : index
      %get3A_111 = tpu.vector_load %arg7[%get3A_109, %get3A_110] {strides = array<i32>} : memref<320x128xf32, #tpu.memory_space<vmem>>, vector<1x16xf32>,
      %get3A_112 = vector.shape_cast %get3A_111 : vector<1x16xf32> to vector<16xf32>
      %get3A_113 = arith.index_cast %add3A_26 : i32 to index
      %get3A_114 = arith.constant 96 : index
      %get3A_115 = tpu.vector_load %arg8[%get3A_113, %get3A_114] {strides = array<i32>} : memref<320x128xf32, #tpu.memory_space<vmem>>, vector<1x16xf32>,
      %get3A_116 = vector.shape_cast %get3A_115 : vector<1x16xf32> to vector<16xf32>
      %add3A_117 = arith.addf %get3A_112, %get3A_116 : vector<16xf32>
      %swap3A_118 = arith.index_cast %add3A_26 : i32 to index
      %swap3A_119 = arith.constant 96 : index
      %swap3A_120 = tpu.vector_load %arg7[%swap3A_118, %swap3A_119] {strides = array<i32>} : memref<320x128xf32, #tpu.memory_space<vmem>>, vector<1x16xf32>,
      %swap3A_121 = vector.shape_cast %swap3A_120 : vector<1x16xf32> to vector<16xf32>
      %swap3A_122 = vector.shape_cast %add3A_117 : vector<16xf32> to vector<1x16xf32>
      tpu.vector_store %arg7[%swap3A_118, %swap3A_119], %swap3A_122 {strides = array<i32>} : memref<320x128xf32, #tpu.memory_space<vmem>>, vector<1x16xf32>,
      %get3A_123 = arith.index_cast %add3A_26 : i32 to index
      %get3A_124 = arith.constant 112 : index
      %get3A_125 = tpu.vector_load %arg7[%get3A_123, %get3A_124] {strides = array<i32>} : memref<320x128xf32, #tpu.memory_space<vmem>>, vector<1x16xf32>,
      %get3A_126 = vector.shape_cast %get3A_125 : vector<1x16xf32> to vector<16xf32>
      %get3A_127 = arith.index_cast %add3A_26 : i32 to index
      %get3A_128 = arith.constant 112 : index
      %get3A_129 = tpu.vector_load %arg8[%get3A_127, %get3A_128] {strides = array<i32>} : memref<320x128xf32, #tpu.memory_space<vmem>>, vector<1x16xf32>,
      %get3A_130 = vector.shape_cast %get3A_129 : vector<1x16xf32> to vector<16xf32>
      %add3A_131 = arith.addf %get3A_126, %get3A_130 : vector<16xf32>
      %swap3A_132 = arith.index_cast %add3A_26 : i32 to index
      %swap3A_133 = arith.constant 112 : index
      %swap3A_134 = tpu.vector_load %arg7[%swap3A_132, %swap3A_133] {strides = array<i32>} : memref<320x128xf32, #tpu.memory_space<vmem>>, vector<1x16xf32>,
      %swap3A_135 = vector.shape_cast %swap3A_134 : vector<1x16xf32> to vector<16xf32>
      %swap3A_136 = vector.shape_cast %add3A_131 : vector<16xf32> to vector<1x16xf32>
      tpu.vector_store %arg7[%swap3A_132, %swap3A_133], %swap3A_136 {strides = array<i32>} : memref<320x128xf32, #tpu.memory_space<vmem>>, vector<1x16xf32>,
    }
    %scan3A_16 = arith.constant 320 : i32
    %scan3A_17 = arith.constant 0 : i32
    %scan3A_18 = arith.constant 320 : i32
    %scan3A_19 = arith.addi %scan3A_17, %scan3A_18 : i32
    %scan3A_20 = arith.constant 1 : i32
    scf.for %scan3A_22 = %scan3A_17 to %scan3A_19 step %scan3A_20  : i32 {
      %mul3A_23 = arith.constant 1 : i32
      %mul3A_24 = arith.muli %scan3A_22, %mul3A_23 : i32
      %add3A_25 = arith.constant 0 : i32
      %add3A_26 = arith.addi %add3A_25, %mul3A_24 : i32
      %get3A = arith.index_cast %add3A_26 : i32 to index
      %get3A_27 = arith.constant 0 : index
      %get3A_28 = tpu.vector_load %arg7[%get3A, %get3A_27] {strides = array<i32>} : memref<320x128xf32, #tpu.memory_space<vmem>>, vector<1x16xf32>,
      %get3A_29 = vector.shape_cast %get3A_28 : vector<1x16xf32> to vector<16xf32>
      %mul3A_30 = arith.constant 2.500000e-01 : f32
      %mul3A_31 = vector.broadcast %mul3A_30 : f32 to vector<16xf32>
      %mul3A_32 = arith.mulf %get3A_29, %mul3A_31 : vector<16xf32>
      %swap3A = arith.index_cast %add3A_26 : i32 to index
      %swap3A_33 = arith.constant 0 : index
      %swap3A_34 = tpu.vector_load %arg7[%swap3A, %swap3A_33] {strides = array<i32>} : memref<320x128xf32, #tpu.memory_space<vmem>>, vector<1x16xf32>,
      %swap3A_35 = vector.shape_cast %swap3A_34 : vector<1x16xf32> to vector<16xf32>
      %swap3A_36 = vector.shape_cast %mul3A_32 : vector<16xf32> to vector<1x16xf32>
      tpu.vector_store %arg7[%swap3A, %swap3A_33], %swap3A_36 {strides = array<i32>} : memref<320x128xf32, #tpu.memory_space<vmem>>, vector<1x16xf32>,
      %get3A_37 = arith.index_cast %add3A_26 : i32 to index
      %get3A_38 = arith.constant 16 : index
      %get3A_39 = tpu.vector_load %arg7[%get3A_37, %get3A_38] {strides = array<i32>} : memref<320x128xf32, #tpu.memory_space<vmem>>, vector<1x16xf32>,
      %get3A_40 = vector.shape_cast %get3A_39 : vector<1x16xf32> to vector<16xf32>
      %mul3A_41 = arith.constant 2.500000e-01 : f32
      %mul3A_42 = vector.broadcast %mul3A_41 : f32 to vector<16xf32>
      %mul3A_43 = arith.mulf %get3A_40, %mul3A_42 : vector<16xf32>
      %swap3A_44 = arith.index_cast %add3A_26 : i32 to index
      %swap3A_45 = arith.constant 16 : index
      %swap3A_46 = tpu.vector_load %arg7[%swap3A_44, %swap3A_45] {strides = array<i32>} : memref<320x128xf32, #tpu.memory_space<vmem>>, vector<1x16xf32>,
      %swap3A_47 = vector.shape_cast %swap3A_46 : vector<1x16xf32> to vector<16xf32>
      %swap3A_48 = vector.shape_cast %mul3A_43 : vector<16xf32> to vector<1x16xf32>
      tpu.vector_store %arg7[%swap3A_44, %swap3A_45], %swap3A_48 {strides = array<i32>} : memref<320x128xf32, #tpu.memory_space<vmem>>, vector<1x16xf32>,
      %get3A_49 = arith.index_cast %add3A_26 : i32 to index
      %get3A_50 = arith.constant 32 : index
      %get3A_51 = tpu.vector_load %arg7[%get3A_49, %get3A_50] {strides = array<i32>} : memref<320x128xf32, #tpu.memory_space<vmem>>, vector<1x16xf32>,
      %get3A_52 = vector.shape_cast %get3A_51 : vector<1x16xf32> to vector<16xf32>
      %mul3A_53 = arith.constant 2.500000e-01 : f32
      %mul3A_54 = vector.broadcast %mul3A_53 : f32 to vector<16xf32>
      %mul3A_55 = arith.mulf %get3A_52, %mul3A_54 : vector<16xf32>
      %swap3A_56 = arith.index_cast %add3A_26 : i32 to index
      %swap3A_57 = arith.constant 32 : index
      %swap3A_58 = tpu.vector_load %arg7[%swap3A_56, %swap3A_57] {strides = array<i32>} : memref<320x128xf32, #tpu.memory_space<vmem>>, vector<1x16xf32>,
      %swap3A_59 = vector.shape_cast %swap3A_58 : vector<1x16xf32> to vector<16xf32>
      %swap3A_60 = vector.shape_cast %mul3A_55 : vector<16xf32> to vector<1x16xf32>
      tpu.vector_store %arg7[%swap3A_56, %swap3A_57], %swap3A_60 {strides = array<i32>} : memref<320x128xf32, #tpu.memory_space<vmem>>, vector<1x16xf32>,
      %get3A_61 = arith.index_cast %add3A_26 : i32 to index
      %get3A_62 = arith.constant 48 : index
      %get3A_63 = tpu.vector_load %arg7[%get3A_61, %get3A_62] {strides = array<i32>} : memref<320x128xf32, #tpu.memory_space<vmem>>, vector<1x16xf32>,
      %get3A_64 = vector.shape_cast %get3A_63 : vector<1x16xf32> to vector<16xf32>
      %mul3A_65 = arith.constant 2.500000e-01 : f32
      %mul3A_66 = vector.broadcast %mul3A_65 : f32 to vector<16xf32>
      %mul3A_67 = arith.mulf %get3A_64, %mul3A_66 : vector<16xf32>
      %swap3A_68 = arith.index_cast %add3A_26 : i32 to index
      %swap3A_69 = arith.constant 48 : index
      %swap3A_70 = tpu.vector_load %arg7[%swap3A_68, %swap3A_69] {strides = array<i32>} : memref<320x128xf32, #tpu.memory_space<vmem>>, vector<1x16xf32>,
      %swap3A_71 = vector.shape_cast %swap3A_70 : vector<1x16xf32> to vector<16xf32>
      %swap3A_72 = vector.shape_cast %mul3A_67 : vector<16xf32> to vector<1x16xf32>
      tpu.vector_store %arg7[%swap3A_68, %swap3A_69], %swap3A_72 {strides = array<i32>} : memref<320x128xf32, #tpu.memory_space<vmem>>, vector<1x16xf32>,
      %get3A_73 = arith.index_cast %add3A_26 : i32 to index
      %get3A_74 = arith.constant 64 : index
      %get3A_75 = tpu.vector_load %arg7[%get3A_73, %get3A_74] {strides = array<i32>} : memref<320x128xf32, #tpu.memory_space<vmem>>, vector<1x16xf32>,
      %get3A_76 = vector.shape_cast %get3A_75 : vector<1x16xf32> to vector<16xf32>
      %mul3A_77 = arith.constant 2.500000e-01 : f32
      %mul3A_78 = vector.broadcast %mul3A_77 : f32 to vector<16xf32>
      %mul3A_79 = arith.mulf %get3A_76, %mul3A_78 : vector<16xf32>
      %swap3A_80 = arith.index_cast %add3A_26 : i32 to index
      %swap3A_81 = arith.constant 64 : index
      %swap3A_82 = tpu.vector_load %arg7[%swap3A_80, %swap3A_81] {strides = array<i32>} : memref<320x128xf32, #tpu.memory_space<vmem>>, vector<1x16xf32>,
      %swap3A_83 = vector.shape_cast %swap3A_82 : vector<1x16xf32> to vector<16xf32>
      %swap3A_84 = vector.shape_cast %mul3A_79 : vector<16xf32> to vector<1x16xf32>
      tpu.vector_store %arg7[%swap3A_80, %swap3A_81], %swap3A_84 {strides = array<i32>} : memref<320x128xf32, #tpu.memory_space<vmem>>, vector<1x16xf32>,
      %get3A_85 = arith.index_cast %add3A_26 : i32 to index
      %get3A_86 = arith.constant 80 : index
      %get3A_87 = tpu.vector_load %arg7[%get3A_85, %get3A_86] {strides = array<i32>} : memref<320x128xf32, #tpu.memory_space<vmem>>, vector<1x16xf32>,
      %get3A_88 = vector.shape_cast %get3A_87 : vector<1x16xf32> to vector<16xf32>
      %mul3A_89 = arith.constant 2.500000e-01 : f32
      %mul3A_90 = vector.broadcast %mul3A_89 : f32 to vector<16xf32>
      %mul3A_91 = arith.mulf %get3A_88, %mul3A_90 : vector<16xf32>
      %swap3A_92 = arith.index_cast %add3A_26 : i32 to index
      %swap3A_93 = arith.constant 80 : index
      %swap3A_94 = tpu.vector_load %arg7[%swap3A_92, %swap3A_93] {strides = array<i32>} : memref<320x128xf32, #tpu.memory_space<vmem>>, vector<1x16xf32>,
      %swap3A_95 = vector.shape_cast %swap3A_94 : vector<1x16xf32> to vector<16xf32>
      %swap3A_96 = vector.shape_cast %mul3A_91 : vector<16xf32> to vector<1x16xf32>
      tpu.vector_store %arg7[%swap3A_92, %swap3A_93], %swap3A_96 {strides = array<i32>} : memref<320x128xf32, #tpu.memory_space<vmem>>, vector<1x16xf32>,
      %get3A_97 = arith.index_cast %add3A_26 : i32 to index
      %get3A_98 = arith.constant 96 : index
      %get3A_99 = tpu.vector_load %arg7[%get3A_97, %get3A_98] {strides = array<i32>} : memref<320x128xf32, #tpu.memory_space<vmem>>, vector<1x16xf32>,
      %get3A_100 = vector.shape_cast %get3A_99 : vector<1x16xf32> to vector<16xf32>
      %mul3A_101 = arith.constant 2.500000e-01 : f32
      %mul3A_102 = vector.broadcast %mul3A_101 : f32 to vector<16xf32>
      %mul3A_103 = arith.mulf %get3A_100, %mul3A_102 : vector<16xf32>
      %swap3A_104 = arith.index_cast %add3A_26 : i32 to index
      %swap3A_105 = arith.constant 96 : index
      %swap3A_106 = tpu.vector_load %arg7[%swap3A_104, %swap3A_105] {strides = array<i32>} : memref<320x128xf32, #tpu.memory_space<vmem>>, vector<1x16xf32>,
      %swap3A_107 = vector.shape_cast %swap3A_106 : vector<1x16xf32> to vector<16xf32>
      %swap3A_108 = vector.shape_cast %mul3A_103 : vector<16xf32> to vector<1x16xf32>
      tpu.vector_store %arg7[%swap3A_104, %swap3A_105], %swap3A_108 {strides = array<i32>} : memref<320x128xf32, #tpu.memory_space<vmem>>, vector<1x16xf32>,
      %get3A_109 = arith.index_cast %add3A_26 : i32 to index
      %get3A_110 = arith.constant 112 : index
      %get3A_111 = tpu.vector_load %arg7[%get3A_109, %get3A_110] {strides = array<i32>} : memref<320x128xf32, #tpu.memory_space<vmem>>, vector<1x16xf32>,
      %get3A_112 = vector.shape_cast %get3A_111 : vector<1x16xf32> to vector<16xf32>
      %mul3A_113 = arith.constant 2.500000e-01 : f32
      %mul3A_114 = vector.broadcast %mul3A_113 : f32 to vector<16xf32>
      %mul3A_115 = arith.mulf %get3A_112, %mul3A_114 : vector<16xf32>
      %swap3A_116 = arith.index_cast %add3A_26 : i32 to index
      %swap3A_117 = arith.constant 112 : index
      %swap3A_118 = tpu.vector_load %arg7[%swap3A_116, %swap3A_117] {strides = array<i32>} : memref<320x128xf32, #tpu.memory_space<vmem>>, vector<1x16xf32>,
      %swap3A_119 = vector.shape_cast %swap3A_118 : vector<1x16xf32> to vector<16xf32>
      %swap3A_120 = vector.shape_cast %mul3A_115 : vector<16xf32> to vector<1x16xf32>
      tpu.vector_store %arg7[%swap3A_116, %swap3A_117], %swap3A_120 {strides = array<i32>} : memref<320x128xf32, #tpu.memory_space<vmem>>, vector<1x16xf32>,
    }
    %scan3A_21 = arith.constant 320 : i32
    "tpu.region"() ({
      %run_scoped3A = tpu.sem_alloc : memref<!tpu.dma_semaphore, #tpu.memory_space<semaphore_mem>>
      %dma_start3A = arith.constant 0 : i32
      %dma_start3A_22 = tpu.memref_slice %arg6[%mul3A_2, %dma_start3A] : memref<10240x128xf32, #tpu.memory_space<hbm>> -> memref<320x128xf32, #tpu.memory_space<hbm>>
      %dma_start3A_23 = arith.constant 0 : i32
      %dma_start3A_24 = tpu.memref_slice %arg6[%mul3A_2, %dma_start3A_23] : memref<10240x128xf32, #tpu.memory_space<hbm>> -> memref<320x128xf32, #tpu.memory_space<hbm>>
      tpu.enqueue_dma source(%arg7 : memref<320x128xf32, #tpu.memory_space<vmem>>) target(%dma_start3A_24 : memref<320x128xf32, #tpu.memory_space<hbm>>) target_semaphore(%run_scoped3A : memref<!tpu.dma_semaphore, #tpu.memory_space<semaphore_mem>>)
      %dma_wait3A = arith.constant 0 : i32
      %dma_wait3A_25 = tpu.memref_slice %arg6[%mul3A_2, %dma_wait3A] : memref<10240x128xf32, #tpu.memory_space<hbm>> -> memref<320x128xf32, #tpu.memory_space<hbm>>
      %dma_wait3A_26 = arith.constant 0 : i32
      %dma_wait3A_27 = tpu.memref_slice %arg6[%mul3A_2, %dma_wait3A_26] : memref<10240x128xf32, #tpu.memory_space<hbm>> -> memref<320x128xf32, #tpu.memory_space<hbm>>
      tpu.wait_dma2 semaphore(%run_scoped3A : memref<!tpu.dma_semaphore, #tpu.memory_space<semaphore_mem>>) src(%arg7 : memref<320x128xf32, #tpu.memory_space<vmem>>) dst(%dma_wait3A_27 : memref<320x128xf32, #tpu.memory_space<hbm>>)
      tpu.yield
    }) : () -> ()
    return
  }
}

</mosaic_0001>

<sc_bundles>
// kernel: kernel.10.cloned.1.call-start
scs
__scs_entry_jumppad:
0x0: {  	(pc) =	sbr.rel $0x88, $3  }
0x1: {  	(tag) =	ssettag $0x0;
	lr =	simm.s32 $0x1  }
0x2: {  	[smem:$0x3F9E] =	sst lr;
	_ =	strace $0xD0000000  }
0x3: {  	_ = 	snop  }
0x4: {  	_ = 	snop  }
0x5: {  	_ = 	snop  }
0x6: {  	_ = 	snop  }
0x7: {  	_ = 	snop  }
__scs_overlays_trampoline_lowered:
0x8: {  	[smem:$0x3FAD] =	sst s0  }
0x9: {  	[smem:$0x3FAE] =	sst s1  }
0xa: {  	[smem:$0x3FAF] =	sst s2  }
0xb: {  	[smem:$0x3FB0] =	sst s3  }
0xc: {  	[smem:$0x3FB1] =	sst s4  }
0xd: {  	[smem:$0x3FB2] =	sst s5  }
0xe: {  	[smem:$0x3FB3] =	sst s6  }
0xf: {  	[smem:$0x3FB4] =	sst s7  }
0x10: {  	[smem:$0x3FB5] =	sst s8  }
0x11: {  	[smem:$0x3FB6] =	sst s9;
	s0 =	simm.s32 @!p0 $0x0  }
0x12: {  	s1 =	sld [smem:$0x3F9C];
	s0 =	simm.s32 @p0 $0x1  }
0x13: {  	[smem:$0x3FB7] =	sst s0;
	s0 =	simm.s32 @!p1 $0x0  }
0x14: {  	s2 =	sld [smem:$0x3F9B];
	s0 =	simm.s32 @p1 $0x1  }
0x15: {  	[smem:$0x3FB8] =	sst s0;
	s0 =	simm.s32 @!p2 $0x0  }
0x16: {  	s3 =	sld [smem:$0x3FDB];
	s0 =	simm.s32 @p2 $0x1  }
0x17: {  	s4 =	simm.s32 $0x1BF5;
	[smem:$0x3FBA] =	sst s0  }
0x18: {  	s0 =	sld [smem:$0x3F9D];
	_ =	swait.ge [sflag:s4], $0x0  }
0x19: {  	s7 =	sld [smem:$0x3F9E]  }
0x1a: {  	s8 =	sadd.s32 $0xFFFFE003, lr  }
0x1b: {  	s9 =	sadd.s32 $0xFFFFFEF7, lr;
	s5 =	simm.s32 $0xFFFFFFFF;
	p2 =	slt.u32 s8, $0xFFFFF086  }
0x1c: {  	p1 =	slt.u32 s9, $0xF7A;
	s5 =	simm.s32 @!p2 $0x0  }
0x1d: {  	s5 =	simm.s32 @p1 $0x1;
	p0 =	seq.s32 s7, s2  }
0x1e: {  	s7 =	smul.u32 @!p0 $0xF7A, s2;
	p2 =	seq.s32 @!p0 s5, $0x0  }
0x1f: {  	s9 =	smul.u32 $0xF7A, s1;
	s8 =	simm.s32 @!p0 $0x1BF5;
	p2 =	por !p2, p0  }
0x20: {  	[sflag:s8] =	ssyncset.s32 @!p0 $0xFFFFF086;
	s6 =	sadd.s32 @!p0 s3, s7;
	s7 =	simm.s32 @!p0 $0x108  }
0x21: {  	s3 =	sadd.s32 s3, s9;
	s6 =	sadd.s32 @!p0 $0x88, s6;
	s7 =	simm.s32 @p2 $0x1082  }
0x22: {  	[simem:s7], [sflag:s8] =	dma.local @!p0 [hbm:s6], $0xF7A  }
0x23: {  	s9 =	sor.u32 $0xD0000000, s2;
	s6 =	simm.s32 $0x108;
	_ =	swait.ge @!p0 [sflag:s8], $0x0  }
0x24: {  	s3 =	sadd.s32 $0x88, s3;
	s6 =	simm.s32 @!p1 $0x1082;
	[sflag:s4] =	ssyncset.s32 $0xFFFFF086  }
0x25: {  	[simem:s6], [sflag:s4] =	dma.local [hbm:s3], $0xF7A  }
0x26: {  	[smem:$0x3F9E] =	sst s1;
	(tag) =	ssettag s2;
	_ =	strace s9  }
0x27: {  	s1 =	sld [smem:$0x3FAE]  }
0x28: {  	s2 =	sld [smem:$0x3FAF]  }
0x29: {  	s4 =	sld [smem:$0x3FB1]  }
0x2a: {  	p0 =	seq.s32 s5, $0x0;
	s5 =	sld [smem:$0x3FB2]  }
0x2b: {  	s6 =	sld [smem:$0x3FB3]  }
0x2c: {  	s7 =	sld [smem:$0x3FB4]  }
0x2d: {  	s3 =	simm.s32 $0x108;
	s8 =	sld [smem:$0x3FB5]  }
0x2e: {  	s3 =	simm.s32 @!p0 $0x1082;
	s9 =	sld [smem:$0x3FB6]  }
0x2f: {  	lr =	sadd.s32 s0, s3;
	s0 =	sld [smem:$0x3FAD]  }
0x30: {  	s3 =	sld [smem:$0x3FB0]  }
0x31: {  	[smem:$0x3FB9] =	sst s10  }
0x32: {  	s10 =	sld [smem:$0x3FB7];
	_ =	sdelay $0x3  }
0x33: {  	p0 =	seq.s32 s10, $0x1;
	s10 =	sld [smem:$0x3FB9];
	_ =	sdelay $0x3  }
0x34: {  	[smem:$0x3FB9] =	sst s10  }
0x35: {  	s10 =	sld [smem:$0x3FB8];
	_ =	sdelay $0x3  }
0x36: {  	p1 =	seq.s32 s10, $0x1;
	s10 =	sld [smem:$0x3FB9];
	_ =	sdelay $0x3  }
0x37: {  	[smem:$0x3FB9] =	sst s10  }
0x38: {  	s10 =	sld [smem:$0x3FBA]  }
0x39: {  	_ = 	snop;
	(pc) =	sbr.ind lr, $3  }
0x3a: {  	_ = 	snop  }
0x3b: {  	_ = 	snop  }
0x3c: {  	p2 =	seq.s32 s10, $0x1;
	s10 =	sld [smem:$0x3FB9]  }
0x3d: {  	_ =	shalt  }
0x3e: {  	_ =	shalt  }
0x3f: {  	_ =	shalt  }
0x40: {  	_ =	shalt  }
0x41: {  	_ =	shalt  }
0x42: {  	_ =	shalt  }
0x43: {  	_ =	shalt  }
0x44: {  	_ =	shalt  }
0x45: {  	_ =	shalt  }
0x46: {  	_ =	shalt  }
0x47: {  	_ =	shalt  }
0x48: {  	_ =	shalt  }
0x49: {  	_ =	shalt  }
0x4a: {  	_ =	shalt  }
0x4b: {  	_ =	shalt  }
0x4c: {  	_ =	shalt  }
0x4d: {  	_ =	shalt  }
0x4e: {  	_ =	shalt  }
0x4f: {  	_ =	shalt  }
0x50: {  	_ =	shalt  }
0x51: {  	_ =	shalt  }
0x52: {  	_ =	shalt  }
0x53: {  	_ =	shalt  }
0x54: {  	_ =	shalt  }
0x55: {  	_ =	shalt  }
0x56: {  	_ =	shalt  }
0x57: {  	_ =	shalt  }
0x58: {  	_ =	shalt  }
0x59: {  	_ =	shalt  }
0x5a: {  	_ =	shalt  }
0x5b: {  	_ =	shalt  }
0x5c: {  	_ =	shalt  }
0x5d: {  	_ =	shalt  }
0x5e: {  	_ =	shalt  }
0x5f: {  	_ =	shalt  }
0x60: {  	_ =	shalt  }
0x61: {  	_ =	shalt  }
0x62: {  	_ =	shalt  }
0x63: {  	_ =	shalt  }
0x64: {  	_ =	shalt  }
0x65: {  	_ =	shalt  }
0x66: {  	_ =	shalt  }
0x67: {  	_ =	shalt  }
0x68: {  	_ =	shalt  }
0x69: {  	_ =	shalt  }
0x6a: {  	_ =	shalt  }
0x6b: {  	_ =	shalt  }
0x6c: {  	_ =	shalt  }
0x6d: {  	_ =	shalt  }
0x6e: {  	_ =	shalt  }
0x6f: {  	_ =	shalt  }
0x70: {  	_ =	shalt  }
0x71: {  	_ =	shalt  }
0x72: {  	_ =	shalt  }
0x73: {  	_ =	shalt  }
0x74: {  	_ =	shalt  }
0x75: {  	_ =	shalt  }
0x76: {  	_ =	shalt  }
0x77: {  	_ =	shalt  }
0x78: {  	_ =	shalt  }
0x79: {  	_ =	shalt  }
0x7a: {  	_ =	shalt  }
0x7b: {  	_ =	shalt  }
0x7c: {  	_ =	shalt  }
0x7d: {  	_ =	shalt  }
0x7e: {  	_ =	shalt  }
0x7f: {  	_ =	shalt  }
0x80: {  	_ =	shalt  }
0x81: {  	_ =	shalt  }
0x82: {  	_ =	shalt  }
0x83: {  	_ =	shalt  }
0x84: {  	_ =	shalt  }
0x85: {  	_ =	shalt  }
0x86: {  	_ =	shalt  }
0x87: {  	_ =	shalt  }
.Lfunc_end0:
.L_simem_size_0:
called_computation.1_lowered:
.L_overlay_start_0:
0x88: {  	s2 =	sld [smem:$0x3FD9]  }
0x89: {  	s3 =	sld [smem:$0x3FFE];
	_ =	sdelay $0x1  }
0x8a: {  	s1 =	srdreg.scid  }
0x8b: {  	s0 =	sand.u32 $0x1, s1  }
0x8c: {  	s14 =	sshll.u32 s0, $0xA;
	s2 =	sadd.s32 s3, s2  }
0x8d: {  	s2 =	sadd.s32 s2, s14  }
0x8e: {  	[smem:$0x3FC5] =	sst s2  }
0x8f: {  	_ = 	snop  }
0x90: {  	s2 =	sld [smem:$0x3FD0];
	_ =	sdelay $0x2  }
0x91: {  	s15 =	simm.s32 $0xA;
	s4 =	simm.s32 $0x10  }
0x92: {  	[smem:s4], [sflag:s15] =	dma.local [hbm:s2], $0x1  }
0x93: {  	_ =	swait.eq [sflag:s15], $0x1  }
0x94: {  	[sflag:s15] =	ssyncset.done $0x0  }
0x95: {  	s16 =	sld [smem:$0x10];
	[sflag:s15] =	ssyncadd.s32 $0xFFFFFFFF  }
0x96: {  	s17 =	sld [smem:$0x11];
	(tm) =	ssettm $0x1  }
0x97: {  	s18 =	sld [smem:$0x3FFB];
	_ =	sdelay $0x3  }
0x98: {  	_ =	strace s18  }
0x99: {  	s4 =	sld [smem:$0x3FFC];
	_ =	sdelay $0x3  }
0x9a: {  	_ =	strace s4  }
0x9b: {  	s4 =	sld [smem:$0x3FFD];
	_ =	sdelay $0x3  }
0x9c: {  	_ =	strace s4  }
0x9d: {  	_ =	strace $0x8FFFFFFF  }
0x9e: {  	s19 =	sld [smem:$0x3FDB];
	_ =	sdelay $0x1  }
0x9f: {  	s5 =	simm.s32 $_scs_section_size  }
0xa0: {  	s6 =	simm.s32 $_size__tile_overlayer_lowered;
	s7 =	simm.s32 $_tile_overlayer_lowered  }
0xa1: {  	s22 =	simm.s32 $0x1BFF;
	s21 =	sshll.u32 s7, $0x1;
	s4 =	sadd.s32 s5, s19  }
0xa2: {  	s8 =	simm.s32 $0x0;
	s20 =	sshll.u32 s6, $0x1;
	s6 =	sadd.s32 s21, s4  }
0xa3: {  	[timem:s8], [sflag:s22] =	dma.local [hbm:s6], s20  }
0xa4: {  	_ =	swait.ge [sflag:s22], s20  }
0xa5: {  	s5 =	ssub.s32 $0x0, s20;
	[sflag:s22] =	ssyncset.done $0x0  }
0xa6: {  	[sflag:s22] =	ssyncadd.s32 s5;
	_ =	sdelay $0x1  }
0xa7: {  	s23 =	simm.s32 $0x1B8B  }
0xa8: {  	_ =	swait.ge [sflag:s23], $0x1  }
0xa9: {  	[sflag:s23] =	ssyncset.done $0x0  }
0xaa: {  	s25 =	simm.s32 $0x1B8E;
	s24 =	sld [smem:$0x3FFE];
	[sflag:s23] =	ssyncadd.s32 $0xFFFFFFFF  }
0xab: {  	s26 =	simm.s32 $execute0_lowered;
	[smem:$0x3FD2] =	sst s25  }
0xac: {  	s6 =	sshll.u32 s26, $0x1;
	_ =	strace $0x80000049;
	[dreg:$0x1] =	wrdreg $0xFFFFFFFF  }
0xad: {  	s28 =	simm.s32 $_size_execute0_lowered;
	s4 =	sadd.s32 s4, s6;
	[dreg:$0x0] =	wrdreg $0x0  }
0xae: {  	s6 =	sshll.u32 s28, $0x1;
	[dreg:$0x2] =	wrdreg s4  }
0xaf: {  	[dreg:$0x3] =	wrdreg s6  }
0xb0: {  	[dreg:$0x4] =	wrdreg $0xC0  }
0xb1: {  	_ =	task [dreg:s8], $0x5FFFF  }
0xb2: {  	[dreg:$0x1] =	wrdreg $0xFFFFFFFF  }
0xb3: {  	[dreg:$0x0] =	wrdreg $0x60  }
0xb4: {  	[dreg:$0x2] =	wrdreg s24  }
0xb5: {  	[dreg:$0x3] =	wrdreg s16  }
0xb6: {  	[dreg:$0x4] =	wrdreg s17  }
0xb7: {  	[dreg:$0x5] =	wrdreg $0x0  }
0xb8: {  	[dreg:$0x6] =	wrdreg $0x9  }
0xb9: {  	_ =	task.clear_ibuf [dreg:s8], $0x7FFFF;
	_ =	strace $0x90000049  }
0xba: {  	s29 =	simm.s32 $0x9;
	_ =	strace $0x8000004B  }
0xbb: {  	_ =	swait.ge [sflag:s29], $0x1  }
0xbc: {  	[sflag:s29] =	ssyncadd.s32 $0xFFFFFFFF  }
0xbd: {  	_ =	strace $0x9000004B  }
0xbe: {  	_ =	sfence  }
0xbf: {  	s30 =	sld [smem:$0x0];
	_ =	sdelay $0x2  }
0xc0: {  	s31 =	sshll.u32 s1, $0xD;
	s1 =	sshrl.u32 s1, $0x2  }
0xc1: {  	s3 =	sand.u32 $0x4000, s31;
	s1 =	sadd.s32 s1, s30  }
0xc2: {  	s0 =	sor.u32 s3, s0;
	s1 =	sshll.u32 s1, $0x11  }
0xc3: {  	s0 =	sor.u32 s1, s0  }
0xc4: {  	s0 =	sadd.s32 $0x8F2B, s0  }
0xc5: {  	[sflag:s0] =	ssyncadd.remote.s32 $0x1  }
0xc6: {  	_ =	sfence.sel $0xFFFF  }
0xc7: {  	[dreg:$0x0] =	wrdreg $0xFFFFFFFF;
	(pc) =	sbr.abs _section_cstart, $3  }
0xc8: {  	[dreg:$0x1] =	wrdreg $0xFFFFFFFF  }
0xc9: {  	_ =	task.clear_ibuf [dreg:s8], $0x2FFFF;
	_ =	strace $0x9FFFFFFF  }
0xca: {  	(tm) =	ssettm $0x7FFFFFFF  }
0xcb: {  	_ =	shalt  }
tec
execute0_lowered:
.L_overlay_start_1:
0x0: {  	(tag) =	ssettag $0x1  }
0x1: {  	s5 =	rddreg [dreg:$0x0]  }
0x2: {  	s6 =	rddreg [dreg:$0x1];
	s1 =	srdreg.scid  }
0x3: {  	s0 =	stileid.u32;
	s7 =	rddreg [dreg:$0x2]  }
0x4: {  	s2 =	rddreg [dreg:$0x3];
	s3 =	simm.s32 $0x0;
	s15 =	simm.s32 $0x13000  }
0x5: {  	s16 =	simm.s32 $0x80;
	s17 =	simm.s32 $0xF000;
	s4 =	smul.u32 $0x140, s0  }
0x6: {  	s18 =	simm.s32 $0x1;
	s19 =	simm.s32 $0x1D000;
	s12 =	smul.u32 $0x2800, s0  }
0x7: {  	s8 =	sand.u32 $0x1, s1;
	s1 =	rddreg [dreg:$0x4];
	s28 =	smul.u32 $0x28000, s0  }
0x8: {  	s20 =	simm.s32 $0x0;
	[smem:$0x7FF] =	sst s3;
	s9 =	smul.u32 $0x1400, s8  }
0x9: {  	s10 =	smul.u32 $0x28000, s8;
	_ =	strace $0x8000004A;
	s8 =	ssub.s32 $0x2, s8  }
0xa: {  	s29 =	sshrl.u32 s8, $0x1;
	s31 =	sshrl.u32 s28, $0x2;
	s9 =	sadd.s32 s4, s9  }
0xb: {  	s4 =	sadd.s32 $0x2A400, s5;
	s10 =	sadd.s32 s12, s10;
	s14 =	ssub.s32 s8, s29  }
0xc: {  	s12 =	simm.s32 $0xA000;
	s11 =	sshll.u32 s9, $0x1;
	s9 =	sshll.u32 s9, $0x4  }
0xd: {  	s30 =	sshrl.u32 s10, $0x3;
	s11 =	sadd.s32 s11, s5;
	s13 =	sadd.s32 s9, s5  }
0xe: {  	s5 =	sadd.s32 s6, s30;
	s6 =	sadd.s32 s7, s30;
	s7 =	sadd.s32 s31, s2  }
0xf: {  	s8 =	sadd.s32 $0x52400, s11;
	s9 =	sadd.s32 $0x7F400, s13;
	s10 =	sadd.s32 $0x57400, s13  }
0x10: {  	v0 =	vimm.f32 $0.0e+00;
	s11 =	smax.u32 s14, $0x1;
	s13 =	simm.s32 $0x2;
	s14 =	simm.s32 $0xC800  }
.LBB2_1:
0x11: {  	s21 =	simm.s32 $0x0;
	s22 =	simm.s32 $0x200  }
.LBB2_2:
0x12: {  	p0 =	sne.s32 s22, $0x27E00;
	[tilespmem:s21+$0x13070] =	vst v0  }
0x13: {  	[tilespmem:s21+$0x13000] =	vst v0  }
0x14: {  	[tilespmem:s21+$0x13010] =	vst v0  }
.Ltmp0:
0x15: {  	[tilespmem:s21+$0x13020] =	vst v0;
	(pc) =	sbr.rel @p0 .LBB2_2-.Ltmp0, $4  }
0x16: {  	[tilespmem:s21+$0x13030] =	vst v0  }
0x17: {  	[tilespmem:s21+$0x13040] =	vst v0  }
0x18: {  	[tilespmem:s21+$0x13050] =	vst v0  }
0x19: {  	[tilespmem:s21+$0x13060] =	vst v0;
	s21 =	sshra.s32 s22, $0x2;
	s22 =	sadd.s32 $0x200, s22  }
0x1a: {  	[tilespmem:s21+$0x13070] =	vst v0  }
0x1b: {  	[tilespmem:s21+$0x13000] =	vst v0  }
0x1c: {  	[tilespmem:s21+$0x13010] =	vst v0  }
0x1d: {  	[tilespmem:s21+$0x13020] =	vst v0  }
0x1e: {  	[tilespmem:s21+$0x13030] =	vst v0  }
0x1f: {  	[tilespmem:s21+$0x13040] =	vst v0  }
0x20: {  	[tilespmem:s21+$0x13050] =	vst v0  }
0x21: {  	[tilespmem:s21+$0x13060] =	vst v0;
	s29 =	simm.s32 $0x0  }
0x22: {  	[tilespmem:s12], [sflag:$0x2] =	stream.linear.gather [hbm4b:s5+s29], $0x2780, $0x38;
	[tilespmem:$0x1E400] =	vst v63  }
0x23: {  	_ =	swait.ge [sflag:s13], $0x2780  }
0x24: {  	[sflag:s13] =	ssyncset.done $0x0  }
0x25: {  	[sflag:s13] =	ssyncadd.s32 $0xFFFFD880  }
0x26: {  	[tilespmem:s14], [sflag:$0x2] =	stream.linear.gather [hbm4b:s6+s29], $0x2780, $0x38;
	[tilespmem:$0x1E400] =	vst v63  }
0x27: {  	_ =	swait.ge [sflag:s13], $0x2780  }
0x28: {  	[sflag:s13] =	ssyncset.done $0x0  }
0x29: {  	[sflag:s13] =	ssyncadd.s32 $0xFFFFD880  }
0x2a: {  	[spmem:s7] =	stream.linear.scatter [tilespmem:s15], [sflag:$0x2], $0xA000, $0x38;
	[tilespmem:$0x1E400] =	vst v63  }
0x2b: {  	_ =	swait.ge [sflag:s13], $0xA000  }
0x2c: {  	[sflag:s13] =	ssyncset.done $0x0  }
0x2d: {  	[sflag:s13] =	ssyncadd.s32 $0xFFFF6000  }
0x2e: {  	s30 =	simm.s32 $0xC800;
	[bflag:$0x0] =	sbarrier.arrive $0xFFFF  }
0x2f: {  	[tilespmem:s17], [sflag:$0x1] =	stream.indirect.gather [hbm4b:s4+s16], $0x80, s30, s16, $0xb8;
	[tilespmem:$0x1E400] =	vst v63  }
0x30: {  	_ =	swait.ge [sflag:s18], $0x4000  }
0x31: {  	[sflag:s18] =	ssyncset.done $0x0  }
0x32: {  	s31 =	simm.s32 $0xA000;
	[sflag:s18] =	ssyncadd.s32 $0xFFFFC000  }
0x33: {  	[spmem:s2] =	stream.indirect.scatter.add.f32 [tilespmem:s17], [sflag:$0x2], $0x80, s31, s16, $0xb8;
	[tilespmem:$0x1E400] =	vst v63  }
0x34: {  	_ =	swait.ge [sflag:s13], $0x4000  }
0x35: {  	s22 =	simm.s32 $0x400;
	s21 =	simm.s32 $0x80;
	[sflag:s13] =	ssyncset.done $0x0  }
.LBB2_4:
0x36: {  	s23 =	sadd.s32 $0xC800, s21  }
0x37: {  	[sflag:s13] =	ssyncadd.s32 $0xFFFFC000;
	s24 =	smov.u32 s22;
	s25 =	sadd.s32 $0x200, s22  }
0x38: {  	[tilespmem:s17], [sflag:$0x1] =	stream.indirect.gather [hbm4b:s4+s16], $0x80, s23, s16, $0xb8;
	[tilespmem:$0x1E400] =	vst v63  }
0x39: {  	p0 =	sne.s32 s22, $0x9C00;
	_ =	swait.ge [sflag:s18], $0x4000  }
.Ltmp1:
0x3a: {  	[sflag:s18] =	ssyncset.done $0x0;
	(pc) =	sbr.rel @p0 .LBB2_4-.Ltmp1, $4  }
0x3b: {  	s21 =	sadd.s32 $0xA000, s21;
	[sflag:s18] =	ssyncadd.s32 $0xFFFFC000  }
0x3c: {  	[spmem:s2] =	stream.indirect.scatter.add.f32 [tilespmem:s17], [sflag:$0x2], $0x80, s21, s16, $0xb8;
	[tilespmem:$0x1E400] =	vst v63  }
0x3d: {  	_ =	swait.ge [sflag:s13], $0x4000  }
0x3e: {  	s22 =	smov.u32 s25;
	s21 =	sshra.s32 s24, $0x2;
	[sflag:s13] =	ssyncset.done $0x0  }
0x3f: {  	s22 =	sadd.s32 $0xC800, s21;
	[sflag:s13] =	ssyncadd.s32 $0xFFFFC000  }
0x40: {  	[tilespmem:s17], [sflag:$0x1] =	stream.indirect.gather [hbm4b:s4+s16], $0x80, s22, s16, $0xb8;
	[tilespmem:$0x1E400] =	vst v63  }
0x41: {  	_ =	swait.ge [sflag:s18], $0x4000  }
0x42: {  	[sflag:s18] =	ssyncset.done $0x0  }
0x43: {  	s29 =	sadd.s32 $0xA000, s21;
	[sflag:s18] =	ssyncadd.s32 $0xFFFFC000  }
0x44: {  	[spmem:s2] =	stream.indirect.scatter.add.f32 [tilespmem:s17], [sflag:$0x2], $0x80, s29, s16, $0xb8;
	[tilespmem:$0x1E400] =	vst v63  }
0x45: {  	_ =	swait.ge [sflag:s13], $0x4000  }
0x46: {  	[sflag:s13] =	ssyncset.done $0x0  }
0x47: {  	[sflag:s13] =	ssyncadd.s32 $0xFFFFC000  }
0x48: {  	[bflag:$0x0] =	sbarrier.arrive $0xFFFF  }
0x49: {  	[tilespmem:s15], [sflag:$0x2] =	stream.linear.gather [spmem:s7], $0xA000, $0x38;
	[tilespmem:$0x1E400] =	vst v63  }
0x4a: {  	_ =	swait.ge [sflag:s13], $0xA000  }
0x4b: {  	[sflag:s13] =	ssyncset.done $0x0  }
0x4c: {  	s30 =	simm.s32 $0x0;
	[sflag:s13] =	ssyncadd.s32 $0xFFFF6000  }
0x4d: {  	[tilespmem:s19], [sflag:$0x2] =	stream.linear.gather [hbm4b:s8+s30], $0x1400, $0x38;
	[tilespmem:$0x1E400] =	vst v63  }
0x4e: {  	_ =	swait.ge [sflag:s13], $0x1400  }
0x4f: {  	[sflag:s13] =	ssyncset.done $0x0  }
0x50: {  	s21 =	simm.s32 $0x13040;
	[sflag:s13] =	ssyncadd.s32 $0xFFFFEC00  }
0x51: {  	v5 =	vld [tilespmem:s21+$0x30]  }
0x52: {  	v8 =	vld [tilespmem:s21+$0x10]  }
0x53: {  	s31 =	simm.s32 $0x0;
	v6 =	vld [tilespmem:s21+$0xFFFFFFC0]  }
0x54: {  	v2 =	vld [tilespmem:s31+$0x1D000]  }
0x55: {  	v10 =	vld [tilespmem:s21+$0xFFFFFFE0]  }
0x56: {  	v1 =	vld [tilespmem:s21+$0xFFFFFFF0]  }
0x57: {  	v3 =	vld [tilespmem:s21+$0x20]  }
0x58: {  	v4 =	vld [tilespmem:s21+$0xFFFFFFD0]  }
0x59: {  	v9 =	vmul.f32 v5, v2;
	v5 =	vld [tilespmem:s21+$0x0]  }
0x5a: {  	v7 =	vmul.f32 v6, v2  }
0x5b: {  	s23 =	simm.s32 $0x13040;
	s22 =	simm.s32 $0x40;
	v6 =	vmul.f32 v10, v2;
	v8 =	vmul.f32 v8, v2  }
.LBB2_6:
0x5c: {  	p0 =	sne.s32 s22, $0x4FC0  }
0x5d: {  	v4 =	vmul.f32 v4, v2;
	v3 =	vmul.f32 v3, v2;
	[tilespmem:s21+$0x30] =	vst v9;
	s23 =	sadd.s32 $0x80, s23;
	s24 =	smov.u32 s22;
	s22 =	sadd.s32 $0x40, s22  }
0x5e: {  	[tilespmem:s21+$0xFFFFFFC0] =	vst v7;
	v7 =	vmul.f32 v1, v2;
	v2 =	vmul.f32 v5, v2  }
0x5f: {  	[tilespmem:s21+$0x10] =	vst v8  }
0x60: {  	v1 =	vld [tilespmem:s23+$0xFFFFFFF0];
	[tilespmem:s21+$0xFFFFFFE0] =	vst v6  }
0x61: {  	v6 =	vld [tilespmem:s23+$0x30];
	[tilespmem:s21+$0xFFFFFFF0] =	vst v7  }
0x62: {  	v8 =	vld [tilespmem:s23+$0x10];
	[tilespmem:s21+$0x0] =	vst v2  }
0x63: {  	v7 =	vld [tilespmem:s23+$0xFFFFFFC0];
	[tilespmem:s21+$0x20] =	vst v3  }
0x64: {  	s24 =	sshra.s32 s24, $0x2;
	v10 =	vld [tilespmem:s23+$0xFFFFFFE0];
	[tilespmem:s21+$0xFFFFFFD0] =	vst v4;
	s21 =	smov.u32 s23  }
0x65: {  	v2 =	vld [tilespmem:s24+$0x1D000]  }
0x66: {  	v3 =	vld [tilespmem:s23+$0x20]  }
.Ltmp2:
0x67: {  	v4 =	vld [tilespmem:s23+$0xFFFFFFD0];
	(pc) =	sbr.rel @p0 .LBB2_6-.Ltmp2, $3  }
0x68: {  	v5 =	vld [tilespmem:s23+$0x0];
	_ =	sdelay $0x1  }
0x69: {  	v7 =	vmul.f32 v7, v2;
	v9 =	vmul.f32 v6, v2  }
0x6a: {  	v6 =	vmul.f32 v10, v2;
	v8 =	vmul.f32 v8, v2  }
0x6b: {  	[tilespmem:s21+$0x30] =	vst v9  }
0x6c: {  	[tilespmem:s21+$0xFFFFFFC0] =	vst v7  }
0x6d: {  	v1 =	vmul.f32 v1, v2;
	[tilespmem:s21+$0x10] =	vst v8  }
0x6e: {  	v3 =	vmul.f32 v3, v2;
	[tilespmem:s21+$0xFFFFFFE0] =	vst v6  }
0x6f: {  	v5 =	vmul.f32 v5, v2;
	[tilespmem:s21+$0xFFFFFFF0] =	vst v1  }
0x70: {  	v1 =	vmul.f32 v4, v2;
	[tilespmem:s21+$0x20] =	vst v3  }
0x71: {  	[tilespmem:s21+$0x0] =	vst v5  }
0x72: {  	s31 =	simm.s32 $0x0;
	[tilespmem:s21+$0xFFFFFFD0] =	vst v1  }
0x73: {  	[hbm4b:s9+s31] =	stream.linear.scatter [tilespmem:s15], [sflag:$0x2], $0xA000, $0x38;
	[tilespmem:$0x1E400] =	vst v63  }
0x74: {  	_ =	swait.ge [sflag:s13], $0xA000  }
0x75: {  	[sflag:s13] =	ssyncset.done $0x0  }
0x76: {  	s21 =	simm.s32 $0x13040;
	[sflag:s13] =	ssyncadd.s32 $0xFFFF6000  }
0x77: {  	v5 =	vld [tilespmem:s21+$0x30]  }
0x78: {  	v8 =	vld [tilespmem:s21+$0x10]  }
0x79: {  	s22 =	simm.s32 $0x0;
	v6 =	vld [tilespmem:s21+$0xFFFFFFC0]  }
0x7a: {  	v2 =	vld [tilespmem:s22+$0x1D000]  }
0x7b: {  	v10 =	vld [tilespmem:s21+$0xFFFFFFE0]  }
0x7c: {  	v1 =	vld [tilespmem:s21+$0xFFFFFFF0]  }
0x7d: {  	v3 =	vld [tilespmem:s21+$0x20]  }
0x7e: {  	v4 =	vld [tilespmem:s21+$0xFFFFFFD0]  }
0x7f: {  	v9 =	vmul.f32 v5, v2;
	v5 =	vld [tilespmem:s21+$0x0]  }
0x80: {  	v7 =	vmul.f32 v6, v2  }
0x81: {  	s23 =	simm.s32 $0x13040;
	s22 =	simm.s32 $0x40;
	v6 =	vmul.f32 v10, v2;
	v8 =	vmul.f32 v8, v2  }
.LBB2_8:
0x82: {  	p0 =	sne.s32 s22, $0x4FC0  }
0x83: {  	v4 =	vmul.f32 v4, v2;
	v3 =	vmul.f32 v3, v2;
	[tilespmem:s21+$0x30] =	vst v9;
	s23 =	sadd.s32 $0x80, s23;
	s24 =	smov.u32 s22;
	s22 =	sadd.s32 $0x40, s22  }
0x84: {  	[tilespmem:s21+$0xFFFFFFC0] =	vst v7;
	v7 =	vmul.f32 v1, v2;
	v2 =	vmul.f32 v5, v2  }
0x85: {  	[tilespmem:s21+$0x10] =	vst v8  }
0x86: {  	v1 =	vld [tilespmem:s23+$0xFFFFFFF0];
	[tilespmem:s21+$0xFFFFFFE0] =	vst v6  }
0x87: {  	v6 =	vld [tilespmem:s23+$0x30];
	[tilespmem:s21+$0xFFFFFFF0] =	vst v7  }
0x88: {  	v8 =	vld [tilespmem:s23+$0x10];
	[tilespmem:s21+$0x0] =	vst v2  }
0x89: {  	v7 =	vld [tilespmem:s23+$0xFFFFFFC0];
	[tilespmem:s21+$0x20] =	vst v3  }
0x8a: {  	s24 =	sshra.s32 s24, $0x2;
	v10 =	vld [tilespmem:s23+$0xFFFFFFE0];
	[tilespmem:s21+$0xFFFFFFD0] =	vst v4;
	s21 =	smov.u32 s23  }
0x8b: {  	v2 =	vld [tilespmem:s24+$0x1D000]  }
0x8c: {  	v3 =	vld [tilespmem:s23+$0x20]  }
.Ltmp3:
0x8d: {  	v4 =	vld [tilespmem:s23+$0xFFFFFFD0];
	(pc) =	sbr.rel @p0 .LBB2_8-.Ltmp3, $3  }
0x8e: {  	v5 =	vld [tilespmem:s23+$0x0];
	_ =	sdelay $0x1  }
0x8f: {  	v7 =	vmul.f32 v7, v2;
	v9 =	vmul.f32 v6, v2  }
0x90: {  	v6 =	vmul.f32 v10, v2;
	v8 =	vmul.f32 v8, v2  }
0x91: {  	[tilespmem:s21+$0x30] =	vst v9  }
0x92: {  	[tilespmem:s21+$0xFFFFFFC0] =	vst v7  }
0x93: {  	v1 =	vmul.f32 v1, v2;
	[tilespmem:s21+$0x10] =	vst v8  }
0x94: {  	v3 =	vmul.f32 v3, v2;
	[tilespmem:s21+$0xFFFFFFE0] =	vst v6  }
0x95: {  	v5 =	vmul.f32 v5, v2;
	[tilespmem:s21+$0xFFFFFFF0] =	vst v1  }
0x96: {  	s20 =	sadd.s32 $0x1, s20;
	v1 =	vmul.f32 v4, v2;
	[tilespmem:s21+$0x20] =	vst v3  }
0x97: {  	p0 =	sne.s32 s20, s11;
	[tilespmem:s21+$0x0] =	vst v5  }
.Ltmp4:
0x98: {  	[tilespmem:s21+$0xFFFFFFD0] =	vst v1;
	(pc) =	sbr.rel @p0 .LBB2_1-.Ltmp4, $4  }
0x99: {  	[hbm4b:s10+s3] =	stream.linear.scatter [tilespmem:s15], [sflag:$0x2], $0xA000, $0x38;
	[tilespmem:$0x1E400] =	vst v63  }
0x9a: {  	_ =	swait.ge [sflag:s13], $0xA000  }
0x9b: {  	[sflag:s13] =	ssyncset.done $0x0  }
0x9c: {  	[sflag:s13] =	ssyncadd.s32 $0xFFFF6000  }
0x9d: {  	_ =	sfence.sel $0x180000  }
0x9e: {  	[bflag:$0x0] =	sbarrier.arrive $0xFFFF  }
0x9f: {  	p0 =	sne.s32 s0, $0x0;
	_ =	strace $0x9000004A  }
0xa0: {  	s0 =	sadd.s32 @!p0 $0x100000, s1;
	[bflag:$0x2] =	sbarrier.arrive $0xFFFF  }
0xa1: {  	[sflag:s0] =	ssyncadd.tile.s32 @!p0 $0x1;
	_ =	shalt  }
.Lfunc_end2:
_tile_overlayer_lowered:
.L_overlay_start_2:
0xa2: {  	(tag) =	ssettag $0x2  }
0xa3: {  	s0 =	rddreg [dreg:$0x0];
	s2 =	stileid.u32  }
0xa4: {  	s1 =	rddreg [dreg:$0x1];
	p0 =	sne.s32 s2, $0x0  }
0xa5: {  	s3 =	rddreg [dreg:$0x2];
	[bflag:$0x3] =	sbarrier.arrive $0xFFFF;
	s2 =	simm.s32 @!p0 $0x1C02  }
0xa6: {  	[timem:s3], [sflag:s2] =	dma.local @!p0 [hbm:s0], s1  }
0xa7: {  	s0 =	simm.s32 @!p0 $0x2  }
0xa8: {  	_ =	swait.ge @!p0 [sflag:s0], s1  }
0xa9: {  	s1 =	ssub.s32 @!p0 $0x0, s1;
	[sflag:s0] =	ssyncset.done @!p0 $0x0  }
0xaa: {  	[sflag:s0] =	ssyncadd.s32 @!p0 s1  }
0xab: {  	[bflag:$0x3] =	sbarrier.arrive $0xFFFF  }
0xac: {  	_ =	shalt  }

// kernel: kernel.13.cloned.1.call-start
scs
__scs_entry_jumppad:
0x0: {  	(pc) =	sbr.rel $0x88, $3  }
0x1: {  	(tag) =	ssettag $0x0;
	lr =	simm.s32 $0x1  }
0x2: {  	[smem:$0x3F9E] =	sst lr;
	_ =	strace $0xD0000000  }
0x3: {  	_ = 	snop  }
0x4: {  	_ = 	snop  }
0x5: {  	_ = 	snop  }
0x6: {  	_ = 	snop  }
0x7: {  	_ = 	snop  }
__scs_overlays_trampoline_lowered:
0x8: {  	[smem:$0x3FAD] =	sst s0  }
0x9: {  	[smem:$0x3FAE] =	sst s1  }
0xa: {  	[smem:$0x3FAF] =	sst s2  }
0xb: {  	[smem:$0x3FB0] =	sst s3  }
0xc: {  	[smem:$0x3FB1] =	sst s4  }
0xd: {  	[smem:$0x3FB2] =	sst s5  }
0xe: {  	[smem:$0x3FB3] =	sst s6  }
0xf: {  	[smem:$0x3FB4] =	sst s7  }
0x10: {  	[smem:$0x3FB5] =	sst s8  }
0x11: {  	[smem:$0x3FB6] =	sst s9;
	s0 =	simm.s32 @!p0 $0x0  }
0x12: {  	s1 =	sld [smem:$0x3F9C];
	s0 =	simm.s32 @p0 $0x1  }
0x13: {  	[smem:$0x3FB7] =	sst s0;
	s0 =	simm.s32 @!p1 $0x0  }
0x14: {  	s2 =	sld [smem:$0x3F9B];
	s0 =	simm.s32 @p1 $0x1  }
0x15: {  	[smem:$0x3FB8] =	sst s0;
	s0 =	simm.s32 @!p2 $0x0  }
0x16: {  	s3 =	sld [smem:$0x3FDB];
	s0 =	simm.s32 @p2 $0x1  }
0x17: {  	s4 =	simm.s32 $0x1BF5;
	[smem:$0x3FBA] =	sst s0  }
0x18: {  	s0 =	sld [smem:$0x3F9D];
	_ =	swait.ge [sflag:s4], $0x0  }
0x19: {  	s7 =	sld [smem:$0x3F9E]  }
0x1a: {  	s8 =	sadd.s32 $0xFFFFE003, lr  }
0x1b: {  	s9 =	sadd.s32 $0xFFFFFEF7, lr;
	s5 =	simm.s32 $0xFFFFFFFF;
	p2 =	slt.u32 s8, $0xFFFFF086  }
0x1c: {  	p1 =	slt.u32 s9, $0xF7A;
	s5 =	simm.s32 @!p2 $0x0  }
0x1d: {  	s5 =	simm.s32 @p1 $0x1;
	p0 =	seq.s32 s7, s2  }
0x1e: {  	s7 =	smul.u32 @!p0 $0xF7A, s2;
	p2 =	seq.s32 @!p0 s5, $0x0  }
0x1f: {  	s9 =	smul.u32 $0xF7A, s1;
	s8 =	simm.s32 @!p0 $0x1BF5;
	p2 =	por !p2, p0  }
0x20: {  	[sflag:s8] =	ssyncset.s32 @!p0 $0xFFFFF086;
	s6 =	sadd.s32 @!p0 s3, s7;
	s7 =	simm.s32 @!p0 $0x108  }
0x21: {  	s3 =	sadd.s32 s3, s9;
	s6 =	sadd.s32 @!p0 $0x88, s6;
	s7 =	simm.s32 @p2 $0x1082  }
0x22: {  	[simem:s7], [sflag:s8] =	dma.local @!p0 [hbm:s6], $0xF7A  }
0x23: {  	s9 =	sor.u32 $0xD0000000, s2;
	s6 =	simm.s32 $0x108;
	_ =	swait.ge @!p0 [sflag:s8], $0x0  }
0x24: {  	s3 =	sadd.s32 $0x88, s3;
	s6 =	simm.s32 @!p1 $0x1082;
	[sflag:s4] =	ssyncset.s32 $0xFFFFF086  }
0x25: {  	[simem:s6], [sflag:s4] =	dma.local [hbm:s3], $0xF7A  }
0x26: {  	[smem:$0x3F9E] =	sst s1;
	(tag) =	ssettag s2;
	_ =	strace s9  }
0x27: {  	s1 =	sld [smem:$0x3FAE]  }
0x28: {  	s2 =	sld [smem:$0x3FAF]  }
0x29: {  	s4 =	sld [smem:$0x3FB1]  }
0x2a: {  	p0 =	seq.s32 s5, $0x0;
	s5 =	sld [smem:$0x3FB2]  }
0x2b: {  	s6 =	sld [smem:$0x3FB3]  }
0x2c: {  	s7 =	sld [smem:$0x3FB4]  }
0x2d: {  	s3 =	simm.s32 $0x108;
	s8 =	sld [smem:$0x3FB5]  }
0x2e: {  	s3 =	simm.s32 @!p0 $0x1082;
	s9 =	sld [smem:$0x3FB6]  }
0x2f: {  	lr =	sadd.s32 s0, s3;
	s0 =	sld [smem:$0x3FAD]  }
0x30: {  	s3 =	sld [smem:$0x3FB0]  }
0x31: {  	[smem:$0x3FB9] =	sst s10  }
0x32: {  	s10 =	sld [smem:$0x3FB7];
	_ =	sdelay $0x3  }
0x33: {  	p0 =	seq.s32 s10, $0x1;
	s10 =	sld [smem:$0x3FB9];
	_ =	sdelay $0x3  }
0x34: {  	[smem:$0x3FB9] =	sst s10  }
0x35: {  	s10 =	sld [smem:$0x3FB8];
	_ =	sdelay $0x3  }
0x36: {  	p1 =	seq.s32 s10, $0x1;
	s10 =	sld [smem:$0x3FB9];
	_ =	sdelay $0x3  }
0x37: {  	[smem:$0x3FB9] =	sst s10  }
0x38: {  	s10 =	sld [smem:$0x3FBA]  }
0x39: {  	_ = 	snop;
	(pc) =	sbr.ind lr, $3  }
0x3a: {  	_ = 	snop  }
0x3b: {  	_ = 	snop  }
0x3c: {  	p2 =	seq.s32 s10, $0x1;
	s10 =	sld [smem:$0x3FB9]  }
0x3d: {  	_ =	shalt  }
0x3e: {  	_ =	shalt  }
0x3f: {  	_ =	shalt  }
0x40: {  	_ =	shalt  }
0x41: {  	_ =	shalt  }
0x42: {  	_ =	shalt  }
0x43: {  	_ =	shalt  }
0x44: {  	_ =	shalt  }
0x45: {  	_ =	shalt  }
0x46: {  	_ =	shalt  }
0x47: {  	_ =	shalt  }
0x48: {  	_ =	shalt  }
0x49: {  	_ =	shalt  }
0x4a: {  	_ =	shalt  }
0x4b: {  	_ =	shalt  }
0x4c: {  	_ =	shalt  }
0x4d: {  	_ =	shalt  }
0x4e: {  	_ =	shalt  }
0x4f: {  	_ =	shalt  }
0x50: {  	_ =	shalt  }
0x51: {  	_ =	shalt  }
0x52: {  	_ =	shalt  }
0x53: {  	_ =	shalt  }
0x54: {  	_ =	shalt  }
0x55: {  	_ =	shalt  }
0x56: {  	_ =	shalt  }
0x57: {  	_ =	shalt  }
0x58: {  	_ =	shalt  }
0x59: {  	_ =	shalt  }
0x5a: {  	_ =	shalt  }
0x5b: {  	_ =	shalt  }
0x5c: {  	_ =	shalt  }
0x5d: {  	_ =	shalt  }
0x5e: {  	_ =	shalt  }
0x5f: {  	_ =	shalt  }
0x60: {  	_ =	shalt  }
0x61: {  	_ =	shalt  }
0x62: {  	_ =	shalt  }
0x63: {  	_ =	shalt  }
0x64: {  	_ =	shalt  }
0x65: {  	_ =	shalt  }
0x66: {  	_ =	shalt  }
0x67: {  	_ =	shalt  }
0x68: {  	_ =	shalt  }
0x69: {  	_ =	shalt  }
0x6a: {  	_ =	shalt  }
0x6b: {  	_ =	shalt  }
0x6c: {  	_ =	shalt  }
0x6d: {  	_ =	shalt  }
0x6e: {  	_ =	shalt  }
0x6f: {  	_ =	shalt  }
0x70: {  	_ =	shalt  }
0x71: {  	_ =	shalt  }
0x72: {  	_ =	shalt  }
0x73: {  	_ =	shalt  }
0x74: {  	_ =	shalt  }
0x75: {  	_ =	shalt  }
0x76: {  	_ =	shalt  }
0x77: {  	_ =	shalt  }
0x78: {  	_ =	shalt  }
0x79: {  	_ =	shalt  }
0x7a: {  	_ =	shalt  }
0x7b: {  	_ =	shalt  }
0x7c: {  	_ =	shalt  }
0x7d: {  	_ =	shalt  }
0x7e: {  	_ =	shalt  }
0x7f: {  	_ =	shalt  }
0x80: {  	_ =	shalt  }
0x81: {  	_ =	shalt  }
0x82: {  	_ =	shalt  }
0x83: {  	_ =	shalt  }
0x84: {  	_ =	shalt  }
0x85: {  	_ =	shalt  }
0x86: {  	_ =	shalt  }
0x87: {  	_ =	shalt  }
.Lfunc_end0:
.L_simem_size_0:
called_computation.2_lowered:
.L_overlay_start_0:
0x88: {  	s2 =	sld [smem:$0x3FD9]  }
0x89: {  	s3 =	sld [smem:$0x3FFE];
	_ =	sdelay $0x1  }
0x8a: {  	s1 =	srdreg.scid  }
0x8b: {  	s0 =	sand.u32 $0x1, s1  }
0x8c: {  	s14 =	sshll.u32 s0, $0xA;
	s2 =	sadd.s32 s3, s2  }
0x8d: {  	s2 =	sadd.s32 s2, s14  }
0x8e: {  	[smem:$0x3FC5] =	sst s2  }
0x8f: {  	_ = 	snop  }
0x90: {  	s2 =	sld [smem:$0x3FD0];
	_ =	sdelay $0x2  }
0x91: {  	s15 =	simm.s32 $0xA;
	s4 =	simm.s32 $0x10  }
0x92: {  	[smem:s4], [sflag:s15] =	dma.local [hbm:s2], $0x1  }
0x93: {  	_ =	swait.eq [sflag:s15], $0x1  }
0x94: {  	[sflag:s15] =	ssyncset.done $0x0  }
0x95: {  	s16 =	sld [smem:$0x10];
	[sflag:s15] =	ssyncadd.s32 $0xFFFFFFFF  }
0x96: {  	s17 =	sld [smem:$0x11];
	(tm) =	ssettm $0x1  }
0x97: {  	s18 =	sld [smem:$0x3FFB];
	_ =	sdelay $0x3  }
0x98: {  	_ =	strace s18  }
0x99: {  	s4 =	sld [smem:$0x3FFC];
	_ =	sdelay $0x3  }
0x9a: {  	_ =	strace s4  }
0x9b: {  	s4 =	sld [smem:$0x3FFD];
	_ =	sdelay $0x3  }
0x9c: {  	_ =	strace s4  }
0x9d: {  	_ =	strace $0x8FFFFFFF  }
0x9e: {  	s19 =	sld [smem:$0x3FDB];
	_ =	sdelay $0x1  }
0x9f: {  	s5 =	simm.s32 $_scs_section_size  }
0xa0: {  	s6 =	simm.s32 $_size__tile_overlayer_lowered;
	s7 =	simm.s32 $_tile_overlayer_lowered  }
0xa1: {  	s22 =	simm.s32 $0x1BFF;
	s21 =	sshll.u32 s7, $0x1;
	s4 =	sadd.s32 s5, s19  }
0xa2: {  	s8 =	simm.s32 $0x0;
	s20 =	sshll.u32 s6, $0x1;
	s6 =	sadd.s32 s21, s4  }
0xa3: {  	[timem:s8], [sflag:s22] =	dma.local [hbm:s6], s20  }
0xa4: {  	_ =	swait.ge [sflag:s22], s20  }
0xa5: {  	s5 =	ssub.s32 $0x0, s20;
	[sflag:s22] =	ssyncset.done $0x0  }
0xa6: {  	[sflag:s22] =	ssyncadd.s32 s5;
	_ =	sdelay $0x1  }
0xa7: {  	s23 =	simm.s32 $0x1B8B  }
0xa8: {  	_ =	swait.ge [sflag:s23], $0x1  }
0xa9: {  	[sflag:s23] =	ssyncset.done $0x0  }
0xaa: {  	s25 =	simm.s32 $0x1B8E;
	s24 =	sld [smem:$0x3FFE];
	[sflag:s23] =	ssyncadd.s32 $0xFFFFFFFF  }
0xab: {  	s26 =	simm.s32 $execute0_lowered;
	[smem:$0x3FD2] =	sst s25  }
0xac: {  	s6 =	sshll.u32 s26, $0x1;
	_ =	strace $0x8000004C;
	[dreg:$0x1] =	wrdreg $0xFFFFFFFF  }
0xad: {  	s28 =	simm.s32 $_size_execute0_lowered;
	s4 =	sadd.s32 s4, s6;
	[dreg:$0x0] =	wrdreg $0x0  }
0xae: {  	s6 =	sshll.u32 s28, $0x1;
	[dreg:$0x2] =	wrdreg s4  }
0xaf: {  	[dreg:$0x3] =	wrdreg s6  }
0xb0: {  	[dreg:$0x4] =	wrdreg $0xC0  }
0xb1: {  	_ =	task [dreg:s8], $0x5FFFF  }
0xb2: {  	[dreg:$0x1] =	wrdreg $0xFFFFFFFF  }
0xb3: {  	[dreg:$0x0] =	wrdreg $0x60  }
0xb4: {  	[dreg:$0x2] =	wrdreg s24  }
0xb5: {  	[dreg:$0x3] =	wrdreg s16  }
0xb6: {  	[dreg:$0x4] =	wrdreg s17  }
0xb7: {  	[dreg:$0x5] =	wrdreg $0x0  }
0xb8: {  	[dreg:$0x6] =	wrdreg $0x9  }
0xb9: {  	_ =	task.clear_ibuf [dreg:s8], $0x7FFFF;
	_ =	strace $0x9000004C  }
0xba: {  	s29 =	simm.s32 $0x9;
	_ =	strace $0x8000004E  }
0xbb: {  	_ =	swait.ge [sflag:s29], $0x1  }
0xbc: {  	[sflag:s29] =	ssyncadd.s32 $0xFFFFFFFF  }
0xbd: {  	_ =	strace $0x9000004E  }
0xbe: {  	_ =	sfence  }
0xbf: {  	s30 =	sld [smem:$0x0];
	_ =	sdelay $0x2  }
0xc0: {  	s31 =	sshll.u32 s1, $0xD;
	s1 =	sshrl.u32 s1, $0x2  }
0xc1: {  	s3 =	sand.u32 $0x4000, s31;
	s1 =	sadd.s32 s1, s30  }
0xc2: {  	s0 =	sor.u32 s3, s0;
	s1 =	sshll.u32 s1, $0x11  }
0xc3: {  	s0 =	sor.u32 s1, s0  }
0xc4: {  	s0 =	sadd.s32 $0x8F2B, s0  }
0xc5: {  	[sflag:s0] =	ssyncadd.remote.s32 $0x1  }
0xc6: {  	_ =	sfence.sel $0xFFFF  }
0xc7: {  	[dreg:$0x0] =	wrdreg $0xFFFFFFFF;
	(pc) =	sbr.abs _section_cstart, $3  }
0xc8: {  	[dreg:$0x1] =	wrdreg $0xFFFFFFFF  }
0xc9: {  	_ =	task.clear_ibuf [dreg:s8], $0x2FFFF;
	_ =	strace $0x9FFFFFFF  }
0xca: {  	(tm) =	ssettm $0x7FFFFFFF  }
0xcb: {  	_ =	shalt  }
tec
execute0_lowered:
.L_overlay_start_1:
0x0: {  	(tag) =	ssettag $0x1  }
0x1: {  	s5 =	rddreg [dreg:$0x0]  }
0x2: {  	s6 =	rddreg [dreg:$0x1];
	s1 =	srdreg.scid  }
0x3: {  	s0 =	stileid.u32;
	s7 =	rddreg [dreg:$0x2]  }
0x4: {  	s2 =	rddreg [dreg:$0x3];
	s3 =	simm.s32 $0x0;
	s15 =	simm.s32 $0x13000  }
0x5: {  	s16 =	simm.s32 $0x80;
	s17 =	simm.s32 $0xF000;
	s4 =	smul.u32 $0x140, s0  }
0x6: {  	s18 =	simm.s32 $0x1;
	s19 =	simm.s32 $0x1D000;
	s12 =	smul.u32 $0x2800, s0  }
0x7: {  	s8 =	sand.u32 $0x1, s1;
	s1 =	rddreg [dreg:$0x4];
	s28 =	smul.u32 $0x28000, s0  }
0x8: {  	s20 =	simm.s32 $0x0;
	[smem:$0x7FF] =	sst s3;
	s9 =	smul.u32 $0x1400, s8  }
0x9: {  	s10 =	smul.u32 $0x28000, s8;
	_ =	strace $0x8000004D;
	s8 =	ssub.s32 $0x2, s8  }
0xa: {  	s29 =	sshrl.u32 s8, $0x1;
	s31 =	sshrl.u32 s28, $0x2;
	s9 =	sadd.s32 s4, s9  }
0xb: {  	s4 =	sadd.s32 $0x57400, s5;
	s10 =	sadd.s32 s12, s10;
	s14 =	ssub.s32 s8, s29  }
0xc: {  	s12 =	simm.s32 $0xA000;
	s11 =	sshll.u32 s9, $0x1;
	s9 =	sshll.u32 s9, $0x4  }
0xd: {  	s30 =	sshrl.u32 s10, $0x3;
	s11 =	sadd.s32 s11, s5;
	s13 =	sadd.s32 s9, s5  }
0xe: {  	s5 =	sadd.s32 s6, s30;
	s6 =	sadd.s32 s7, s30;
	s7 =	sadd.s32 s31, s2  }
0xf: {  	s8 =	sadd.s32 $0x52400, s11;
	s9 =	sadd.s32 $0xA7400, s13;
	s10 =	sadd.s32 $0x2A400, s13  }
0x10: {  	v0 =	vimm.f32 $0.0e+00;
	s11 =	smax.u32 s14, $0x1;
	s13 =	simm.s32 $0x2;
	s14 =	simm.s32 $0xC800  }
.LBB2_1:
0x11: {  	s21 =	simm.s32 $0x0;
	s22 =	simm.s32 $0x200  }
.LBB2_2:
0x12: {  	p0 =	sne.s32 s22, $0x27E00;
	[tilespmem:s21+$0x13070] =	vst v0  }
0x13: {  	[tilespmem:s21+$0x13000] =	vst v0  }
0x14: {  	[tilespmem:s21+$0x13010] =	vst v0  }
.Ltmp0:
0x15: {  	[tilespmem:s21+$0x13020] =	vst v0;
	(pc) =	sbr.rel @p0 .LBB2_2-.Ltmp0, $4  }
0x16: {  	[tilespmem:s21+$0x13030] =	vst v0  }
0x17: {  	[tilespmem:s21+$0x13040] =	vst v0  }
0x18: {  	[tilespmem:s21+$0x13050] =	vst v0  }
0x19: {  	[tilespmem:s21+$0x13060] =	vst v0;
	s21 =	sshra.s32 s22, $0x2;
	s22 =	sadd.s32 $0x200, s22  }
0x1a: {  	[tilespmem:s21+$0x13070] =	vst v0  }
0x1b: {  	[tilespmem:s21+$0x13000] =	vst v0  }
0x1c: {  	[tilespmem:s21+$0x13010] =	vst v0  }
0x1d: {  	[tilespmem:s21+$0x13020] =	vst v0  }
0x1e: {  	[tilespmem:s21+$0x13030] =	vst v0  }
0x1f: {  	[tilespmem:s21+$0x13040] =	vst v0  }
0x20: {  	[tilespmem:s21+$0x13050] =	vst v0  }
0x21: {  	[tilespmem:s21+$0x13060] =	vst v0;
	s29 =	simm.s32 $0x0  }
0x22: {  	[tilespmem:s12], [sflag:$0x2] =	stream.linear.gather [hbm4b:s5+s29], $0x2780, $0x38;
	[tilespmem:$0x1E400] =	vst v63  }
0x23: {  	_ =	swait.ge [sflag:s13], $0x2780  }
0x24: {  	[sflag:s13] =	ssyncset.done $0x0  }
0x25: {  	[sflag:s13] =	ssyncadd.s32 $0xFFFFD880  }
0x26: {  	[tilespmem:s14], [sflag:$0x2] =	stream.linear.gather [hbm4b:s6+s29], $0x2780, $0x38;
	[tilespmem:$0x1E400] =	vst v63  }
0x27: {  	_ =	swait.ge [sflag:s13], $0x2780  }
0x28: {  	[sflag:s13] =	ssyncset.done $0x0  }
0x29: {  	[sflag:s13] =	ssyncadd.s32 $0xFFFFD880  }
0x2a: {  	[spmem:s7] =	stream.linear.scatter [tilespmem:s15], [sflag:$0x2], $0xA000, $0x38;
	[tilespmem:$0x1E400] =	vst v63  }
0x2b: {  	_ =	swait.ge [sflag:s13], $0xA000  }
0x2c: {  	[sflag:s13] =	ssyncset.done $0x0  }
0x2d: {  	[sflag:s13] =	ssyncadd.s32 $0xFFFF6000  }
0x2e: {  	s30 =	simm.s32 $0xC800;
	[bflag:$0x0] =	sbarrier.arrive $0xFFFF  }
0x2f: {  	[tilespmem:s17], [sflag:$0x1] =	stream.indirect.gather [hbm4b:s4+s16], $0x80, s30, s16, $0xb8;
	[tilespmem:$0x1E400] =	vst v63  }
0x30: {  	_ =	swait.ge [sflag:s18], $0x4000  }
0x31: {  	[sflag:s18] =	ssyncset.done $0x0  }
0x32: {  	s31 =	simm.s32 $0xA000;
	[sflag:s18] =	ssyncadd.s32 $0xFFFFC000  }
0x33: {  	[spmem:s2] =	stream.indirect.scatter.add.f32 [tilespmem:s17], [sflag:$0x2], $0x80, s31, s16, $0xb8;
	[tilespmem:$0x1E400] =	vst v63  }
0x34: {  	_ =	swait.ge [sflag:s13], $0x4000  }
0x35: {  	s22 =	simm.s32 $0x400;
	s21 =	simm.s32 $0x80;
	[sflag:s13] =	ssyncset.done $0x0  }
.LBB2_4:
0x36: {  	s23 =	sadd.s32 $0xC800, s21  }
0x37: {  	[sflag:s13] =	ssyncadd.s32 $0xFFFFC000;
	s24 =	smov.u32 s22;
	s25 =	sadd.s32 $0x200, s22  }
0x38: {  	[tilespmem:s17], [sflag:$0x1] =	stream.indirect.gather [hbm4b:s4+s16], $0x80, s23, s16, $0xb8;
	[tilespmem:$0x1E400] =	vst v63  }
0x39: {  	p0 =	sne.s32 s22, $0x9C00;
	_ =	swait.ge [sflag:s18], $0x4000  }
.Ltmp1:
0x3a: {  	[sflag:s18] =	ssyncset.done $0x0;
	(pc) =	sbr.rel @p0 .LBB2_4-.Ltmp1, $4  }
0x3b: {  	s21 =	sadd.s32 $0xA000, s21;
	[sflag:s18] =	ssyncadd.s32 $0xFFFFC000  }
0x3c: {  	[spmem:s2] =	stream.indirect.scatter.add.f32 [tilespmem:s17], [sflag:$0x2], $0x80, s21, s16, $0xb8;
	[tilespmem:$0x1E400] =	vst v63  }
0x3d: {  	_ =	swait.ge [sflag:s13], $0x4000  }
0x3e: {  	s22 =	smov.u32 s25;
	s21 =	sshra.s32 s24, $0x2;
	[sflag:s13] =	ssyncset.done $0x0  }
0x3f: {  	s22 =	sadd.s32 $0xC800, s21;
	[sflag:s13] =	ssyncadd.s32 $0xFFFFC000  }
0x40: {  	[tilespmem:s17], [sflag:$0x1] =	stream.indirect.gather [hbm4b:s4+s16], $0x80, s22, s16, $0xb8;
	[tilespmem:$0x1E400] =	vst v63  }
0x41: {  	_ =	swait.ge [sflag:s18], $0x4000  }
0x42: {  	[sflag:s18] =	ssyncset.done $0x0  }
0x43: {  	s29 =	sadd.s32 $0xA000, s21;
	[sflag:s18] =	ssyncadd.s32 $0xFFFFC000  }
0x44: {  	[spmem:s2] =	stream.indirect.scatter.add.f32 [tilespmem:s17], [sflag:$0x2], $0x80, s29, s16, $0xb8;
	[tilespmem:$0x1E400] =	vst v63  }
0x45: {  	_ =	swait.ge [sflag:s13], $0x4000  }
0x46: {  	[sflag:s13] =	ssyncset.done $0x0  }
0x47: {  	[sflag:s13] =	ssyncadd.s32 $0xFFFFC000  }
0x48: {  	[bflag:$0x0] =	sbarrier.arrive $0xFFFF  }
0x49: {  	[tilespmem:s15], [sflag:$0x2] =	stream.linear.gather [spmem:s7], $0xA000, $0x38;
	[tilespmem:$0x1E400] =	vst v63  }
0x4a: {  	_ =	swait.ge [sflag:s13], $0xA000  }
0x4b: {  	[sflag:s13] =	ssyncset.done $0x0  }
0x4c: {  	s30 =	simm.s32 $0x0;
	[sflag:s13] =	ssyncadd.s32 $0xFFFF6000  }
0x4d: {  	[tilespmem:s19], [sflag:$0x2] =	stream.linear.gather [hbm4b:s8+s30], $0x1400, $0x38;
	[tilespmem:$0x1E400] =	vst v63  }
0x4e: {  	_ =	swait.ge [sflag:s13], $0x1400  }
0x4f: {  	[sflag:s13] =	ssyncset.done $0x0  }
0x50: {  	s21 =	simm.s32 $0x13040;
	[sflag:s13] =	ssyncadd.s32 $0xFFFFEC00  }
0x51: {  	v5 =	vld [tilespmem:s21+$0x30]  }
0x52: {  	v8 =	vld [tilespmem:s21+$0x10]  }
0x53: {  	s31 =	simm.s32 $0x0;
	v6 =	vld [tilespmem:s21+$0xFFFFFFC0]  }
0x54: {  	v2 =	vld [tilespmem:s31+$0x1D000]  }
0x55: {  	v10 =	vld [tilespmem:s21+$0xFFFFFFE0]  }
0x56: {  	v1 =	vld [tilespmem:s21+$0xFFFFFFF0]  }
0x57: {  	v3 =	vld [tilespmem:s21+$0x20]  }
0x58: {  	v4 =	vld [tilespmem:s21+$0xFFFFFFD0]  }
0x59: {  	v9 =	vmul.f32 v5, v2;
	v5 =	vld [tilespmem:s21+$0x0]  }
0x5a: {  	v7 =	vmul.f32 v6, v2  }
0x5b: {  	s23 =	simm.s32 $0x13040;
	s22 =	simm.s32 $0x40;
	v6 =	vmul.f32 v10, v2;
	v8 =	vmul.f32 v8, v2  }
.LBB2_6:
0x5c: {  	p0 =	sne.s32 s22, $0x4FC0  }
0x5d: {  	v4 =	vmul.f32 v4, v2;
	v3 =	vmul.f32 v3, v2;
	[tilespmem:s21+$0x30] =	vst v9;
	s23 =	sadd.s32 $0x80, s23;
	s24 =	smov.u32 s22;
	s22 =	sadd.s32 $0x40, s22  }
0x5e: {  	[tilespmem:s21+$0xFFFFFFC0] =	vst v7;
	v7 =	vmul.f32 v1, v2;
	v2 =	vmul.f32 v5, v2  }
0x5f: {  	[tilespmem:s21+$0x10] =	vst v8  }
0x60: {  	v1 =	vld [tilespmem:s23+$0xFFFFFFF0];
	[tilespmem:s21+$0xFFFFFFE0] =	vst v6  }
0x61: {  	v6 =	vld [tilespmem:s23+$0x30];
	[tilespmem:s21+$0xFFFFFFF0] =	vst v7  }
0x62: {  	v8 =	vld [tilespmem:s23+$0x10];
	[tilespmem:s21+$0x0] =	vst v2  }
0x63: {  	v7 =	vld [tilespmem:s23+$0xFFFFFFC0];
	[tilespmem:s21+$0x20] =	vst v3  }
0x64: {  	s24 =	sshra.s32 s24, $0x2;
	v10 =	vld [tilespmem:s23+$0xFFFFFFE0];
	[tilespmem:s21+$0xFFFFFFD0] =	vst v4;
	s21 =	smov.u32 s23  }
0x65: {  	v2 =	vld [tilespmem:s24+$0x1D000]  }
0x66: {  	v3 =	vld [tilespmem:s23+$0x20]  }
.Ltmp2:
0x67: {  	v4 =	vld [tilespmem:s23+$0xFFFFFFD0];
	(pc) =	sbr.rel @p0 .LBB2_6-.Ltmp2, $3  }
0x68: {  	v5 =	vld [tilespmem:s23+$0x0];
	_ =	sdelay $0x1  }
0x69: {  	v7 =	vmul.f32 v7, v2;
	v9 =	vmul.f32 v6, v2  }
0x6a: {  	v6 =	vmul.f32 v10, v2;
	v8 =	vmul.f32 v8, v2  }
0x6b: {  	[tilespmem:s21+$0x30] =	vst v9  }
0x6c: {  	[tilespmem:s21+$0xFFFFFFC0] =	vst v7  }
0x6d: {  	v1 =	vmul.f32 v1, v2;
	[tilespmem:s21+$0x10] =	vst v8  }
0x6e: {  	v3 =	vmul.f32 v3, v2;
	[tilespmem:s21+$0xFFFFFFE0] =	vst v6  }
0x6f: {  	v5 =	vmul.f32 v5, v2;
	[tilespmem:s21+$0xFFFFFFF0] =	vst v1  }
0x70: {  	v1 =	vmul.f32 v4, v2;
	[tilespmem:s21+$0x20] =	vst v3  }
0x71: {  	[tilespmem:s21+$0x0] =	vst v5  }
0x72: {  	s31 =	simm.s32 $0x0;
	[tilespmem:s21+$0xFFFFFFD0] =	vst v1  }
0x73: {  	[hbm4b:s9+s31] =	stream.linear.scatter [tilespmem:s15], [sflag:$0x2], $0xA000, $0x38;
	[tilespmem:$0x1E400] =	vst v63  }
0x74: {  	_ =	swait.ge [sflag:s13], $0xA000  }
0x75: {  	[sflag:s13] =	ssyncset.done $0x0  }
0x76: {  	s21 =	simm.s32 $0x13040;
	[sflag:s13] =	ssyncadd.s32 $0xFFFF6000  }
0x77: {  	v5 =	vld [tilespmem:s21+$0x30]  }
0x78: {  	v8 =	vld [tilespmem:s21+$0x10]  }
0x79: {  	s22 =	simm.s32 $0x0;
	v6 =	vld [tilespmem:s21+$0xFFFFFFC0]  }
0x7a: {  	v2 =	vld [tilespmem:s22+$0x1D000]  }
0x7b: {  	v10 =	vld [tilespmem:s21+$0xFFFFFFE0]  }
0x7c: {  	v1 =	vld [tilespmem:s21+$0xFFFFFFF0]  }
0x7d: {  	v3 =	vld [tilespmem:s21+$0x20]  }
0x7e: {  	v4 =	vld [tilespmem:s21+$0xFFFFFFD0]  }
0x7f: {  	v9 =	vmul.f32 v5, v2;
	v5 =	vld [tilespmem:s21+$0x0]  }
0x80: {  	v7 =	vmul.f32 v6, v2  }
0x81: {  	s23 =	simm.s32 $0x13040;
	s22 =	simm.s32 $0x40;
	v6 =	vmul.f32 v10, v2;
	v8 =	vmul.f32 v8, v2  }
.LBB2_8:
0x82: {  	p0 =	sne.s32 s22, $0x4FC0  }
0x83: {  	v4 =	vmul.f32 v4, v2;
	v3 =	vmul.f32 v3, v2;
	[tilespmem:s21+$0x30] =	vst v9;
	s23 =	sadd.s32 $0x80, s23;
	s24 =	smov.u32 s22;
	s22 =	sadd.s32 $0x40, s22  }
0x84: {  	[tilespmem:s21+$0xFFFFFFC0] =	vst v7;
	v7 =	vmul.f32 v1, v2;
	v2 =	vmul.f32 v5, v2  }
0x85: {  	[tilespmem:s21+$0x10] =	vst v8  }
0x86: {  	v1 =	vld [tilespmem:s23+$0xFFFFFFF0];
	[tilespmem:s21+$0xFFFFFFE0] =	vst v6  }
0x87: {  	v6 =	vld [tilespmem:s23+$0x30];
	[tilespmem:s21+$0xFFFFFFF0] =	vst v7  }
0x88: {  	v8 =	vld [tilespmem:s23+$0x10];
	[tilespmem:s21+$0x0] =	vst v2  }
0x89: {  	v7 =	vld [tilespmem:s23+$0xFFFFFFC0];
	[tilespmem:s21+$0x20] =	vst v3  }
0x8a: {  	s24 =	sshra.s32 s24, $0x2;
	v10 =	vld [tilespmem:s23+$0xFFFFFFE0];
	[tilespmem:s21+$0xFFFFFFD0] =	vst v4;
	s21 =	smov.u32 s23  }
0x8b: {  	v2 =	vld [tilespmem:s24+$0x1D000]  }
0x8c: {  	v3 =	vld [tilespmem:s23+$0x20]  }
.Ltmp3:
0x8d: {  	v4 =	vld [tilespmem:s23+$0xFFFFFFD0];
	(pc) =	sbr.rel @p0 .LBB2_8-.Ltmp3, $3  }
0x8e: {  	v5 =	vld [tilespmem:s23+$0x0];
	_ =	sdelay $0x1  }
0x8f: {  	v7 =	vmul.f32 v7, v2;
	v9 =	vmul.f32 v6, v2  }
0x90: {  	v6 =	vmul.f32 v10, v2;
	v8 =	vmul.f32 v8, v2  }
0x91: {  	[tilespmem:s21+$0x30] =	vst v9  }
0x92: {  	[tilespmem:s21+$0xFFFFFFC0] =	vst v7  }
0x93: {  	v1 =	vmul.f32 v1, v2;
	[tilespmem:s21+$0x10] =	vst v8  }
0x94: {  	v3 =	vmul.f32 v3, v2;
	[tilespmem:s21+$0xFFFFFFE0] =	vst v6  }
0x95: {  	v5 =	vmul.f32 v5, v2;
	[tilespmem:s21+$0xFFFFFFF0] =	vst v1  }
0x96: {  	s20 =	sadd.s32 $0x1, s20;
	v1 =	vmul.f32 v4, v2;
	[tilespmem:s21+$0x20] =	vst v3  }
0x97: {  	p0 =	sne.s32 s20, s11;
	[tilespmem:s21+$0x0] =	vst v5  }
.Ltmp4:
0x98: {  	[tilespmem:s21+$0xFFFFFFD0] =	vst v1;
	(pc) =	sbr.rel @p0 .LBB2_1-.Ltmp4, $4  }
0x99: {  	[hbm4b:s10+s3] =	stream.linear.scatter [tilespmem:s15], [sflag:$0x2], $0xA000, $0x38;
	[tilespmem:$0x1E400] =	vst v63  }
0x9a: {  	_ =	swait.ge [sflag:s13], $0xA000  }
0x9b: {  	[sflag:s13] =	ssyncset.done $0x0  }
0x9c: {  	[sflag:s13] =	ssyncadd.s32 $0xFFFF6000  }
0x9d: {  	_ =	sfence.sel $0x180000  }
0x9e: {  	[bflag:$0x0] =	sbarrier.arrive $0xFFFF  }
0x9f: {  	p0 =	sne.s32 s0, $0x0;
	_ =	strace $0x9000004D  }
0xa0: {  	s0 =	sadd.s32 @!p0 $0x100000, s1;
	[bflag:$0x2] =	sbarrier.arrive $0xFFFF  }
0xa1: {  	[sflag:s0] =	ssyncadd.tile.s32 @!p0 $0x1;
	_ =	shalt  }
.Lfunc_end2:
_tile_overlayer_lowered:
.L_overlay_start_2:
0xa2: {  	(tag) =	ssettag $0x2  }
0xa3: {  	s0 =	rddreg [dreg:$0x0];
	s2 =	stileid.u32  }
0xa4: {  	s1 =	rddreg [dreg:$0x1];
	p0 =	sne.s32 s2, $0x0  }
0xa5: {  	s3 =	rddreg [dreg:$0x2];
	[bflag:$0x3] =	sbarrier.arrive $0xFFFF;
	s2 =	simm.s32 @!p0 $0x1C02  }
0xa6: {  	[timem:s3], [sflag:s2] =	dma.local @!p0 [hbm:s0], s1  }
0xa7: {  	s0 =	simm.s32 @!p0 $0x2  }
0xa8: {  	_ =	swait.ge @!p0 [sflag:s0], s1  }
0xa9: {  	s1 =	ssub.s32 @!p0 $0x0, s1;
	[sflag:s0] =	ssyncset.done @!p0 $0x0  }
0xaa: {  	[sflag:s0] =	ssyncadd.s32 @!p0 s1  }
0xab: {  	[bflag:$0x3] =	sbarrier.arrive $0xFFFF  }
0xac: {  	_ =	shalt  }

// kernel: kernel.16.cloned.1.call-start
scs
__scs_entry_jumppad:
0x0: {  	(pc) =	sbr.rel $0x88, $3  }
0x1: {  	(tag) =	ssettag $0x0;
	lr =	simm.s32 $0x1  }
0x2: {  	[smem:$0x3F9E] =	sst lr;
	_ =	strace $0xD0000000  }
0x3: {  	_ = 	snop  }
0x4: {  	_ = 	snop  }
0x5: {  	_ = 	snop  }
0x6: {  	_ = 	snop  }
0x7: {  	_ = 	snop  }
__scs_overlays_trampoline_lowered:
0x8: {  	[smem:$0x3FAD] =	sst s0  }
0x9: {  	[smem:$0x3FAE] =	sst s1  }
0xa: {  	[smem:$0x3FAF] =	sst s2  }
0xb: {  	[smem:$0x3FB0] =	sst s3  }
0xc: {  	[smem:$0x3FB1] =	sst s4  }
0xd: {  	[smem:$0x3FB2] =	sst s5  }
0xe: {  	[smem:$0x3FB3] =	sst s6  }
0xf: {  	[smem:$0x3FB4] =	sst s7  }
0x10: {  	[smem:$0x3FB5] =	sst s8  }
0x11: {  	[smem:$0x3FB6] =	sst s9;
	s0 =	simm.s32 @!p0 $0x0  }
0x12: {  	s1 =	sld [smem:$0x3F9C];
	s0 =	simm.s32 @p0 $0x1  }
0x13: {  	[smem:$0x3FB7] =	sst s0;
	s0 =	simm.s32 @!p1 $0x0  }
0x14: {  	s2 =	sld [smem:$0x3F9B];
	s0 =	simm.s32 @p1 $0x1  }
0x15: {  	[smem:$0x3FB8] =	sst s0;
	s0 =	simm.s32 @!p2 $0x0  }
0x16: {  	s3 =	sld [smem:$0x3FDB];
	s0 =	simm.s32 @p2 $0x1  }
0x17: {  	s4 =	simm.s32 $0x1BF5;
	[smem:$0x3FBA] =	sst s0  }
0x18: {  	s0 =	sld [smem:$0x3F9D];
	_ =	swait.ge [sflag:s4], $0x0  }
0x19: {  	s7 =	sld [smem:$0x3F9E]  }
0x1a: {  	s8 =	sadd.s32 $0xFFFFE003, lr  }
0x1b: {  	s9 =	sadd.s32 $0xFFFFFEF7, lr;
	s5 =	simm.s32 $0xFFFFFFFF;
	p2 =	slt.u32 s8, $0xFFFFF086  }
0x1c: {  	p1 =	slt.u32 s9, $0xF7A;
	s5 =	simm.s32 @!p2 $0x0  }
0x1d: {  	s5 =	simm.s32 @p1 $0x1;
	p0 =	seq.s32 s7, s2  }
0x1e: {  	s7 =	smul.u32 @!p0 $0xF7A, s2;
	p2 =	seq.s32 @!p0 s5, $0x0  }
0x1f: {  	s9 =	smul.u32 $0xF7A, s1;
	s8 =	simm.s32 @!p0 $0x1BF5;
	p2 =	por !p2, p0  }
0x20: {  	[sflag:s8] =	ssyncset.s32 @!p0 $0xFFFFF086;
	s6 =	sadd.s32 @!p0 s3, s7;
	s7 =	simm.s32 @!p0 $0x108  }
0x21: {  	s3 =	sadd.s32 s3, s9;
	s6 =	sadd.s32 @!p0 $0x88, s6;
	s7 =	simm.s32 @p2 $0x1082  }
0x22: {  	[simem:s7], [sflag:s8] =	dma.local @!p0 [hbm:s6], $0xF7A  }
0x23: {  	s9 =	sor.u32 $0xD0000000, s2;
	s6 =	simm.s32 $0x108;
	_ =	swait.ge @!p0 [sflag:s8], $0x0  }
0x24: {  	s3 =	sadd.s32 $0x88, s3;
	s6 =	simm.s32 @!p1 $0x1082;
	[sflag:s4] =	ssyncset.s32 $0xFFFFF086  }
0x25: {  	[simem:s6], [sflag:s4] =	dma.local [hbm:s3], $0xF7A  }
0x26: {  	[smem:$0x3F9E] =	sst s1;
	(tag) =	ssettag s2;
	_ =	strace s9  }
0x27: {  	s1 =	sld [smem:$0x3FAE]  }
0x28: {  	s2 =	sld [smem:$0x3FAF]  }
0x29: {  	s4 =	sld [smem:$0x3FB1]  }
0x2a: {  	p0 =	seq.s32 s5, $0x0;
	s5 =	sld [smem:$0x3FB2]  }
0x2b: {  	s6 =	sld [smem:$0x3FB3]  }
0x2c: {  	s7 =	sld [smem:$0x3FB4]  }
0x2d: {  	s3 =	simm.s32 $0x108;
	s8 =	sld [smem:$0x3FB5]  }
0x2e: {  	s3 =	simm.s32 @!p0 $0x1082;
	s9 =	sld [smem:$0x3FB6]  }
0x2f: {  	lr =	sadd.s32 s0, s3;
	s0 =	sld [smem:$0x3FAD]  }
0x30: {  	s3 =	sld [smem:$0x3FB0]  }
0x31: {  	[smem:$0x3FB9] =	sst s10  }
0x32: {  	s10 =	sld [smem:$0x3FB7];
	_ =	sdelay $0x3  }
0x33: {  	p0 =	seq.s32 s10, $0x1;
	s10 =	sld [smem:$0x3FB9];
	_ =	sdelay $0x3  }
0x34: {  	[smem:$0x3FB9] =	sst s10  }
0x35: {  	s10 =	sld [smem:$0x3FB8];
	_ =	sdelay $0x3  }
0x36: {  	p1 =	seq.s32 s10, $0x1;
	s10 =	sld [smem:$0x3FB9];
	_ =	sdelay $0x3  }
0x37: {  	[smem:$0x3FB9] =	sst s10  }
0x38: {  	s10 =	sld [smem:$0x3FBA]  }
0x39: {  	_ = 	snop;
	(pc) =	sbr.ind lr, $3  }
0x3a: {  	_ = 	snop  }
0x3b: {  	_ = 	snop  }
0x3c: {  	p2 =	seq.s32 s10, $0x1;
	s10 =	sld [smem:$0x3FB9]  }
0x3d: {  	_ =	shalt  }
0x3e: {  	_ =	shalt  }
0x3f: {  	_ =	shalt  }
0x40: {  	_ =	shalt  }
0x41: {  	_ =	shalt  }
0x42: {  	_ =	shalt  }
0x43: {  	_ =	shalt  }
0x44: {  	_ =	shalt  }
0x45: {  	_ =	shalt  }
0x46: {  	_ =	shalt  }
0x47: {  	_ =	shalt  }
0x48: {  	_ =	shalt  }
0x49: {  	_ =	shalt  }
0x4a: {  	_ =	shalt  }
0x4b: {  	_ =	shalt  }
0x4c: {  	_ =	shalt  }
0x4d: {  	_ =	shalt  }
0x4e: {  	_ =	shalt  }
0x4f: {  	_ =	shalt  }
0x50: {  	_ =	shalt  }
0x51: {  	_ =	shalt  }
0x52: {  	_ =	shalt  }
0x53: {  	_ =	shalt  }
0x54: {  	_ =	shalt  }
0x55: {  	_ =	shalt  }
0x56: {  	_ =	shalt  }
0x57: {  	_ =	shalt  }
0x58: {  	_ =	shalt  }
0x59: {  	_ =	shalt  }
0x5a: {  	_ =	shalt  }
0x5b: {  	_ =	shalt  }
0x5c: {  	_ =	shalt  }
0x5d: {  	_ =	shalt  }
0x5e: {  	_ =	shalt  }
0x5f: {  	_ =	shalt  }
0x60: {  	_ =	shalt  }
0x61: {  	_ =	shalt  }
0x62: {  	_ =	shalt  }
0x63: {  	_ =	shalt  }
0x64: {  	_ =	shalt  }
0x65: {  	_ =	shalt  }
0x66: {  	_ =	shalt  }
0x67: {  	_ =	shalt  }
0x68: {  	_ =	shalt  }
0x69: {  	_ =	shalt  }
0x6a: {  	_ =	shalt  }
0x6b: {  	_ =	shalt  }
0x6c: {  	_ =	shalt  }
0x6d: {  	_ =	shalt  }
0x6e: {  	_ =	shalt  }
0x6f: {  	_ =	shalt  }
0x70: {  	_ =	shalt  }
0x71: {  	_ =	shalt  }
0x72: {  	_ =	shalt  }
0x73: {  	_ =	shalt  }
0x74: {  	_ =	shalt  }
0x75: {  	_ =	shalt  }
0x76: {  	_ =	shalt  }
0x77: {  	_ =	shalt  }
0x78: {  	_ =	shalt  }
0x79: {  	_ =	shalt  }
0x7a: {  	_ =	shalt  }
0x7b: {  	_ =	shalt  }
0x7c: {  	_ =	shalt  }
0x7d: {  	_ =	shalt  }
0x7e: {  	_ =	shalt  }
0x7f: {  	_ =	shalt  }
0x80: {  	_ =	shalt  }
0x81: {  	_ =	shalt  }
0x82: {  	_ =	shalt  }
0x83: {  	_ =	shalt  }
0x84: {  	_ =	shalt  }
0x85: {  	_ =	shalt  }
0x86: {  	_ =	shalt  }
0x87: {  	_ =	shalt  }
.Lfunc_end0:
.L_simem_size_0:
called_computation.3_lowered:
.L_overlay_start_0:
0x88: {  	s2 =	sld [smem:$0x3FD9]  }
0x89: {  	s3 =	sld [smem:$0x3FFE];
	_ =	sdelay $0x1  }
0x8a: {  	s1 =	srdreg.scid  }
0x8b: {  	s0 =	sand.u32 $0x1, s1  }
0x8c: {  	s14 =	sshll.u32 s0, $0xA;
	s2 =	sadd.s32 s3, s2  }
0x8d: {  	s2 =	sadd.s32 s2, s14  }
0x8e: {  	[smem:$0x3FC5] =	sst s2  }
0x8f: {  	_ = 	snop  }
0x90: {  	s2 =	sld [smem:$0x3FD0];
	_ =	sdelay $0x2  }
0x91: {  	s15 =	simm.s32 $0xA;
	s4 =	simm.s32 $0x10  }
0x92: {  	[smem:s4], [sflag:s15] =	dma.local [hbm:s2], $0x1  }
0x93: {  	_ =	swait.eq [sflag:s15], $0x1  }
0x94: {  	[sflag:s15] =	ssyncset.done $0x0  }
0x95: {  	s16 =	sld [smem:$0x10];
	[sflag:s15] =	ssyncadd.s32 $0xFFFFFFFF  }
0x96: {  	s17 =	sld [smem:$0x11];
	(tm) =	ssettm $0x1  }
0x97: {  	s18 =	sld [smem:$0x3FFB];
	_ =	sdelay $0x3  }
0x98: {  	_ =	strace s18  }
0x99: {  	s4 =	sld [smem:$0x3FFC];
	_ =	sdelay $0x3  }
0x9a: {  	_ =	strace s4  }
0x9b: {  	s4 =	sld [smem:$0x3FFD];
	_ =	sdelay $0x3  }
0x9c: {  	_ =	strace s4  }
0x9d: {  	_ =	strace $0x8FFFFFFF  }
0x9e: {  	s19 =	sld [smem:$0x3FDB];
	_ =	sdelay $0x1  }
0x9f: {  	s5 =	simm.s32 $_scs_section_size  }
0xa0: {  	s6 =	simm.s32 $_size__tile_overlayer_lowered;
	s7 =	simm.s32 $_tile_overlayer_lowered  }
0xa1: {  	s22 =	simm.s32 $0x1BFF;
	s21 =	sshll.u32 s7, $0x1;
	s4 =	sadd.s32 s5, s19  }
0xa2: {  	s8 =	simm.s32 $0x0;
	s20 =	sshll.u32 s6, $0x1;
	s6 =	sadd.s32 s21, s4  }
0xa3: {  	[timem:s8], [sflag:s22] =	dma.local [hbm:s6], s20  }
0xa4: {  	_ =	swait.ge [sflag:s22], s20  }
0xa5: {  	s5 =	ssub.s32 $0x0, s20;
	[sflag:s22] =	ssyncset.done $0x0  }
0xa6: {  	[sflag:s22] =	ssyncadd.s32 s5;
	_ =	sdelay $0x1  }
0xa7: {  	s23 =	simm.s32 $0x1B8B  }
0xa8: {  	_ =	swait.ge [sflag:s23], $0x1  }
0xa9: {  	[sflag:s23] =	ssyncset.done $0x0  }
0xaa: {  	s25 =	simm.s32 $0x1B8E;
	s24 =	sld [smem:$0x3FFE];
	[sflag:s23] =	ssyncadd.s32 $0xFFFFFFFF  }
0xab: {  	s26 =	simm.s32 $execute0_lowered;
	[smem:$0x3FD2] =	sst s25  }
0xac: {  	s6 =	sshll.u32 s26, $0x1;
	_ =	strace $0x8000004F;
	[dreg:$0x1] =	wrdreg $0xFFFFFFFF  }
0xad: {  	s28 =	simm.s32 $_size_execute0_lowered;
	s4 =	sadd.s32 s4, s6;
	[dreg:$0x0] =	wrdreg $0x0  }
0xae: {  	s6 =	sshll.u32 s28, $0x1;
	[dreg:$0x2] =	wrdreg s4  }
0xaf: {  	[dreg:$0x3] =	wrdreg s6  }
0xb0: {  	[dreg:$0x4] =	wrdreg $0xC0  }
0xb1: {  	_ =	task [dreg:s8], $0x5FFFF  }
0xb2: {  	[dreg:$0x1] =	wrdreg $0xFFFFFFFF  }
0xb3: {  	[dreg:$0x0] =	wrdreg $0x60  }
0xb4: {  	[dreg:$0x2] =	wrdreg s24  }
0xb5: {  	[dreg:$0x3] =	wrdreg s16  }
0xb6: {  	[dreg:$0x4] =	wrdreg s17  }
0xb7: {  	[dreg:$0x5] =	wrdreg $0x0  }
0xb8: {  	[dreg:$0x6] =	wrdreg $0x9  }
0xb9: {  	_ =	task.clear_ibuf [dreg:s8], $0x7FFFF;
	_ =	strace $0x9000004F  }
0xba: {  	s29 =	simm.s32 $0x9;
	_ =	strace $0x80000051  }
0xbb: {  	_ =	swait.ge [sflag:s29], $0x1  }
0xbc: {  	[sflag:s29] =	ssyncadd.s32 $0xFFFFFFFF  }
0xbd: {  	_ =	strace $0x90000051  }
0xbe: {  	_ =	sfence  }
0xbf: {  	s30 =	sld [smem:$0x0];
	_ =	sdelay $0x2  }
0xc0: {  	s31 =	sshll.u32 s1, $0xD;
	s1 =	sshrl.u32 s1, $0x2  }
0xc1: {  	s3 =	sand.u32 $0x4000, s31;
	s1 =	sadd.s32 s1, s30  }
0xc2: {  	s0 =	sor.u32 s3, s0;
	s1 =	sshll.u32 s1, $0x11  }
0xc3: {  	s0 =	sor.u32 s1, s0  }
0xc4: {  	s0 =	sadd.s32 $0x8F2B, s0  }
0xc5: {  	[sflag:s0] =	ssyncadd.remote.s32 $0x1  }
0xc6: {  	_ =	sfence.sel $0xFFFF  }
0xc7: {  	[dreg:$0x0] =	wrdreg $0xFFFFFFFF;
	(pc) =	sbr.abs _section_cstart, $3  }
0xc8: {  	[dreg:$0x1] =	wrdreg $0xFFFFFFFF  }
0xc9: {  	_ =	task.clear_ibuf [dreg:s8], $0x2FFFF;
	_ =	strace $0x9FFFFFFF  }
0xca: {  	(tm) =	ssettm $0x7FFFFFFF  }
0xcb: {  	_ =	shalt  }
tec
execute0_lowered:
.L_overlay_start_1:
0x0: {  	(tag) =	ssettag $0x1  }
0x1: {  	s5 =	rddreg [dreg:$0x0]  }
0x2: {  	s6 =	rddreg [dreg:$0x1];
	s1 =	srdreg.scid  }
0x3: {  	s0 =	stileid.u32;
	s7 =	rddreg [dreg:$0x2]  }
0x4: {  	s2 =	rddreg [dreg:$0x3];
	s3 =	simm.s32 $0x0;
	s15 =	simm.s32 $0x13000  }
0x5: {  	s16 =	simm.s32 $0x80;
	s17 =	simm.s32 $0xF000;
	s4 =	smul.u32 $0x140, s0  }
0x6: {  	s18 =	simm.s32 $0x1;
	s19 =	simm.s32 $0x1D000;
	s12 =	smul.u32 $0x2800, s0  }
0x7: {  	s8 =	sand.u32 $0x1, s1;
	s1 =	rddreg [dreg:$0x4];
	s28 =	smul.u32 $0x28000, s0  }
0x8: {  	s20 =	simm.s32 $0x0;
	[smem:$0x7FF] =	sst s3;
	s9 =	smul.u32 $0x1400, s8  }
0x9: {  	s10 =	smul.u32 $0x28000, s8;
	_ =	strace $0x80000050;
	s8 =	ssub.s32 $0x2, s8  }
0xa: {  	s29 =	sshrl.u32 s8, $0x1;
	s31 =	sshrl.u32 s28, $0x2;
	s9 =	sadd.s32 s4, s9  }
0xb: {  	s4 =	sadd.s32 $0x2A400, s5;
	s10 =	sadd.s32 s12, s10;
	s14 =	ssub.s32 s8, s29  }
0xc: {  	s12 =	simm.s32 $0xA000;
	s11 =	sshll.u32 s9, $0x1;
	s9 =	sshll.u32 s9, $0x4  }
0xd: {  	s30 =	sshrl.u32 s10, $0x3;
	s11 =	sadd.s32 s11, s5;
	s13 =	sadd.s32 s9, s5  }
0xe: {  	s5 =	sadd.s32 s6, s30;
	s6 =	sadd.s32 s7, s30;
	s7 =	sadd.s32 s31, s2  }
0xf: {  	s8 =	sadd.s32 $0x52400, s11;
	s9 =	sadd.s32 $0xCF400, s13;
	s10 =	sadd.s32 $0x57400, s13  }
0x10: {  	v0 =	vimm.f32 $0.0e+00;
	s11 =	smax.u32 s14, $0x1;
	s13 =	simm.s32 $0x2;
	s14 =	simm.s32 $0xC800  }
.LBB2_1:
0x11: {  	s21 =	simm.s32 $0x0;
	s22 =	simm.s32 $0x200  }
.LBB2_2:
0x12: {  	p0 =	sne.s32 s22, $0x27E00;
	[tilespmem:s21+$0x13070] =	vst v0  }
0x13: {  	[tilespmem:s21+$0x13000] =	vst v0  }
0x14: {  	[tilespmem:s21+$0x13010] =	vst v0  }
.Ltmp0:
0x15: {  	[tilespmem:s21+$0x13020] =	vst v0;
	(pc) =	sbr.rel @p0 .LBB2_2-.Ltmp0, $4  }
0x16: {  	[tilespmem:s21+$0x13030] =	vst v0  }
0x17: {  	[tilespmem:s21+$0x13040] =	vst v0  }
0x18: {  	[tilespmem:s21+$0x13050] =	vst v0  }
0x19: {  	[tilespmem:s21+$0x13060] =	vst v0;
	s21 =	sshra.s32 s22, $0x2;
	s22 =	sadd.s32 $0x200, s22  }
0x1a: {  	[tilespmem:s21+$0x13070] =	vst v0  }
0x1b: {  	[tilespmem:s21+$0x13000] =	vst v0  }
0x1c: {  	[tilespmem:s21+$0x13010] =	vst v0  }
0x1d: {  	[tilespmem:s21+$0x13020] =	vst v0  }
0x1e: {  	[tilespmem:s21+$0x13030] =	vst v0  }
0x1f: {  	[tilespmem:s21+$0x13040] =	vst v0  }
0x20: {  	[tilespmem:s21+$0x13050] =	vst v0  }
0x21: {  	[tilespmem:s21+$0x13060] =	vst v0;
	s29 =	simm.s32 $0x0  }
0x22: {  	[tilespmem:s12], [sflag:$0x2] =	stream.linear.gather [hbm4b:s5+s29], $0x2780, $0x38;
	[tilespmem:$0x1E400] =	vst v63  }
0x23: {  	_ =	swait.ge [sflag:s13], $0x2780  }
0x24: {  	[sflag:s13] =	ssyncset.done $0x0  }
0x25: {  	[sflag:s13] =	ssyncadd.s32 $0xFFFFD880  }
0x26: {  	[tilespmem:s14], [sflag:$0x2] =	stream.linear.gather [hbm4b:s6+s29], $0x2780, $0x38;
	[tilespmem:$0x1E400] =	vst v63  }
0x27: {  	_ =	swait.ge [sflag:s13], $0x2780  }
0x28: {  	[sflag:s13] =	ssyncset.done $0x0  }
0x29: {  	[sflag:s13] =	ssyncadd.s32 $0xFFFFD880  }
0x2a: {  	[spmem:s7] =	stream.linear.scatter [tilespmem:s15], [sflag:$0x2], $0xA000, $0x38;
	[tilespmem:$0x1E400] =	vst v63  }
0x2b: {  	_ =	swait.ge [sflag:s13], $0xA000  }
0x2c: {  	[sflag:s13] =	ssyncset.done $0x0  }
0x2d: {  	[sflag:s13] =	ssyncadd.s32 $0xFFFF6000  }
0x2e: {  	s30 =	simm.s32 $0xC800;
	[bflag:$0x0] =	sbarrier.arrive $0xFFFF  }
0x2f: {  	[tilespmem:s17], [sflag:$0x1] =	stream.indirect.gather [hbm4b:s4+s16], $0x80, s30, s16, $0xb8;
	[tilespmem:$0x1E400] =	vst v63  }
0x30: {  	_ =	swait.ge [sflag:s18], $0x4000  }
0x31: {  	[sflag:s18] =	ssyncset.done $0x0  }
0x32: {  	s31 =	simm.s32 $0xA000;
	[sflag:s18] =	ssyncadd.s32 $0xFFFFC000  }
0x33: {  	[spmem:s2] =	stream.indirect.scatter.add.f32 [tilespmem:s17], [sflag:$0x2], $0x80, s31, s16, $0xb8;
	[tilespmem:$0x1E400] =	vst v63  }
0x34: {  	_ =	swait.ge [sflag:s13], $0x4000  }
0x35: {  	s22 =	simm.s32 $0x400;
	s21 =	simm.s32 $0x80;
	[sflag:s13] =	ssyncset.done $0x0  }
.LBB2_4:
0x36: {  	s23 =	sadd.s32 $0xC800, s21  }
0x37: {  	[sflag:s13] =	ssyncadd.s32 $0xFFFFC000;
	s24 =	smov.u32 s22;
	s25 =	sadd.s32 $0x200, s22  }
0x38: {  	[tilespmem:s17], [sflag:$0x1] =	stream.indirect.gather [hbm4b:s4+s16], $0x80, s23, s16, $0xb8;
	[tilespmem:$0x1E400] =	vst v63  }
0x39: {  	p0 =	sne.s32 s22, $0x9C00;
	_ =	swait.ge [sflag:s18], $0x4000  }
.Ltmp1:
0x3a: {  	[sflag:s18] =	ssyncset.done $0x0;
	(pc) =	sbr.rel @p0 .LBB2_4-.Ltmp1, $4  }
0x3b: {  	s21 =	sadd.s32 $0xA000, s21;
	[sflag:s18] =	ssyncadd.s32 $0xFFFFC000  }
0x3c: {  	[spmem:s2] =	stream.indirect.scatter.add.f32 [tilespmem:s17], [sflag:$0x2], $0x80, s21, s16, $0xb8;
	[tilespmem:$0x1E400] =	vst v63  }
0x3d: {  	_ =	swait.ge [sflag:s13], $0x4000  }
0x3e: {  	s22 =	smov.u32 s25;
	s21 =	sshra.s32 s24, $0x2;
	[sflag:s13] =	ssyncset.done $0x0  }
0x3f: {  	s22 =	sadd.s32 $0xC800, s21;
	[sflag:s13] =	ssyncadd.s32 $0xFFFFC000  }
0x40: {  	[tilespmem:s17], [sflag:$0x1] =	stream.indirect.gather [hbm4b:s4+s16], $0x80, s22, s16, $0xb8;
	[tilespmem:$0x1E400] =	vst v63  }
0x41: {  	_ =	swait.ge [sflag:s18], $0x4000  }
0x42: {  	[sflag:s18] =	ssyncset.done $0x0  }
0x43: {  	s29 =	sadd.s32 $0xA000, s21;
	[sflag:s18] =	ssyncadd.s32 $0xFFFFC000  }
0x44: {  	[spmem:s2] =	stream.indirect.scatter.add.f32 [tilespmem:s17], [sflag:$0x2], $0x80, s29, s16, $0xb8;
	[tilespmem:$0x1E400] =	vst v63  }
0x45: {  	_ =	swait.ge [sflag:s13], $0x4000  }
0x46: {  	[sflag:s13] =	ssyncset.done $0x0  }
0x47: {  	[sflag:s13] =	ssyncadd.s32 $0xFFFFC000  }
0x48: {  	[bflag:$0x0] =	sbarrier.arrive $0xFFFF  }
0x49: {  	[tilespmem:s15], [sflag:$0x2] =	stream.linear.gather [spmem:s7], $0xA000, $0x38;
	[tilespmem:$0x1E400] =	vst v63  }
0x4a: {  	_ =	swait.ge [sflag:s13], $0xA000  }
0x4b: {  	[sflag:s13] =	ssyncset.done $0x0  }
0x4c: {  	s30 =	simm.s32 $0x0;
	[sflag:s13] =	ssyncadd.s32 $0xFFFF6000  }
0x4d: {  	[tilespmem:s19], [sflag:$0x2] =	stream.linear.gather [hbm4b:s8+s30], $0x1400, $0x38;
	[tilespmem:$0x1E400] =	vst v63  }
0x4e: {  	_ =	swait.ge [sflag:s13], $0x1400  }
0x4f: {  	[sflag:s13] =	ssyncset.done $0x0  }
0x50: {  	s21 =	simm.s32 $0x13040;
	[sflag:s13] =	ssyncadd.s32 $0xFFFFEC00  }
0x51: {  	v5 =	vld [tilespmem:s21+$0x30]  }
0x52: {  	v8 =	vld [tilespmem:s21+$0x10]  }
0x53: {  	s31 =	simm.s32 $0x0;
	v6 =	vld [tilespmem:s21+$0xFFFFFFC0]  }
0x54: {  	v2 =	vld [tilespmem:s31+$0x1D000]  }
0x55: {  	v10 =	vld [tilespmem:s21+$0xFFFFFFE0]  }
0x56: {  	v1 =	vld [tilespmem:s21+$0xFFFFFFF0]  }
0x57: {  	v3 =	vld [tilespmem:s21+$0x20]  }
0x58: {  	v4 =	vld [tilespmem:s21+$0xFFFFFFD0]  }
0x59: {  	v9 =	vmul.f32 v5, v2;
	v5 =	vld [tilespmem:s21+$0x0]  }
0x5a: {  	v7 =	vmul.f32 v6, v2  }
0x5b: {  	s23 =	simm.s32 $0x13040;
	s22 =	simm.s32 $0x40;
	v6 =	vmul.f32 v10, v2;
	v8 =	vmul.f32 v8, v2  }
.LBB2_6:
0x5c: {  	p0 =	sne.s32 s22, $0x4FC0  }
0x5d: {  	v4 =	vmul.f32 v4, v2;
	v3 =	vmul.f32 v3, v2;
	[tilespmem:s21+$0x30] =	vst v9;
	s23 =	sadd.s32 $0x80, s23;
	s24 =	smov.u32 s22;
	s22 =	sadd.s32 $0x40, s22  }
0x5e: {  	[tilespmem:s21+$0xFFFFFFC0] =	vst v7;
	v7 =	vmul.f32 v1, v2;
	v2 =	vmul.f32 v5, v2  }
0x5f: {  	[tilespmem:s21+$0x10] =	vst v8  }
0x60: {  	v1 =	vld [tilespmem:s23+$0xFFFFFFF0];
	[tilespmem:s21+$0xFFFFFFE0] =	vst v6  }
0x61: {  	v6 =	vld [tilespmem:s23+$0x30];
	[tilespmem:s21+$0xFFFFFFF0] =	vst v7  }
0x62: {  	v8 =	vld [tilespmem:s23+$0x10];
	[tilespmem:s21+$0x0] =	vst v2  }
0x63: {  	v7 =	vld [tilespmem:s23+$0xFFFFFFC0];
	[tilespmem:s21+$0x20] =	vst v3  }
0x64: {  	s24 =	sshra.s32 s24, $0x2;
	v10 =	vld [tilespmem:s23+$0xFFFFFFE0];
	[tilespmem:s21+$0xFFFFFFD0] =	vst v4;
	s21 =	smov.u32 s23  }
0x65: {  	v2 =	vld [tilespmem:s24+$0x1D000]  }
0x66: {  	v3 =	vld [tilespmem:s23+$0x20]  }
.Ltmp2:
0x67: {  	v4 =	vld [tilespmem:s23+$0xFFFFFFD0];
	(pc) =	sbr.rel @p0 .LBB2_6-.Ltmp2, $3  }
0x68: {  	v5 =	vld [tilespmem:s23+$0x0];
	_ =	sdelay $0x1  }
0x69: {  	v7 =	vmul.f32 v7, v2;
	v9 =	vmul.f32 v6, v2  }
0x6a: {  	v6 =	vmul.f32 v10, v2;
	v8 =	vmul.f32 v8, v2  }
0x6b: {  	[tilespmem:s21+$0x30] =	vst v9  }
0x6c: {  	[tilespmem:s21+$0xFFFFFFC0] =	vst v7  }
0x6d: {  	v1 =	vmul.f32 v1, v2;
	[tilespmem:s21+$0x10] =	vst v8  }
0x6e: {  	v3 =	vmul.f32 v3, v2;
	[tilespmem:s21+$0xFFFFFFE0] =	vst v6  }
0x6f: {  	v5 =	vmul.f32 v5, v2;
	[tilespmem:s21+$0xFFFFFFF0] =	vst v1  }
0x70: {  	v1 =	vmul.f32 v4, v2;
	[tilespmem:s21+$0x20] =	vst v3  }
0x71: {  	[tilespmem:s21+$0x0] =	vst v5  }
0x72: {  	s31 =	simm.s32 $0x0;
	[tilespmem:s21+$0xFFFFFFD0] =	vst v1  }
0x73: {  	[hbm4b:s9+s31] =	stream.linear.scatter [tilespmem:s15], [sflag:$0x2], $0xA000, $0x38;
	[tilespmem:$0x1E400] =	vst v63  }
0x74: {  	_ =	swait.ge [sflag:s13], $0xA000  }
0x75: {  	[sflag:s13] =	ssyncset.done $0x0  }
0x76: {  	s21 =	simm.s32 $0x13040;
	[sflag:s13] =	ssyncadd.s32 $0xFFFF6000  }
0x77: {  	v5 =	vld [tilespmem:s21+$0x30]  }
0x78: {  	v8 =	vld [tilespmem:s21+$0x10]  }
0x79: {  	s22 =	simm.s32 $0x0;
	v6 =	vld [tilespmem:s21+$0xFFFFFFC0]  }
0x7a: {  	v2 =	vld [tilespmem:s22+$0x1D000]  }
0x7b: {  	v10 =	vld [tilespmem:s21+$0xFFFFFFE0]  }
0x7c: {  	v1 =	vld [tilespmem:s21+$0xFFFFFFF0]  }
0x7d: {  	v3 =	vld [tilespmem:s21+$0x20]  }
0x7e: {  	v4 =	vld [tilespmem:s21+$0xFFFFFFD0]  }
0x7f: {  	v9 =	vmul.f32 v5, v2;
	v5 =	vld [tilespmem:s21+$0x0]  }
0x80: {  	v7 =	vmul.f32 v6, v2  }
0x81: {  	s23 =	simm.s32 $0x13040;
	s22 =	simm.s32 $0x40;
	v6 =	vmul.f32 v10, v2;
	v8 =	vmul.f32 v8, v2  }
.LBB2_8:
0x82: {  	p0 =	sne.s32 s22, $0x4FC0  }
0x83: {  	v4 =	vmul.f32 v4, v2;
	v3 =	vmul.f32 v3, v2;
	[tilespmem:s21+$0x30] =	vst v9;
	s23 =	sadd.s32 $0x80, s23;
	s24 =	smov.u32 s22;
	s22 =	sadd.s32 $0x40, s22  }
0x84: {  	[tilespmem:s21+$0xFFFFFFC0] =	vst v7;
	v7 =	vmul.f32 v1, v2;
	v2 =	vmul.f32 v5, v2  }
0x85: {  	[tilespmem:s21+$0x10] =	vst v8  }
0x86: {  	v1 =	vld [tilespmem:s23+$0xFFFFFFF0];
	[tilespmem:s21+$0xFFFFFFE0] =	vst v6  }
0x87: {  	v6 =	vld [tilespmem:s23+$0x30];
	[tilespmem:s21+$0xFFFFFFF0] =	vst v7  }
0x88: {  	v8 =	vld [tilespmem:s23+$0x10];
	[tilespmem:s21+$0x0] =	vst v2  }
0x89: {  	v7 =	vld [tilespmem:s23+$0xFFFFFFC0];
	[tilespmem:s21+$0x20] =	vst v3  }
0x8a: {  	s24 =	sshra.s32 s24, $0x2;
	v10 =	vld [tilespmem:s23+$0xFFFFFFE0];
	[tilespmem:s21+$0xFFFFFFD0] =	vst v4;
	s21 =	smov.u32 s23  }
0x8b: {  	v2 =	vld [tilespmem:s24+$0x1D000]  }
0x8c: {  	v3 =	vld [tilespmem:s23+$0x20]  }
.Ltmp3:
0x8d: {  	v4 =	vld [tilespmem:s23+$0xFFFFFFD0];
	(pc) =	sbr.rel @p0 .LBB2_8-.Ltmp3, $3  }
0x8e: {  	v5 =	vld [tilespmem:s23+$0x0];
	_ =	sdelay $0x1  }
0x8f: {  	v7 =	vmul.f32 v7, v2;
	v9 =	vmul.f32 v6, v2  }
0x90: {  	v6 =	vmul.f32 v10, v2;
	v8 =	vmul.f32 v8, v2  }
0x91: {  	[tilespmem:s21+$0x30] =	vst v9  }
0x92: {  	[tilespmem:s21+$0xFFFFFFC0] =	vst v7  }
0x93: {  	v1 =	vmul.f32 v1, v2;
	[tilespmem:s21+$0x10] =	vst v8  }
0x94: {  	v3 =	vmul.f32 v3, v2;
	[tilespmem:s21+$0xFFFFFFE0] =	vst v6  }
0x95: {  	v5 =	vmul.f32 v5, v2;
	[tilespmem:s21+$0xFFFFFFF0] =	vst v1  }
0x96: {  	s20 =	sadd.s32 $0x1, s20;
	v1 =	vmul.f32 v4, v2;
	[tilespmem:s21+$0x20] =	vst v3  }
0x97: {  	p0 =	sne.s32 s20, s11;
	[tilespmem:s21+$0x0] =	vst v5  }
.Ltmp4:
0x98: {  	[tilespmem:s21+$0xFFFFFFD0] =	vst v1;
	(pc) =	sbr.rel @p0 .LBB2_1-.Ltmp4, $4  }
0x99: {  	[hbm4b:s10+s3] =	stream.linear.scatter [tilespmem:s15], [sflag:$0x2], $0xA000, $0x38;
	[tilespmem:$0x1E400] =	vst v63  }
0x9a: {  	_ =	swait.ge [sflag:s13], $0xA000  }
0x9b: {  	[sflag:s13] =	ssyncset.done $0x0  }
0x9c: {  	[sflag:s13] =	ssyncadd.s32 $0xFFFF6000  }
0x9d: {  	_ =	sfence.sel $0x180000  }
0x9e: {  	[bflag:$0x0] =	sbarrier.arrive $0xFFFF  }
0x9f: {  	p0 =	sne.s32 s0, $0x0;
	_ =	strace $0x90000050  }
0xa0: {  	s0 =	sadd.s32 @!p0 $0x100000, s1;
	[bflag:$0x2] =	sbarrier.arrive $0xFFFF  }
0xa1: {  	[sflag:s0] =	ssyncadd.tile.s32 @!p0 $0x1;
	_ =	shalt  }
.Lfunc_end2:
_tile_overlayer_lowered:
.L_overlay_start_2:
0xa2: {  	(tag) =	ssettag $0x2  }
0xa3: {  	s0 =	rddreg [dreg:$0x0];
	s2 =	stileid.u32  }
0xa4: {  	s1 =	rddreg [dreg:$0x1];
	p0 =	sne.s32 s2, $0x0  }
0xa5: {  	s3 =	rddreg [dreg:$0x2];
	[bflag:$0x3] =	sbarrier.arrive $0xFFFF;
	s2 =	simm.s32 @!p0 $0x1C02  }
0xa6: {  	[timem:s3], [sflag:s2] =	dma.local @!p0 [hbm:s0], s1  }
0xa7: {  	s0 =	simm.s32 @!p0 $0x2  }
0xa8: {  	_ =	swait.ge @!p0 [sflag:s0], s1  }
0xa9: {  	s1 =	ssub.s32 @!p0 $0x0, s1;
	[sflag:s0] =	ssyncset.done @!p0 $0x0  }
0xaa: {  	[sflag:s0] =	ssyncadd.s32 @!p0 s1  }
0xab: {  	[bflag:$0x3] =	sbarrier.arrive $0xFFFF  }
0xac: {  	_ =	shalt  }

// kernel: kernel.19.cloned.1.call-start
scs
__scs_entry_jumppad:
0x0: {  	(pc) =	sbr.rel $0x88, $3  }
0x1: {  	(tag) =	ssettag $0x0;
	lr =	simm.s32 $0x1  }
0x2: {  	[smem:$0x3F9E] =	sst lr;
	_ =	strace $0xD0000000  }
0x3: {  	_ = 	snop  }
0x4: {  	_ = 	snop  }
0x5: {  	_ = 	snop  }
0x6: {  	_ = 	snop  }
0x7: {  	_ = 	snop  }
__scs_overlays_trampoline_lowered:
0x8: {  	[smem:$0x3FAD] =	sst s0  }
0x9: {  	[smem:$0x3FAE] =	sst s1  }
0xa: {  	[smem:$0x3FAF] =	sst s2  }
0xb: {  	[smem:$0x3FB0] =	sst s3  }
0xc: {  	[smem:$0x3FB1] =	sst s4  }
0xd: {  	[smem:$0x3FB2] =	sst s5  }
0xe: {  	[smem:$0x3FB3] =	sst s6  }
0xf: {  	[smem:$0x3FB4] =	sst s7  }
0x10: {  	[smem:$0x3FB5] =	sst s8  }
0x11: {  	[smem:$0x3FB6] =	sst s9;
	s0 =	simm.s32 @!p0 $0x0  }
0x12: {  	s1 =	sld [smem:$0x3F9C];
	s0 =	simm.s32 @p0 $0x1  }
0x13: {  	[smem:$0x3FB7] =	sst s0;
	s0 =	simm.s32 @!p1 $0x0  }
0x14: {  	s2 =	sld [smem:$0x3F9B];
	s0 =	simm.s32 @p1 $0x1  }
0x15: {  	[smem:$0x3FB8] =	sst s0;
	s0 =	simm.s32 @!p2 $0x0  }
0x16: {  	s3 =	sld [smem:$0x3FDB];
	s0 =	simm.s32 @p2 $0x1  }
0x17: {  	s4 =	simm.s32 $0x1BF5;
	[smem:$0x3FBA] =	sst s0  }
0x18: {  	s0 =	sld [smem:$0x3F9D];
	_ =	swait.ge [sflag:s4], $0x0  }
0x19: {  	s7 =	sld [smem:$0x3F9E]  }
0x1a: {  	s8 =	sadd.s32 $0xFFFFE003, lr  }
0x1b: {  	s9 =	sadd.s32 $0xFFFFFEF7, lr;
	s5 =	simm.s32 $0xFFFFFFFF;
	p2 =	slt.u32 s8, $0xFFFFF086  }
0x1c: {  	p1 =	slt.u32 s9, $0xF7A;
	s5 =	simm.s32 @!p2 $0x0  }
0x1d: {  	s5 =	simm.s32 @p1 $0x1;
	p0 =	seq.s32 s7, s2  }
0x1e: {  	s7 =	smul.u32 @!p0 $0xF7A, s2;
	p2 =	seq.s32 @!p0 s5, $0x0  }
0x1f: {  	s9 =	smul.u32 $0xF7A, s1;
	s8 =	simm.s32 @!p0 $0x1BF5;
	p2 =	por !p2, p0  }
0x20: {  	[sflag:s8] =	ssyncset.s32 @!p0 $0xFFFFF086;
	s6 =	sadd.s32 @!p0 s3, s7;
	s7 =	simm.s32 @!p0 $0x108  }
0x21: {  	s3 =	sadd.s32 s3, s9;
	s6 =	sadd.s32 @!p0 $0x88, s6;
	s7 =	simm.s32 @p2 $0x1082  }
0x22: {  	[simem:s7], [sflag:s8] =	dma.local @!p0 [hbm:s6], $0xF7A  }
0x23: {  	s9 =	sor.u32 $0xD0000000, s2;
	s6 =	simm.s32 $0x108;
	_ =	swait.ge @!p0 [sflag:s8], $0x0  }
0x24: {  	s3 =	sadd.s32 $0x88, s3;
	s6 =	simm.s32 @!p1 $0x1082;
	[sflag:s4] =	ssyncset.s32 $0xFFFFF086  }
0x25: {  	[simem:s6], [sflag:s4] =	dma.local [hbm:s3], $0xF7A  }
0x26: {  	[smem:$0x3F9E] =	sst s1;
	(tag) =	ssettag s2;
	_ =	strace s9  }
0x27: {  	s1 =	sld [smem:$0x3FAE]  }
0x28: {  	s2 =	sld [smem:$0x3FAF]  }
0x29: {  	s4 =	sld [smem:$0x3FB1]  }
0x2a: {  	p0 =	seq.s32 s5, $0x0;
	s5 =	sld [smem:$0x3FB2]  }
0x2b: {  	s6 =	sld [smem:$0x3FB3]  }
0x2c: {  	s7 =	sld [smem:$0x3FB4]  }
0x2d: {  	s3 =	simm.s32 $0x108;
	s8 =	sld [smem:$0x3FB5]  }
0x2e: {  	s3 =	simm.s32 @!p0 $0x1082;
	s9 =	sld [smem:$0x3FB6]  }
0x2f: {  	lr =	sadd.s32 s0, s3;
	s0 =	sld [smem:$0x3FAD]  }
0x30: {  	s3 =	sld [smem:$0x3FB0]  }
0x31: {  	[smem:$0x3FB9] =	sst s10  }
0x32: {  	s10 =	sld [smem:$0x3FB7];
	_ =	sdelay $0x3  }
0x33: {  	p0 =	seq.s32 s10, $0x1;
	s10 =	sld [smem:$0x3FB9];
	_ =	sdelay $0x3  }
0x34: {  	[smem:$0x3FB9] =	sst s10  }
0x35: {  	s10 =	sld [smem:$0x3FB8];
	_ =	sdelay $0x3  }
0x36: {  	p1 =	seq.s32 s10, $0x1;
	s10 =	sld [smem:$0x3FB9];
	_ =	sdelay $0x3  }
0x37: {  	[smem:$0x3FB9] =	sst s10  }
0x38: {  	s10 =	sld [smem:$0x3FBA]  }
0x39: {  	_ = 	snop;
	(pc) =	sbr.ind lr, $3  }
0x3a: {  	_ = 	snop  }
0x3b: {  	_ = 	snop  }
0x3c: {  	p2 =	seq.s32 s10, $0x1;
	s10 =	sld [smem:$0x3FB9]  }
0x3d: {  	_ =	shalt  }
0x3e: {  	_ =	shalt  }
0x3f: {  	_ =	shalt  }
0x40: {  	_ =	shalt  }
0x41: {  	_ =	shalt  }
0x42: {  	_ =	shalt  }
0x43: {  	_ =	shalt  }
0x44: {  	_ =	shalt  }
0x45: {  	_ =	shalt  }
0x46: {  	_ =	shalt  }
0x47: {  	_ =	shalt  }
0x48: {  	_ =	shalt  }
0x49: {  	_ =	shalt  }
0x4a: {  	_ =	shalt  }
0x4b: {  	_ =	shalt  }
0x4c: {  	_ =	shalt  }
0x4d: {  	_ =	shalt  }
0x4e: {  	_ =	shalt  }
0x4f: {  	_ =	shalt  }
0x50: {  	_ =	shalt  }
0x51: {  	_ =	shalt  }
0x52: {  	_ =	shalt  }
0x53: {  	_ =	shalt  }
0x54: {  	_ =	shalt  }
0x55: {  	_ =	shalt  }
0x56: {  	_ =	shalt  }
0x57: {  	_ =	shalt  }
0x58: {  	_ =	shalt  }
0x59: {  	_ =	shalt  }
0x5a: {  	_ =	shalt  }
0x5b: {  	_ =	shalt  }
0x5c: {  	_ =	shalt  }
0x5d: {  	_ =	shalt  }
0x5e: {  	_ =	shalt  }
0x5f: {  	_ =	shalt  }
0x60: {  	_ =	shalt  }
0x61: {  	_ =	shalt  }
0x62: {  	_ =	shalt  }
0x63: {  	_ =	shalt  }
0x64: {  	_ =	shalt  }
0x65: {  	_ =	shalt  }
0x66: {  	_ =	shalt  }
0x67: {  	_ =	shalt  }
0x68: {  	_ =	shalt  }
0x69: {  	_ =	shalt  }
0x6a: {  	_ =	shalt  }
0x6b: {  	_ =	shalt  }
0x6c: {  	_ =	shalt  }
0x6d: {  	_ =	shalt  }
0x6e: {  	_ =	shalt  }
0x6f: {  	_ =	shalt  }
0x70: {  	_ =	shalt  }
0x71: {  	_ =	shalt  }
0x72: {  	_ =	shalt  }
0x73: {  	_ =	shalt  }
0x74: {  	_ =	shalt  }
0x75: {  	_ =	shalt  }
0x76: {  	_ =	shalt  }
0x77: {  	_ =	shalt  }
0x78: {  	_ =	shalt  }
0x79: {  	_ =	shalt  }
0x7a: {  	_ =	shalt  }
0x7b: {  	_ =	shalt  }
0x7c: {  	_ =	shalt  }
0x7d: {  	_ =	shalt  }
0x7e: {  	_ =	shalt  }
0x7f: {  	_ =	shalt  }
0x80: {  	_ =	shalt  }
0x81: {  	_ =	shalt  }
0x82: {  	_ =	shalt  }
0x83: {  	_ =	shalt  }
0x84: {  	_ =	shalt  }
0x85: {  	_ =	shalt  }
0x86: {  	_ =	shalt  }
0x87: {  	_ =	shalt  }
.Lfunc_end0:
.L_simem_size_0:
called_computation.4_lowered:
.L_overlay_start_0:
0x88: {  	s2 =	sld [smem:$0x3FD9]  }
0x89: {  	s3 =	sld [smem:$0x3FFE];
	_ =	sdelay $0x1  }
0x8a: {  	s1 =	srdreg.scid  }
0x8b: {  	s0 =	sand.u32 $0x1, s1  }
0x8c: {  	s16 =	sshll.u32 s0, $0xA;
	s2 =	sadd.s32 s3, s2  }
0x8d: {  	s2 =	sadd.s32 s2, s16  }
0x8e: {  	[smem:$0x3FC5] =	sst s2  }
0x8f: {  	_ = 	snop  }
0x90: {  	(tm) =	ssettm $0x1  }
0x91: {  	s17 =	sld [smem:$0x3FFB];
	_ =	sdelay $0x3  }
0x92: {  	_ =	strace s17  }
0x93: {  	s2 =	sld [smem:$0x3FFC];
	_ =	sdelay $0x3  }
0x94: {  	_ =	strace s2  }
0x95: {  	s2 =	sld [smem:$0x3FFD];
	_ =	sdelay $0x3  }
0x96: {  	_ =	strace s2  }
0x97: {  	_ =	strace $0x8FFFFFFF  }
0x98: {  	s18 =	sld [smem:$0x3FDB];
	_ =	sdelay $0x1  }
0x99: {  	s19 =	simm.s32 $_scs_section_size  }
0x9a: {  	s4 =	simm.s32 $_size__tile_overlayer_lowered;
	s5 =	simm.s32 $_tile_overlayer_lowered  }
0x9b: {  	s22 =	simm.s32 $0x1BFF;
	s21 =	sshll.u32 s5, $0x1;
	s2 =	sadd.s32 s19, s18  }
0x9c: {  	s6 =	simm.s32 $0x0;
	s20 =	sshll.u32 s4, $0x1;
	s4 =	sadd.s32 s21, s2  }
0x9d: {  	[timem:s6], [sflag:s22] =	dma.local [hbm:s4], s20  }
0x9e: {  	_ =	swait.ge [sflag:s22], s20  }
0x9f: {  	s3 =	ssub.s32 $0x0, s20;
	[sflag:s22] =	ssyncset.done $0x0  }
0xa0: {  	[sflag:s22] =	ssyncadd.s32 s3;
	_ =	sdelay $0x1  }
0xa1: {  	s23 =	simm.s32 $0x1B8B  }
0xa2: {  	_ =	swait.ge [sflag:s23], $0x1  }
0xa3: {  	[sflag:s23] =	ssyncset.done $0x0  }
0xa4: {  	s25 =	simm.s32 $0x1B8E;
	s24 =	sld [smem:$0x3FFE];
	[sflag:s23] =	ssyncadd.s32 $0xFFFFFFFF  }
0xa5: {  	s26 =	simm.s32 $execute0_lowered;
	[smem:$0x3FD2] =	sst s25  }
0xa6: {  	s4 =	sshll.u32 s26, $0x1;
	_ =	strace $0x80000052;
	[dreg:$0x1] =	wrdreg $0xFFFFFFFF  }
0xa7: {  	s28 =	simm.s32 $_size_execute0_lowered;
	s2 =	sadd.s32 s2, s4;
	[dreg:$0x0] =	wrdreg $0x0  }
0xa8: {  	s4 =	sshll.u32 s28, $0x1;
	[dreg:$0x2] =	wrdreg s2  }
0xa9: {  	[dreg:$0x3] =	wrdreg s4  }
0xaa: {  	[dreg:$0x4] =	wrdreg $0xC0  }
0xab: {  	_ =	task [dreg:s6], $0x5FFFF  }
0xac: {  	[dreg:$0x1] =	wrdreg $0xFFFFFFFF  }
0xad: {  	[dreg:$0x0] =	wrdreg $0x60  }
0xae: {  	[dreg:$0x2] =	wrdreg s24  }
0xaf: {  	[dreg:$0x3] =	wrdreg $0x9  }
0xb0: {  	_ =	task.clear_ibuf [dreg:s6], $0x4FFFF;
	_ =	strace $0x90000052  }
0xb1: {  	s29 =	simm.s32 $0x9;
	_ =	strace $0x80000054  }
0xb2: {  	_ =	swait.ge [sflag:s29], $0x1  }
0xb3: {  	[sflag:s29] =	ssyncadd.s32 $0xFFFFFFFF  }
0xb4: {  	_ =	strace $0x90000054  }
0xb5: {  	_ =	sfence  }
0xb6: {  	s30 =	sld [smem:$0x0];
	_ =	sdelay $0x2  }
0xb7: {  	s31 =	sshll.u32 s1, $0xD;
	s1 =	sshrl.u32 s1, $0x2  }
0xb8: {  	s3 =	sand.u32 $0x4000, s31;
	s1 =	sadd.s32 s1, s30  }
0xb9: {  	s0 =	sor.u32 s3, s0;
	s1 =	sshll.u32 s1, $0x11  }
0xba: {  	s0 =	sor.u32 s1, s0  }
0xbb: {  	s0 =	sadd.s32 $0x8F2B, s0  }
0xbc: {  	[sflag:s0] =	ssyncadd.remote.s32 $0x1  }
0xbd: {  	_ =	sfence.sel $0xFFFF  }
0xbe: {  	[dreg:$0x0] =	wrdreg $0xFFFFFFFF;
	(pc) =	sbr.abs _section_cstart, $3  }
0xbf: {  	[dreg:$0x1] =	wrdreg $0xFFFFFFFF  }
0xc0: {  	_ =	task.clear_ibuf [dreg:s6], $0x2FFFF;
	_ =	strace $0x9FFFFFFF  }
0xc1: {  	(tm) =	ssettm $0x7FFFFFFF  }
tec
execute0_lowered:
.L_overlay_start_1:
0x0: {  	(tag) =	ssettag $0x1  }
0x1: {  	s0 =	srdreg.scid  }
0x2: {  	s4 =	rddreg [dreg:$0x0];
	s3 =	sand.u32 $0x1, s0  }
0x3: {  	s1 =	stileid.u32;
	s9 =	simm.s32 $0x1;
	s2 =	sshll.u32 s3, $0x4  }
0x4: {  	s10 =	simm.s32 $0xA000;
	s0 =	rddreg [dreg:$0x1];
	s5 =	sor.u32 s1, s2  }
0x5: {  	s3 =	ssub.s32 $0x2, s3;
	s2 =	simm.s32 $0x0;
	s5 =	smul.u32 $0x1400, s5  }
0x6: {  	s11 =	simm.s32 $0x0;
	s6 =	sshrl.u32 s3, $0x1;
	[smem:$0x7FF] =	sst s2  }
0x7: {  	s8 =	ssub.s32 s3, s6;
	_ =	strace $0x80000053;
	s7 =	sadd.s32 s5, s4  }
0x8: {  	s8 =	smax.u32 s8, $0x1;
	s3 =	sadd.s32 $0x2400, s7;
	s4 =	sadd.s32 $0x7F400, s7  }
0x9: {  	s5 =	sadd.s32 $0xA7400, s7;
	s6 =	sadd.s32 $0xCF400, s7;
	s7 =	sadd.s32 $0x2A400, s7  }
.LBB2_1:
0xa: {  	[tilespmem:s2], [sflag:$0x1] =	stream.linear.gather [hbm4b:s3+s2], $0xA000, $0x38;
	[tilespmem:$0x14000] =	vst v63  }
0xb: {  	_ =	swait.ge [sflag:s9], $0xA000  }
0xc: {  	[sflag:s9] =	ssyncset.done $0x0  }
0xd: {  	[sflag:s9] =	ssyncadd.s32 $0xFFFF6000  }
0xe: {  	[tilespmem:s10], [sflag:$0x1] =	stream.linear.gather [hbm4b:s4+s2], $0xA000, $0x38;
	[tilespmem:$0x14000] =	vst v63  }
0xf: {  	_ =	swait.ge [sflag:s9], $0xA000  }
0x10: {  	[sflag:s9] =	ssyncset.done $0x0  }
0x11: {  	s12 =	simm.s32 $0x0;
	[sflag:s9] =	ssyncadd.s32 $0xFFFF6000  }
0x12: {  	v7 =	vld [tilespmem:s12+$0xA000]  }
0x13: {  	v11 =	vld [tilespmem:s12+$0xA010]  }
0x14: {  	v5 =	vld [tilespmem:s12+$0xA020]  }
0x15: {  	v4 =	vld [tilespmem:s12+$0xA030]  }
0x16: {  	v3 =	vld [tilespmem:s12+$0xA040]  }
0x17: {  	v2 =	vld [tilespmem:s12+$0xA050]  }
0x18: {  	v1 =	vld [tilespmem:s12+$0xA060]  }
0x19: {  	v0 =	vld [tilespmem:s12+$0xA070]  }
0x1a: {  	v12 =	vld [tilespmem:s12+$0x0]  }
0x1b: {  	v13 =	vld [tilespmem:s12+$0x10]  }
0x1c: {  	v10 =	vld [tilespmem:s12+$0x20]  }
0x1d: {  	v9 =	vld [tilespmem:s12+$0x30]  }
0x1e: {  	v8 =	vld [tilespmem:s12+$0x40]  }
0x1f: {  	v6 =	vld [tilespmem:s12+$0x50];
	v12 =	vadd.f32 v7, v12  }
0x20: {  	s13 =	simm.s32 $0x200;
	v11 =	vadd.f32 v11, v13;
	v7 =	vld [tilespmem:s12+$0x60]  }
.LBB2_2:
0x21: {  	s14 =	sshra.s32 s13, $0x2;
	p0 =	sne.s32 s13, $0x27E00;
	[tilespmem:s12+$0x0] =	vst v12;
	v5 =	vadd.f32 v5, v10;
	v10 =	vld [tilespmem:s12+$0x70]  }
0x22: {  	v12 =	vld [tilespmem:s14+$0xA000];
	[tilespmem:s12+$0x10] =	vst v11;
	v4 =	vadd.f32 v4, v9  }
0x23: {  	v11 =	vld [tilespmem:s14+$0xA010];
	[tilespmem:s12+$0x20] =	vst v5;
	v3 =	vadd.f32 v3, v8  }
0x24: {  	v5 =	vld [tilespmem:s14+$0xA020];
	[tilespmem:s12+$0x30] =	vst v4;
	v2 =	vadd.f32 v2, v6  }
0x25: {  	v4 =	vld [tilespmem:s14+$0xA030];
	[tilespmem:s12+$0x40] =	vst v3;
	v1 =	vadd.f32 v1, v7  }
0x26: {  	v3 =	vld [tilespmem:s14+$0xA040];
	[tilespmem:s12+$0x50] =	vst v2;
	v0 =	vadd.f32 v0, v10  }
0x27: {  	v2 =	vld [tilespmem:s14+$0xA050];
	[tilespmem:s12+$0x60] =	vst v1  }
0x28: {  	v1 =	vld [tilespmem:s14+$0xA060];
	[tilespmem:s12+$0x70] =	vst v0;
	s12 =	smov.u32 s14  }
0x29: {  	v0 =	vld [tilespmem:s12+$0xA070]  }
0x2a: {  	v6 =	vld [tilespmem:s12+$0x0]  }
0x2b: {  	v7 =	vld [tilespmem:s12+$0x10]  }
.Ltmp0:
0x2c: {  	v10 =	vld [tilespmem:s12+$0x20];
	(pc) =	sbr.rel @p0 .LBB2_2-.Ltmp0, $4  }
0x2d: {  	v9 =	vld [tilespmem:s12+$0x30]  }
0x2e: {  	v8 =	vld [tilespmem:s12+$0x40]  }
0x2f: {  	v12 =	vadd.f32 v12, v6;
	v6 =	vld [tilespmem:s12+$0x50]  }
0x30: {  	s13 =	sadd.s32 $0x200, s13;
	v11 =	vadd.f32 v11, v7;
	v7 =	vld [tilespmem:s12+$0x60]  }
0x31: {  	[tilespmem:s12+$0x0] =	vst v12;
	v5 =	vadd.f32 v5, v10;
	v10 =	vld [tilespmem:s12+$0x70]  }
0x32: {  	[tilespmem:s12+$0x10] =	vst v11;
	v4 =	vadd.f32 v4, v9  }
0x33: {  	[tilespmem:s12+$0x20] =	vst v5;
	v3 =	vadd.f32 v3, v8  }
0x34: {  	[tilespmem:s12+$0x30] =	vst v4;
	v2 =	vadd.f32 v2, v6  }
0x35: {  	[tilespmem:s12+$0x40] =	vst v3;
	v1 =	vadd.f32 v1, v7  }
0x36: {  	[tilespmem:s12+$0x50] =	vst v2;
	v0 =	vadd.f32 v0, v10  }
0x37: {  	[tilespmem:s12+$0x60] =	vst v1  }
0x38: {  	s31 =	simm.s32 $0x0;
	[tilespmem:s12+$0x70] =	vst v0  }
0x39: {  	[tilespmem:s10], [sflag:$0x1] =	stream.linear.gather [hbm4b:s5+s31], $0xA000, $0x38;
	[tilespmem:$0x14000] =	vst v63  }
0x3a: {  	_ =	swait.ge [sflag:s9], $0xA000  }
0x3b: {  	[sflag:s9] =	ssyncset.done $0x0  }
0x3c: {  	s12 =	simm.s32 $0x0;
	[sflag:s9] =	ssyncadd.s32 $0xFFFF6000  }
0x3d: {  	v7 =	vld [tilespmem:s12+$0xA000]  }
0x3e: {  	v11 =	vld [tilespmem:s12+$0xA010]  }
0x3f: {  	v5 =	vld [tilespmem:s12+$0xA020]  }
0x40: {  	v4 =	vld [tilespmem:s12+$0xA030]  }
0x41: {  	v3 =	vld [tilespmem:s12+$0xA040]  }
0x42: {  	v2 =	vld [tilespmem:s12+$0xA050]  }
0x43: {  	v1 =	vld [tilespmem:s12+$0xA060]  }
0x44: {  	v0 =	vld [tilespmem:s12+$0xA070]  }
0x45: {  	v12 =	vld [tilespmem:s12+$0x0]  }
0x46: {  	v13 =	vld [tilespmem:s12+$0x10]  }
0x47: {  	v10 =	vld [tilespmem:s12+$0x20]  }
0x48: {  	v9 =	vld [tilespmem:s12+$0x30]  }
0x49: {  	v8 =	vld [tilespmem:s12+$0x40]  }
0x4a: {  	v6 =	vld [tilespmem:s12+$0x50];
	v12 =	vadd.f32 v7, v12  }
0x4b: {  	s13 =	simm.s32 $0x200;
	v11 =	vadd.f32 v11, v13;
	v7 =	vld [tilespmem:s12+$0x60]  }
.LBB2_4:
0x4c: {  	s14 =	sshra.s32 s13, $0x2;
	p0 =	sne.s32 s13, $0x27E00;
	[tilespmem:s12+$0x0] =	vst v12;
	v5 =	vadd.f32 v5, v10;
	v10 =	vld [tilespmem:s12+$0x70]  }
0x4d: {  	v12 =	vld [tilespmem:s14+$0xA000];
	[tilespmem:s12+$0x10] =	vst v11;
	v4 =	vadd.f32 v4, v9  }
0x4e: {  	v11 =	vld [tilespmem:s14+$0xA010];
	[tilespmem:s12+$0x20] =	vst v5;
	v3 =	vadd.f32 v3, v8  }
0x4f: {  	v5 =	vld [tilespmem:s14+$0xA020];
	[tilespmem:s12+$0x30] =	vst v4;
	v2 =	vadd.f32 v2, v6  }
0x50: {  	v4 =	vld [tilespmem:s14+$0xA030];
	[tilespmem:s12+$0x40] =	vst v3;
	v1 =	vadd.f32 v1, v7  }
0x51: {  	v3 =	vld [tilespmem:s14+$0xA040];
	[tilespmem:s12+$0x50] =	vst v2;
	v0 =	vadd.f32 v0, v10  }
0x52: {  	v2 =	vld [tilespmem:s14+$0xA050];
	[tilespmem:s12+$0x60] =	vst v1  }
0x53: {  	v1 =	vld [tilespmem:s14+$0xA060];
	[tilespmem:s12+$0x70] =	vst v0;
	s12 =	smov.u32 s14  }
0x54: {  	v0 =	vld [tilespmem:s12+$0xA070]  }
0x55: {  	v6 =	vld [tilespmem:s12+$0x0]  }
0x56: {  	v7 =	vld [tilespmem:s12+$0x10]  }
.Ltmp1:
0x57: {  	v10 =	vld [tilespmem:s12+$0x20];
	(pc) =	sbr.rel @p0 .LBB2_4-.Ltmp1, $4  }
0x58: {  	v9 =	vld [tilespmem:s12+$0x30]  }
0x59: {  	v8 =	vld [tilespmem:s12+$0x40]  }
0x5a: {  	v12 =	vadd.f32 v12, v6;
	v6 =	vld [tilespmem:s12+$0x50]  }
0x5b: {  	s13 =	sadd.s32 $0x200, s13;
	v11 =	vadd.f32 v11, v7;
	v7 =	vld [tilespmem:s12+$0x60]  }
0x5c: {  	[tilespmem:s12+$0x0] =	vst v12;
	v5 =	vadd.f32 v5, v10;
	v10 =	vld [tilespmem:s12+$0x70]  }
0x5d: {  	[tilespmem:s12+$0x10] =	vst v11;
	v4 =	vadd.f32 v4, v9  }
0x5e: {  	[tilespmem:s12+$0x20] =	vst v5;
	v3 =	vadd.f32 v3, v8  }
0x5f: {  	[tilespmem:s12+$0x30] =	vst v4;
	v2 =	vadd.f32 v2, v6  }
0x60: {  	[tilespmem:s12+$0x40] =	vst v3;
	v1 =	vadd.f32 v1, v7  }
0x61: {  	[tilespmem:s12+$0x50] =	vst v2;
	v0 =	vadd.f32 v0, v10  }
0x62: {  	[tilespmem:s12+$0x60] =	vst v1  }
0x63: {  	s31 =	simm.s32 $0x0;
	[tilespmem:s12+$0x70] =	vst v0  }
0x64: {  	[tilespmem:s10], [sflag:$0x1] =	stream.linear.gather [hbm4b:s6+s31], $0xA000, $0x38;
	[tilespmem:$0x14000] =	vst v63  }
0x65: {  	_ =	swait.ge [sflag:s9], $0xA000  }
0x66: {  	[sflag:s9] =	ssyncset.done $0x0  }
0x67: {  	s12 =	simm.s32 $0x0;
	[sflag:s9] =	ssyncadd.s32 $0xFFFF6000  }
0x68: {  	v7 =	vld [tilespmem:s12+$0xA000]  }
0x69: {  	v11 =	vld [tilespmem:s12+$0xA010]  }
0x6a: {  	v5 =	vld [tilespmem:s12+$0xA020]  }
0x6b: {  	v4 =	vld [tilespmem:s12+$0xA030]  }
0x6c: {  	v3 =	vld [tilespmem:s12+$0xA040]  }
0x6d: {  	v2 =	vld [tilespmem:s12+$0xA050]  }
0x6e: {  	v1 =	vld [tilespmem:s12+$0xA060]  }
0x6f: {  	v0 =	vld [tilespmem:s12+$0xA070]  }
0x70: {  	v12 =	vld [tilespmem:s12+$0x0]  }
0x71: {  	v13 =	vld [tilespmem:s12+$0x10]  }
0x72: {  	v10 =	vld [tilespmem:s12+$0x20]  }
0x73: {  	v9 =	vld [tilespmem:s12+$0x30]  }
0x74: {  	v8 =	vld [tilespmem:s12+$0x40]  }
0x75: {  	v6 =	vld [tilespmem:s12+$0x50];
	v12 =	vadd.f32 v7, v12  }
0x76: {  	s14 =	simm.s32 $0x200;
	s13 =	simm.s32 $0x0;
	v11 =	vadd.f32 v11, v13;
	v7 =	vld [tilespmem:s12+$0x60]  }
.LBB2_6:
0x77: {  	s15 =	sshra.s32 s14, $0x2;
	p0 =	sne.s32 s14, $0x27E00;
	[tilespmem:s13+$0x0] =	vst v12;
	v5 =	vadd.f32 v5, v10;
	v10 =	vld [tilespmem:s13+$0x70]  }
0x78: {  	v12 =	vld [tilespmem:s15+$0xA000];
	[tilespmem:s13+$0x10] =	vst v11;
	v4 =	vadd.f32 v4, v9  }
0x79: {  	v11 =	vld [tilespmem:s15+$0xA010];
	[tilespmem:s13+$0x20] =	vst v5;
	v3 =	vadd.f32 v3, v8  }
0x7a: {  	v5 =	vld [tilespmem:s15+$0xA020];
	[tilespmem:s13+$0x30] =	vst v4;
	v2 =	vadd.f32 v2, v6  }
0x7b: {  	v4 =	vld [tilespmem:s15+$0xA030];
	[tilespmem:s13+$0x40] =	vst v3;
	v1 =	vadd.f32 v1, v7  }
0x7c: {  	v3 =	vld [tilespmem:s15+$0xA040];
	[tilespmem:s13+$0x50] =	vst v2;
	v0 =	vadd.f32 v0, v10  }
0x7d: {  	v2 =	vld [tilespmem:s15+$0xA050];
	[tilespmem:s13+$0x60] =	vst v1  }
0x7e: {  	v1 =	vld [tilespmem:s15+$0xA060];
	[tilespmem:s13+$0x70] =	vst v0;
	s13 =	smov.u32 s15  }
0x7f: {  	v0 =	vld [tilespmem:s13+$0xA070]  }
0x80: {  	v6 =	vld [tilespmem:s13+$0x0]  }
0x81: {  	v7 =	vld [tilespmem:s13+$0x10]  }
.Ltmp2:
0x82: {  	v10 =	vld [tilespmem:s13+$0x20];
	(pc) =	sbr.rel @p0 .LBB2_6-.Ltmp2, $4  }
0x83: {  	v9 =	vld [tilespmem:s13+$0x30]  }
0x84: {  	v8 =	vld [tilespmem:s13+$0x40]  }
0x85: {  	v12 =	vadd.f32 v12, v6;
	v6 =	vld [tilespmem:s13+$0x50]  }
0x86: {  	s14 =	sadd.s32 $0x200, s14;
	v11 =	vadd.f32 v11, v7;
	v7 =	vld [tilespmem:s13+$0x60]  }
0x87: {  	[tilespmem:s13+$0x0] =	vst v12;
	v5 =	vadd.f32 v5, v10;
	v63 =	vld [tilespmem:s13+$0x70]  }
0x88: {  	[tilespmem:s13+$0x10] =	vst v11;
	v4 =	vadd.f32 v4, v9  }
0x89: {  	[tilespmem:s13+$0x20] =	vst v5;
	v3 =	vadd.f32 v3, v8  }
0x8a: {  	[tilespmem:s13+$0x30] =	vst v4;
	v2 =	vadd.f32 v2, v6  }
0x8b: {  	[tilespmem:s13+$0x40] =	vst v3;
	v1 =	vadd.f32 v1, v7  }
0x8c: {  	[tilespmem:s13+$0x50] =	vst v2;
	v0 =	vadd.f32 v0, v63  }
0x8d: {  	[tilespmem:s13+$0x60] =	vst v1  }
0x8e: {  	[tilespmem:s13+$0x70] =	vst v0  }
0x8f: {  	v3 =	vld [tilespmem:s12+$0x0]  }
0x90: {  	v5 =	vld [tilespmem:s12+$0x10]  }
0x91: {  	v4 =	vld [tilespmem:s12+$0x20]  }
0x92: {  	v2 =	vld [tilespmem:s12+$0x30]  }
0x93: {  	v0 =	vld [tilespmem:s12+$0x40]  }
0x94: {  	v1 =	vld [tilespmem:s12+$0x50];
	v6 =	vmul.f32 $2.500000000e-01, v3  }
0x95: {  	s13 =	simm.s32 $0x200;
	v5 =	vmul.f32 $2.500000000e-01, v5;
	v3 =	vld [tilespmem:s12+$0x60]  }
.LBB2_8:
0x96: {  	s14 =	sshra.s32 s13, $0x2;
	p0 =	sne.s32 s13, $0x27E00;
	[tilespmem:s12+$0x0] =	vst v6;
	v4 =	vmul.f32 $2.500000000e-01, v4;
	v6 =	vld [tilespmem:s12+$0x70]  }
0x97: {  	v7 =	vld [tilespmem:s14+$0x0];
	[tilespmem:s12+$0x10] =	vst v5;
	v2 =	vmul.f32 $2.500000000e-01, v2  }
0x98: {  	v5 =	vld [tilespmem:s14+$0x10];
	[tilespmem:s12+$0x20] =	vst v4;
	v0 =	vmul.f32 $2.500000000e-01, v0  }
.Ltmp3:
0x99: {  	v4 =	vld [tilespmem:s14+$0x20];
	[tilespmem:s12+$0x30] =	vst v2;
	v1 =	vmul.f32 $2.500000000e-01, v1;
	(pc) =	sbr.rel @p0 .LBB2_8-.Ltmp3, $4  }
0x9a: {  	v2 =	vld [tilespmem:s14+$0x30];
	[tilespmem:s12+$0x40] =	vst v0;
	v3 =	vmul.f32 $2.500000000e-01, v3  }
0x9b: {  	v0 =	vld [tilespmem:s14+$0x40];
	[tilespmem:s12+$0x50] =	vst v1;
	v8 =	vmul.f32 $2.500000000e-01, v6  }
0x9c: {  	v6 =	vmul.f32 $2.500000000e-01, v7;
	v1 =	vld [tilespmem:s14+$0x50];
	[tilespmem:s12+$0x60] =	vst v3  }
0x9d: {  	s13 =	sadd.s32 $0x200, s13;
	v5 =	vmul.f32 $2.500000000e-01, v5;
	v3 =	vld [tilespmem:s14+$0x60];
	[tilespmem:s12+$0x70] =	vst v8;
	s12 =	smov.u32 s14  }
0x9e: {  	[tilespmem:s12+$0x0] =	vst v6;
	v4 =	vmul.f32 $2.500000000e-01, v4;
	v61 =	vld [tilespmem:s12+$0x70]  }
0x9f: {  	[tilespmem:s12+$0x10] =	vst v5;
	v2 =	vmul.f32 $2.500000000e-01, v2  }
0xa0: {  	[tilespmem:s12+$0x20] =	vst v4;
	v0 =	vmul.f32 $2.500000000e-01, v0  }
0xa1: {  	[tilespmem:s12+$0x30] =	vst v2;
	v1 =	vmul.f32 $2.500000000e-01, v1  }
0xa2: {  	[tilespmem:s12+$0x40] =	vst v0;
	v62 =	vmul.f32 $2.500000000e-01, v3  }
0xa3: {  	s11 =	sadd.s32 $0x1, s11;
	[tilespmem:s12+$0x50] =	vst v1;
	v63 =	vmul.f32 $2.500000000e-01, v61  }
0xa4: {  	p0 =	sne.s32 s11, s8;
	[tilespmem:s12+$0x60] =	vst v62  }
.Ltmp4:
0xa5: {  	[tilespmem:s12+$0x70] =	vst v63;
	(pc) =	sbr.rel @p0 .LBB2_1-.Ltmp4, $4  }
0xa6: {  	[hbm4b:s7+s2] =	stream.linear.scatter [tilespmem:s2], [sflag:$0x1], $0xA000, $0x38;
	[tilespmem:$0x14000] =	vst v63  }
0xa7: {  	_ =	swait.ge [sflag:s9], $0xA000  }
0xa8: {  	[sflag:s9] =	ssyncset.done $0x0  }
0xa9: {  	[sflag:s9] =	ssyncadd.s32 $0xFFFF6000  }
0xaa: {  	_ =	sfence.sel $0x180000  }
0xab: {  	[bflag:$0x0] =	sbarrier.arrive $0xFFFF  }
0xac: {  	p0 =	sne.s32 s1, $0x0;
	_ =	strace $0x90000053  }
0xad: {  	s0 =	sadd.s32 @!p0 $0x100000, s0;
	[bflag:$0x2] =	sbarrier.arrive $0xFFFF  }
0xae: {  	[sflag:s0] =	ssyncadd.tile.s32 @!p0 $0x1;
	_ =	shalt  }
.Lfunc_end2:
_tile_overlayer_lowered:
.L_overlay_start_2:
0xaf: {  	(tag) =	ssettag $0x2  }
0xb0: {  	s0 =	rddreg [dreg:$0x0];
	s2 =	stileid.u32  }
0xb1: {  	s1 =	rddreg [dreg:$0x1];
	p0 =	sne.s32 s2, $0x0  }
0xb2: {  	s3 =	rddreg [dreg:$0x2];
	[bflag:$0x3] =	sbarrier.arrive $0xFFFF;
	s2 =	simm.s32 @!p0 $0x1C01  }
0xb3: {  	[timem:s3], [sflag:s2] =	dma.local @!p0 [hbm:s0], s1  }
0xb4: {  	s0 =	simm.s32 @!p0 $0x1  }
0xb5: {  	_ =	swait.ge @!p0 [sflag:s0], s1  }
0xb6: {  	s1 =	ssub.s32 @!p0 $0x0, s1;
	[sflag:s0] =	ssyncset.done @!p0 $0x0  }
0xb7: {  	[sflag:s0] =	ssyncadd.s32 @!p0 s1  }
0xb8: {  	[bflag:$0x3] =	sbarrier.arrive $0xFFFF  }
0xb9: {  	_ =	shalt  }

// kernel: kernel.7.cloned.1.call-start
scs
__scs_entry_jumppad:
0x0: {  	(pc) =	sbr.rel $0x88, $3  }
0x1: {  	(tag) =	ssettag $0x0;
	lr =	simm.s32 $0x1  }
0x2: {  	[smem:$0x3F9E] =	sst lr;
	_ =	strace $0xD0000000  }
0x3: {  	_ = 	snop  }
0x4: {  	_ = 	snop  }
0x5: {  	_ = 	snop  }
0x6: {  	_ = 	snop  }
0x7: {  	_ = 	snop  }
__scs_overlays_trampoline_lowered:
0x8: {  	[smem:$0x3FAD] =	sst s0  }
0x9: {  	[smem:$0x3FAE] =	sst s1  }
0xa: {  	[smem:$0x3FAF] =	sst s2  }
0xb: {  	[smem:$0x3FB0] =	sst s3  }
0xc: {  	[smem:$0x3FB1] =	sst s4  }
0xd: {  	[smem:$0x3FB2] =	sst s5  }
0xe: {  	[smem:$0x3FB3] =	sst s6  }
0xf: {  	[smem:$0x3FB4] =	sst s7  }
0x10: {  	[smem:$0x3FB5] =	sst s8  }
0x11: {  	[smem:$0x3FB6] =	sst s9;
	s0 =	simm.s32 @!p0 $0x0  }
0x12: {  	s1 =	sld [smem:$0x3F9C];
	s0 =	simm.s32 @p0 $0x1  }
0x13: {  	[smem:$0x3FB7] =	sst s0;
	s0 =	simm.s32 @!p1 $0x0  }
0x14: {  	s2 =	sld [smem:$0x3F9B];
	s0 =	simm.s32 @p1 $0x1  }
0x15: {  	[smem:$0x3FB8] =	sst s0;
	s0 =	simm.s32 @!p2 $0x0  }
0x16: {  	s3 =	sld [smem:$0x3FDB];
	s0 =	simm.s32 @p2 $0x1  }
0x17: {  	s4 =	simm.s32 $0x1BF5;
	[smem:$0x3FBA] =	sst s0  }
0x18: {  	s0 =	sld [smem:$0x3F9D];
	_ =	swait.ge [sflag:s4], $0x0  }
0x19: {  	s7 =	sld [smem:$0x3F9E]  }
0x1a: {  	s8 =	sadd.s32 $0xFFFFE003, lr  }
0x1b: {  	s9 =	sadd.s32 $0xFFFFFEF7, lr;
	s5 =	simm.s32 $0xFFFFFFFF;
	p2 =	slt.u32 s8, $0xFFFFF086  }
0x1c: {  	p1 =	slt.u32 s9, $0xF7A;
	s5 =	simm.s32 @!p2 $0x0  }
0x1d: {  	s5 =	simm.s32 @p1 $0x1;
	p0 =	seq.s32 s7, s2  }
0x1e: {  	s7 =	smul.u32 @!p0 $0xF7A, s2;
	p2 =	seq.s32 @!p0 s5, $0x0  }
0x1f: {  	s9 =	smul.u32 $0xF7A, s1;
	s8 =	simm.s32 @!p0 $0x1BF5;
	p2 =	por !p2, p0  }
0x20: {  	[sflag:s8] =	ssyncset.s32 @!p0 $0xFFFFF086;
	s6 =	sadd.s32 @!p0 s3, s7;
	s7 =	simm.s32 @!p0 $0x108  }
0x21: {  	s3 =	sadd.s32 s3, s9;
	s6 =	sadd.s32 @!p0 $0x88, s6;
	s7 =	simm.s32 @p2 $0x1082  }
0x22: {  	[simem:s7], [sflag:s8] =	dma.local @!p0 [hbm:s6], $0xF7A  }
0x23: {  	s9 =	sor.u32 $0xD0000000, s2;
	s6 =	simm.s32 $0x108;
	_ =	swait.ge @!p0 [sflag:s8], $0x0  }
0x24: {  	s3 =	sadd.s32 $0x88, s3;
	s6 =	simm.s32 @!p1 $0x1082;
	[sflag:s4] =	ssyncset.s32 $0xFFFFF086  }
0x25: {  	[simem:s6], [sflag:s4] =	dma.local [hbm:s3], $0xF7A  }
0x26: {  	[smem:$0x3F9E] =	sst s1;
	(tag) =	ssettag s2;
	_ =	strace s9  }
0x27: {  	s1 =	sld [smem:$0x3FAE]  }
0x28: {  	s2 =	sld [smem:$0x3FAF]  }
0x29: {  	s4 =	sld [smem:$0x3FB1]  }
0x2a: {  	p0 =	seq.s32 s5, $0x0;
	s5 =	sld [smem:$0x3FB2]  }
0x2b: {  	s6 =	sld [smem:$0x3FB3]  }
0x2c: {  	s7 =	sld [smem:$0x3FB4]  }
0x2d: {  	s3 =	simm.s32 $0x108;
	s8 =	sld [smem:$0x3FB5]  }
0x2e: {  	s3 =	simm.s32 @!p0 $0x1082;
	s9 =	sld [smem:$0x3FB6]  }
0x2f: {  	lr =	sadd.s32 s0, s3;
	s0 =	sld [smem:$0x3FAD]  }
0x30: {  	s3 =	sld [smem:$0x3FB0]  }
0x31: {  	[smem:$0x3FB9] =	sst s10  }
0x32: {  	s10 =	sld [smem:$0x3FB7];
	_ =	sdelay $0x3  }
0x33: {  	p0 =	seq.s32 s10, $0x1;
	s10 =	sld [smem:$0x3FB9];
	_ =	sdelay $0x3  }
0x34: {  	[smem:$0x3FB9] =	sst s10  }
0x35: {  	s10 =	sld [smem:$0x3FB8];
	_ =	sdelay $0x3  }
0x36: {  	p1 =	seq.s32 s10, $0x1;
	s10 =	sld [smem:$0x3FB9];
	_ =	sdelay $0x3  }
0x37: {  	[smem:$0x3FB9] =	sst s10  }
0x38: {  	s10 =	sld [smem:$0x3FBA]  }
0x39: {  	_ = 	snop;
	(pc) =	sbr.ind lr, $3  }
0x3a: {  	_ = 	snop  }
0x3b: {  	_ = 	snop  }
0x3c: {  	p2 =	seq.s32 s10, $0x1;
	s10 =	sld [smem:$0x3FB9]  }
0x3d: {  	_ =	shalt  }
0x3e: {  	_ =	shalt  }
0x3f: {  	_ =	shalt  }
0x40: {  	_ =	shalt  }
0x41: {  	_ =	shalt  }
0x42: {  	_ =	shalt  }
0x43: {  	_ =	shalt  }
0x44: {  	_ =	shalt  }
0x45: {  	_ =	shalt  }
0x46: {  	_ =	shalt  }
0x47: {  	_ =	shalt  }
0x48: {  	_ =	shalt  }
0x49: {  	_ =	shalt  }
0x4a: {  	_ =	shalt  }
0x4b: {  	_ =	shalt  }
0x4c: {  	_ =	shalt  }
0x4d: {  	_ =	shalt  }
0x4e: {  	_ =	shalt  }
0x4f: {  	_ =	shalt  }
0x50: {  	_ =	shalt  }
0x51: {  	_ =	shalt  }
0x52: {  	_ =	shalt  }
0x53: {  	_ =	shalt  }
0x54: {  	_ =	shalt  }
0x55: {  	_ =	shalt  }
0x56: {  	_ =	shalt  }
0x57: {  	_ =	shalt  }
0x58: {  	_ =	shalt  }
0x59: {  	_ =	shalt  }
0x5a: {  	_ =	shalt  }
0x5b: {  	_ =	shalt  }
0x5c: {  	_ =	shalt  }
0x5d: {  	_ =	shalt  }
0x5e: {  	_ =	shalt  }
0x5f: {  	_ =	shalt  }
0x60: {  	_ =	shalt  }
0x61: {  	_ =	shalt  }
0x62: {  	_ =	shalt  }
0x63: {  	_ =	shalt  }
0x64: {  	_ =	shalt  }
0x65: {  	_ =	shalt  }
0x66: {  	_ =	shalt  }
0x67: {  	_ =	shalt  }
0x68: {  	_ =	shalt  }
0x69: {  	_ =	shalt  }
0x6a: {  	_ =	shalt  }
0x6b: {  	_ =	shalt  }
0x6c: {  	_ =	shalt  }
0x6d: {  	_ =	shalt  }
0x6e: {  	_ =	shalt  }
0x6f: {  	_ =	shalt  }
0x70: {  	_ =	shalt  }
0x71: {  	_ =	shalt  }
0x72: {  	_ =	shalt  }
0x73: {  	_ =	shalt  }
0x74: {  	_ =	shalt  }
0x75: {  	_ =	shalt  }
0x76: {  	_ =	shalt  }
0x77: {  	_ =	shalt  }
0x78: {  	_ =	shalt  }
0x79: {  	_ =	shalt  }
0x7a: {  	_ =	shalt  }
0x7b: {  	_ =	shalt  }
0x7c: {  	_ =	shalt  }
0x7d: {  	_ =	shalt  }
0x7e: {  	_ =	shalt  }
0x7f: {  	_ =	shalt  }
0x80: {  	_ =	shalt  }
0x81: {  	_ =	shalt  }
0x82: {  	_ =	shalt  }
0x83: {  	_ =	shalt  }
0x84: {  	_ =	shalt  }
0x85: {  	_ =	shalt  }
0x86: {  	_ =	shalt  }
0x87: {  	_ =	shalt  }
.Lfunc_end0:
.L_simem_size_0:
called_computation_lowered:
.L_overlay_start_0:
0x88: {  	s2 =	sld [smem:$0x3FD9]  }
0x89: {  	s3 =	sld [smem:$0x3FFE];
	_ =	sdelay $0x1  }
0x8a: {  	s1 =	srdreg.scid  }
0x8b: {  	s0 =	sand.u32 $0x1, s1  }
0x8c: {  	s14 =	sshll.u32 s0, $0xA;
	s2 =	sadd.s32 s3, s2  }
0x8d: {  	s2 =	sadd.s32 s2, s14  }
0x8e: {  	[smem:$0x3FC5] =	sst s2  }
0x8f: {  	_ = 	snop  }
0x90: {  	s2 =	sld [smem:$0x3FD0];
	_ =	sdelay $0x2  }
0x91: {  	s15 =	simm.s32 $0xA;
	s4 =	simm.s32 $0x10  }
0x92: {  	[smem:s4], [sflag:s15] =	dma.local [hbm:s2], $0x1  }
0x93: {  	_ =	swait.eq [sflag:s15], $0x1  }
0x94: {  	[sflag:s15] =	ssyncset.done $0x0  }
0x95: {  	[sflag:s15] =	ssyncadd.s32 $0xFFFFFFFF  }
0x96: {  	s16 =	sld [smem:$0x10];
	(tm) =	ssettm $0x1  }
0x97: {  	s17 =	sld [smem:$0x3FFB];
	_ =	sdelay $0x3  }
0x98: {  	_ =	strace s17  }
0x99: {  	s3 =	sld [smem:$0x3FFC];
	_ =	sdelay $0x3  }
0x9a: {  	_ =	strace s3  }
0x9b: {  	s3 =	sld [smem:$0x3FFD];
	_ =	sdelay $0x3  }
0x9c: {  	_ =	strace s3  }
0x9d: {  	_ =	strace $0x8FFFFFFF  }
0x9e: {  	s18 =	sld [smem:$0x3FDB];
	_ =	sdelay $0x1  }
0x9f: {  	s19 =	simm.s32 $_scs_section_size  }
0xa0: {  	s5 =	simm.s32 $_size__tile_overlayer_lowered;
	s6 =	simm.s32 $_tile_overlayer_lowered  }
0xa1: {  	s22 =	simm.s32 $0x1BFF;
	s21 =	sshll.u32 s6, $0x1;
	s3 =	sadd.s32 s19, s18  }
0xa2: {  	s7 =	simm.s32 $0x0;
	s20 =	sshll.u32 s5, $0x1;
	s5 =	sadd.s32 s21, s3  }
0xa3: {  	[timem:s7], [sflag:s22] =	dma.local [hbm:s5], s20  }
0xa4: {  	_ =	swait.ge [sflag:s22], s20  }
0xa5: {  	s4 =	ssub.s32 $0x0, s20;
	[sflag:s22] =	ssyncset.done $0x0  }
0xa6: {  	[sflag:s22] =	ssyncadd.s32 s4;
	_ =	sdelay $0x1  }
0xa7: {  	s23 =	simm.s32 $0x1B8B  }
0xa8: {  	_ =	swait.ge [sflag:s23], $0x1  }
0xa9: {  	[sflag:s23] =	ssyncset.done $0x0  }
0xaa: {  	s25 =	simm.s32 $0x1B8E;
	s24 =	sld [smem:$0x3FFE];
	[sflag:s23] =	ssyncadd.s32 $0xFFFFFFFF  }
0xab: {  	s26 =	simm.s32 $execute0_lowered;
	[smem:$0x3FD2] =	sst s25  }
0xac: {  	s5 =	sshll.u32 s26, $0x1;
	_ =	strace $0x80000046;
	[dreg:$0x1] =	wrdreg $0xFFFFFFFF  }
0xad: {  	s28 =	simm.s32 $_size_execute0_lowered;
	s3 =	sadd.s32 s3, s5;
	[dreg:$0x0] =	wrdreg $0x0  }
0xae: {  	s5 =	sshll.u32 s28, $0x1;
	[dreg:$0x2] =	wrdreg s3  }
0xaf: {  	[dreg:$0x3] =	wrdreg s5  }
0xb0: {  	[dreg:$0x4] =	wrdreg $0xC0  }
0xb1: {  	_ =	task [dreg:s7], $0x5FFFF  }
0xb2: {  	[dreg:$0x1] =	wrdreg $0xFFFFFFFF  }
0xb3: {  	[dreg:$0x0] =	wrdreg $0x60  }
0xb4: {  	[dreg:$0x2] =	wrdreg s24  }
0xb5: {  	[dreg:$0x3] =	wrdreg s16  }
0xb6: {  	[dreg:$0x4] =	wrdreg $0x0  }
0xb7: {  	[dreg:$0x5] =	wrdreg $0x9  }
0xb8: {  	_ =	task.clear_ibuf [dreg:s7], $0x6FFFF;
	_ =	strace $0x90000046  }
0xb9: {  	s29 =	simm.s32 $0x9;
	_ =	strace $0x80000048  }
0xba: {  	_ =	swait.ge [sflag:s29], $0x1  }
0xbb: {  	[sflag:s29] =	ssyncadd.s32 $0xFFFFFFFF  }
0xbc: {  	_ =	strace $0x90000048  }
0xbd: {  	_ =	sfence  }
0xbe: {  	s30 =	sld [smem:$0x0];
	_ =	sdelay $0x2  }
0xbf: {  	s31 =	sshll.u32 s1, $0xD;
	s1 =	sshrl.u32 s1, $0x2  }
0xc0: {  	s3 =	sand.u32 $0x4000, s31;
	s1 =	sadd.s32 s1, s30  }
0xc1: {  	s0 =	sor.u32 s3, s0;
	s1 =	sshll.u32 s1, $0x11  }
0xc2: {  	s0 =	sor.u32 s1, s0  }
0xc3: {  	s0 =	sadd.s32 $0x8F2B, s0  }
0xc4: {  	[sflag:s0] =	ssyncadd.remote.s32 $0x1  }
0xc5: {  	_ =	sfence.sel $0xFFFF  }
0xc6: {  	[dreg:$0x0] =	wrdreg $0xFFFFFFFF;
	(pc) =	sbr.abs _section_cstart, $3  }
0xc7: {  	[dreg:$0x1] =	wrdreg $0xFFFFFFFF  }
0xc8: {  	_ =	task.clear_ibuf [dreg:s7], $0x2FFFF;
	_ =	strace $0x9FFFFFFF  }
0xc9: {  	(tm) =	ssettm $0x7FFFFFFF  }
tec
execute0_lowered:
.L_overlay_start_1:
0x0: {  	(tag) =	ssettag $0x1  }
0x1: {  	s4 =	rddreg [dreg:$0x0];
	s1 =	srdreg.scid  }
0x2: {  	s0 =	stileid.u32;
	s5 =	rddreg [dreg:$0x1]  }
0x3: {  	s2 =	rddreg [dreg:$0x2];
	s7 =	smul.u32 $0x140, s0  }
0x4: {  	s3 =	simm.s32 $0x0;
	s13 =	simm.s32 $0x80;
	s10 =	smul.u32 $0x2800, s0  }
0x5: {  	s14 =	simm.s32 $0xC800;
	s6 =	sand.u32 $0x1, s1;
	s28 =	smul.u32 $0x28000, s0  }
0x6: {  	s15 =	simm.s32 $0x1A800;
	s16 =	simm.s32 $0x0;
	s8 =	smul.u32 $0x1400, s6  }
0x7: {  	[smem:$0x7FF] =	sst s3;
	s26 =	smul.u32 $0x28000, s6;
	s6 =	ssub.s32 $0x2, s6  }
0x8: {  	s1 =	rddreg [dreg:$0x3];
	_ =	strace $0x80000047;
	s29 =	sshrl.u32 s6, $0x1  }
0x9: {  	s31 =	sshrl.u32 s28, $0x2;
	s7 =	sadd.s32 s7, s8;
	s8 =	sadd.s32 s10, s26  }
0xa: {  	s12 =	ssub.s32 s6, s29;
	s10 =	simm.s32 $0xA000;
	s9 =	sshll.u32 s7, $0x4  }
0xb: {  	s7 =	sshll.u32 s7, $0x1;
	s30 =	sshrl.u32 s8, $0x3;
	s9 =	sadd.s32 s9, s4  }
0xc: {  	s11 =	sadd.s32 s7, s4;
	s4 =	sadd.s32 s5, s30;
	s5 =	sadd.s32 s31, s2  }
0xd: {  	s6 =	sadd.s32 $0x2400, s9;
	s7 =	sadd.s32 $0x2A400, s9;
	s8 =	sadd.s32 $0x52400, s11  }
0xe: {  	v0 =	vimm.f32 $1.000000000e+00;
	v1 =	vimm.f32 $0.0e+00;
	s9 =	smax.u32 s12, $0x1;
	s11 =	simm.s32 $0x1;
	s12 =	simm.s32 $0x10800  }
.LBB2_1:
0xf: {  	s17 =	simm.s32 $0x0;
	s18 =	simm.s32 $0x200  }
.LBB2_2:
0x10: {  	p0 =	sne.s32 s18, $0xFE00;
	[tilespmem:s17+$0xC870] =	vst v0  }
0x11: {  	[tilespmem:s17+$0xC800] =	vst v0  }
0x12: {  	[tilespmem:s17+$0xC810] =	vst v0  }
.Ltmp0:
0x13: {  	[tilespmem:s17+$0xC820] =	vst v0;
	(pc) =	sbr.rel @p0 .LBB2_2-.Ltmp0, $4  }
0x14: {  	[tilespmem:s17+$0xC830] =	vst v0  }
0x15: {  	[tilespmem:s17+$0xC840] =	vst v0  }
0x16: {  	[tilespmem:s17+$0xC850] =	vst v0  }
0x17: {  	[tilespmem:s17+$0xC860] =	vst v0;
	s17 =	sshra.s32 s18, $0x2;
	s18 =	sadd.s32 $0x200, s18  }
0x18: {  	[tilespmem:s17+$0xC870] =	vst v0  }
0x19: {  	[tilespmem:s17+$0xC800] =	vst v0  }
0x1a: {  	[tilespmem:s17+$0xC810] =	vst v0  }
0x1b: {  	[tilespmem:s17+$0xC820] =	vst v0  }
0x1c: {  	[tilespmem:s17+$0xC830] =	vst v0  }
0x1d: {  	[tilespmem:s17+$0xC840] =	vst v0  }
0x1e: {  	[tilespmem:s17+$0xC850] =	vst v0  }
0x1f: {  	[tilespmem:s17+$0xC860] =	vst v0;
	s17 =	simm.s32 $0x0;
	s18 =	simm.s32 $0x200  }
.LBB2_4:
0x20: {  	p0 =	sne.s32 s18, $0x27E00;
	[tilespmem:s17+$0x10870] =	vst v1  }
0x21: {  	[tilespmem:s17+$0x10800] =	vst v1  }
0x22: {  	[tilespmem:s17+$0x10810] =	vst v1  }
.Ltmp1:
0x23: {  	[tilespmem:s17+$0x10820] =	vst v1;
	(pc) =	sbr.rel @p0 .LBB2_4-.Ltmp1, $4  }
0x24: {  	[tilespmem:s17+$0x10830] =	vst v1  }
0x25: {  	[tilespmem:s17+$0x10840] =	vst v1  }
0x26: {  	[tilespmem:s17+$0x10850] =	vst v1  }
0x27: {  	[tilespmem:s17+$0x10860] =	vst v1;
	s17 =	sshra.s32 s18, $0x2;
	s18 =	sadd.s32 $0x200, s18  }
0x28: {  	[tilespmem:s17+$0x10870] =	vst v1  }
0x29: {  	[tilespmem:s17+$0x10800] =	vst v1  }
0x2a: {  	[tilespmem:s17+$0x10810] =	vst v1  }
0x2b: {  	[tilespmem:s17+$0x10820] =	vst v1  }
0x2c: {  	[tilespmem:s17+$0x10830] =	vst v1  }
0x2d: {  	[tilespmem:s17+$0x10840] =	vst v1  }
0x2e: {  	[tilespmem:s17+$0x10850] =	vst v1  }
0x2f: {  	[tilespmem:s17+$0x10860] =	vst v1;
	s30 =	simm.s32 $0x0  }
0x30: {  	[tilespmem:s10], [sflag:$0x1] =	stream.linear.gather [hbm4b:s4+s30], $0x2780, $0x38;
	[tilespmem:$0x1BC00] =	vst v63  }
0x31: {  	_ =	swait.ge [sflag:s11], $0x2780  }
0x32: {  	[sflag:s11] =	ssyncset.done $0x0  }
0x33: {  	[sflag:s11] =	ssyncadd.s32 $0xFFFFD880  }
0x34: {  	[spmem:s5] =	stream.linear.scatter [tilespmem:s12], [sflag:$0x1], $0xA000, $0x38;
	[tilespmem:$0x1BC00] =	vst v63  }
0x35: {  	_ =	swait.ge [sflag:s11], $0xA000  }
0x36: {  	[sflag:s11] =	ssyncset.done $0x0  }
0x37: {  	[sflag:s11] =	ssyncadd.s32 $0xFFFF6000  }
0x38: {  	s31 =	simm.s32 $0xA000;
	[bflag:$0x0] =	sbarrier.arrive $0xFFFF  }
0x39: {  	[spmem:s2] =	stream.indirect.scatter.add.f32 [tilespmem:s14], [sflag:$0x1], $0x80, s31, s13, $0xb8;
	[tilespmem:$0x1BC00] =	vst v63  }
0x3a: {  	s17 =	simm.s32 $0x200;
	_ =	swait.ge [sflag:s11], $0x4000  }
.LBB2_6:
0x3b: {  	s18 =	sshra.s32 s17, $0x2;
	[sflag:s11] =	ssyncset.done $0x0;
	p0 =	sne.s32 s17, $0x9C00  }
.Ltmp2:
0x3c: {  	s18 =	sadd.s32 $0xA000, s18;
	[sflag:s11] =	ssyncadd.s32 $0xFFFFC000;
	(pc) =	sbr.rel @p0 .LBB2_6-.Ltmp2, $3  }
0x3d: {  	[spmem:s2] =	stream.indirect.scatter.add.f32 [tilespmem:s14], [sflag:$0x1], $0x80, s18, s13, $0xb8;
	[tilespmem:$0x1BC00] =	vst v63  }
0x3e: {  	s17 =	sadd.s32 $0x200, s17;
	_ =	sdelay $0x1  }
0x3f: {  	_ =	swait.ge [sflag:s11], $0x4000  }
0x40: {  	[sflag:s11] =	ssyncset.done $0x0  }
0x41: {  	[sflag:s11] =	ssyncadd.s32 $0xFFFFC000  }
0x42: {  	s18 =	simm.s32 $0x10800;
	[bflag:$0x0] =	sbarrier.arrive $0xFFFF  }
0x43: {  	[tilespmem:s18], [sflag:$0x1] =	stream.linear.gather [spmem:s5], $0xA000, $0x38;
	[tilespmem:$0x1BC00] =	vst v63  }
0x44: {  	_ =	swait.ge [sflag:s11], $0xA000  }
0x45: {  	[sflag:s11] =	ssyncset.done $0x0  }
0x46: {  	[sflag:s11] =	ssyncadd.s32 $0xFFFF6000  }
0x47: {  	s17 =	simm.s32 $0x0;
	s19 =	simm.s32 $0x40;
	v2 =	vld [tilespmem:s18+$0x0]  }
.LBB2_8:
0x48: {  	p0 =	sne.s32 s19, $0x4FC0;
	_ =	sdelay $0x3  }
0x49: {  	v2 =	vadd.f32 $1.000000010e-07, v2;
	_ =	sdelay $0x1  }
0x4a: {  	v3 =	vadd.f32 $1.000000000e+00, v2;
	_ =	sdelay $0x1  }
0x4b: {  	v3 =	vmul.f32 $5.000000000e-01, v3;
	_ =	sdelay $0x1  }
0x4c: {  	(erf) = vrcp.f32 v3;
	_ =	sdelay $0x8  }
0x4d: {  	v4 =	vpop (erf)  }
0x4e: {  	v4 =	vmul.f32 v4, v2;
	_ =	sdelay $0x1  }
0x4f: {  	v3 =	vadd.f32 v4, v3;
	_ =	sdelay $0x1  }
0x50: {  	v3 =	vmul.f32 $5.000000000e-01, v3;
	_ =	sdelay $0x1  }
0x51: {  	(erf) = vrcp.f32 v3;
	_ =	sdelay $0x8  }
0x52: {  	v4 =	vpop (erf)  }
0x53: {  	v4 =	vmul.f32 v4, v2;
	_ =	sdelay $0x1  }
0x54: {  	v3 =	vadd.f32 v4, v3;
	_ =	sdelay $0x1  }
0x55: {  	v3 =	vmul.f32 $5.000000000e-01, v3;
	_ =	sdelay $0x1  }
0x56: {  	(erf) = vrcp.f32 v3;
	_ =	sdelay $0x8  }
0x57: {  	v4 =	vpop (erf)  }
0x58: {  	v4 =	vmul.f32 v4, v2;
	_ =	sdelay $0x1  }
0x59: {  	v3 =	vadd.f32 v4, v3;
	_ =	sdelay $0x1  }
0x5a: {  	v3 =	vmul.f32 $5.000000000e-01, v3;
	_ =	sdelay $0x1  }
0x5b: {  	(erf) = vrcp.f32 v3;
	_ =	sdelay $0x8  }
0x5c: {  	v4 =	vpop (erf)  }
0x5d: {  	v4 =	vmul.f32 v4, v2;
	_ =	sdelay $0x1  }
0x5e: {  	v3 =	vadd.f32 v4, v3;
	_ =	sdelay $0x1  }
0x5f: {  	v3 =	vmul.f32 $5.000000000e-01, v3;
	_ =	sdelay $0x1  }
0x60: {  	(erf) = vrcp.f32 v3;
	_ =	sdelay $0x8  }
0x61: {  	v4 =	vpop (erf)  }
0x62: {  	v4 =	vmul.f32 v4, v2;
	_ =	sdelay $0x1  }
0x63: {  	v3 =	vadd.f32 v4, v3;
	_ =	sdelay $0x1  }
0x64: {  	v3 =	vmul.f32 $5.000000000e-01, v3;
	_ =	sdelay $0x1  }
0x65: {  	(erf) = vrcp.f32 v3;
	_ =	sdelay $0x8  }
0x66: {  	v4 =	vpop (erf)  }
0x67: {  	v4 =	vmul.f32 v4, v2;
	_ =	sdelay $0x1  }
0x68: {  	v3 =	vadd.f32 v4, v3;
	_ =	sdelay $0x1  }
0x69: {  	v3 =	vmul.f32 $5.000000000e-01, v3;
	_ =	sdelay $0x1  }
0x6a: {  	(erf) = vrcp.f32 v3;
	_ =	sdelay $0x8  }
0x6b: {  	v4 =	vpop (erf)  }
0x6c: {  	v4 =	vmul.f32 v4, v2;
	_ =	sdelay $0x1  }
0x6d: {  	v3 =	vadd.f32 v4, v3;
	_ =	sdelay $0x1  }
0x6e: {  	v3 =	vmul.f32 $5.000000000e-01, v3;
	_ =	sdelay $0x1  }
0x6f: {  	(erf) = vrcp.f32 v3;
	_ =	sdelay $0x8  }
0x70: {  	v4 =	vpop (erf)  }
0x71: {  	v4 =	vmul.f32 v4, v2;
	_ =	sdelay $0x1  }
0x72: {  	v3 =	vadd.f32 v4, v3;
	_ =	sdelay $0x1  }
0x73: {  	v3 =	vmul.f32 $5.000000000e-01, v3;
	_ =	sdelay $0x1  }
0x74: {  	(erf) = vrcp.f32 v3;
	_ =	sdelay $0x8  }
0x75: {  	v4 =	vpop (erf)  }
0x76: {  	v4 =	vmul.f32 v4, v2;
	_ =	sdelay $0x1  }
0x77: {  	v3 =	vadd.f32 v4, v3;
	_ =	sdelay $0x1  }
0x78: {  	v3 =	vmul.f32 $5.000000000e-01, v3;
	_ =	sdelay $0x1  }
0x79: {  	(erf) = vrcp.f32 v3;
	_ =	sdelay $0x8  }
0x7a: {  	v4 =	vpop (erf)  }
0x7b: {  	v4 =	vmul.f32 v4, v2;
	_ =	sdelay $0x1  }
0x7c: {  	v3 =	vadd.f32 v4, v3;
	_ =	sdelay $0x1  }
0x7d: {  	v3 =	vmul.f32 $5.000000000e-01, v3;
	_ =	sdelay $0x1  }
0x7e: {  	(erf) = vrcp.f32 v3;
	_ =	sdelay $0x8  }
0x7f: {  	v4 =	vpop (erf)  }
0x80: {  	v4 =	vmul.f32 v4, v2;
	_ =	sdelay $0x1  }
0x81: {  	v3 =	vadd.f32 v4, v3;
	_ =	sdelay $0x1  }
0x82: {  	v3 =	vmul.f32 $5.000000000e-01, v3;
	_ =	sdelay $0x1  }
0x83: {  	(erf) = vrcp.f32 v3;
	_ =	sdelay $0x8  }
0x84: {  	v4 =	vpop (erf)  }
0x85: {  	v4 =	vmul.f32 v4, v2;
	_ =	sdelay $0x1  }
0x86: {  	v3 =	vadd.f32 v4, v3;
	_ =	sdelay $0x1  }
0x87: {  	v3 =	vmul.f32 $5.000000000e-01, v3;
	_ =	sdelay $0x1  }
0x88: {  	(erf) = vrcp.f32 v3;
	_ =	sdelay $0x8  }
0x89: {  	v4 =	vpop (erf)  }
0x8a: {  	v4 =	vmul.f32 v4, v2;
	_ =	sdelay $0x1  }
0x8b: {  	v3 =	vadd.f32 v4, v3;
	_ =	sdelay $0x1  }
0x8c: {  	v3 =	vmul.f32 $5.000000000e-01, v3;
	_ =	sdelay $0x1  }
0x8d: {  	(erf) = vrcp.f32 v3;
	_ =	sdelay $0x8  }
0x8e: {  	v4 =	vpop (erf)  }
0x8f: {  	v4 =	vmul.f32 v4, v2;
	_ =	sdelay $0x1  }
0x90: {  	v3 =	vadd.f32 v4, v3;
	_ =	sdelay $0x1  }
0x91: {  	v3 =	vmul.f32 $5.000000000e-01, v3;
	_ =	sdelay $0x1  }
0x92: {  	(erf) = vrcp.f32 v3;
	_ =	sdelay $0x8  }
0x93: {  	v4 =	vpop (erf)  }
0x94: {  	v4 =	vmul.f32 v4, v2;
	_ =	sdelay $0x1  }
0x95: {  	v3 =	vadd.f32 v4, v3;
	_ =	sdelay $0x1  }
0x96: {  	v3 =	vmul.f32 $5.000000000e-01, v3;
	_ =	sdelay $0x1  }
0x97: {  	(erf) = vrcp.f32 v3;
	_ =	sdelay $0x8  }
0x98: {  	v4 =	vpop (erf)  }
0x99: {  	v4 =	vmul.f32 v4, v2;
	_ =	sdelay $0x1  }
0x9a: {  	v3 =	vadd.f32 v4, v3;
	_ =	sdelay $0x1  }
0x9b: {  	v3 =	vmul.f32 $5.000000000e-01, v3;
	_ =	sdelay $0x1  }
0x9c: {  	(erf) = vrcp.f32 v3;
	_ =	sdelay $0x8  }
0x9d: {  	v4 =	vpop (erf)  }
0x9e: {  	v4 =	vmul.f32 v4, v2;
	_ =	sdelay $0x1  }
0x9f: {  	v3 =	vadd.f32 v4, v3;
	_ =	sdelay $0x1  }
0xa0: {  	v3 =	vmul.f32 $5.000000000e-01, v3;
	_ =	sdelay $0x1  }
0xa1: {  	(erf) = vrcp.f32 v3;
	_ =	sdelay $0x8  }
0xa2: {  	v4 =	vpop (erf)  }
0xa3: {  	v4 =	vmul.f32 v4, v2;
	_ =	sdelay $0x1  }
0xa4: {  	v3 =	vadd.f32 v4, v3;
	_ =	sdelay $0x1  }
0xa5: {  	v3 =	vmul.f32 $5.000000000e-01, v3;
	_ =	sdelay $0x1  }
0xa6: {  	(erf) = vrcp.f32 v3;
	_ =	sdelay $0x8  }
0xa7: {  	v4 =	vpop (erf)  }
0xa8: {  	v4 =	vmul.f32 v4, v2;
	_ =	sdelay $0x1  }
0xa9: {  	v3 =	vadd.f32 v4, v3;
	_ =	sdelay $0x1  }
0xaa: {  	v3 =	vmul.f32 $5.000000000e-01, v3;
	_ =	sdelay $0x1  }
0xab: {  	(erf) = vrcp.f32 v3;
	_ =	sdelay $0x8  }
0xac: {  	v4 =	vpop (erf)  }
0xad: {  	v2 =	vmul.f32 v4, v2;
	_ =	sdelay $0x1  }
0xae: {  	v2 =	vadd.f32 v2, v3;
	_ =	sdelay $0x1  }
0xaf: {  	v2 =	vmul.f32 $5.000000000e-01, v2;
	_ =	sdelay $0x1  }
0xb0: {  	(erf) = vrcp.f32 v2;
	_ =	sdelay $0x6  }
.Ltmp3:
0xb1: {  	(pc) =	sbr.rel @p0 .LBB2_8-.Ltmp3, $4  }
0xb2: {  	_ = 	snop  }
0xb3: {  	s20 =	sshra.s32 s17, $0x2;
	s17 =	smov.u32 s19;
	v2 =	vpop (erf)  }
0xb4: {  	s18 =	sadd.s32 $0x80, s18;
	[tilespmem:s20+$0x1A800] =	vst v2  }
0xb5: {  	s19 =	sadd.s32 $0x40, s19;
	v2 =	vld [tilespmem:s18+$0x0]  }
0xb6: {  	_ =	sdelay $0x3  }
0xb7: {  	v2 =	vadd.f32 $1.000000010e-07, v2;
	_ =	sdelay $0x1  }
0xb8: {  	v3 =	vadd.f32 $1.000000000e+00, v2;
	_ =	sdelay $0x1  }
0xb9: {  	v3 =	vmul.f32 $5.000000000e-01, v3;
	_ =	sdelay $0x1  }
0xba: {  	(erf) = vrcp.f32 v3;
	_ =	sdelay $0x8  }
0xbb: {  	v4 =	vpop (erf)  }
0xbc: {  	v4 =	vmul.f32 v4, v2;
	_ =	sdelay $0x1  }
0xbd: {  	v3 =	vadd.f32 v4, v3;
	_ =	sdelay $0x1  }
0xbe: {  	v3 =	vmul.f32 $5.000000000e-01, v3;
	_ =	sdelay $0x1  }
0xbf: {  	(erf) = vrcp.f32 v3;
	_ =	sdelay $0x8  }
0xc0: {  	v4 =	vpop (erf)  }
0xc1: {  	v4 =	vmul.f32 v4, v2;
	_ =	sdelay $0x1  }
0xc2: {  	v3 =	vadd.f32 v4, v3;
	_ =	sdelay $0x1  }
0xc3: {  	v3 =	vmul.f32 $5.000000000e-01, v3;
	_ =	sdelay $0x1  }
0xc4: {  	(erf) = vrcp.f32 v3;
	_ =	sdelay $0x8  }
0xc5: {  	v4 =	vpop (erf)  }
0xc6: {  	v4 =	vmul.f32 v4, v2;
	_ =	sdelay $0x1  }
0xc7: {  	v3 =	vadd.f32 v4, v3;
	_ =	sdelay $0x1  }
0xc8: {  	v3 =	vmul.f32 $5.000000000e-01, v3;
	_ =	sdelay $0x1  }
0xc9: {  	(erf) = vrcp.f32 v3;
	_ =	sdelay $0x8  }
0xca: {  	v4 =	vpop (erf)  }
0xcb: {  	v4 =	vmul.f32 v4, v2;
	_ =	sdelay $0x1  }
0xcc: {  	v3 =	vadd.f32 v4, v3;
	_ =	sdelay $0x1  }
0xcd: {  	v3 =	vmul.f32 $5.000000000e-01, v3;
	_ =	sdelay $0x1  }
0xce: {  	(erf) = vrcp.f32 v3;
	_ =	sdelay $0x8  }
0xcf: {  	v4 =	vpop (erf)  }
0xd0: {  	v4 =	vmul.f32 v4, v2;
	_ =	sdelay $0x1  }
0xd1: {  	v3 =	vadd.f32 v4, v3;
	_ =	sdelay $0x1  }
0xd2: {  	v3 =	vmul.f32 $5.000000000e-01, v3;
	_ =	sdelay $0x1  }
0xd3: {  	(erf) = vrcp.f32 v3;
	_ =	sdelay $0x8  }
0xd4: {  	v4 =	vpop (erf)  }
0xd5: {  	v4 =	vmul.f32 v4, v2;
	_ =	sdelay $0x1  }
0xd6: {  	v3 =	vadd.f32 v4, v3;
	_ =	sdelay $0x1  }
0xd7: {  	v3 =	vmul.f32 $5.000000000e-01, v3;
	_ =	sdelay $0x1  }
0xd8: {  	(erf) = vrcp.f32 v3;
	_ =	sdelay $0x8  }
0xd9: {  	v4 =	vpop (erf)  }
0xda: {  	v4 =	vmul.f32 v4, v2;
	_ =	sdelay $0x1  }
0xdb: {  	v3 =	vadd.f32 v4, v3;
	_ =	sdelay $0x1  }
0xdc: {  	v3 =	vmul.f32 $5.000000000e-01, v3;
	_ =	sdelay $0x1  }
0xdd: {  	(erf) = vrcp.f32 v3;
	_ =	sdelay $0x8  }
0xde: {  	v4 =	vpop (erf)  }
0xdf: {  	v4 =	vmul.f32 v4, v2;
	_ =	sdelay $0x1  }
0xe0: {  	v3 =	vadd.f32 v4, v3;
	_ =	sdelay $0x1  }
0xe1: {  	v3 =	vmul.f32 $5.000000000e-01, v3;
	_ =	sdelay $0x1  }
0xe2: {  	(erf) = vrcp.f32 v3;
	_ =	sdelay $0x8  }
0xe3: {  	v4 =	vpop (erf)  }
0xe4: {  	v4 =	vmul.f32 v4, v2;
	_ =	sdelay $0x1  }
0xe5: {  	v3 =	vadd.f32 v4, v3;
	_ =	sdelay $0x1  }
0xe6: {  	v3 =	vmul.f32 $5.000000000e-01, v3;
	_ =	sdelay $0x1  }
0xe7: {  	(erf) = vrcp.f32 v3;
	_ =	sdelay $0x8  }
0xe8: {  	v4 =	vpop (erf)  }
0xe9: {  	v4 =	vmul.f32 v4, v2;
	_ =	sdelay $0x1  }
0xea: {  	v3 =	vadd.f32 v4, v3;
	_ =	sdelay $0x1  }
0xeb: {  	v3 =	vmul.f32 $5.000000000e-01, v3;
	_ =	sdelay $0x1  }
0xec: {  	(erf) = vrcp.f32 v3;
	_ =	sdelay $0x8  }
0xed: {  	v4 =	vpop (erf)  }
0xee: {  	v4 =	vmul.f32 v4, v2;
	_ =	sdelay $0x1  }
0xef: {  	v3 =	vadd.f32 v4, v3;
	_ =	sdelay $0x1  }
0xf0: {  	v3 =	vmul.f32 $5.000000000e-01, v3;
	_ =	sdelay $0x1  }
0xf1: {  	(erf) = vrcp.f32 v3;
	_ =	sdelay $0x8  }
0xf2: {  	v4 =	vpop (erf)  }
0xf3: {  	v4 =	vmul.f32 v4, v2;
	_ =	sdelay $0x1  }
0xf4: {  	v3 =	vadd.f32 v4, v3;
	_ =	sdelay $0x1  }
0xf5: {  	v3 =	vmul.f32 $5.000000000e-01, v3;
	_ =	sdelay $0x1  }
0xf6: {  	(erf) = vrcp.f32 v3;
	_ =	sdelay $0x8  }
0xf7: {  	v4 =	vpop (erf)  }
0xf8: {  	v4 =	vmul.f32 v4, v2;
	_ =	sdelay $0x1  }
0xf9: {  	v3 =	vadd.f32 v4, v3;
	_ =	sdelay $0x1  }
0xfa: {  	v3 =	vmul.f32 $5.000000000e-01, v3;
	_ =	sdelay $0x1  }
0xfb: {  	(erf) = vrcp.f32 v3;
	_ =	sdelay $0x8  }
0xfc: {  	v4 =	vpop (erf)  }
0xfd: {  	v4 =	vmul.f32 v4, v2;
	_ =	sdelay $0x1  }
0xfe: {  	v3 =	vadd.f32 v4, v3;
	_ =	sdelay $0x1  }
0xff: {  	v3 =	vmul.f32 $5.000000000e-01, v3;
	_ =	sdelay $0x1  }
0x100: {  	(erf) = vrcp.f32 v3;
	_ =	sdelay $0x8  }
0x101: {  	v4 =	vpop (erf)  }
0x102: {  	v4 =	vmul.f32 v4, v2;
	_ =	sdelay $0x1  }
0x103: {  	v3 =	vadd.f32 v4, v3;
	_ =	sdelay $0x1  }
0x104: {  	v3 =	vmul.f32 $5.000000000e-01, v3;
	_ =	sdelay $0x1  }
0x105: {  	(erf) = vrcp.f32 v3;
	_ =	sdelay $0x8  }
0x106: {  	v4 =	vpop (erf)  }
0x107: {  	v4 =	vmul.f32 v4, v2;
	_ =	sdelay $0x1  }
0x108: {  	v3 =	vadd.f32 v4, v3;
	_ =	sdelay $0x1  }
0x109: {  	v3 =	vmul.f32 $5.000000000e-01, v3;
	_ =	sdelay $0x1  }
0x10a: {  	(erf) = vrcp.f32 v3;
	_ =	sdelay $0x8  }
0x10b: {  	v4 =	vpop (erf)  }
0x10c: {  	v4 =	vmul.f32 v4, v2;
	_ =	sdelay $0x1  }
0x10d: {  	v3 =	vadd.f32 v4, v3;
	_ =	sdelay $0x1  }
0x10e: {  	v3 =	vmul.f32 $5.000000000e-01, v3;
	_ =	sdelay $0x1  }
0x10f: {  	(erf) = vrcp.f32 v3;
	_ =	sdelay $0x8  }
0x110: {  	v4 =	vpop (erf)  }
0x111: {  	v4 =	vmul.f32 v4, v2;
	_ =	sdelay $0x1  }
0x112: {  	v3 =	vadd.f32 v4, v3;
	_ =	sdelay $0x1  }
0x113: {  	v3 =	vmul.f32 $5.000000000e-01, v3;
	_ =	sdelay $0x1  }
0x114: {  	(erf) = vrcp.f32 v3;
	_ =	sdelay $0x8  }
0x115: {  	v4 =	vpop (erf)  }
0x116: {  	v4 =	vmul.f32 v4, v2;
	_ =	sdelay $0x1  }
0x117: {  	v3 =	vadd.f32 v4, v3;
	_ =	sdelay $0x1  }
0x118: {  	v3 =	vmul.f32 $5.000000000e-01, v3;
	_ =	sdelay $0x1  }
0x119: {  	(erf) = vrcp.f32 v3;
	_ =	sdelay $0x8  }
0x11a: {  	v4 =	vpop (erf)  }
0x11b: {  	v2 =	vmul.f32 v4, v2;
	_ =	sdelay $0x1  }
0x11c: {  	v2 =	vadd.f32 v2, v3;
	_ =	sdelay $0x1  }
0x11d: {  	v2 =	vmul.f32 $5.000000000e-01, v2;
	_ =	sdelay $0x1  }
0x11e: {  	(erf) = vrcp.f32 v2;
	_ =	sdelay $0x8  }
0x11f: {  	s17 =	sshra.s32 s17, $0x2;
	v2 =	vpop (erf)  }
0x120: {  	s31 =	simm.s32 $0x0;
	[tilespmem:s17+$0x1A800] =	vst v2  }
0x121: {  	[tilespmem:s12], [sflag:$0x1] =	stream.linear.gather [hbm4b:s6+s31], $0xA000, $0x38;
	[tilespmem:$0x1BC00] =	vst v63  }
0x122: {  	_ =	swait.ge [sflag:s11], $0xA000  }
0x123: {  	[sflag:s11] =	ssyncset.done $0x0  }
0x124: {  	s17 =	simm.s32 $0x10840;
	[sflag:s11] =	ssyncadd.s32 $0xFFFF6000  }
0x125: {  	v6 =	vld [tilespmem:s17+$0x30]  }
0x126: {  	v9 =	vld [tilespmem:s17+$0x10]  }
0x127: {  	s18 =	simm.s32 $0x0;
	v7 =	vld [tilespmem:s17+$0xFFFFFFC0]  }
0x128: {  	v3 =	vld [tilespmem:s18+$0x1A800]  }
0x129: {  	v11 =	vld [tilespmem:s17+$0xFFFFFFE0]  }
0x12a: {  	v2 =	vld [tilespmem:s17+$0xFFFFFFF0]  }
0x12b: {  	v4 =	vld [tilespmem:s17+$0x20]  }
0x12c: {  	v5 =	vld [tilespmem:s17+$0xFFFFFFD0]  }
0x12d: {  	v10 =	vmul.f32 v6, v3;
	v6 =	vld [tilespmem:s17+$0x0]  }
0x12e: {  	v8 =	vmul.f32 v7, v3  }
0x12f: {  	s19 =	simm.s32 $0x10840;
	s18 =	simm.s32 $0x40;
	v7 =	vmul.f32 v11, v3;
	v9 =	vmul.f32 v9, v3  }
.LBB2_10:
0x130: {  	p0 =	sne.s32 s18, $0x4FC0  }
0x131: {  	v5 =	vmul.f32 v5, v3;
	v4 =	vmul.f32 v4, v3;
	[tilespmem:s17+$0x30] =	vst v10;
	s19 =	sadd.s32 $0x80, s19;
	s20 =	smov.u32 s18;
	s18 =	sadd.s32 $0x40, s18  }
0x132: {  	[tilespmem:s17+$0xFFFFFFC0] =	vst v8;
	v8 =	vmul.f32 v2, v3;
	v3 =	vmul.f32 v6, v3  }
0x133: {  	[tilespmem:s17+$0x10] =	vst v9  }
0x134: {  	v2 =	vld [tilespmem:s19+$0xFFFFFFF0];
	[tilespmem:s17+$0xFFFFFFE0] =	vst v7  }
0x135: {  	v7 =	vld [tilespmem:s19+$0x30];
	[tilespmem:s17+$0xFFFFFFF0] =	vst v8  }
0x136: {  	v9 =	vld [tilespmem:s19+$0x10];
	[tilespmem:s17+$0x0] =	vst v3  }
0x137: {  	v8 =	vld [tilespmem:s19+$0xFFFFFFC0];
	[tilespmem:s17+$0x20] =	vst v4  }
0x138: {  	s20 =	sshra.s32 s20, $0x2;
	v11 =	vld [tilespmem:s19+$0xFFFFFFE0];
	[tilespmem:s17+$0xFFFFFFD0] =	vst v5;
	s17 =	smov.u32 s19  }
0x139: {  	v3 =	vld [tilespmem:s20+$0x1A800]  }
0x13a: {  	v4 =	vld [tilespmem:s19+$0x20]  }
.Ltmp4:
0x13b: {  	v5 =	vld [tilespmem:s19+$0xFFFFFFD0];
	(pc) =	sbr.rel @p0 .LBB2_10-.Ltmp4, $3  }
0x13c: {  	v6 =	vld [tilespmem:s19+$0x0];
	_ =	sdelay $0x1  }
0x13d: {  	v8 =	vmul.f32 v8, v3;
	v10 =	vmul.f32 v7, v3  }
0x13e: {  	v7 =	vmul.f32 v11, v3;
	v9 =	vmul.f32 v9, v3  }
0x13f: {  	[tilespmem:s17+$0x30] =	vst v10  }
0x140: {  	[tilespmem:s17+$0xFFFFFFC0] =	vst v8  }
0x141: {  	v2 =	vmul.f32 v2, v3;
	[tilespmem:s17+$0x10] =	vst v9  }
0x142: {  	v4 =	vmul.f32 v4, v3;
	[tilespmem:s17+$0xFFFFFFE0] =	vst v7  }
0x143: {  	v6 =	vmul.f32 v6, v3;
	[tilespmem:s17+$0xFFFFFFF0] =	vst v2  }
0x144: {  	v2 =	vmul.f32 v5, v3;
	[tilespmem:s17+$0x20] =	vst v4  }
0x145: {  	[tilespmem:s17+$0x0] =	vst v6  }
0x146: {  	[tilespmem:s17+$0xFFFFFFD0] =	vst v2  }
0x147: {  	[hbm4b:s7+s3] =	stream.linear.scatter [tilespmem:s12], [sflag:$0x1], $0xA000, $0x38;
	[tilespmem:$0x1BC00] =	vst v63  }
0x148: {  	s16 =	sadd.s32 $0x1, s16;
	_ =	swait.ge [sflag:s11], $0xA000  }
0x149: {  	p0 =	sne.s32 s16, s9;
	[sflag:s11] =	ssyncset.done $0x0  }
.Ltmp5:
0x14a: {  	[sflag:s11] =	ssyncadd.s32 $0xFFFF6000;
	(pc) =	sbr.rel @p0 .LBB2_1-.Ltmp5, $4  }
0x14b: {  	[hbm4b:s8+s3] =	stream.linear.scatter [tilespmem:s15], [sflag:$0x1], $0x1400, $0x38;
	[tilespmem:$0x1BC00] =	vst v63  }
0x14c: {  	_ =	swait.ge [sflag:s11], $0x1400  }
0x14d: {  	[sflag:s11] =	ssyncset.done $0x0  }
0x14e: {  	[sflag:s11] =	ssyncadd.s32 $0xFFFFEC00  }
0x14f: {  	_ =	sfence.sel $0x180000  }
0x150: {  	[bflag:$0x0] =	sbarrier.arrive $0xFFFF  }
0x151: {  	p0 =	sne.s32 s0, $0x0;
	_ =	strace $0x90000047  }
0x152: {  	s0 =	sadd.s32 @!p0 $0x100000, s1;
	[bflag:$0x2] =	sbarrier.arrive $0xFFFF  }
0x153: {  	[sflag:s0] =	ssyncadd.tile.s32 @!p0 $0x1;
	_ =	shalt  }
.Lfunc_end2:
_tile_overlayer_lowered:
.L_overlay_start_2:
0x154: {  	(tag) =	ssettag $0x2  }
0x155: {  	s0 =	rddreg [dreg:$0x0];
	s2 =	stileid.u32  }
0x156: {  	s1 =	rddreg [dreg:$0x1];
	p0 =	sne.s32 s2, $0x0  }
0x157: {  	s3 =	rddreg [dreg:$0x2];
	[bflag:$0x3] =	sbarrier.arrive $0xFFFF;
	s2 =	simm.s32 @!p0 $0x1C01  }
0x158: {  	[timem:s3], [sflag:s2] =	dma.local @!p0 [hbm:s0], s1  }
0x159: {  	s0 =	simm.s32 @!p0 $0x1  }
0x15a: {  	_ =	swait.ge @!p0 [sflag:s0], s1  }
0x15b: {  	s1 =	ssub.s32 @!p0 $0x0, s1;
	[sflag:s0] =	ssyncset.done @!p0 $0x0  }
0x15c: {  	[sflag:s0] =	ssyncadd.s32 @!p0 s1  }
0x15d: {  	[bflag:$0x3] =	sbarrier.arrive $0xFFFF  }
0x15e: {  	_ =	shalt  }

</sc_bundles>
